<compile_context>
chip_gen: v7x
topology: tpu7x:2x2x1
jax: 0.10.2.dev20260603
libtpu: 0.0.44.dev20260713+nightly
codegen_flags: <defaults>
</compile_context>

<pallas_src>
import functools

import jax
import jax.numpy as jnp
from jax import lax
from jax.experimental import pallas as pl
from jax.experimental.pallas import tpu as pltpu
from jax.experimental.pallas import tpu_sc as plsc

NC = 2
NS = 16
NW = NC * NS

CHUNK = 128
KB = 8


def _sc_degree(n, dw, k):
    rpt = (n // NS + CHUNK - 1) // CHUNK * CHUNK
    npad = rpt * NS
    mesh = plsc.VectorSubcoreMesh(core_axis_name="c", subcore_axis_name="s",
                                  num_cores=NC, num_subcores=NS)
    scratch = [
        pltpu.VMEM((KB, CHUNK), jnp.int32),
        pltpu.VMEM((CHUNK, dw), jnp.float32),
        pltpu.VMEM_SHARED((npad, dw), jnp.float32),
        pltpu.SemaphoreType.DMA,
    ]

    def body(dst, degp, didx, ones, deg_sh, sem):
        c = lax.axis_index("c")
        s = lax.axis_index("s")
        wid = c * NS + s
        zv = jnp.zeros((16,), jnp.float32)
        ov = jnp.ones((16,), jnp.float32)

        def fill(val):
            def frow(i, carry):
                for t in range(dw // 16):
                    ones[i, pl.ds(t * 16, 16)] = val
                return carry
            lax.fori_loop(0, CHUNK, frow, 0)

        fill(zv)
        for j in range(rpt // CHUNK):
            pltpu.sync_copy(ones, deg_sh.at[pl.ds(s * rpt + j * CHUNK, CHUNK)])
        fill(ov)
        plsc.subcore_barrier()

        def dblk(bi, carry):
            pltpu.sync_copy(dst.at[wid, pl.ds(bi * KB, KB)], didx)
            ds_ = [pltpu.async_copy(ones, deg_sh.at[didx.at[j]], sem,
                                    add=True) for j in range(KB)]
            for dsc in ds_:
                dsc.wait()
            return carry

        lax.fori_loop(0, k // KB, dblk, 0)
        plsc.subcore_barrier()

        sl = pl.ds(s * rpt, rpt)
        pltpu.sync_copy(deg_sh.at[sl], degp.at[c, sl])

    return pl.kernel(
        body,
        out_type=jax.ShapeDtypeStruct((NC, npad, dw), jnp.float32),
        mesh=mesh,
        scratch_types=scratch,
    )


def _sc_aggregate(n, d, k):
    rpt = (n // NS + CHUNK - 1) // CHUNK * CHUNK
    npad = rpt * NS
    mesh = plsc.VectorSubcoreMesh(core_axis_name="c", subcore_axis_name="s",
                                  num_cores=NC, num_subcores=NS)

    nblk = k // KB
    assert nblk % 2 == 0
    out_type = jax.ShapeDtypeStruct((NC, npad, d), jnp.float32)
    scratch = [
        pltpu.VMEM((KB, CHUNK), jnp.int32),
        pltpu.VMEM((KB, CHUNK), jnp.int32),
        pltpu.VMEM((KB, CHUNK), jnp.int32),
        pltpu.VMEM((KB, CHUNK), jnp.int32),
        pltpu.VMEM((CHUNK, d), jnp.float32),
        pltpu.VMEM((CHUNK, d), jnp.float32),
        pltpu.VMEM_SHARED((npad, d), jnp.float32),
        pltpu.SemaphoreType.DMA,
        pltpu.SemaphoreType.DMA,
        pltpu.SemaphoreType.DMA,
        pltpu.SemaphoreType.DMA,
        pltpu.SemaphoreType.DMA,
    ]

    def body(h, src, dst, accp, sidxA, didxA, sidxB, didxB, rows0, rows1,
             acc_sh, s0, s1, is0, is1, ssem):
        c = lax.axis_index("c")
        s = lax.axis_index("s")
        wid = c * NS + s
        rows = (rows0, rows1)
        sems = (s0, s1)

        def pf_idx(bi, sx, dx):
            bc = jnp.minimum(bi, nblk - 1)
            a = pltpu.async_copy(src.at[wid, pl.ds(bc * KB, KB)], sx, is0)
            b = pltpu.async_copy(dst.at[wid, pl.ds(bc * KB, KB)], dx, is1)
            return a, b

        def pf_idx_wait(sx, dx):
            pltpu.make_async_copy(src.at[wid, pl.ds(0, KB)], sx, is0).wait()
            pltpu.make_async_copy(dst.at[wid, pl.ds(0, KB)], dx, is1).wait()

        zv = jnp.zeros((16,), jnp.float32)

        def frow(i, carry):
            for t in range(d // 16):
                rows0[i, pl.ds(t * 16, 16)] = zv
            return carry

        lax.fori_loop(0, CHUNK, frow, 0)

        for j in range(rpt // CHUNK):
            sl = pl.ds(s * rpt + j * CHUNK, CHUNK)
            pltpu.sync_copy(rows0, acc_sh.at[sl])
        plsc.subcore_barrier()

        pltpu.sync_copy(src.at[wid, pl.ds(0, KB)], sidxA)
        pltpu.sync_copy(dst.at[wid, pl.ds(0, KB)], didxA)
        pf_idx(1, sidxB, didxB)
        pltpu.async_copy(h.at[sidxA.at[0]], rows[0], sems[0])

        def run_block(bi, sx, dx, snx, dnx, g0):
            g = [g0]
            scp = None
            for j in range(KB):
                if scp is not None:
                    scp.wait()
                if j + 1 < KB:
                    g.append(pltpu.async_copy(h.at[sx.at[j + 1]],
                                              rows[(j + 1) % 2],
                                              sems[(j + 1) % 2]))
                else:
                    pf_idx_wait(snx, dnx)
                    g.append(pltpu.async_copy(h.at[snx.at[0]], rows[0],
                                              sems[0]))
                if g[j] is None:
                    pltpu.make_async_copy(h.at[sx.at[0]], rows[0],
                                          sems[0]).wait()
                else:
                    g[j].wait()
                scp = pltpu.async_copy(rows[j % 2], acc_sh.at[dx.at[j]],
                                       ssem, add=True)
            return g[KB], scp

        def superblk(sb, carry):
            b0 = sb * 2
            g1, scp = run_block(b0, sidxA, didxA, sidxB, didxB, None)
            scp.wait()
            pf_idx(b0 + 2, sidxA, didxA)
            _, scp = run_block(b0 + 1, sidxB, didxB, sidxA, didxA, g1)
            scp.wait()
            pf_idx(b0 + 3, sidxB, didxB)
            return carry

        lax.fori_loop(0, nblk // 2, superblk, 0)
        pltpu.make_async_copy(h.at[sidxA.at[0]], rows[0], sems[0]).wait()
        pf_idx_wait(sidxB, didxB)
        plsc.subcore_barrier()

        sl = pl.ds(s * rpt, rpt)
        pltpu.sync_copy(acc_sh.at[sl], accp.at[c, sl])

    return pl.kernel(
        body,
        out_type=out_type,
        mesh=mesh,
        scratch_types=scratch,
    )


def _tc_layer_body(relu, accp_ref, degp_ref, h_ref, wn_ref, wr_ref, b_ref,
                   out_ref):
    hh = h_ref[...]
    agg = accp_ref[0] + accp_ref[1] + hh
    deg = degp_ref[0, :, 0:1] + degp_ref[1, :, 0:1] + 1.0
    mean = agg / deg
    o = (jnp.dot(mean, wn_ref[...], preferred_element_type=jnp.float32)
         + jnp.dot(hh, wr_ref[...], preferred_element_type=jnp.float32)
         + b_ref[...])
    if relu:
        o = jnp.maximum(o, 0.0)
    out_ref[...] = o


def _tc_layer(accp, degp, h, wn, wr, b, relu, block):
    n, d = h.shape
    grid = n // block
    return pl.pallas_call(
        functools.partial(_tc_layer_body, relu),
        grid=(grid,),
        in_specs=[
            pl.BlockSpec((NC, block, d), lambda i: (0, i, 0)),
            pl.BlockSpec((NC, block, 1), lambda i: (0, i, 0)),
            pl.BlockSpec((block, d), lambda i: (i, 0)),
            pl.BlockSpec((d, d), lambda i: (0, 0)),
            pl.BlockSpec((d, d), lambda i: (0, 0)),
            pl.BlockSpec((1, d), lambda i: (0, 0)),
        ],
        out_specs=pl.BlockSpec((block, d), lambda i: (i, 0)),
        out_shape=jax.ShapeDtypeStruct((n, d), jnp.float32),
    )(accp, degp, h, wn, wr, b)


def kernel(x, edge_index, Wn0, Wr0, b0, Wn1, Wr1, b1, Wn2, Wr2, b2):
    n, d = x.shape
    e = edge_index.shape[1]
    epw = e // NW
    k = -(-epw // CHUNK)
    assert epw * NW == e and n % NS == 0

    rpt = (n // NS + CHUNK - 1) // CHUNK * CHUNK
    npad = rpt * NS
    src2 = edge_index[0].reshape(NW, epw)
    dst2 = edge_index[1].reshape(NW, epw)
    kb = -(-k // KB) * KB
    pad = kb * CHUNK - epw
    if pad:
        ap = jnp.arange(pad, dtype=jnp.int32)
        pad_src = jnp.broadcast_to((ap * 37) % n, (NW, pad))
        pad_dst = jnp.broadcast_to(n + ap % (npad - n), (NW, pad))
        src2 = jnp.concatenate([src2, pad_src], axis=1)
        dst2 = jnp.concatenate([dst2, pad_dst], axis=1)
    k = kb
    src = src2.reshape(NW, k, CHUNK)
    dst = dst2.reshape(NW, k, CHUNK)

    sc = _sc_aggregate(n, d, k)
    scdeg = _sc_degree(n, d, k)

    degp = scdeg(dst)[:, :, 0:1]
    accp = sc(x, src, dst)
    h1 = _tc_layer(accp, degp, x, Wn0, Wr0, b0.reshape(1, d), True, 2000)
    accp1 = sc(h1, src, dst)
    h2 = _tc_layer(accp1, degp, h1, Wn1, Wr1, b1.reshape(1, d), True, 2000)
    accp2 = sc(h2, src, dst)
    return _tc_layer(accp2, degp, h2, Wn2, Wr2, b2.reshape(1, d), False, 2000)

# --- scband reference (transcript-rebuilt; emitter-appended) ---
"""Pipeline reference for scband-basic-gnn-62680752718260 (READ-ONLY COPY).

The authoritative reference and input builder live on the scoring server;
editing this copy changes nothing except your own understanding.
"""

import jax, jax.numpy as jnp
import numpy as np

N = 10000
E = 320000
D = 128
H = 128

def setup_inputs(seed: int = 0) -> dict:
    key = jax.random.key(seed)
    ks = jax.random.split(key, 12)
    inp = {}
    inp['x'] = jax.random.normal(ks[0], (N, D), dtype=jnp.float32)
    inp['edge_index'] = jax.random.randint(ks[1], (2, E), 0, N, dtype=jnp.int32)
    s = 1.0 / np.sqrt(D)
    dims = [(D, H), (H, H), (H, H)]
    for i, (din, dout) in enumerate(dims):
        inp['Wn%d' % i] = jax.random.normal(ks[2 + 3 * i], (din, dout), dtype=jnp.float32) * s
        inp['Wr%d' % i] = jax.random.normal(ks[3 + 3 * i], (din, dout), dtype=jnp.float32) * s
        inp['b%d' % i] = jnp.zeros((dout,), dtype=jnp.float32)
    return inp

def reference(x, edge_index, Wn0, Wr0, b0, Wn1, Wr1, b1, Wn2, Wr2, b2):
    n = x.shape[0]
    loop = jnp.arange(n, dtype=edge_index.dtype)
    # add_self_loops as in BasicGNN.forward
    src = jnp.concatenate([edge_index[0], loop])
    dst = jnp.concatenate([edge_index[1], loop])

    def sage_layer(h, Wn, Wr, b):
        msg = jnp.take(h, src, axis=0)                      # gather (SparseCore)
        agg = jax.ops.segment_sum(msg, dst, num_segments=n) # scatter-add
        deg = jax.ops.segment_sum(jnp.ones(src.shape[0], h.dtype), dst, num_segments=n)
        mean = agg / jnp.clip(deg, 1.0)[:, None]
        return mean @ Wn + h @ Wr + b

    h = sage_layer(x, Wn0, Wr0, b0)
    h = jax.nn.relu(h)
    h = sage_layer(h, Wn1, Wr1, b1)
    h = jax.nn.relu(h)
    h = sage_layer(h, Wn2, Wr2, b2)  # plain_last: no act/norm on final layer
    return h

if __name__ == "__main__":
    import jax
    _d = setup_inputs()
    print(jax.jit(kernel)(*tuple(_d.values())))

</pallas_src>

<mosaic_0001>
#map = affine_map<(d0, d1) -> (0, 0)>
#map1 = affine_map<(d0, d1) -> (0, 0, 0)>
module attributes {stable_mosaic.version = 14 : i64} {
  func.func @body(%arg0: i32, %arg1: i32, %arg2: memref<10000x128xf32, #tpu.memory_space<hbm>>, %arg3: memref<32x80x128xi32, #tpu.memory_space<hbm>>, %arg4: memref<32x80x128xi32, #tpu.memory_space<hbm>>, %arg5: memref<2x10240x128xf32, #tpu.memory_space<hbm>>, %arg6: memref<8x128xi32, #tpu.memory_space<vmem>>, %arg7: memref<8x128xi32, #tpu.memory_space<vmem>>, %arg8: memref<8x128xi32, #tpu.memory_space<vmem>>, %arg9: memref<8x128xi32, #tpu.memory_space<vmem>>, %arg10: memref<128x128xf32, #tpu.memory_space<vmem>>, %arg11: memref<128x128xf32, #tpu.memory_space<vmem>>, %arg12: memref<10240x128xf32, #tpu.memory_space<vmem_shared>>, %arg13: memref<!tpu.dma_semaphore, #tpu.memory_space<semaphore_mem>>, %arg14: memref<!tpu.dma_semaphore, #tpu.memory_space<semaphore_mem>>, %arg15: memref<!tpu.dma_semaphore, #tpu.memory_space<semaphore_mem>>, %arg16: memref<!tpu.dma_semaphore, #tpu.memory_space<semaphore_mem>>, %arg17: memref<!tpu.dma_semaphore, #tpu.memory_space<semaphore_mem>>) attributes {dimension_semantics = [#tpu.dimension_semantics<core_parallel>, #tpu.dimension_semantics<subcore_parallel>], iteration_bounds = array<i64: 2, 16>, scalar_prefetch = 0 : i64, scratch_operands = 12 : i64, tpu.core_type = #tpu.core_type<sc_vector_subcore>, window_params = [{transform_indices = #map}, {transform_indices = #map1}, {transform_indices = #map1}, {transform_indices = #map1}]} {
    %mul3A = arith.constant 16 : i32
    %mul3A_0 = arith.muli %arg0, %mul3A : i32
    %add3A = arith.addi %mul3A_0, %arg1 : i32
    %broadcast_in_dim3A = arith.constant 0.000000e+00 : f32
    %broadcast_in_dim3A_1 = vector.broadcast %broadcast_in_dim3A : f32 to vector<16xf32>
    %scan3A = arith.constant 0 : i32
    %scan3A_2 = arith.constant 0 : i32
    %scan3A_3 = arith.constant 128 : i32
    %scan3A_4 = arith.addi %scan3A_2, %scan3A_3 : i32
    %scan3A_5 = arith.constant 1 : i32
    scf.for %scan3A_82 = %scan3A_2 to %scan3A_4 step %scan3A_5  : i32 {
      %swap3A = arith.index_cast %scan3A_82 : i32 to index
      %swap3A_83 = arith.constant 0 : index
      %swap3A_84 = tpu.vector_load %arg10[%swap3A, %swap3A_83] {strides = array<i32>} : memref<128x128xf32, #tpu.memory_space<vmem>>, vector<1x16xf32>,
      %swap3A_85 = vector.shape_cast %swap3A_84 : vector<1x16xf32> to vector<16xf32>
      %swap3A_86 = vector.shape_cast %broadcast_in_dim3A_1 : vector<16xf32> to vector<1x16xf32>
      tpu.vector_store %arg10[%swap3A, %swap3A_83], %swap3A_86 {strides = array<i32>} : memref<128x128xf32, #tpu.memory_space<vmem>>, vector<1x16xf32>,
      %swap3A_87 = arith.index_cast %scan3A_82 : i32 to index
      %swap3A_88 = arith.constant 16 : index
      %swap3A_89 = tpu.vector_load %arg10[%swap3A_87, %swap3A_88] {strides = array<i32>} : memref<128x128xf32, #tpu.memory_space<vmem>>, vector<1x16xf32>,
      %swap3A_90 = vector.shape_cast %swap3A_89 : vector<1x16xf32> to vector<16xf32>
      %swap3A_91 = vector.shape_cast %broadcast_in_dim3A_1 : vector<16xf32> to vector<1x16xf32>
      tpu.vector_store %arg10[%swap3A_87, %swap3A_88], %swap3A_91 {strides = array<i32>} : memref<128x128xf32, #tpu.memory_space<vmem>>, vector<1x16xf32>,
      %swap3A_92 = arith.index_cast %scan3A_82 : i32 to index
      %swap3A_93 = arith.constant 32 : index
      %swap3A_94 = tpu.vector_load %arg10[%swap3A_92, %swap3A_93] {strides = array<i32>} : memref<128x128xf32, #tpu.memory_space<vmem>>, vector<1x16xf32>,
      %swap3A_95 = vector.shape_cast %swap3A_94 : vector<1x16xf32> to vector<16xf32>
      %swap3A_96 = vector.shape_cast %broadcast_in_dim3A_1 : vector<16xf32> to vector<1x16xf32>
      tpu.vector_store %arg10[%swap3A_92, %swap3A_93], %swap3A_96 {strides = array<i32>} : memref<128x128xf32, #tpu.memory_space<vmem>>, vector<1x16xf32>,
      %swap3A_97 = arith.index_cast %scan3A_82 : i32 to index
      %swap3A_98 = arith.constant 48 : index
      %swap3A_99 = tpu.vector_load %arg10[%swap3A_97, %swap3A_98] {strides = array<i32>} : memref<128x128xf32, #tpu.memory_space<vmem>>, vector<1x16xf32>,
      %swap3A_100 = vector.shape_cast %swap3A_99 : vector<1x16xf32> to vector<16xf32>
      %swap3A_101 = vector.shape_cast %broadcast_in_dim3A_1 : vector<16xf32> to vector<1x16xf32>
      tpu.vector_store %arg10[%swap3A_97, %swap3A_98], %swap3A_101 {strides = array<i32>} : memref<128x128xf32, #tpu.memory_space<vmem>>, vector<1x16xf32>,
      %swap3A_102 = arith.index_cast %scan3A_82 : i32 to index
      %swap3A_103 = arith.constant 64 : index
      %swap3A_104 = tpu.vector_load %arg10[%swap3A_102, %swap3A_103] {strides = array<i32>} : memref<128x128xf32, #tpu.memory_space<vmem>>, vector<1x16xf32>,
      %swap3A_105 = vector.shape_cast %swap3A_104 : vector<1x16xf32> to vector<16xf32>
      %swap3A_106 = vector.shape_cast %broadcast_in_dim3A_1 : vector<16xf32> to vector<1x16xf32>
      tpu.vector_store %arg10[%swap3A_102, %swap3A_103], %swap3A_106 {strides = array<i32>} : memref<128x128xf32, #tpu.memory_space<vmem>>, vector<1x16xf32>,
      %swap3A_107 = arith.index_cast %scan3A_82 : i32 to index
      %swap3A_108 = arith.constant 80 : index
      %swap3A_109 = tpu.vector_load %arg10[%swap3A_107, %swap3A_108] {strides = array<i32>} : memref<128x128xf32, #tpu.memory_space<vmem>>, vector<1x16xf32>,
      %swap3A_110 = vector.shape_cast %swap3A_109 : vector<1x16xf32> to vector<16xf32>
      %swap3A_111 = vector.shape_cast %broadcast_in_dim3A_1 : vector<16xf32> to vector<1x16xf32>
      tpu.vector_store %arg10[%swap3A_107, %swap3A_108], %swap3A_111 {strides = array<i32>} : memref<128x128xf32, #tpu.memory_space<vmem>>, vector<1x16xf32>,
      %swap3A_112 = arith.index_cast %scan3A_82 : i32 to index
      %swap3A_113 = arith.constant 96 : index
      %swap3A_114 = tpu.vector_load %arg10[%swap3A_112, %swap3A_113] {strides = array<i32>} : memref<128x128xf32, #tpu.memory_space<vmem>>, vector<1x16xf32>,
      %swap3A_115 = vector.shape_cast %swap3A_114 : vector<1x16xf32> to vector<16xf32>
      %swap3A_116 = vector.shape_cast %broadcast_in_dim3A_1 : vector<16xf32> to vector<1x16xf32>
      tpu.vector_store %arg10[%swap3A_112, %swap3A_113], %swap3A_116 {strides = array<i32>} : memref<128x128xf32, #tpu.memory_space<vmem>>, vector<1x16xf32>,
      %swap3A_117 = arith.index_cast %scan3A_82 : i32 to index
      %swap3A_118 = arith.constant 112 : index
      %swap3A_119 = tpu.vector_load %arg10[%swap3A_117, %swap3A_118] {strides = array<i32>} : memref<128x128xf32, #tpu.memory_space<vmem>>, vector<1x16xf32>,
      %swap3A_120 = vector.shape_cast %swap3A_119 : vector<1x16xf32> to vector<16xf32>
      %swap3A_121 = vector.shape_cast %broadcast_in_dim3A_1 : vector<16xf32> to vector<1x16xf32>
      tpu.vector_store %arg10[%swap3A_117, %swap3A_118], %swap3A_121 {strides = array<i32>} : memref<128x128xf32, #tpu.memory_space<vmem>>, vector<1x16xf32>,
    }
    %scan3A_6 = arith.constant 128 : i32
    %mul3A_7 = arith.constant 640 : i32
    %mul3A_8 = arith.muli %arg1, %mul3A_7 : i32
    %add3A_9 = arith.constant 0 : i32
    %add3A_10 = arith.addi %mul3A_8, %add3A_9 : i32
    "tpu.region"() ({
      %run_scoped3A = tpu.sem_alloc : memref<!tpu.dma_semaphore, #tpu.memory_space<semaphore_mem>>
      %dma_start3A_82 = arith.constant 0 : i32
      %dma_start3A_83 = tpu.memref_slice %arg12[%add3A_10, %dma_start3A_82] : memref<10240x128xf32, #tpu.memory_space<vmem_shared>> -> memref<128x128xf32, #tpu.memory_space<vmem_shared>>
      %dma_start3A_84 = arith.constant 0 : i32
      %dma_start3A_85 = tpu.memref_slice %arg12[%add3A_10, %dma_start3A_84] : memref<10240x128xf32, #tpu.memory_space<vmem_shared>> -> memref<128x128xf32, #tpu.memory_space<vmem_shared>>
      tpu.enqueue_dma source(%arg10 : memref<128x128xf32, #tpu.memory_space<vmem>>) target(%dma_start3A_85 : memref<128x128xf32, #tpu.memory_space<vmem_shared>>) target_semaphore(%run_scoped3A : memref<!tpu.dma_semaphore, #tpu.memory_space<semaphore_mem>>)
      %dma_wait3A_86 = arith.constant 0 : i32
      %dma_wait3A_87 = tpu.memref_slice %arg12[%add3A_10, %dma_wait3A_86] : memref<10240x128xf32, #tpu.memory_space<vmem_shared>> -> memref<128x128xf32, #tpu.memory_space<vmem_shared>>
      %dma_wait3A_88 = arith.constant 0 : i32
      %dma_wait3A_89 = tpu.memref_slice %arg12[%add3A_10, %dma_wait3A_88] : memref<10240x128xf32, #tpu.memory_space<vmem_shared>> -> memref<128x128xf32, #tpu.memory_space<vmem_shared>>
      tpu.wait_dma2 semaphore(%run_scoped3A : memref<!tpu.dma_semaphore, #tpu.memory_space<semaphore_mem>>) src(%arg10 : memref<128x128xf32, #tpu.memory_space<vmem>>) dst(%dma_wait3A_89 : memref<128x128xf32, #tpu.memory_space<vmem_shared>>)
      tpu.yield
    }) : () -> ()
    %mul3A_11 = arith.constant 640 : i32
    %mul3A_12 = arith.muli %arg1, %mul3A_11 : i32
    %add3A_13 = arith.constant 128 : i32
    %add3A_14 = arith.addi %mul3A_12, %add3A_13 : i32
    "tpu.region"() ({
      %run_scoped3A = tpu.sem_alloc : memref<!tpu.dma_semaphore, #tpu.memory_space<semaphore_mem>>
      %dma_start3A_82 = arith.constant 0 : i32
      %dma_start3A_83 = tpu.memref_slice %arg12[%add3A_14, %dma_start3A_82] : memref<10240x128xf32, #tpu.memory_space<vmem_shared>> -> memref<128x128xf32, #tpu.memory_space<vmem_shared>>
      %dma_start3A_84 = arith.constant 0 : i32
      %dma_start3A_85 = tpu.memref_slice %arg12[%add3A_14, %dma_start3A_84] : memref<10240x128xf32, #tpu.memory_space<vmem_shared>> -> memref<128x128xf32, #tpu.memory_space<vmem_shared>>
      tpu.enqueue_dma source(%arg10 : memref<128x128xf32, #tpu.memory_space<vmem>>) target(%dma_start3A_85 : memref<128x128xf32, #tpu.memory_space<vmem_shared>>) target_semaphore(%run_scoped3A : memref<!tpu.dma_semaphore, #tpu.memory_space<semaphore_mem>>)
      %dma_wait3A_86 = arith.constant 0 : i32
      %dma_wait3A_87 = tpu.memref_slice %arg12[%add3A_14, %dma_wait3A_86] : memref<10240x128xf32, #tpu.memory_space<vmem_shared>> -> memref<128x128xf32, #tpu.memory_space<vmem_shared>>
      %dma_wait3A_88 = arith.constant 0 : i32
      %dma_wait3A_89 = tpu.memref_slice %arg12[%add3A_14, %dma_wait3A_88] : memref<10240x128xf32, #tpu.memory_space<vmem_shared>> -> memref<128x128xf32, #tpu.memory_space<vmem_shared>>
      tpu.wait_dma2 semaphore(%run_scoped3A : memref<!tpu.dma_semaphore, #tpu.memory_space<semaphore_mem>>) src(%arg10 : memref<128x128xf32, #tpu.memory_space<vmem>>) dst(%dma_wait3A_89 : memref<128x128xf32, #tpu.memory_space<vmem_shared>>)
      tpu.yield
    }) : () -> ()
    %mul3A_15 = arith.constant 640 : i32
    %mul3A_16 = arith.muli %arg1, %mul3A_15 : i32
    %add3A_17 = arith.constant 256 : i32
    %add3A_18 = arith.addi %mul3A_16, %add3A_17 : i32
    "tpu.region"() ({
      %run_scoped3A = tpu.sem_alloc : memref<!tpu.dma_semaphore, #tpu.memory_space<semaphore_mem>>
      %dma_start3A_82 = arith.constant 0 : i32
      %dma_start3A_83 = tpu.memref_slice %arg12[%add3A_18, %dma_start3A_82] : memref<10240x128xf32, #tpu.memory_space<vmem_shared>> -> memref<128x128xf32, #tpu.memory_space<vmem_shared>>
      %dma_start3A_84 = arith.constant 0 : i32
      %dma_start3A_85 = tpu.memref_slice %arg12[%add3A_18, %dma_start3A_84] : memref<10240x128xf32, #tpu.memory_space<vmem_shared>> -> memref<128x128xf32, #tpu.memory_space<vmem_shared>>
      tpu.enqueue_dma source(%arg10 : memref<128x128xf32, #tpu.memory_space<vmem>>) target(%dma_start3A_85 : memref<128x128xf32, #tpu.memory_space<vmem_shared>>) target_semaphore(%run_scoped3A : memref<!tpu.dma_semaphore, #tpu.memory_space<semaphore_mem>>)
      %dma_wait3A_86 = arith.constant 0 : i32
      %dma_wait3A_87 = tpu.memref_slice %arg12[%add3A_18, %dma_wait3A_86] : memref<10240x128xf32, #tpu.memory_space<vmem_shared>> -> memref<128x128xf32, #tpu.memory_space<vmem_shared>>
      %dma_wait3A_88 = arith.constant 0 : i32
      %dma_wait3A_89 = tpu.memref_slice %arg12[%add3A_18, %dma_wait3A_88] : memref<10240x128xf32, #tpu.memory_space<vmem_shared>> -> memref<128x128xf32, #tpu.memory_space<vmem_shared>>
      tpu.wait_dma2 semaphore(%run_scoped3A : memref<!tpu.dma_semaphore, #tpu.memory_space<semaphore_mem>>) src(%arg10 : memref<128x128xf32, #tpu.memory_space<vmem>>) dst(%dma_wait3A_89 : memref<128x128xf32, #tpu.memory_space<vmem_shared>>)
      tpu.yield
    }) : () -> ()
    %mul3A_19 = arith.constant 640 : i32
    %mul3A_20 = arith.muli %arg1, %mul3A_19 : i32
    %add3A_21 = arith.constant 384 : i32
    %add3A_22 = arith.addi %mul3A_20, %add3A_21 : i32
    "tpu.region"() ({
      %run_scoped3A = tpu.sem_alloc : memref<!tpu.dma_semaphore, #tpu.memory_space<semaphore_mem>>
      %dma_start3A_82 = arith.constant 0 : i32
      %dma_start3A_83 = tpu.memref_slice %arg12[%add3A_22, %dma_start3A_82] : memref<10240x128xf32, #tpu.memory_space<vmem_shared>> -> memref<128x128xf32, #tpu.memory_space<vmem_shared>>
      %dma_start3A_84 = arith.constant 0 : i32
      %dma_start3A_85 = tpu.memref_slice %arg12[%add3A_22, %dma_start3A_84] : memref<10240x128xf32, #tpu.memory_space<vmem_shared>> -> memref<128x128xf32, #tpu.memory_space<vmem_shared>>
      tpu.enqueue_dma source(%arg10 : memref<128x128xf32, #tpu.memory_space<vmem>>) target(%dma_start3A_85 : memref<128x128xf32, #tpu.memory_space<vmem_shared>>) target_semaphore(%run_scoped3A : memref<!tpu.dma_semaphore, #tpu.memory_space<semaphore_mem>>)
      %dma_wait3A_86 = arith.constant 0 : i32
      %dma_wait3A_87 = tpu.memref_slice %arg12[%add3A_22, %dma_wait3A_86] : memref<10240x128xf32, #tpu.memory_space<vmem_shared>> -> memref<128x128xf32, #tpu.memory_space<vmem_shared>>
      %dma_wait3A_88 = arith.constant 0 : i32
      %dma_wait3A_89 = tpu.memref_slice %arg12[%add3A_22, %dma_wait3A_88] : memref<10240x128xf32, #tpu.memory_space<vmem_shared>> -> memref<128x128xf32, #tpu.memory_space<vmem_shared>>
      tpu.wait_dma2 semaphore(%run_scoped3A : memref<!tpu.dma_semaphore, #tpu.memory_space<semaphore_mem>>) src(%arg10 : memref<128x128xf32, #tpu.memory_space<vmem>>) dst(%dma_wait3A_89 : memref<128x128xf32, #tpu.memory_space<vmem_shared>>)
      tpu.yield
    }) : () -> ()
    %mul3A_23 = arith.constant 640 : i32
    %mul3A_24 = arith.muli %arg1, %mul3A_23 : i32
    %add3A_25 = arith.constant 512 : i32
    %add3A_26 = arith.addi %mul3A_24, %add3A_25 : i32
    "tpu.region"() ({
      %run_scoped3A = tpu.sem_alloc : memref<!tpu.dma_semaphore, #tpu.memory_space<semaphore_mem>>
      %dma_start3A_82 = arith.constant 0 : i32
      %dma_start3A_83 = tpu.memref_slice %arg12[%add3A_26, %dma_start3A_82] : memref<10240x128xf32, #tpu.memory_space<vmem_shared>> -> memref<128x128xf32, #tpu.memory_space<vmem_shared>>
      %dma_start3A_84 = arith.constant 0 : i32
      %dma_start3A_85 = tpu.memref_slice %arg12[%add3A_26, %dma_start3A_84] : memref<10240x128xf32, #tpu.memory_space<vmem_shared>> -> memref<128x128xf32, #tpu.memory_space<vmem_shared>>
      tpu.enqueue_dma source(%arg10 : memref<128x128xf32, #tpu.memory_space<vmem>>) target(%dma_start3A_85 : memref<128x128xf32, #tpu.memory_space<vmem_shared>>) target_semaphore(%run_scoped3A : memref<!tpu.dma_semaphore, #tpu.memory_space<semaphore_mem>>)
      %dma_wait3A_86 = arith.constant 0 : i32
      %dma_wait3A_87 = tpu.memref_slice %arg12[%add3A_26, %dma_wait3A_86] : memref<10240x128xf32, #tpu.memory_space<vmem_shared>> -> memref<128x128xf32, #tpu.memory_space<vmem_shared>>
      %dma_wait3A_88 = arith.constant 0 : i32
      %dma_wait3A_89 = tpu.memref_slice %arg12[%add3A_26, %dma_wait3A_88] : memref<10240x128xf32, #tpu.memory_space<vmem_shared>> -> memref<128x128xf32, #tpu.memory_space<vmem_shared>>
      tpu.wait_dma2 semaphore(%run_scoped3A : memref<!tpu.dma_semaphore, #tpu.memory_space<semaphore_mem>>) src(%arg10 : memref<128x128xf32, #tpu.memory_space<vmem>>) dst(%dma_wait3A_89 : memref<128x128xf32, #tpu.memory_space<vmem_shared>>)
      tpu.yield
    }) : () -> ()
    %barrier3A = arith.constant 0 : index
    tpu.barrier barrier_id(%barrier3A)
    "tpu.region"() ({
      %run_scoped3A = tpu.sem_alloc : memref<!tpu.dma_semaphore, #tpu.memory_space<semaphore_mem>>
      %dma_start3A_82 = arith.constant 0 : i32
      %dma_start3A_83 = arith.constant 0 : i32
      %dma_start3A_84 = tpu.memref_slice %arg3[%add3A, %dma_start3A_82, %dma_start3A_83] : memref<32x80x128xi32, #tpu.memory_space<hbm>> -> memref<1x8x128xi32, #tpu.memory_space<hbm>>
      %dma_start3A_85 = tpu.memref_squeeze %dma_start3A_84 : memref<1x8x128xi32, #tpu.memory_space<hbm>> -> memref<8x128xi32, #tpu.memory_space<hbm>>
      %dma_start3A_86 = arith.constant 0 : i32
      %dma_start3A_87 = arith.constant 0 : i32
      %dma_start3A_88 = tpu.memref_slice %arg3[%add3A, %dma_start3A_86, %dma_start3A_87] : memref<32x80x128xi32, #tpu.memory_space<hbm>> -> memref<1x8x128xi32, #tpu.memory_space<hbm>>
      %dma_start3A_89 = tpu.memref_squeeze %dma_start3A_88 : memref<1x8x128xi32, #tpu.memory_space<hbm>> -> memref<8x128xi32, #tpu.memory_space<hbm>>
      tpu.enqueue_dma source(%dma_start3A_89 : memref<8x128xi32, #tpu.memory_space<hbm>>) target(%arg6 : memref<8x128xi32, #tpu.memory_space<vmem>>) target_semaphore(%run_scoped3A : memref<!tpu.dma_semaphore, #tpu.memory_space<semaphore_mem>>)
      %dma_wait3A_90 = arith.constant 0 : i32
      %dma_wait3A_91 = arith.constant 0 : i32
      %dma_wait3A_92 = tpu.memref_slice %arg3[%add3A, %dma_wait3A_90, %dma_wait3A_91] : memref<32x80x128xi32, #tpu.memory_space<hbm>> -> memref<1x8x128xi32, #tpu.memory_space<hbm>>
      %dma_wait3A_93 = tpu.memref_squeeze %dma_wait3A_92 : memref<1x8x128xi32, #tpu.memory_space<hbm>> -> memref<8x128xi32, #tpu.memory_space<hbm>>
      %dma_wait3A_94 = arith.constant 0 : i32
      %dma_wait3A_95 = arith.constant 0 : i32
      %dma_wait3A_96 = tpu.memref_slice %arg3[%add3A, %dma_wait3A_94, %dma_wait3A_95] : memref<32x80x128xi32, #tpu.memory_space<hbm>> -> memref<1x8x128xi32, #tpu.memory_space<hbm>>
      %dma_wait3A_97 = tpu.memref_squeeze %dma_wait3A_96 : memref<1x8x128xi32, #tpu.memory_space<hbm>> -> memref<8x128xi32, #tpu.memory_space<hbm>>
      tpu.wait_dma2 semaphore(%run_scoped3A : memref<!tpu.dma_semaphore, #tpu.memory_space<semaphore_mem>>) src(%dma_wait3A_97 : memref<8x128xi32, #tpu.memory_space<hbm>>) dst(%arg6 : memref<8x128xi32, #tpu.memory_space<vmem>>)
      tpu.yield
    }) : () -> ()
    "tpu.region"() ({
      %run_scoped3A = tpu.sem_alloc : memref<!tpu.dma_semaphore, #tpu.memory_space<semaphore_mem>>
      %dma_start3A_82 = arith.constant 0 : i32
      %dma_start3A_83 = arith.constant 0 : i32
      %dma_start3A_84 = tpu.memref_slice %arg4[%add3A, %dma_start3A_82, %dma_start3A_83] : memref<32x80x128xi32, #tpu.memory_space<hbm>> -> memref<1x8x128xi32, #tpu.memory_space<hbm>>
      %dma_start3A_85 = tpu.memref_squeeze %dma_start3A_84 : memref<1x8x128xi32, #tpu.memory_space<hbm>> -> memref<8x128xi32, #tpu.memory_space<hbm>>
      %dma_start3A_86 = arith.constant 0 : i32
      %dma_start3A_87 = arith.constant 0 : i32
      %dma_start3A_88 = tpu.memref_slice %arg4[%add3A, %dma_start3A_86, %dma_start3A_87] : memref<32x80x128xi32, #tpu.memory_space<hbm>> -> memref<1x8x128xi32, #tpu.memory_space<hbm>>
      %dma_start3A_89 = tpu.memref_squeeze %dma_start3A_88 : memref<1x8x128xi32, #tpu.memory_space<hbm>> -> memref<8x128xi32, #tpu.memory_space<hbm>>
      tpu.enqueue_dma source(%dma_start3A_89 : memref<8x128xi32, #tpu.memory_space<hbm>>) target(%arg7 : memref<8x128xi32, #tpu.memory_space<vmem>>) target_semaphore(%run_scoped3A : memref<!tpu.dma_semaphore, #tpu.memory_space<semaphore_mem>>)
      %dma_wait3A_90 = arith.constant 0 : i32
      %dma_wait3A_91 = arith.constant 0 : i32
      %dma_wait3A_92 = tpu.memref_slice %arg4[%add3A, %dma_wait3A_90, %dma_wait3A_91] : memref<32x80x128xi32, #tpu.memory_space<hbm>> -> memref<1x8x128xi32, #tpu.memory_space<hbm>>
      %dma_wait3A_93 = tpu.memref_squeeze %dma_wait3A_92 : memref<1x8x128xi32, #tpu.memory_space<hbm>> -> memref<8x128xi32, #tpu.memory_space<hbm>>
      %dma_wait3A_94 = arith.constant 0 : i32
      %dma_wait3A_95 = arith.constant 0 : i32
      %dma_wait3A_96 = tpu.memref_slice %arg4[%add3A, %dma_wait3A_94, %dma_wait3A_95] : memref<32x80x128xi32, #tpu.memory_space<hbm>> -> memref<1x8x128xi32, #tpu.memory_space<hbm>>
      %dma_wait3A_97 = tpu.memref_squeeze %dma_wait3A_96 : memref<1x8x128xi32, #tpu.memory_space<hbm>> -> memref<8x128xi32, #tpu.memory_space<hbm>>
      tpu.wait_dma2 semaphore(%run_scoped3A : memref<!tpu.dma_semaphore, #tpu.memory_space<semaphore_mem>>) src(%dma_wait3A_97 : memref<8x128xi32, #tpu.memory_space<hbm>>) dst(%arg7 : memref<8x128xi32, #tpu.memory_space<vmem>>)
      tpu.yield
    }) : () -> ()
    %min3A = arith.constant 1 : i32
    %min3A_27 = arith.constant 9 : i32
    %min3A_28 = arith.minsi %min3A, %min3A_27 : i32
    %mul3A_29 = arith.constant 8 : i32
    %mul3A_30 = arith.muli %min3A_28, %mul3A_29 : i32
    %dma_start3A = arith.constant 0 : i32
    %dma_start3A_31 = tpu.memref_slice %arg3[%add3A, %mul3A_30, %dma_start3A] : memref<32x80x128xi32, #tpu.memory_space<hbm>> -> memref<1x8x128xi32, #tpu.memory_space<hbm>>
    %dma_start3A_32 = tpu.memref_squeeze %dma_start3A_31 : memref<1x8x128xi32, #tpu.memory_space<hbm>> -> memref<8x128xi32, #tpu.memory_space<hbm>>
    %dma_start3A_33 = arith.constant 0 : i32
    %dma_start3A_34 = tpu.memref_slice %arg3[%add3A, %mul3A_30, %dma_start3A_33] : memref<32x80x128xi32, #tpu.memory_space<hbm>> -> memref<1x8x128xi32, #tpu.memory_space<hbm>>
    %dma_start3A_35 = tpu.memref_squeeze %dma_start3A_34 : memref<1x8x128xi32, #tpu.memory_space<hbm>> -> memref<8x128xi32, #tpu.memory_space<hbm>>
    tpu.enqueue_dma source(%dma_start3A_35 : memref<8x128xi32, #tpu.memory_space<hbm>>) target(%arg8 : memref<8x128xi32, #tpu.memory_space<vmem>>) target_semaphore(%arg15 : memref<!tpu.dma_semaphore, #tpu.memory_space<semaphore_mem>>)
    %mul3A_36 = arith.constant 8 : i32
    %mul3A_37 = arith.muli %min3A_28, %mul3A_36 : i32
    %dma_start3A_38 = arith.constant 0 : i32
    %dma_start3A_39 = tpu.memref_slice %arg4[%add3A, %mul3A_37, %dma_start3A_38] : memref<32x80x128xi32, #tpu.memory_space<hbm>> -> memref<1x8x128xi32, #tpu.memory_space<hbm>>
    %dma_start3A_40 = tpu.memref_squeeze %dma_start3A_39 : memref<1x8x128xi32, #tpu.memory_space<hbm>> -> memref<8x128xi32, #tpu.memory_space<hbm>>
    %dma_start3A_41 = arith.constant 0 : i32
    %dma_start3A_42 = tpu.memref_slice %arg4[%add3A, %mul3A_37, %dma_start3A_41] : memref<32x80x128xi32, #tpu.memory_space<hbm>> -> memref<1x8x128xi32, #tpu.memory_space<hbm>>
    %dma_start3A_43 = tpu.memref_squeeze %dma_start3A_42 : memref<1x8x128xi32, #tpu.memory_space<hbm>> -> memref<8x128xi32, #tpu.memory_space<hbm>>
    tpu.enqueue_dma source(%dma_start3A_43 : memref<8x128xi32, #tpu.memory_space<hbm>>) target(%arg9 : memref<8x128xi32, #tpu.memory_space<vmem>>) target_semaphore(%arg16 : memref<!tpu.dma_semaphore, #tpu.memory_space<semaphore_mem>>)
    %dma_start3A_44 = arith.constant 0 : i32
    %dma_start3A_45 = arith.constant 0 : i32
    %dma_start3A_46 = tpu.memref_slice %arg6[%dma_start3A_44, %dma_start3A_45] : memref<8x128xi32, #tpu.memory_space<vmem>> -> memref<1x128xi32, #tpu.memory_space<vmem>>
    %dma_start3A_47 = tpu.memref_squeeze %dma_start3A_46 : memref<1x128xi32, #tpu.memory_space<vmem>> -> memref<128xi32, #tpu.memory_space<vmem>>
    %dma_start3A_48 = arith.constant 0 : i32
    %dma_start3A_49 = arith.constant 0 : i32
    %dma_start3A_50 = tpu.memref_slice %arg2[%dma_start3A_48, %dma_start3A_49] : memref<10000x128xf32, #tpu.memory_space<hbm>> -> memref<10000x128xf32, #tpu.memory_space<hbm>>
    tpu.enqueue_indirect_dma source(%dma_start3A_50 : memref<10000x128xf32, #tpu.memory_space<hbm>>) target(%arg10 : memref<128x128xf32, #tpu.memory_space<vmem>>) offsets(%dma_start3A_47 : memref<128xi32, #tpu.memory_space<vmem>>) semaphore(%arg13 : memref<!tpu.dma_semaphore, #tpu.memory_space<semaphore_mem>>)
    %scan3A_51 = arith.constant 0 : i32
    %scan3A_52 = arith.constant 0 : i32
    %scan3A_53 = arith.constant 5 : i32
    %scan3A_54 = arith.addi %scan3A_52, %scan3A_53 : i32
    %scan3A_55 = arith.constant 1 : i32
    scf.for %scan3A_82 = %scan3A_52 to %scan3A_54 step %scan3A_55  : i32 {
      %mul3A_83 = arith.constant 2 : i32
      %mul3A_84 = arith.muli %scan3A_82, %mul3A_83 : i32
      %dma_start3A_85 = arith.constant 1 : i32
      %dma_start3A_86 = arith.constant 0 : i32
      %dma_start3A_87 = tpu.memref_slice %arg6[%dma_start3A_85, %dma_start3A_86] : memref<8x128xi32, #tpu.memory_space<vmem>> -> memref<1x128xi32, #tpu.memory_space<vmem>>
      %dma_start3A_88 = tpu.memref_squeeze %dma_start3A_87 : memref<1x128xi32, #tpu.memory_space<vmem>> -> memref<128xi32, #tpu.memory_space<vmem>>
      %dma_start3A_89 = arith.constant 0 : i32
      %dma_start3A_90 = arith.constant 0 : i32
      %dma_start3A_91 = tpu.memref_slice %arg2[%dma_start3A_89, %dma_start3A_90] : memref<10000x128xf32, #tpu.memory_space<hbm>> -> memref<10000x128xf32, #tpu.memory_space<hbm>>
      tpu.enqueue_indirect_dma source(%dma_start3A_91 : memref<10000x128xf32, #tpu.memory_space<hbm>>) target(%arg11 : memref<128x128xf32, #tpu.memory_space<vmem>>) offsets(%dma_start3A_88 : memref<128xi32, #tpu.memory_space<vmem>>) semaphore(%arg14 : memref<!tpu.dma_semaphore, #tpu.memory_space<semaphore_mem>>)
      %dma_wait3A_92 = arith.constant 0 : i32
      %dma_wait3A_93 = arith.constant 0 : i32
      %dma_wait3A_94 = tpu.memref_slice %arg6[%dma_wait3A_92, %dma_wait3A_93] : memref<8x128xi32, #tpu.memory_space<vmem>> -> memref<1x128xi32, #tpu.memory_space<vmem>>
      %dma_wait3A_95 = tpu.memref_squeeze %dma_wait3A_94 : memref<1x128xi32, #tpu.memory_space<vmem>> -> memref<128xi32, #tpu.memory_space<vmem>>
      %dma_wait3A_96 = arith.constant 0 : i32
      %dma_wait3A_97 = arith.constant 0 : i32
      %dma_wait3A_98 = tpu.memref_slice %arg2[%dma_wait3A_96, %dma_wait3A_97] : memref<10000x128xf32, #tpu.memory_space<hbm>> -> memref<10000x128xf32, #tpu.memory_space<hbm>>
      tpu.wait_indirect_dma semaphore(%arg13 : memref<!tpu.dma_semaphore, #tpu.memory_space<semaphore_mem>>) src(%dma_wait3A_98 : memref<10000x128xf32, #tpu.memory_space<hbm>>) dst(%arg10 : memref<128x128xf32, #tpu.memory_space<vmem>>)
      %dma_start3A_99 = arith.constant 0 : i32
      %dma_start3A_100 = arith.constant 0 : i32
      %dma_start3A_101 = tpu.memref_slice %arg7[%dma_start3A_99, %dma_start3A_100] : memref<8x128xi32, #tpu.memory_space<vmem>> -> memref<1x128xi32, #tpu.memory_space<vmem>>
      %dma_start3A_102 = tpu.memref_squeeze %dma_start3A_101 : memref<1x128xi32, #tpu.memory_space<vmem>> -> memref<128xi32, #tpu.memory_space<vmem>>
      %dma_start3A_103 = arith.constant 0 : i32
      %dma_start3A_104 = arith.constant 0 : i32
      %dma_start3A_105 = tpu.memref_slice %arg12[%dma_start3A_103, %dma_start3A_104] : memref<10240x128xf32, #tpu.memory_space<vmem_shared>> -> memref<10240x128xf32, #tpu.memory_space<vmem_shared>>
      tpu.enqueue_indirect_dma source(%arg10 : memref<128x128xf32, #tpu.memory_space<vmem>>) target(%dma_start3A_105 : memref<10240x128xf32, #tpu.memory_space<vmem_shared>>) offsets(%dma_start3A_102 : memref<128xi32, #tpu.memory_space<vmem>>) semaphore(%arg17 : memref<!tpu.dma_semaphore, #tpu.memory_space<semaphore_mem>>) {add = true}
      %dma_wait3A_106 = arith.constant 0 : i32
      %dma_wait3A_107 = arith.constant 0 : i32
      %dma_wait3A_108 = tpu.memref_slice %arg7[%dma_wait3A_106, %dma_wait3A_107] : memref<8x128xi32, #tpu.memory_space<vmem>> -> memref<1x128xi32, #tpu.memory_space<vmem>>
      %dma_wait3A_109 = tpu.memref_squeeze %dma_wait3A_108 : memref<1x128xi32, #tpu.memory_space<vmem>> -> memref<128xi32, #tpu.memory_space<vmem>>
      %dma_wait3A_110 = arith.constant 0 : i32
      %dma_wait3A_111 = arith.constant 0 : i32
      %dma_wait3A_112 = tpu.memref_slice %arg12[%dma_wait3A_110, %dma_wait3A_111] : memref<10240x128xf32, #tpu.memory_space<vmem_shared>> -> memref<10240x128xf32, #tpu.memory_space<vmem_shared>>
      tpu.wait_indirect_dma semaphore(%arg17 : memref<!tpu.dma_semaphore, #tpu.memory_space<semaphore_mem>>) src(%arg10 : memref<128x128xf32, #tpu.memory_space<vmem>>) dst(%dma_wait3A_112 : memref<10240x128xf32, #tpu.memory_space<vmem_shared>>)
      %dma_start3A_113 = arith.constant 2 : i32
      %dma_start3A_114 = arith.constant 0 : i32
      %dma_start3A_115 = tpu.memref_slice %arg6[%dma_start3A_113, %dma_start3A_114] : memref<8x128xi32, #tpu.memory_space<vmem>> -> memref<1x128xi32, #tpu.memory_space<vmem>>
      %dma_start3A_116 = tpu.memref_squeeze %dma_start3A_115 : memref<1x128xi32, #tpu.memory_space<vmem>> -> memref<128xi32, #tpu.memory_space<vmem>>
      %dma_start3A_117 = arith.constant 0 : i32
      %dma_start3A_118 = arith.constant 0 : i32
      %dma_start3A_119 = tpu.memref_slice %arg2[%dma_start3A_117, %dma_start3A_118] : memref<10000x128xf32, #tpu.memory_space<hbm>> -> memref<10000x128xf32, #tpu.memory_space<hbm>>
      tpu.enqueue_indirect_dma source(%dma_start3A_119 : memref<10000x128xf32, #tpu.memory_space<hbm>>) target(%arg10 : memref<128x128xf32, #tpu.memory_space<vmem>>) offsets(%dma_start3A_116 : memref<128xi32, #tpu.memory_space<vmem>>) semaphore(%arg13 : memref<!tpu.dma_semaphore, #tpu.memory_space<semaphore_mem>>)
      %dma_wait3A_120 = arith.constant 1 : i32
      %dma_wait3A_121 = arith.constant 0 : i32
      %dma_wait3A_122 = tpu.memref_slice %arg6[%dma_wait3A_120, %dma_wait3A_121] : memref<8x128xi32, #tpu.memory_space<vmem>> -> memref<1x128xi32, #tpu.memory_space<vmem>>
      %dma_wait3A_123 = tpu.memref_squeeze %dma_wait3A_122 : memref<1x128xi32, #tpu.memory_space<vmem>> -> memref<128xi32, #tpu.memory_space<vmem>>
      %dma_wait3A_124 = arith.constant 0 : i32
      %dma_wait3A_125 = arith.constant 0 : i32
      %dma_wait3A_126 = tpu.memref_slice %arg2[%dma_wait3A_124, %dma_wait3A_125] : memref<10000x128xf32, #tpu.memory_space<hbm>> -> memref<10000x128xf32, #tpu.memory_space<hbm>>
      tpu.wait_indirect_dma semaphore(%arg14 : memref<!tpu.dma_semaphore, #tpu.memory_space<semaphore_mem>>) src(%dma_wait3A_126 : memref<10000x128xf32, #tpu.memory_space<hbm>>) dst(%arg11 : memref<128x128xf32, #tpu.memory_space<vmem>>)
      %dma_start3A_127 = arith.constant 1 : i32
      %dma_start3A_128 = arith.constant 0 : i32
      %dma_start3A_129 = tpu.memref_slice %arg7[%dma_start3A_127, %dma_start3A_128] : memref<8x128xi32, #tpu.memory_space<vmem>> -> memref<1x128xi32, #tpu.memory_space<vmem>>
      %dma_start3A_130 = tpu.memref_squeeze %dma_start3A_129 : memref<1x128xi32, #tpu.memory_space<vmem>> -> memref<128xi32, #tpu.memory_space<vmem>>
      %dma_start3A_131 = arith.constant 0 : i32
      %dma_start3A_132 = arith.constant 0 : i32
      %dma_start3A_133 = tpu.memref_slice %arg12[%dma_start3A_131, %dma_start3A_132] : memref<10240x128xf32, #tpu.memory_space<vmem_shared>> -> memref<10240x128xf32, #tpu.memory_space<vmem_shared>>
      tpu.enqueue_indirect_dma source(%arg11 : memref<128x128xf32, #tpu.memory_space<vmem>>) target(%dma_start3A_133 : memref<10240x128xf32, #tpu.memory_space<vmem_shared>>) offsets(%dma_start3A_130 : memref<128xi32, #tpu.memory_space<vmem>>) semaphore(%arg17 : memref<!tpu.dma_semaphore, #tpu.memory_space<semaphore_mem>>) {add = true}
      %dma_wait3A_134 = arith.constant 1 : i32
      %dma_wait3A_135 = arith.constant 0 : i32
      %dma_wait3A_136 = tpu.memref_slice %arg7[%dma_wait3A_134, %dma_wait3A_135] : memref<8x128xi32, #tpu.memory_space<vmem>> -> memref<1x128xi32, #tpu.memory_space<vmem>>
      %dma_wait3A_137 = tpu.memref_squeeze %dma_wait3A_136 : memref<1x128xi32, #tpu.memory_space<vmem>> -> memref<128xi32, #tpu.memory_space<vmem>>
      %dma_wait3A_138 = arith.constant 0 : i32
      %dma_wait3A_139 = arith.constant 0 : i32
      %dma_wait3A_140 = tpu.memref_slice %arg12[%dma_wait3A_138, %dma_wait3A_139] : memref<10240x128xf32, #tpu.memory_space<vmem_shared>> -> memref<10240x128xf32, #tpu.memory_space<vmem_shared>>
      tpu.wait_indirect_dma semaphore(%arg17 : memref<!tpu.dma_semaphore, #tpu.memory_space<semaphore_mem>>) src(%arg11 : memref<128x128xf32, #tpu.memory_space<vmem>>) dst(%dma_wait3A_140 : memref<10240x128xf32, #tpu.memory_space<vmem_shared>>)
      %dma_start3A_141 = arith.constant 3 : i32
      %dma_start3A_142 = arith.constant 0 : i32
      %dma_start3A_143 = tpu.memref_slice %arg6[%dma_start3A_141, %dma_start3A_142] : memref<8x128xi32, #tpu.memory_space<vmem>> -> memref<1x128xi32, #tpu.memory_space<vmem>>
      %dma_start3A_144 = tpu.memref_squeeze %dma_start3A_143 : memref<1x128xi32, #tpu.memory_space<vmem>> -> memref<128xi32, #tpu.memory_space<vmem>>
      %dma_start3A_145 = arith.constant 0 : i32
      %dma_start3A_146 = arith.constant 0 : i32
      %dma_start3A_147 = tpu.memref_slice %arg2[%dma_start3A_145, %dma_start3A_146] : memref<10000x128xf32, #tpu.memory_space<hbm>> -> memref<10000x128xf32, #tpu.memory_space<hbm>>
      tpu.enqueue_indirect_dma source(%dma_start3A_147 : memref<10000x128xf32, #tpu.memory_space<hbm>>) target(%arg11 : memref<128x128xf32, #tpu.memory_space<vmem>>) offsets(%dma_start3A_144 : memref<128xi32, #tpu.memory_space<vmem>>) semaphore(%arg14 : memref<!tpu.dma_semaphore, #tpu.memory_space<semaphore_mem>>)
      %dma_wait3A_148 = arith.constant 2 : i32
      %dma_wait3A_149 = arith.constant 0 : i32
      %dma_wait3A_150 = tpu.memref_slice %arg6[%dma_wait3A_148, %dma_wait3A_149] : memref<8x128xi32, #tpu.memory_space<vmem>> -> memref<1x128xi32, #tpu.memory_space<vmem>>
      %dma_wait3A_151 = tpu.memref_squeeze %dma_wait3A_150 : memref<1x128xi32, #tpu.memory_space<vmem>> -> memref<128xi32, #tpu.memory_space<vmem>>
      %dma_wait3A_152 = arith.constant 0 : i32
      %dma_wait3A_153 = arith.constant 0 : i32
      %dma_wait3A_154 = tpu.memref_slice %arg2[%dma_wait3A_152, %dma_wait3A_153] : memref<10000x128xf32, #tpu.memory_space<hbm>> -> memref<10000x128xf32, #tpu.memory_space<hbm>>
      tpu.wait_indirect_dma semaphore(%arg13 : memref<!tpu.dma_semaphore, #tpu.memory_space<semaphore_mem>>) src(%dma_wait3A_154 : memref<10000x128xf32, #tpu.memory_space<hbm>>) dst(%arg10 : memref<128x128xf32, #tpu.memory_space<vmem>>)
      %dma_start3A_155 = arith.constant 2 : i32
      %dma_start3A_156 = arith.constant 0 : i32
      %dma_start3A_157 = tpu.memref_slice %arg7[%dma_start3A_155, %dma_start3A_156] : memref<8x128xi32, #tpu.memory_space<vmem>> -> memref<1x128xi32, #tpu.memory_space<vmem>>
      %dma_start3A_158 = tpu.memref_squeeze %dma_start3A_157 : memref<1x128xi32, #tpu.memory_space<vmem>> -> memref<128xi32, #tpu.memory_space<vmem>>
      %dma_start3A_159 = arith.constant 0 : i32
      %dma_start3A_160 = arith.constant 0 : i32
      %dma_start3A_161 = tpu.memref_slice %arg12[%dma_start3A_159, %dma_start3A_160] : memref<10240x128xf32, #tpu.memory_space<vmem_shared>> -> memref<10240x128xf32, #tpu.memory_space<vmem_shared>>
      tpu.enqueue_indirect_dma source(%arg10 : memref<128x128xf32, #tpu.memory_space<vmem>>) target(%dma_start3A_161 : memref<10240x128xf32, #tpu.memory_space<vmem_shared>>) offsets(%dma_start3A_158 : memref<128xi32, #tpu.memory_space<vmem>>) semaphore(%arg17 : memref<!tpu.dma_semaphore, #tpu.memory_space<semaphore_mem>>) {add = true}
      %dma_wait3A_162 = arith.constant 2 : i32
      %dma_wait3A_163 = arith.constant 0 : i32
      %dma_wait3A_164 = tpu.memref_slice %arg7[%dma_wait3A_162, %dma_wait3A_163] : memref<8x128xi32, #tpu.memory_space<vmem>> -> memref<1x128xi32, #tpu.memory_space<vmem>>
      %dma_wait3A_165 = tpu.memref_squeeze %dma_wait3A_164 : memref<1x128xi32, #tpu.memory_space<vmem>> -> memref<128xi32, #tpu.memory_space<vmem>>
      %dma_wait3A_166 = arith.constant 0 : i32
      %dma_wait3A_167 = arith.constant 0 : i32
      %dma_wait3A_168 = tpu.memref_slice %arg12[%dma_wait3A_166, %dma_wait3A_167] : memref<10240x128xf32, #tpu.memory_space<vmem_shared>> -> memref<10240x128xf32, #tpu.memory_space<vmem_shared>>
      tpu.wait_indirect_dma semaphore(%arg17 : memref<!tpu.dma_semaphore, #tpu.memory_space<semaphore_mem>>) src(%arg10 : memref<128x128xf32, #tpu.memory_space<vmem>>) dst(%dma_wait3A_168 : memref<10240x128xf32, #tpu.memory_space<vmem_shared>>)
      %dma_start3A_169 = arith.constant 4 : i32
      %dma_start3A_170 = arith.constant 0 : i32
      %dma_start3A_171 = tpu.memref_slice %arg6[%dma_start3A_169, %dma_start3A_170] : memref<8x128xi32, #tpu.memory_space<vmem>> -> memref<1x128xi32, #tpu.memory_space<vmem>>
      %dma_start3A_172 = tpu.memref_squeeze %dma_start3A_171 : memref<1x128xi32, #tpu.memory_space<vmem>> -> memref<128xi32, #tpu.memory_space<vmem>>
      %dma_start3A_173 = arith.constant 0 : i32
      %dma_start3A_174 = arith.constant 0 : i32
      %dma_start3A_175 = tpu.memref_slice %arg2[%dma_start3A_173, %dma_start3A_174] : memref<10000x128xf32, #tpu.memory_space<hbm>> -> memref<10000x128xf32, #tpu.memory_space<hbm>>
      tpu.enqueue_indirect_dma source(%dma_start3A_175 : memref<10000x128xf32, #tpu.memory_space<hbm>>) target(%arg10 : memref<128x128xf32, #tpu.memory_space<vmem>>) offsets(%dma_start3A_172 : memref<128xi32, #tpu.memory_space<vmem>>) semaphore(%arg13 : memref<!tpu.dma_semaphore, #tpu.memory_space<semaphore_mem>>)
      %dma_wait3A_176 = arith.constant 3 : i32
      %dma_wait3A_177 = arith.constant 0 : i32
      %dma_wait3A_178 = tpu.memref_slice %arg6[%dma_wait3A_176, %dma_wait3A_177] : memref<8x128xi32, #tpu.memory_space<vmem>> -> memref<1x128xi32, #tpu.memory_space<vmem>>
      %dma_wait3A_179 = tpu.memref_squeeze %dma_wait3A_178 : memref<1x128xi32, #tpu.memory_space<vmem>> -> memref<128xi32, #tpu.memory_space<vmem>>
      %dma_wait3A_180 = arith.constant 0 : i32
      %dma_wait3A_181 = arith.constant 0 : i32
      %dma_wait3A_182 = tpu.memref_slice %arg2[%dma_wait3A_180, %dma_wait3A_181] : memref<10000x128xf32, #tpu.memory_space<hbm>> -> memref<10000x128xf32, #tpu.memory_space<hbm>>
      tpu.wait_indirect_dma semaphore(%arg14 : memref<!tpu.dma_semaphore, #tpu.memory_space<semaphore_mem>>) src(%dma_wait3A_182 : memref<10000x128xf32, #tpu.memory_space<hbm>>) dst(%arg11 : memref<128x128xf32, #tpu.memory_space<vmem>>)
      %dma_start3A_183 = arith.constant 3 : i32
      %dma_start3A_184 = arith.constant 0 : i32
      %dma_start3A_185 = tpu.memref_slice %arg7[%dma_start3A_183, %dma_start3A_184] : memref<8x128xi32, #tpu.memory_space<vmem>> -> memref<1x128xi32, #tpu.memory_space<vmem>>
      %dma_start3A_186 = tpu.memref_squeeze %dma_start3A_185 : memref<1x128xi32, #tpu.memory_space<vmem>> -> memref<128xi32, #tpu.memory_space<vmem>>
      %dma_start3A_187 = arith.constant 0 : i32
      %dma_start3A_188 = arith.constant 0 : i32
      %dma_start3A_189 = tpu.memref_slice %arg12[%dma_start3A_187, %dma_start3A_188] : memref<10240x128xf32, #tpu.memory_space<vmem_shared>> -> memref<10240x128xf32, #tpu.memory_space<vmem_shared>>
      tpu.enqueue_indirect_dma source(%arg11 : memref<128x128xf32, #tpu.memory_space<vmem>>) target(%dma_start3A_189 : memref<10240x128xf32, #tpu.memory_space<vmem_shared>>) offsets(%dma_start3A_186 : memref<128xi32, #tpu.memory_space<vmem>>) semaphore(%arg17 : memref<!tpu.dma_semaphore, #tpu.memory_space<semaphore_mem>>) {add = true}
      %dma_wait3A_190 = arith.constant 3 : i32
      %dma_wait3A_191 = arith.constant 0 : i32
      %dma_wait3A_192 = tpu.memref_slice %arg7[%dma_wait3A_190, %dma_wait3A_191] : memref<8x128xi32, #tpu.memory_space<vmem>> -> memref<1x128xi32, #tpu.memory_space<vmem>>
      %dma_wait3A_193 = tpu.memref_squeeze %dma_wait3A_192 : memref<1x128xi32, #tpu.memory_space<vmem>> -> memref<128xi32, #tpu.memory_space<vmem>>
      %dma_wait3A_194 = arith.constant 0 : i32
      %dma_wait3A_195 = arith.constant 0 : i32
      %dma_wait3A_196 = tpu.memref_slice %arg12[%dma_wait3A_194, %dma_wait3A_195] : memref<10240x128xf32, #tpu.memory_space<vmem_shared>> -> memref<10240x128xf32, #tpu.memory_space<vmem_shared>>
      tpu.wait_indirect_dma semaphore(%arg17 : memref<!tpu.dma_semaphore, #tpu.memory_space<semaphore_mem>>) src(%arg11 : memref<128x128xf32, #tpu.memory_space<vmem>>) dst(%dma_wait3A_196 : memref<10240x128xf32, #tpu.memory_space<vmem_shared>>)
      %dma_start3A_197 = arith.constant 5 : i32
      %dma_start3A_198 = arith.constant 0 : i32
      %dma_start3A_199 = tpu.memref_slice %arg6[%dma_start3A_197, %dma_start3A_198] : memref<8x128xi32, #tpu.memory_space<vmem>> -> memref<1x128xi32, #tpu.memory_space<vmem>>
      %dma_start3A_200 = tpu.memref_squeeze %dma_start3A_199 : memref<1x128xi32, #tpu.memory_space<vmem>> -> memref<128xi32, #tpu.memory_space<vmem>>
      %dma_start3A_201 = arith.constant 0 : i32
      %dma_start3A_202 = arith.constant 0 : i32
      %dma_start3A_203 = tpu.memref_slice %arg2[%dma_start3A_201, %dma_start3A_202] : memref<10000x128xf32, #tpu.memory_space<hbm>> -> memref<10000x128xf32, #tpu.memory_space<hbm>>
      tpu.enqueue_indirect_dma source(%dma_start3A_203 : memref<10000x128xf32, #tpu.memory_space<hbm>>) target(%arg11 : memref<128x128xf32, #tpu.memory_space<vmem>>) offsets(%dma_start3A_200 : memref<128xi32, #tpu.memory_space<vmem>>) semaphore(%arg14 : memref<!tpu.dma_semaphore, #tpu.memory_space<semaphore_mem>>)
      %dma_wait3A_204 = arith.constant 4 : i32
      %dma_wait3A_205 = arith.constant 0 : i32
      %dma_wait3A_206 = tpu.memref_slice %arg6[%dma_wait3A_204, %dma_wait3A_205] : memref<8x128xi32, #tpu.memory_space<vmem>> -> memref<1x128xi32, #tpu.memory_space<vmem>>
      %dma_wait3A_207 = tpu.memref_squeeze %dma_wait3A_206 : memref<1x128xi32, #tpu.memory_space<vmem>> -> memref<128xi32, #tpu.memory_space<vmem>>
      %dma_wait3A_208 = arith.constant 0 : i32
      %dma_wait3A_209 = arith.constant 0 : i32
      %dma_wait3A_210 = tpu.memref_slice %arg2[%dma_wait3A_208, %dma_wait3A_209] : memref<10000x128xf32, #tpu.memory_space<hbm>> -> memref<10000x128xf32, #tpu.memory_space<hbm>>
      tpu.wait_indirect_dma semaphore(%arg13 : memref<!tpu.dma_semaphore, #tpu.memory_space<semaphore_mem>>) src(%dma_wait3A_210 : memref<10000x128xf32, #tpu.memory_space<hbm>>) dst(%arg10 : memref<128x128xf32, #tpu.memory_space<vmem>>)
      %dma_start3A_211 = arith.constant 4 : i32
      %dma_start3A_212 = arith.constant 0 : i32
      %dma_start3A_213 = tpu.memref_slice %arg7[%dma_start3A_211, %dma_start3A_212] : memref<8x128xi32, #tpu.memory_space<vmem>> -> memref<1x128xi32, #tpu.memory_space<vmem>>
      %dma_start3A_214 = tpu.memref_squeeze %dma_start3A_213 : memref<1x128xi32, #tpu.memory_space<vmem>> -> memref<128xi32, #tpu.memory_space<vmem>>
      %dma_start3A_215 = arith.constant 0 : i32
      %dma_start3A_216 = arith.constant 0 : i32
      %dma_start3A_217 = tpu.memref_slice %arg12[%dma_start3A_215, %dma_start3A_216] : memref<10240x128xf32, #tpu.memory_space<vmem_shared>> -> memref<10240x128xf32, #tpu.memory_space<vmem_shared>>
      tpu.enqueue_indirect_dma source(%arg10 : memref<128x128xf32, #tpu.memory_space<vmem>>) target(%dma_start3A_217 : memref<10240x128xf32, #tpu.memory_space<vmem_shared>>) offsets(%dma_start3A_214 : memref<128xi32, #tpu.memory_space<vmem>>) semaphore(%arg17 : memref<!tpu.dma_semaphore, #tpu.memory_space<semaphore_mem>>) {add = true}
      %dma_wait3A_218 = arith.constant 4 : i32
      %dma_wait3A_219 = arith.constant 0 : i32
      %dma_wait3A_220 = tpu.memref_slice %arg7[%dma_wait3A_218, %dma_wait3A_219] : memref<8x128xi32, #tpu.memory_space<vmem>> -> memref<1x128xi32, #tpu.memory_space<vmem>>
      %dma_wait3A_221 = tpu.memref_squeeze %dma_wait3A_220 : memref<1x128xi32, #tpu.memory_space<vmem>> -> memref<128xi32, #tpu.memory_space<vmem>>
      %dma_wait3A_222 = arith.constant 0 : i32
      %dma_wait3A_223 = arith.constant 0 : i32
      %dma_wait3A_224 = tpu.memref_slice %arg12[%dma_wait3A_222, %dma_wait3A_223] : memref<10240x128xf32, #tpu.memory_space<vmem_shared>> -> memref<10240x128xf32, #tpu.memory_space<vmem_shared>>
      tpu.wait_indirect_dma semaphore(%arg17 : memref<!tpu.dma_semaphore, #tpu.memory_space<semaphore_mem>>) src(%arg10 : memref<128x128xf32, #tpu.memory_space<vmem>>) dst(%dma_wait3A_224 : memref<10240x128xf32, #tpu.memory_space<vmem_shared>>)
      %dma_start3A_225 = arith.constant 6 : i32
      %dma_start3A_226 = arith.constant 0 : i32
      %dma_start3A_227 = tpu.memref_slice %arg6[%dma_start3A_225, %dma_start3A_226] : memref<8x128xi32, #tpu.memory_space<vmem>> -> memref<1x128xi32, #tpu.memory_space<vmem>>
      %dma_start3A_228 = tpu.memref_squeeze %dma_start3A_227 : memref<1x128xi32, #tpu.memory_space<vmem>> -> memref<128xi32, #tpu.memory_space<vmem>>
      %dma_start3A_229 = arith.constant 0 : i32
      %dma_start3A_230 = arith.constant 0 : i32
      %dma_start3A_231 = tpu.memref_slice %arg2[%dma_start3A_229, %dma_start3A_230] : memref<10000x128xf32, #tpu.memory_space<hbm>> -> memref<10000x128xf32, #tpu.memory_space<hbm>>
      tpu.enqueue_indirect_dma source(%dma_start3A_231 : memref<10000x128xf32, #tpu.memory_space<hbm>>) target(%arg10 : memref<128x128xf32, #tpu.memory_space<vmem>>) offsets(%dma_start3A_228 : memref<128xi32, #tpu.memory_space<vmem>>) semaphore(%arg13 : memref<!tpu.dma_semaphore, #tpu.memory_space<semaphore_mem>>)
      %dma_wait3A_232 = arith.constant 5 : i32
      %dma_wait3A_233 = arith.constant 0 : i32
      %dma_wait3A_234 = tpu.memref_slice %arg6[%dma_wait3A_232, %dma_wait3A_233] : memref<8x128xi32, #tpu.memory_space<vmem>> -> memref<1x128xi32, #tpu.memory_space<vmem>>
      %dma_wait3A_235 = tpu.memref_squeeze %dma_wait3A_234 : memref<1x128xi32, #tpu.memory_space<vmem>> -> memref<128xi32, #tpu.memory_space<vmem>>
      %dma_wait3A_236 = arith.constant 0 : i32
      %dma_wait3A_237 = arith.constant 0 : i32
      %dma_wait3A_238 = tpu.memref_slice %arg2[%dma_wait3A_236, %dma_wait3A_237] : memref<10000x128xf32, #tpu.memory_space<hbm>> -> memref<10000x128xf32, #tpu.memory_space<hbm>>
      tpu.wait_indirect_dma semaphore(%arg14 : memref<!tpu.dma_semaphore, #tpu.memory_space<semaphore_mem>>) src(%dma_wait3A_238 : memref<10000x128xf32, #tpu.memory_space<hbm>>) dst(%arg11 : memref<128x128xf32, #tpu.memory_space<vmem>>)
      %dma_start3A_239 = arith.constant 5 : i32
      %dma_start3A_240 = arith.constant 0 : i32
      %dma_start3A_241 = tpu.memref_slice %arg7[%dma_start3A_239, %dma_start3A_240] : memref<8x128xi32, #tpu.memory_space<vmem>> -> memref<1x128xi32, #tpu.memory_space<vmem>>
      %dma_start3A_242 = tpu.memref_squeeze %dma_start3A_241 : memref<1x128xi32, #tpu.memory_space<vmem>> -> memref<128xi32, #tpu.memory_space<vmem>>
      %dma_start3A_243 = arith.constant 0 : i32
      %dma_start3A_244 = arith.constant 0 : i32
      %dma_start3A_245 = tpu.memref_slice %arg12[%dma_start3A_243, %dma_start3A_244] : memref<10240x128xf32, #tpu.memory_space<vmem_shared>> -> memref<10240x128xf32, #tpu.memory_space<vmem_shared>>
      tpu.enqueue_indirect_dma source(%arg11 : memref<128x128xf32, #tpu.memory_space<vmem>>) target(%dma_start3A_245 : memref<10240x128xf32, #tpu.memory_space<vmem_shared>>) offsets(%dma_start3A_242 : memref<128xi32, #tpu.memory_space<vmem>>) semaphore(%arg17 : memref<!tpu.dma_semaphore, #tpu.memory_space<semaphore_mem>>) {add = true}
      %dma_wait3A_246 = arith.constant 5 : i32
      %dma_wait3A_247 = arith.constant 0 : i32
      %dma_wait3A_248 = tpu.memref_slice %arg7[%dma_wait3A_246, %dma_wait3A_247] : memref<8x128xi32, #tpu.memory_space<vmem>> -> memref<1x128xi32, #tpu.memory_space<vmem>>
      %dma_wait3A_249 = tpu.memref_squeeze %dma_wait3A_248 : memref<1x128xi32, #tpu.memory_space<vmem>> -> memref<128xi32, #tpu.memory_space<vmem>>
      %dma_wait3A_250 = arith.constant 0 : i32
      %dma_wait3A_251 = arith.constant 0 : i32
      %dma_wait3A_252 = tpu.memref_slice %arg12[%dma_wait3A_250, %dma_wait3A_251] : memref<10240x128xf32, #tpu.memory_space<vmem_shared>> -> memref<10240x128xf32, #tpu.memory_space<vmem_shared>>
      tpu.wait_indirect_dma semaphore(%arg17 : memref<!tpu.dma_semaphore, #tpu.memory_space<semaphore_mem>>) src(%arg11 : memref<128x128xf32, #tpu.memory_space<vmem>>) dst(%dma_wait3A_252 : memref<10240x128xf32, #tpu.memory_space<vmem_shared>>)
      %dma_start3A_253 = arith.constant 7 : i32
      %dma_start3A_254 = arith.constant 0 : i32
      %dma_start3A_255 = tpu.memref_slice %arg6[%dma_start3A_253, %dma_start3A_254] : memref<8x128xi32, #tpu.memory_space<vmem>> -> memref<1x128xi32, #tpu.memory_space<vmem>>
      %dma_start3A_256 = tpu.memref_squeeze %dma_start3A_255 : memref<1x128xi32, #tpu.memory_space<vmem>> -> memref<128xi32, #tpu.memory_space<vmem>>
      %dma_start3A_257 = arith.constant 0 : i32
      %dma_start3A_258 = arith.constant 0 : i32
      %dma_start3A_259 = tpu.memref_slice %arg2[%dma_start3A_257, %dma_start3A_258] : memref<10000x128xf32, #tpu.memory_space<hbm>> -> memref<10000x128xf32, #tpu.memory_space<hbm>>
      tpu.enqueue_indirect_dma source(%dma_start3A_259 : memref<10000x128xf32, #tpu.memory_space<hbm>>) target(%arg11 : memref<128x128xf32, #tpu.memory_space<vmem>>) offsets(%dma_start3A_256 : memref<128xi32, #tpu.memory_space<vmem>>) semaphore(%arg14 : memref<!tpu.dma_semaphore, #tpu.memory_space<semaphore_mem>>)
      %dma_wait3A_260 = arith.constant 6 : i32
      %dma_wait3A_261 = arith.constant 0 : i32
      %dma_wait3A_262 = tpu.memref_slice %arg6[%dma_wait3A_260, %dma_wait3A_261] : memref<8x128xi32, #tpu.memory_space<vmem>> -> memref<1x128xi32, #tpu.memory_space<vmem>>
      %dma_wait3A_263 = tpu.memref_squeeze %dma_wait3A_262 : memref<1x128xi32, #tpu.memory_space<vmem>> -> memref<128xi32, #tpu.memory_space<vmem>>
      %dma_wait3A_264 = arith.constant 0 : i32
      %dma_wait3A_265 = arith.constant 0 : i32
      %dma_wait3A_266 = tpu.memref_slice %arg2[%dma_wait3A_264, %dma_wait3A_265] : memref<10000x128xf32, #tpu.memory_space<hbm>> -> memref<10000x128xf32, #tpu.memory_space<hbm>>
      tpu.wait_indirect_dma semaphore(%arg13 : memref<!tpu.dma_semaphore, #tpu.memory_space<semaphore_mem>>) src(%dma_wait3A_266 : memref<10000x128xf32, #tpu.memory_space<hbm>>) dst(%arg10 : memref<128x128xf32, #tpu.memory_space<vmem>>)
      %dma_start3A_267 = arith.constant 6 : i32
      %dma_start3A_268 = arith.constant 0 : i32
      %dma_start3A_269 = tpu.memref_slice %arg7[%dma_start3A_267, %dma_start3A_268] : memref<8x128xi32, #tpu.memory_space<vmem>> -> memref<1x128xi32, #tpu.memory_space<vmem>>
      %dma_start3A_270 = tpu.memref_squeeze %dma_start3A_269 : memref<1x128xi32, #tpu.memory_space<vmem>> -> memref<128xi32, #tpu.memory_space<vmem>>
      %dma_start3A_271 = arith.constant 0 : i32
      %dma_start3A_272 = arith.constant 0 : i32
      %dma_start3A_273 = tpu.memref_slice %arg12[%dma_start3A_271, %dma_start3A_272] : memref<10240x128xf32, #tpu.memory_space<vmem_shared>> -> memref<10240x128xf32, #tpu.memory_space<vmem_shared>>
      tpu.enqueue_indirect_dma source(%arg10 : memref<128x128xf32, #tpu.memory_space<vmem>>) target(%dma_start3A_273 : memref<10240x128xf32, #tpu.memory_space<vmem_shared>>) offsets(%dma_start3A_270 : memref<128xi32, #tpu.memory_space<vmem>>) semaphore(%arg17 : memref<!tpu.dma_semaphore, #tpu.memory_space<semaphore_mem>>) {add = true}
      %dma_wait3A_274 = arith.constant 6 : i32
      %dma_wait3A_275 = arith.constant 0 : i32
      %dma_wait3A_276 = tpu.memref_slice %arg7[%dma_wait3A_274, %dma_wait3A_275] : memref<8x128xi32, #tpu.memory_space<vmem>> -> memref<1x128xi32, #tpu.memory_space<vmem>>
      %dma_wait3A_277 = tpu.memref_squeeze %dma_wait3A_276 : memref<1x128xi32, #tpu.memory_space<vmem>> -> memref<128xi32, #tpu.memory_space<vmem>>
      %dma_wait3A_278 = arith.constant 0 : i32
      %dma_wait3A_279 = arith.constant 0 : i32
      %dma_wait3A_280 = tpu.memref_slice %arg12[%dma_wait3A_278, %dma_wait3A_279] : memref<10240x128xf32, #tpu.memory_space<vmem_shared>> -> memref<10240x128xf32, #tpu.memory_space<vmem_shared>>
      tpu.wait_indirect_dma semaphore(%arg17 : memref<!tpu.dma_semaphore, #tpu.memory_space<semaphore_mem>>) src(%arg10 : memref<128x128xf32, #tpu.memory_space<vmem>>) dst(%dma_wait3A_280 : memref<10240x128xf32, #tpu.memory_space<vmem_shared>>)
      %dma_wait3A_281 = arith.constant 0 : i32
      %dma_wait3A_282 = arith.constant 0 : i32
      %dma_wait3A_283 = tpu.memref_slice %arg3[%add3A, %dma_wait3A_281, %dma_wait3A_282] : memref<32x80x128xi32, #tpu.memory_space<hbm>> -> memref<1x8x128xi32, #tpu.memory_space<hbm>>
      %dma_wait3A_284 = tpu.memref_squeeze %dma_wait3A_283 : memref<1x8x128xi32, #tpu.memory_space<hbm>> -> memref<8x128xi32, #tpu.memory_space<hbm>>
      %dma_wait3A_285 = arith.constant 0 : i32
      %dma_wait3A_286 = arith.constant 0 : i32
      %dma_wait3A_287 = tpu.memref_slice %arg3[%add3A, %dma_wait3A_285, %dma_wait3A_286] : memref<32x80x128xi32, #tpu.memory_space<hbm>> -> memref<1x8x128xi32, #tpu.memory_space<hbm>>
      %dma_wait3A_288 = tpu.memref_squeeze %dma_wait3A_287 : memref<1x8x128xi32, #tpu.memory_space<hbm>> -> memref<8x128xi32, #tpu.memory_space<hbm>>
      tpu.wait_dma2 semaphore(%arg15 : memref<!tpu.dma_semaphore, #tpu.memory_space<semaphore_mem>>) src(%dma_wait3A_288 : memref<8x128xi32, #tpu.memory_space<hbm>>) dst(%arg8 : memref<8x128xi32, #tpu.memory_space<vmem>>)
      %dma_wait3A_289 = arith.constant 0 : i32
      %dma_wait3A_290 = arith.constant 0 : i32
      %dma_wait3A_291 = tpu.memref_slice %arg4[%add3A, %dma_wait3A_289, %dma_wait3A_290] : memref<32x80x128xi32, #tpu.memory_space<hbm>> -> memref<1x8x128xi32, #tpu.memory_space<hbm>>
      %dma_wait3A_292 = tpu.memref_squeeze %dma_wait3A_291 : memref<1x8x128xi32, #tpu.memory_space<hbm>> -> memref<8x128xi32, #tpu.memory_space<hbm>>
      %dma_wait3A_293 = arith.constant 0 : i32
      %dma_wait3A_294 = arith.constant 0 : i32
      %dma_wait3A_295 = tpu.memref_slice %arg4[%add3A, %dma_wait3A_293, %dma_wait3A_294] : memref<32x80x128xi32, #tpu.memory_space<hbm>> -> memref<1x8x128xi32, #tpu.memory_space<hbm>>
      %dma_wait3A_296 = tpu.memref_squeeze %dma_wait3A_295 : memref<1x8x128xi32, #tpu.memory_space<hbm>> -> memref<8x128xi32, #tpu.memory_space<hbm>>
      tpu.wait_dma2 semaphore(%arg16 : memref<!tpu.dma_semaphore, #tpu.memory_space<semaphore_mem>>) src(%dma_wait3A_296 : memref<8x128xi32, #tpu.memory_space<hbm>>) dst(%arg9 : memref<8x128xi32, #tpu.memory_space<vmem>>)
      %dma_start3A_297 = arith.constant 0 : i32
      %dma_start3A_298 = arith.constant 0 : i32
      %dma_start3A_299 = tpu.memref_slice %arg8[%dma_start3A_297, %dma_start3A_298] : memref<8x128xi32, #tpu.memory_space<vmem>> -> memref<1x128xi32, #tpu.memory_space<vmem>>
      %dma_start3A_300 = tpu.memref_squeeze %dma_start3A_299 : memref<1x128xi32, #tpu.memory_space<vmem>> -> memref<128xi32, #tpu.memory_space<vmem>>
      %dma_start3A_301 = arith.constant 0 : i32
      %dma_start3A_302 = arith.constant 0 : i32
      %dma_start3A_303 = tpu.memref_slice %arg2[%dma_start3A_301, %dma_start3A_302] : memref<10000x128xf32, #tpu.memory_space<hbm>> -> memref<10000x128xf32, #tpu.memory_space<hbm>>
      tpu.enqueue_indirect_dma source(%dma_start3A_303 : memref<10000x128xf32, #tpu.memory_space<hbm>>) target(%arg10 : memref<128x128xf32, #tpu.memory_space<vmem>>) offsets(%dma_start3A_300 : memref<128xi32, #tpu.memory_space<vmem>>) semaphore(%arg13 : memref<!tpu.dma_semaphore, #tpu.memory_space<semaphore_mem>>)
      %dma_wait3A_304 = arith.constant 7 : i32
      %dma_wait3A_305 = arith.constant 0 : i32
      %dma_wait3A_306 = tpu.memref_slice %arg6[%dma_wait3A_304, %dma_wait3A_305] : memref<8x128xi32, #tpu.memory_space<vmem>> -> memref<1x128xi32, #tpu.memory_space<vmem>>
      %dma_wait3A_307 = tpu.memref_squeeze %dma_wait3A_306 : memref<1x128xi32, #tpu.memory_space<vmem>> -> memref<128xi32, #tpu.memory_space<vmem>>
      %dma_wait3A_308 = arith.constant 0 : i32
      %dma_wait3A_309 = arith.constant 0 : i32
      %dma_wait3A_310 = tpu.memref_slice %arg2[%dma_wait3A_308, %dma_wait3A_309] : memref<10000x128xf32, #tpu.memory_space<hbm>> -> memref<10000x128xf32, #tpu.memory_space<hbm>>
      tpu.wait_indirect_dma semaphore(%arg14 : memref<!tpu.dma_semaphore, #tpu.memory_space<semaphore_mem>>) src(%dma_wait3A_310 : memref<10000x128xf32, #tpu.memory_space<hbm>>) dst(%arg11 : memref<128x128xf32, #tpu.memory_space<vmem>>)
      %dma_start3A_311 = arith.constant 7 : i32
      %dma_start3A_312 = arith.constant 0 : i32
      %dma_start3A_313 = tpu.memref_slice %arg7[%dma_start3A_311, %dma_start3A_312] : memref<8x128xi32, #tpu.memory_space<vmem>> -> memref<1x128xi32, #tpu.memory_space<vmem>>
      %dma_start3A_314 = tpu.memref_squeeze %dma_start3A_313 : memref<1x128xi32, #tpu.memory_space<vmem>> -> memref<128xi32, #tpu.memory_space<vmem>>
      %dma_start3A_315 = arith.constant 0 : i32
      %dma_start3A_316 = arith.constant 0 : i32
      %dma_start3A_317 = tpu.memref_slice %arg12[%dma_start3A_315, %dma_start3A_316] : memref<10240x128xf32, #tpu.memory_space<vmem_shared>> -> memref<10240x128xf32, #tpu.memory_space<vmem_shared>>
      tpu.enqueue_indirect_dma source(%arg11 : memref<128x128xf32, #tpu.memory_space<vmem>>) target(%dma_start3A_317 : memref<10240x128xf32, #tpu.memory_space<vmem_shared>>) offsets(%dma_start3A_314 : memref<128xi32, #tpu.memory_space<vmem>>) semaphore(%arg17 : memref<!tpu.dma_semaphore, #tpu.memory_space<semaphore_mem>>) {add = true}
      %dma_wait3A_318 = arith.constant 7 : i32
      %dma_wait3A_319 = arith.constant 0 : i32
      %dma_wait3A_320 = tpu.memref_slice %arg7[%dma_wait3A_318, %dma_wait3A_319] : memref<8x128xi32, #tpu.memory_space<vmem>> -> memref<1x128xi32, #tpu.memory_space<vmem>>
      %dma_wait3A_321 = tpu.memref_squeeze %dma_wait3A_320 : memref<1x128xi32, #tpu.memory_space<vmem>> -> memref<128xi32, #tpu.memory_space<vmem>>
      %dma_wait3A_322 = arith.constant 0 : i32
      %dma_wait3A_323 = arith.constant 0 : i32
      %dma_wait3A_324 = tpu.memref_slice %arg12[%dma_wait3A_322, %dma_wait3A_323] : memref<10240x128xf32, #tpu.memory_space<vmem_shared>> -> memref<10240x128xf32, #tpu.memory_space<vmem_shared>>
      tpu.wait_indirect_dma semaphore(%arg17 : memref<!tpu.dma_semaphore, #tpu.memory_space<semaphore_mem>>) src(%arg11 : memref<128x128xf32, #tpu.memory_space<vmem>>) dst(%dma_wait3A_324 : memref<10240x128xf32, #tpu.memory_space<vmem_shared>>)
      %add3A_325 = arith.constant 2 : i32
      %add3A_326 = arith.addi %mul3A_84, %add3A_325 : i32
      %min3A_327 = arith.constant 9 : i32
      %min3A_328 = arith.minsi %add3A_326, %min3A_327 : i32
      %mul3A_329 = arith.constant 8 : i32
      %mul3A_330 = arith.muli %min3A_328, %mul3A_329 : i32
      %dma_start3A_331 = arith.constant 0 : i32
      %dma_start3A_332 = tpu.memref_slice %arg3[%add3A, %mul3A_330, %dma_start3A_331] : memref<32x80x128xi32, #tpu.memory_space<hbm>> -> memref<1x8x128xi32, #tpu.memory_space<hbm>>
      %dma_start3A_333 = tpu.memref_squeeze %dma_start3A_332 : memref<1x8x128xi32, #tpu.memory_space<hbm>> -> memref<8x128xi32, #tpu.memory_space<hbm>>
      %dma_start3A_334 = arith.constant 0 : i32
      %dma_start3A_335 = tpu.memref_slice %arg3[%add3A, %mul3A_330, %dma_start3A_334] : memref<32x80x128xi32, #tpu.memory_space<hbm>> -> memref<1x8x128xi32, #tpu.memory_space<hbm>>
      %dma_start3A_336 = tpu.memref_squeeze %dma_start3A_335 : memref<1x8x128xi32, #tpu.memory_space<hbm>> -> memref<8x128xi32, #tpu.memory_space<hbm>>
      tpu.enqueue_dma source(%dma_start3A_336 : memref<8x128xi32, #tpu.memory_space<hbm>>) target(%arg6 : memref<8x128xi32, #tpu.memory_space<vmem>>) target_semaphore(%arg15 : memref<!tpu.dma_semaphore, #tpu.memory_space<semaphore_mem>>)
      %mul3A_337 = arith.constant 8 : i32
      %mul3A_338 = arith.muli %min3A_328, %mul3A_337 : i32
      %dma_start3A_339 = arith.constant 0 : i32
      %dma_start3A_340 = tpu.memref_slice %arg4[%add3A, %mul3A_338, %dma_start3A_339] : memref<32x80x128xi32, #tpu.memory_space<hbm>> -> memref<1x8x128xi32, #tpu.memory_space<hbm>>
      %dma_start3A_341 = tpu.memref_squeeze %dma_start3A_340 : memref<1x8x128xi32, #tpu.memory_space<hbm>> -> memref<8x128xi32, #tpu.memory_space<hbm>>
      %dma_start3A_342 = arith.constant 0 : i32
      %dma_start3A_343 = tpu.memref_slice %arg4[%add3A, %mul3A_338, %dma_start3A_342] : memref<32x80x128xi32, #tpu.memory_space<hbm>> -> memref<1x8x128xi32, #tpu.memory_space<hbm>>
      %dma_start3A_344 = tpu.memref_squeeze %dma_start3A_343 : memref<1x8x128xi32, #tpu.memory_space<hbm>> -> memref<8x128xi32, #tpu.memory_space<hbm>>
      tpu.enqueue_dma source(%dma_start3A_344 : memref<8x128xi32, #tpu.memory_space<hbm>>) target(%arg7 : memref<8x128xi32, #tpu.memory_space<vmem>>) target_semaphore(%arg16 : memref<!tpu.dma_semaphore, #tpu.memory_space<semaphore_mem>>)
      %add3A_345 = arith.constant 1 : i32
      %add3A_346 = arith.addi %mul3A_84, %add3A_345 : i32
      %dma_start3A_347 = arith.constant 1 : i32
      %dma_start3A_348 = arith.constant 0 : i32
      %dma_start3A_349 = tpu.memref_slice %arg8[%dma_start3A_347, %dma_start3A_348] : memref<8x128xi32, #tpu.memory_space<vmem>> -> memref<1x128xi32, #tpu.memory_space<vmem>>
      %dma_start3A_350 = tpu.memref_squeeze %dma_start3A_349 : memref<1x128xi32, #tpu.memory_space<vmem>> -> memref<128xi32, #tpu.memory_space<vmem>>
      %dma_start3A_351 = arith.constant 0 : i32
      %dma_start3A_352 = arith.constant 0 : i32
      %dma_start3A_353 = tpu.memref_slice %arg2[%dma_start3A_351, %dma_start3A_352] : memref<10000x128xf32, #tpu.memory_space<hbm>> -> memref<10000x128xf32, #tpu.memory_space<hbm>>
      tpu.enqueue_indirect_dma source(%dma_start3A_353 : memref<10000x128xf32, #tpu.memory_space<hbm>>) target(%arg11 : memref<128x128xf32, #tpu.memory_space<vmem>>) offsets(%dma_start3A_350 : memref<128xi32, #tpu.memory_space<vmem>>) semaphore(%arg14 : memref<!tpu.dma_semaphore, #tpu.memory_space<semaphore_mem>>)
      %dma_wait3A_354 = arith.constant 0 : i32
      %dma_wait3A_355 = arith.constant 0 : i32
      %dma_wait3A_356 = tpu.memref_slice %arg8[%dma_wait3A_354, %dma_wait3A_355] : memref<8x128xi32, #tpu.memory_space<vmem>> -> memref<1x128xi32, #tpu.memory_space<vmem>>
      %dma_wait3A_357 = tpu.memref_squeeze %dma_wait3A_356 : memref<1x128xi32, #tpu.memory_space<vmem>> -> memref<128xi32, #tpu.memory_space<vmem>>
      %dma_wait3A_358 = arith.constant 0 : i32
      %dma_wait3A_359 = arith.constant 0 : i32
      %dma_wait3A_360 = tpu.memref_slice %arg2[%dma_wait3A_358, %dma_wait3A_359] : memref<10000x128xf32, #tpu.memory_space<hbm>> -> memref<10000x128xf32, #tpu.memory_space<hbm>>
      tpu.wait_indirect_dma semaphore(%arg13 : memref<!tpu.dma_semaphore, #tpu.memory_space<semaphore_mem>>) src(%dma_wait3A_360 : memref<10000x128xf32, #tpu.memory_space<hbm>>) dst(%arg10 : memref<128x128xf32, #tpu.memory_space<vmem>>)
      %dma_start3A_361 = arith.constant 0 : i32
      %dma_start3A_362 = arith.constant 0 : i32
      %dma_start3A_363 = tpu.memref_slice %arg9[%dma_start3A_361, %dma_start3A_362] : memref<8x128xi32, #tpu.memory_space<vmem>> -> memref<1x128xi32, #tpu.memory_space<vmem>>
      %dma_start3A_364 = tpu.memref_squeeze %dma_start3A_363 : memref<1x128xi32, #tpu.memory_space<vmem>> -> memref<128xi32, #tpu.memory_space<vmem>>
      %dma_start3A_365 = arith.constant 0 : i32
      %dma_start3A_366 = arith.constant 0 : i32
      %dma_start3A_367 = tpu.memref_slice %arg12[%dma_start3A_365, %dma_start3A_366] : memref<10240x128xf32, #tpu.memory_space<vmem_shared>> -> memref<10240x128xf32, #tpu.memory_space<vmem_shared>>
      tpu.enqueue_indirect_dma source(%arg10 : memref<128x128xf32, #tpu.memory_space<vmem>>) target(%dma_start3A_367 : memref<10240x128xf32, #tpu.memory_space<vmem_shared>>) offsets(%dma_start3A_364 : memref<128xi32, #tpu.memory_space<vmem>>) semaphore(%arg17 : memref<!tpu.dma_semaphore, #tpu.memory_space<semaphore_mem>>) {add = true}
      %dma_wait3A_368 = arith.constant 0 : i32
      %dma_wait3A_369 = arith.constant 0 : i32
      %dma_wait3A_370 = tpu.memref_slice %arg9[%dma_wait3A_368, %dma_wait3A_369] : memref<8x128xi32, #tpu.memory_space<vmem>> -> memref<1x128xi32, #tpu.memory_space<vmem>>
      %dma_wait3A_371 = tpu.memref_squeeze %dma_wait3A_370 : memref<1x128xi32, #tpu.memory_space<vmem>> -> memref<128xi32, #tpu.memory_space<vmem>>
      %dma_wait3A_372 = arith.constant 0 : i32
      %dma_wait3A_373 = arith.constant 0 : i32
      %dma_wait3A_374 = tpu.memref_slice %arg12[%dma_wait3A_372, %dma_wait3A_373] : memref<10240x128xf32, #tpu.memory_space<vmem_shared>> -> memref<10240x128xf32, #tpu.memory_space<vmem_shared>>
      tpu.wait_indirect_dma semaphore(%arg17 : memref<!tpu.dma_semaphore, #tpu.memory_space<semaphore_mem>>) src(%arg10 : memref<128x128xf32, #tpu.memory_space<vmem>>) dst(%dma_wait3A_374 : memref<10240x128xf32, #tpu.memory_space<vmem_shared>>)
      %dma_start3A_375 = arith.constant 2 : i32
      %dma_start3A_376 = arith.constant 0 : i32
      %dma_start3A_377 = tpu.memref_slice %arg8[%dma_start3A_375, %dma_start3A_376] : memref<8x128xi32, #tpu.memory_space<vmem>> -> memref<1x128xi32, #tpu.memory_space<vmem>>
      %dma_start3A_378 = tpu.memref_squeeze %dma_start3A_377 : memref<1x128xi32, #tpu.memory_space<vmem>> -> memref<128xi32, #tpu.memory_space<vmem>>
      %dma_start3A_379 = arith.constant 0 : i32
      %dma_start3A_380 = arith.constant 0 : i32
      %dma_start3A_381 = tpu.memref_slice %arg2[%dma_start3A_379, %dma_start3A_380] : memref<10000x128xf32, #tpu.memory_space<hbm>> -> memref<10000x128xf32, #tpu.memory_space<hbm>>
      tpu.enqueue_indirect_dma source(%dma_start3A_381 : memref<10000x128xf32, #tpu.memory_space<hbm>>) target(%arg10 : memref<128x128xf32, #tpu.memory_space<vmem>>) offsets(%dma_start3A_378 : memref<128xi32, #tpu.memory_space<vmem>>) semaphore(%arg13 : memref<!tpu.dma_semaphore, #tpu.memory_space<semaphore_mem>>)
      %dma_wait3A_382 = arith.constant 1 : i32
      %dma_wait3A_383 = arith.constant 0 : i32
      %dma_wait3A_384 = tpu.memref_slice %arg8[%dma_wait3A_382, %dma_wait3A_383] : memref<8x128xi32, #tpu.memory_space<vmem>> -> memref<1x128xi32, #tpu.memory_space<vmem>>
      %dma_wait3A_385 = tpu.memref_squeeze %dma_wait3A_384 : memref<1x128xi32, #tpu.memory_space<vmem>> -> memref<128xi32, #tpu.memory_space<vmem>>
      %dma_wait3A_386 = arith.constant 0 : i32
      %dma_wait3A_387 = arith.constant 0 : i32
      %dma_wait3A_388 = tpu.memref_slice %arg2[%dma_wait3A_386, %dma_wait3A_387] : memref<10000x128xf32, #tpu.memory_space<hbm>> -> memref<10000x128xf32, #tpu.memory_space<hbm>>
      tpu.wait_indirect_dma semaphore(%arg14 : memref<!tpu.dma_semaphore, #tpu.memory_space<semaphore_mem>>) src(%dma_wait3A_388 : memref<10000x128xf32, #tpu.memory_space<hbm>>) dst(%arg11 : memref<128x128xf32, #tpu.memory_space<vmem>>)
      %dma_start3A_389 = arith.constant 1 : i32
      %dma_start3A_390 = arith.constant 0 : i32
      %dma_start3A_391 = tpu.memref_slice %arg9[%dma_start3A_389, %dma_start3A_390] : memref<8x128xi32, #tpu.memory_space<vmem>> -> memref<1x128xi32, #tpu.memory_space<vmem>>
      %dma_start3A_392 = tpu.memref_squeeze %dma_start3A_391 : memref<1x128xi32, #tpu.memory_space<vmem>> -> memref<128xi32, #tpu.memory_space<vmem>>
      %dma_start3A_393 = arith.constant 0 : i32
      %dma_start3A_394 = arith.constant 0 : i32
      %dma_start3A_395 = tpu.memref_slice %arg12[%dma_start3A_393, %dma_start3A_394] : memref<10240x128xf32, #tpu.memory_space<vmem_shared>> -> memref<10240x128xf32, #tpu.memory_space<vmem_shared>>
      tpu.enqueue_indirect_dma source(%arg11 : memref<128x128xf32, #tpu.memory_space<vmem>>) target(%dma_start3A_395 : memref<10240x128xf32, #tpu.memory_space<vmem_shared>>) offsets(%dma_start3A_392 : memref<128xi32, #tpu.memory_space<vmem>>) semaphore(%arg17 : memref<!tpu.dma_semaphore, #tpu.memory_space<semaphore_mem>>) {add = true}
      %dma_wait3A_396 = arith.constant 1 : i32
      %dma_wait3A_397 = arith.constant 0 : i32
      %dma_wait3A_398 = tpu.memref_slice %arg9[%dma_wait3A_396, %dma_wait3A_397] : memref<8x128xi32, #tpu.memory_space<vmem>> -> memref<1x128xi32, #tpu.memory_space<vmem>>
      %dma_wait3A_399 = tpu.memref_squeeze %dma_wait3A_398 : memref<1x128xi32, #tpu.memory_space<vmem>> -> memref<128xi32, #tpu.memory_space<vmem>>
      %dma_wait3A_400 = arith.constant 0 : i32
      %dma_wait3A_401 = arith.constant 0 : i32
      %dma_wait3A_402 = tpu.memref_slice %arg12[%dma_wait3A_400, %dma_wait3A_401] : memref<10240x128xf32, #tpu.memory_space<vmem_shared>> -> memref<10240x128xf32, #tpu.memory_space<vmem_shared>>
      tpu.wait_indirect_dma semaphore(%arg17 : memref<!tpu.dma_semaphore, #tpu.memory_space<semaphore_mem>>) src(%arg11 : memref<128x128xf32, #tpu.memory_space<vmem>>) dst(%dma_wait3A_402 : memref<10240x128xf32, #tpu.memory_space<vmem_shared>>)
      %dma_start3A_403 = arith.constant 3 : i32
      %dma_start3A_404 = arith.constant 0 : i32
      %dma_start3A_405 = tpu.memref_slice %arg8[%dma_start3A_403, %dma_start3A_404] : memref<8x128xi32, #tpu.memory_space<vmem>> -> memref<1x128xi32, #tpu.memory_space<vmem>>
      %dma_start3A_406 = tpu.memref_squeeze %dma_start3A_405 : memref<1x128xi32, #tpu.memory_space<vmem>> -> memref<128xi32, #tpu.memory_space<vmem>>
      %dma_start3A_407 = arith.constant 0 : i32
      %dma_start3A_408 = arith.constant 0 : i32
      %dma_start3A_409 = tpu.memref_slice %arg2[%dma_start3A_407, %dma_start3A_408] : memref<10000x128xf32, #tpu.memory_space<hbm>> -> memref<10000x128xf32, #tpu.memory_space<hbm>>
      tpu.enqueue_indirect_dma source(%dma_start3A_409 : memref<10000x128xf32, #tpu.memory_space<hbm>>) target(%arg11 : memref<128x128xf32, #tpu.memory_space<vmem>>) offsets(%dma_start3A_406 : memref<128xi32, #tpu.memory_space<vmem>>) semaphore(%arg14 : memref<!tpu.dma_semaphore, #tpu.memory_space<semaphore_mem>>)
      %dma_wait3A_410 = arith.constant 2 : i32
      %dma_wait3A_411 = arith.constant 0 : i32
      %dma_wait3A_412 = tpu.memref_slice %arg8[%dma_wait3A_410, %dma_wait3A_411] : memref<8x128xi32, #tpu.memory_space<vmem>> -> memref<1x128xi32, #tpu.memory_space<vmem>>
      %dma_wait3A_413 = tpu.memref_squeeze %dma_wait3A_412 : memref<1x128xi32, #tpu.memory_space<vmem>> -> memref<128xi32, #tpu.memory_space<vmem>>
      %dma_wait3A_414 = arith.constant 0 : i32
      %dma_wait3A_415 = arith.constant 0 : i32
      %dma_wait3A_416 = tpu.memref_slice %arg2[%dma_wait3A_414, %dma_wait3A_415] : memref<10000x128xf32, #tpu.memory_space<hbm>> -> memref<10000x128xf32, #tpu.memory_space<hbm>>
      tpu.wait_indirect_dma semaphore(%arg13 : memref<!tpu.dma_semaphore, #tpu.memory_space<semaphore_mem>>) src(%dma_wait3A_416 : memref<10000x128xf32, #tpu.memory_space<hbm>>) dst(%arg10 : memref<128x128xf32, #tpu.memory_space<vmem>>)
      %dma_start3A_417 = arith.constant 2 : i32
      %dma_start3A_418 = arith.constant 0 : i32
      %dma_start3A_419 = tpu.memref_slice %arg9[%dma_start3A_417, %dma_start3A_418] : memref<8x128xi32, #tpu.memory_space<vmem>> -> memref<1x128xi32, #tpu.memory_space<vmem>>
      %dma_start3A_420 = tpu.memref_squeeze %dma_start3A_419 : memref<1x128xi32, #tpu.memory_space<vmem>> -> memref<128xi32, #tpu.memory_space<vmem>>
      %dma_start3A_421 = arith.constant 0 : i32
      %dma_start3A_422 = arith.constant 0 : i32
      %dma_start3A_423 = tpu.memref_slice %arg12[%dma_start3A_421, %dma_start3A_422] : memref<10240x128xf32, #tpu.memory_space<vmem_shared>> -> memref<10240x128xf32, #tpu.memory_space<vmem_shared>>
      tpu.enqueue_indirect_dma source(%arg10 : memref<128x128xf32, #tpu.memory_space<vmem>>) target(%dma_start3A_423 : memref<10240x128xf32, #tpu.memory_space<vmem_shared>>) offsets(%dma_start3A_420 : memref<128xi32, #tpu.memory_space<vmem>>) semaphore(%arg17 : memref<!tpu.dma_semaphore, #tpu.memory_space<semaphore_mem>>) {add = true}
      %dma_wait3A_424 = arith.constant 2 : i32
      %dma_wait3A_425 = arith.constant 0 : i32
      %dma_wait3A_426 = tpu.memref_slice %arg9[%dma_wait3A_424, %dma_wait3A_425] : memref<8x128xi32, #tpu.memory_space<vmem>> -> memref<1x128xi32, #tpu.memory_space<vmem>>
      %dma_wait3A_427 = tpu.memref_squeeze %dma_wait3A_426 : memref<1x128xi32, #tpu.memory_space<vmem>> -> memref<128xi32, #tpu.memory_space<vmem>>
      %dma_wait3A_428 = arith.constant 0 : i32
      %dma_wait3A_429 = arith.constant 0 : i32
      %dma_wait3A_430 = tpu.memref_slice %arg12[%dma_wait3A_428, %dma_wait3A_429] : memref<10240x128xf32, #tpu.memory_space<vmem_shared>> -> memref<10240x128xf32, #tpu.memory_space<vmem_shared>>
      tpu.wait_indirect_dma semaphore(%arg17 : memref<!tpu.dma_semaphore, #tpu.memory_space<semaphore_mem>>) src(%arg10 : memref<128x128xf32, #tpu.memory_space<vmem>>) dst(%dma_wait3A_430 : memref<10240x128xf32, #tpu.memory_space<vmem_shared>>)
      %dma_start3A_431 = arith.constant 4 : i32
      %dma_start3A_432 = arith.constant 0 : i32
      %dma_start3A_433 = tpu.memref_slice %arg8[%dma_start3A_431, %dma_start3A_432] : memref<8x128xi32, #tpu.memory_space<vmem>> -> memref<1x128xi32, #tpu.memory_space<vmem>>
      %dma_start3A_434 = tpu.memref_squeeze %dma_start3A_433 : memref<1x128xi32, #tpu.memory_space<vmem>> -> memref<128xi32, #tpu.memory_space<vmem>>
      %dma_start3A_435 = arith.constant 0 : i32
      %dma_start3A_436 = arith.constant 0 : i32
      %dma_start3A_437 = tpu.memref_slice %arg2[%dma_start3A_435, %dma_start3A_436] : memref<10000x128xf32, #tpu.memory_space<hbm>> -> memref<10000x128xf32, #tpu.memory_space<hbm>>
      tpu.enqueue_indirect_dma source(%dma_start3A_437 : memref<10000x128xf32, #tpu.memory_space<hbm>>) target(%arg10 : memref<128x128xf32, #tpu.memory_space<vmem>>) offsets(%dma_start3A_434 : memref<128xi32, #tpu.memory_space<vmem>>) semaphore(%arg13 : memref<!tpu.dma_semaphore, #tpu.memory_space<semaphore_mem>>)
      %dma_wait3A_438 = arith.constant 3 : i32
      %dma_wait3A_439 = arith.constant 0 : i32
      %dma_wait3A_440 = tpu.memref_slice %arg8[%dma_wait3A_438, %dma_wait3A_439] : memref<8x128xi32, #tpu.memory_space<vmem>> -> memref<1x128xi32, #tpu.memory_space<vmem>>
      %dma_wait3A_441 = tpu.memref_squeeze %dma_wait3A_440 : memref<1x128xi32, #tpu.memory_space<vmem>> -> memref<128xi32, #tpu.memory_space<vmem>>
      %dma_wait3A_442 = arith.constant 0 : i32
      %dma_wait3A_443 = arith.constant 0 : i32
      %dma_wait3A_444 = tpu.memref_slice %arg2[%dma_wait3A_442, %dma_wait3A_443] : memref<10000x128xf32, #tpu.memory_space<hbm>> -> memref<10000x128xf32, #tpu.memory_space<hbm>>
      tpu.wait_indirect_dma semaphore(%arg14 : memref<!tpu.dma_semaphore, #tpu.memory_space<semaphore_mem>>) src(%dma_wait3A_444 : memref<10000x128xf32, #tpu.memory_space<hbm>>) dst(%arg11 : memref<128x128xf32, #tpu.memory_space<vmem>>)
      %dma_start3A_445 = arith.constant 3 : i32
      %dma_start3A_446 = arith.constant 0 : i32
      %dma_start3A_447 = tpu.memref_slice %arg9[%dma_start3A_445, %dma_start3A_446] : memref<8x128xi32, #tpu.memory_space<vmem>> -> memref<1x128xi32, #tpu.memory_space<vmem>>
      %dma_start3A_448 = tpu.memref_squeeze %dma_start3A_447 : memref<1x128xi32, #tpu.memory_space<vmem>> -> memref<128xi32, #tpu.memory_space<vmem>>
      %dma_start3A_449 = arith.constant 0 : i32
      %dma_start3A_450 = arith.constant 0 : i32
      %dma_start3A_451 = tpu.memref_slice %arg12[%dma_start3A_449, %dma_start3A_450] : memref<10240x128xf32, #tpu.memory_space<vmem_shared>> -> memref<10240x128xf32, #tpu.memory_space<vmem_shared>>
      tpu.enqueue_indirect_dma source(%arg11 : memref<128x128xf32, #tpu.memory_space<vmem>>) target(%dma_start3A_451 : memref<10240x128xf32, #tpu.memory_space<vmem_shared>>) offsets(%dma_start3A_448 : memref<128xi32, #tpu.memory_space<vmem>>) semaphore(%arg17 : memref<!tpu.dma_semaphore, #tpu.memory_space<semaphore_mem>>) {add = true}
      %dma_wait3A_452 = arith.constant 3 : i32
      %dma_wait3A_453 = arith.constant 0 : i32
      %dma_wait3A_454 = tpu.memref_slice %arg9[%dma_wait3A_452, %dma_wait3A_453] : memref<8x128xi32, #tpu.memory_space<vmem>> -> memref<1x128xi32, #tpu.memory_space<vmem>>
      %dma_wait3A_455 = tpu.memref_squeeze %dma_wait3A_454 : memref<1x128xi32, #tpu.memory_space<vmem>> -> memref<128xi32, #tpu.memory_space<vmem>>
      %dma_wait3A_456 = arith.constant 0 : i32
      %dma_wait3A_457 = arith.constant 0 : i32
      %dma_wait3A_458 = tpu.memref_slice %arg12[%dma_wait3A_456, %dma_wait3A_457] : memref<10240x128xf32, #tpu.memory_space<vmem_shared>> -> memref<10240x128xf32, #tpu.memory_space<vmem_shared>>
      tpu.wait_indirect_dma semaphore(%arg17 : memref<!tpu.dma_semaphore, #tpu.memory_space<semaphore_mem>>) src(%arg11 : memref<128x128xf32, #tpu.memory_space<vmem>>) dst(%dma_wait3A_458 : memref<10240x128xf32, #tpu.memory_space<vmem_shared>>)
      %dma_start3A_459 = arith.constant 5 : i32
      %dma_start3A_460 = arith.constant 0 : i32
      %dma_start3A_461 = tpu.memref_slice %arg8[%dma_start3A_459, %dma_start3A_460] : memref<8x128xi32, #tpu.memory_space<vmem>> -> memref<1x128xi32, #tpu.memory_space<vmem>>
      %dma_start3A_462 = tpu.memref_squeeze %dma_start3A_461 : memref<1x128xi32, #tpu.memory_space<vmem>> -> memref<128xi32, #tpu.memory_space<vmem>>
      %dma_start3A_463 = arith.constant 0 : i32
      %dma_start3A_464 = arith.constant 0 : i32
      %dma_start3A_465 = tpu.memref_slice %arg2[%dma_start3A_463, %dma_start3A_464] : memref<10000x128xf32, #tpu.memory_space<hbm>> -> memref<10000x128xf32, #tpu.memory_space<hbm>>
      tpu.enqueue_indirect_dma source(%dma_start3A_465 : memref<10000x128xf32, #tpu.memory_space<hbm>>) target(%arg11 : memref<128x128xf32, #tpu.memory_space<vmem>>) offsets(%dma_start3A_462 : memref<128xi32, #tpu.memory_space<vmem>>) semaphore(%arg14 : memref<!tpu.dma_semaphore, #tpu.memory_space<semaphore_mem>>)
      %dma_wait3A_466 = arith.constant 4 : i32
      %dma_wait3A_467 = arith.constant 0 : i32
      %dma_wait3A_468 = tpu.memref_slice %arg8[%dma_wait3A_466, %dma_wait3A_467] : memref<8x128xi32, #tpu.memory_space<vmem>> -> memref<1x128xi32, #tpu.memory_space<vmem>>
      %dma_wait3A_469 = tpu.memref_squeeze %dma_wait3A_468 : memref<1x128xi32, #tpu.memory_space<vmem>> -> memref<128xi32, #tpu.memory_space<vmem>>
      %dma_wait3A_470 = arith.constant 0 : i32
      %dma_wait3A_471 = arith.constant 0 : i32
      %dma_wait3A_472 = tpu.memref_slice %arg2[%dma_wait3A_470, %dma_wait3A_471] : memref<10000x128xf32, #tpu.memory_space<hbm>> -> memref<10000x128xf32, #tpu.memory_space<hbm>>
      tpu.wait_indirect_dma semaphore(%arg13 : memref<!tpu.dma_semaphore, #tpu.memory_space<semaphore_mem>>) src(%dma_wait3A_472 : memref<10000x128xf32, #tpu.memory_space<hbm>>) dst(%arg10 : memref<128x128xf32, #tpu.memory_space<vmem>>)
      %dma_start3A_473 = arith.constant 4 : i32
      %dma_start3A_474 = arith.constant 0 : i32
      %dma_start3A_475 = tpu.memref_slice %arg9[%dma_start3A_473, %dma_start3A_474] : memref<8x128xi32, #tpu.memory_space<vmem>> -> memref<1x128xi32, #tpu.memory_space<vmem>>
      %dma_start3A_476 = tpu.memref_squeeze %dma_start3A_475 : memref<1x128xi32, #tpu.memory_space<vmem>> -> memref<128xi32, #tpu.memory_space<vmem>>
      %dma_start3A_477 = arith.constant 0 : i32
      %dma_start3A_478 = arith.constant 0 : i32
      %dma_start3A_479 = tpu.memref_slice %arg12[%dma_start3A_477, %dma_start3A_478] : memref<10240x128xf32, #tpu.memory_space<vmem_shared>> -> memref<10240x128xf32, #tpu.memory_space<vmem_shared>>
      tpu.enqueue_indirect_dma source(%arg10 : memref<128x128xf32, #tpu.memory_space<vmem>>) target(%dma_start3A_479 : memref<10240x128xf32, #tpu.memory_space<vmem_shared>>) offsets(%dma_start3A_476 : memref<128xi32, #tpu.memory_space<vmem>>) semaphore(%arg17 : memref<!tpu.dma_semaphore, #tpu.memory_space<semaphore_mem>>) {add = true}
      %dma_wait3A_480 = arith.constant 4 : i32
      %dma_wait3A_481 = arith.constant 0 : i32
      %dma_wait3A_482 = tpu.memref_slice %arg9[%dma_wait3A_480, %dma_wait3A_481] : memref<8x128xi32, #tpu.memory_space<vmem>> -> memref<1x128xi32, #tpu.memory_space<vmem>>
      %dma_wait3A_483 = tpu.memref_squeeze %dma_wait3A_482 : memref<1x128xi32, #tpu.memory_space<vmem>> -> memref<128xi32, #tpu.memory_space<vmem>>
      %dma_wait3A_484 = arith.constant 0 : i32
      %dma_wait3A_485 = arith.constant 0 : i32
      %dma_wait3A_486 = tpu.memref_slice %arg12[%dma_wait3A_484, %dma_wait3A_485] : memref<10240x128xf32, #tpu.memory_space<vmem_shared>> -> memref<10240x128xf32, #tpu.memory_space<vmem_shared>>
      tpu.wait_indirect_dma semaphore(%arg17 : memref<!tpu.dma_semaphore, #tpu.memory_space<semaphore_mem>>) src(%arg10 : memref<128x128xf32, #tpu.memory_space<vmem>>) dst(%dma_wait3A_486 : memref<10240x128xf32, #tpu.memory_space<vmem_shared>>)
      %dma_start3A_487 = arith.constant 6 : i32
      %dma_start3A_488 = arith.constant 0 : i32
      %dma_start3A_489 = tpu.memref_slice %arg8[%dma_start3A_487, %dma_start3A_488] : memref<8x128xi32, #tpu.memory_space<vmem>> -> memref<1x128xi32, #tpu.memory_space<vmem>>
      %dma_start3A_490 = tpu.memref_squeeze %dma_start3A_489 : memref<1x128xi32, #tpu.memory_space<vmem>> -> memref<128xi32, #tpu.memory_space<vmem>>
      %dma_start3A_491 = arith.constant 0 : i32
      %dma_start3A_492 = arith.constant 0 : i32
      %dma_start3A_493 = tpu.memref_slice %arg2[%dma_start3A_491, %dma_start3A_492] : memref<10000x128xf32, #tpu.memory_space<hbm>> -> memref<10000x128xf32, #tpu.memory_space<hbm>>
      tpu.enqueue_indirect_dma source(%dma_start3A_493 : memref<10000x128xf32, #tpu.memory_space<hbm>>) target(%arg10 : memref<128x128xf32, #tpu.memory_space<vmem>>) offsets(%dma_start3A_490 : memref<128xi32, #tpu.memory_space<vmem>>) semaphore(%arg13 : memref<!tpu.dma_semaphore, #tpu.memory_space<semaphore_mem>>)
      %dma_wait3A_494 = arith.constant 5 : i32
      %dma_wait3A_495 = arith.constant 0 : i32
      %dma_wait3A_496 = tpu.memref_slice %arg8[%dma_wait3A_494, %dma_wait3A_495] : memref<8x128xi32, #tpu.memory_space<vmem>> -> memref<1x128xi32, #tpu.memory_space<vmem>>
      %dma_wait3A_497 = tpu.memref_squeeze %dma_wait3A_496 : memref<1x128xi32, #tpu.memory_space<vmem>> -> memref<128xi32, #tpu.memory_space<vmem>>
      %dma_wait3A_498 = arith.constant 0 : i32
      %dma_wait3A_499 = arith.constant 0 : i32
      %dma_wait3A_500 = tpu.memref_slice %arg2[%dma_wait3A_498, %dma_wait3A_499] : memref<10000x128xf32, #tpu.memory_space<hbm>> -> memref<10000x128xf32, #tpu.memory_space<hbm>>
      tpu.wait_indirect_dma semaphore(%arg14 : memref<!tpu.dma_semaphore, #tpu.memory_space<semaphore_mem>>) src(%dma_wait3A_500 : memref<10000x128xf32, #tpu.memory_space<hbm>>) dst(%arg11 : memref<128x128xf32, #tpu.memory_space<vmem>>)
      %dma_start3A_501 = arith.constant 5 : i32
      %dma_start3A_502 = arith.constant 0 : i32
      %dma_start3A_503 = tpu.memref_slice %arg9[%dma_start3A_501, %dma_start3A_502] : memref<8x128xi32, #tpu.memory_space<vmem>> -> memref<1x128xi32, #tpu.memory_space<vmem>>
      %dma_start3A_504 = tpu.memref_squeeze %dma_start3A_503 : memref<1x128xi32, #tpu.memory_space<vmem>> -> memref<128xi32, #tpu.memory_space<vmem>>
      %dma_start3A_505 = arith.constant 0 : i32
      %dma_start3A_506 = arith.constant 0 : i32
      %dma_start3A_507 = tpu.memref_slice %arg12[%dma_start3A_505, %dma_start3A_506] : memref<10240x128xf32, #tpu.memory_space<vmem_shared>> -> memref<10240x128xf32, #tpu.memory_space<vmem_shared>>
      tpu.enqueue_indirect_dma source(%arg11 : memref<128x128xf32, #tpu.memory_space<vmem>>) target(%dma_start3A_507 : memref<10240x128xf32, #tpu.memory_space<vmem_shared>>) offsets(%dma_start3A_504 : memref<128xi32, #tpu.memory_space<vmem>>) semaphore(%arg17 : memref<!tpu.dma_semaphore, #tpu.memory_space<semaphore_mem>>) {add = true}
      %dma_wait3A_508 = arith.constant 5 : i32
      %dma_wait3A_509 = arith.constant 0 : i32
      %dma_wait3A_510 = tpu.memref_slice %arg9[%dma_wait3A_508, %dma_wait3A_509] : memref<8x128xi32, #tpu.memory_space<vmem>> -> memref<1x128xi32, #tpu.memory_space<vmem>>
      %dma_wait3A_511 = tpu.memref_squeeze %dma_wait3A_510 : memref<1x128xi32, #tpu.memory_space<vmem>> -> memref<128xi32, #tpu.memory_space<vmem>>
      %dma_wait3A_512 = arith.constant 0 : i32
      %dma_wait3A_513 = arith.constant 0 : i32
      %dma_wait3A_514 = tpu.memref_slice %arg12[%dma_wait3A_512, %dma_wait3A_513] : memref<10240x128xf32, #tpu.memory_space<vmem_shared>> -> memref<10240x128xf32, #tpu.memory_space<vmem_shared>>
      tpu.wait_indirect_dma semaphore(%arg17 : memref<!tpu.dma_semaphore, #tpu.memory_space<semaphore_mem>>) src(%arg11 : memref<128x128xf32, #tpu.memory_space<vmem>>) dst(%dma_wait3A_514 : memref<10240x128xf32, #tpu.memory_space<vmem_shared>>)
      %dma_start3A_515 = arith.constant 7 : i32
      %dma_start3A_516 = arith.constant 0 : i32
      %dma_start3A_517 = tpu.memref_slice %arg8[%dma_start3A_515, %dma_start3A_516] : memref<8x128xi32, #tpu.memory_space<vmem>> -> memref<1x128xi32, #tpu.memory_space<vmem>>
      %dma_start3A_518 = tpu.memref_squeeze %dma_start3A_517 : memref<1x128xi32, #tpu.memory_space<vmem>> -> memref<128xi32, #tpu.memory_space<vmem>>
      %dma_start3A_519 = arith.constant 0 : i32
      %dma_start3A_520 = arith.constant 0 : i32
      %dma_start3A_521 = tpu.memref_slice %arg2[%dma_start3A_519, %dma_start3A_520] : memref<10000x128xf32, #tpu.memory_space<hbm>> -> memref<10000x128xf32, #tpu.memory_space<hbm>>
      tpu.enqueue_indirect_dma source(%dma_start3A_521 : memref<10000x128xf32, #tpu.memory_space<hbm>>) target(%arg11 : memref<128x128xf32, #tpu.memory_space<vmem>>) offsets(%dma_start3A_518 : memref<128xi32, #tpu.memory_space<vmem>>) semaphore(%arg14 : memref<!tpu.dma_semaphore, #tpu.memory_space<semaphore_mem>>)
      %dma_wait3A_522 = arith.constant 6 : i32
      %dma_wait3A_523 = arith.constant 0 : i32
      %dma_wait3A_524 = tpu.memref_slice %arg8[%dma_wait3A_522, %dma_wait3A_523] : memref<8x128xi32, #tpu.memory_space<vmem>> -> memref<1x128xi32, #tpu.memory_space<vmem>>
      %dma_wait3A_525 = tpu.memref_squeeze %dma_wait3A_524 : memref<1x128xi32, #tpu.memory_space<vmem>> -> memref<128xi32, #tpu.memory_space<vmem>>
      %dma_wait3A_526 = arith.constant 0 : i32
      %dma_wait3A_527 = arith.constant 0 : i32
      %dma_wait3A_528 = tpu.memref_slice %arg2[%dma_wait3A_526, %dma_wait3A_527] : memref<10000x128xf32, #tpu.memory_space<hbm>> -> memref<10000x128xf32, #tpu.memory_space<hbm>>
      tpu.wait_indirect_dma semaphore(%arg13 : memref<!tpu.dma_semaphore, #tpu.memory_space<semaphore_mem>>) src(%dma_wait3A_528 : memref<10000x128xf32, #tpu.memory_space<hbm>>) dst(%arg10 : memref<128x128xf32, #tpu.memory_space<vmem>>)
      %dma_start3A_529 = arith.constant 6 : i32
      %dma_start3A_530 = arith.constant 0 : i32
      %dma_start3A_531 = tpu.memref_slice %arg9[%dma_start3A_529, %dma_start3A_530] : memref<8x128xi32, #tpu.memory_space<vmem>> -> memref<1x128xi32, #tpu.memory_space<vmem>>
      %dma_start3A_532 = tpu.memref_squeeze %dma_start3A_531 : memref<1x128xi32, #tpu.memory_space<vmem>> -> memref<128xi32, #tpu.memory_space<vmem>>
      %dma_start3A_533 = arith.constant 0 : i32
      %dma_start3A_534 = arith.constant 0 : i32
      %dma_start3A_535 = tpu.memref_slice %arg12[%dma_start3A_533, %dma_start3A_534] : memref<10240x128xf32, #tpu.memory_space<vmem_shared>> -> memref<10240x128xf32, #tpu.memory_space<vmem_shared>>
      tpu.enqueue_indirect_dma source(%arg10 : memref<128x128xf32, #tpu.memory_space<vmem>>) target(%dma_start3A_535 : memref<10240x128xf32, #tpu.memory_space<vmem_shared>>) offsets(%dma_start3A_532 : memref<128xi32, #tpu.memory_space<vmem>>) semaphore(%arg17 : memref<!tpu.dma_semaphore, #tpu.memory_space<semaphore_mem>>) {add = true}
      %dma_wait3A_536 = arith.constant 6 : i32
      %dma_wait3A_537 = arith.constant 0 : i32
      %dma_wait3A_538 = tpu.memref_slice %arg9[%dma_wait3A_536, %dma_wait3A_537] : memref<8x128xi32, #tpu.memory_space<vmem>> -> memref<1x128xi32, #tpu.memory_space<vmem>>
      %dma_wait3A_539 = tpu.memref_squeeze %dma_wait3A_538 : memref<1x128xi32, #tpu.memory_space<vmem>> -> memref<128xi32, #tpu.memory_space<vmem>>
      %dma_wait3A_540 = arith.constant 0 : i32
      %dma_wait3A_541 = arith.constant 0 : i32
      %dma_wait3A_542 = tpu.memref_slice %arg12[%dma_wait3A_540, %dma_wait3A_541] : memref<10240x128xf32, #tpu.memory_space<vmem_shared>> -> memref<10240x128xf32, #tpu.memory_space<vmem_shared>>
      tpu.wait_indirect_dma semaphore(%arg17 : memref<!tpu.dma_semaphore, #tpu.memory_space<semaphore_mem>>) src(%arg10 : memref<128x128xf32, #tpu.memory_space<vmem>>) dst(%dma_wait3A_542 : memref<10240x128xf32, #tpu.memory_space<vmem_shared>>)
      %dma_wait3A_543 = arith.constant 0 : i32
      %dma_wait3A_544 = arith.constant 0 : i32
      %dma_wait3A_545 = tpu.memref_slice %arg3[%add3A, %dma_wait3A_543, %dma_wait3A_544] : memref<32x80x128xi32, #tpu.memory_space<hbm>> -> memref<1x8x128xi32, #tpu.memory_space<hbm>>
      %dma_wait3A_546 = tpu.memref_squeeze %dma_wait3A_545 : memref<1x8x128xi32, #tpu.memory_space<hbm>> -> memref<8x128xi32, #tpu.memory_space<hbm>>
      %dma_wait3A_547 = arith.constant 0 : i32
      %dma_wait3A_548 = arith.constant 0 : i32
      %dma_wait3A_549 = tpu.memref_slice %arg3[%add3A, %dma_wait3A_547, %dma_wait3A_548] : memref<32x80x128xi32, #tpu.memory_space<hbm>> -> memref<1x8x128xi32, #tpu.memory_space<hbm>>
      %dma_wait3A_550 = tpu.memref_squeeze %dma_wait3A_549 : memref<1x8x128xi32, #tpu.memory_space<hbm>> -> memref<8x128xi32, #tpu.memory_space<hbm>>
      tpu.wait_dma2 semaphore(%arg15 : memref<!tpu.dma_semaphore, #tpu.memory_space<semaphore_mem>>) src(%dma_wait3A_550 : memref<8x128xi32, #tpu.memory_space<hbm>>) dst(%arg6 : memref<8x128xi32, #tpu.memory_space<vmem>>)
      %dma_wait3A_551 = arith.constant 0 : i32
      %dma_wait3A_552 = arith.constant 0 : i32
      %dma_wait3A_553 = tpu.memref_slice %arg4[%add3A, %dma_wait3A_551, %dma_wait3A_552] : memref<32x80x128xi32, #tpu.memory_space<hbm>> -> memref<1x8x128xi32, #tpu.memory_space<hbm>>
      %dma_wait3A_554 = tpu.memref_squeeze %dma_wait3A_553 : memref<1x8x128xi32, #tpu.memory_space<hbm>> -> memref<8x128xi32, #tpu.memory_space<hbm>>
      %dma_wait3A_555 = arith.constant 0 : i32
      %dma_wait3A_556 = arith.constant 0 : i32
      %dma_wait3A_557 = tpu.memref_slice %arg4[%add3A, %dma_wait3A_555, %dma_wait3A_556] : memref<32x80x128xi32, #tpu.memory_space<hbm>> -> memref<1x8x128xi32, #tpu.memory_space<hbm>>
      %dma_wait3A_558 = tpu.memref_squeeze %dma_wait3A_557 : memref<1x8x128xi32, #tpu.memory_space<hbm>> -> memref<8x128xi32, #tpu.memory_space<hbm>>
      tpu.wait_dma2 semaphore(%arg16 : memref<!tpu.dma_semaphore, #tpu.memory_space<semaphore_mem>>) src(%dma_wait3A_558 : memref<8x128xi32, #tpu.memory_space<hbm>>) dst(%arg7 : memref<8x128xi32, #tpu.memory_space<vmem>>)
      %dma_start3A_559 = arith.constant 0 : i32
      %dma_start3A_560 = arith.constant 0 : i32
      %dma_start3A_561 = tpu.memref_slice %arg6[%dma_start3A_559, %dma_start3A_560] : memref<8x128xi32, #tpu.memory_space<vmem>> -> memref<1x128xi32, #tpu.memory_space<vmem>>
      %dma_start3A_562 = tpu.memref_squeeze %dma_start3A_561 : memref<1x128xi32, #tpu.memory_space<vmem>> -> memref<128xi32, #tpu.memory_space<vmem>>
      %dma_start3A_563 = arith.constant 0 : i32
      %dma_start3A_564 = arith.constant 0 : i32
      %dma_start3A_565 = tpu.memref_slice %arg2[%dma_start3A_563, %dma_start3A_564] : memref<10000x128xf32, #tpu.memory_space<hbm>> -> memref<10000x128xf32, #tpu.memory_space<hbm>>
      tpu.enqueue_indirect_dma source(%dma_start3A_565 : memref<10000x128xf32, #tpu.memory_space<hbm>>) target(%arg10 : memref<128x128xf32, #tpu.memory_space<vmem>>) offsets(%dma_start3A_562 : memref<128xi32, #tpu.memory_space<vmem>>) semaphore(%arg13 : memref<!tpu.dma_semaphore, #tpu.memory_space<semaphore_mem>>)
      %dma_wait3A_566 = arith.constant 7 : i32
      %dma_wait3A_567 = arith.constant 0 : i32
      %dma_wait3A_568 = tpu.memref_slice %arg8[%dma_wait3A_566, %dma_wait3A_567] : memref<8x128xi32, #tpu.memory_space<vmem>> -> memref<1x128xi32, #tpu.memory_space<vmem>>
      %dma_wait3A_569 = tpu.memref_squeeze %dma_wait3A_568 : memref<1x128xi32, #tpu.memory_space<vmem>> -> memref<128xi32, #tpu.memory_space<vmem>>
      %dma_wait3A_570 = arith.constant 0 : i32
      %dma_wait3A_571 = arith.constant 0 : i32
      %dma_wait3A_572 = tpu.memref_slice %arg2[%dma_wait3A_570, %dma_wait3A_571] : memref<10000x128xf32, #tpu.memory_space<hbm>> -> memref<10000x128xf32, #tpu.memory_space<hbm>>
      tpu.wait_indirect_dma semaphore(%arg14 : memref<!tpu.dma_semaphore, #tpu.memory_space<semaphore_mem>>) src(%dma_wait3A_572 : memref<10000x128xf32, #tpu.memory_space<hbm>>) dst(%arg11 : memref<128x128xf32, #tpu.memory_space<vmem>>)
      %dma_start3A_573 = arith.constant 7 : i32
      %dma_start3A_574 = arith.constant 0 : i32
      %dma_start3A_575 = tpu.memref_slice %arg9[%dma_start3A_573, %dma_start3A_574] : memref<8x128xi32, #tpu.memory_space<vmem>> -> memref<1x128xi32, #tpu.memory_space<vmem>>
      %dma_start3A_576 = tpu.memref_squeeze %dma_start3A_575 : memref<1x128xi32, #tpu.memory_space<vmem>> -> memref<128xi32, #tpu.memory_space<vmem>>
      %dma_start3A_577 = arith.constant 0 : i32
      %dma_start3A_578 = arith.constant 0 : i32
      %dma_start3A_579 = tpu.memref_slice %arg12[%dma_start3A_577, %dma_start3A_578] : memref<10240x128xf32, #tpu.memory_space<vmem_shared>> -> memref<10240x128xf32, #tpu.memory_space<vmem_shared>>
      tpu.enqueue_indirect_dma source(%arg11 : memref<128x128xf32, #tpu.memory_space<vmem>>) target(%dma_start3A_579 : memref<10240x128xf32, #tpu.memory_space<vmem_shared>>) offsets(%dma_start3A_576 : memref<128xi32, #tpu.memory_space<vmem>>) semaphore(%arg17 : memref<!tpu.dma_semaphore, #tpu.memory_space<semaphore_mem>>) {add = true}
      %dma_wait3A_580 = arith.constant 7 : i32
      %dma_wait3A_581 = arith.constant 0 : i32
      %dma_wait3A_582 = tpu.memref_slice %arg9[%dma_wait3A_580, %dma_wait3A_581] : memref<8x128xi32, #tpu.memory_space<vmem>> -> memref<1x128xi32, #tpu.memory_space<vmem>>
      %dma_wait3A_583 = tpu.memref_squeeze %dma_wait3A_582 : memref<1x128xi32, #tpu.memory_space<vmem>> -> memref<128xi32, #tpu.memory_space<vmem>>
      %dma_wait3A_584 = arith.constant 0 : i32
      %dma_wait3A_585 = arith.constant 0 : i32
      %dma_wait3A_586 = tpu.memref_slice %arg12[%dma_wait3A_584, %dma_wait3A_585] : memref<10240x128xf32, #tpu.memory_space<vmem_shared>> -> memref<10240x128xf32, #tpu.memory_space<vmem_shared>>
      tpu.wait_indirect_dma semaphore(%arg17 : memref<!tpu.dma_semaphore, #tpu.memory_space<semaphore_mem>>) src(%arg11 : memref<128x128xf32, #tpu.memory_space<vmem>>) dst(%dma_wait3A_586 : memref<10240x128xf32, #tpu.memory_space<vmem_shared>>)
      %add3A_587 = arith.constant 3 : i32
      %add3A_588 = arith.addi %mul3A_84, %add3A_587 : i32
      %min3A_589 = arith.constant 9 : i32
      %min3A_590 = arith.minsi %add3A_588, %min3A_589 : i32
      %mul3A_591 = arith.constant 8 : i32
      %mul3A_592 = arith.muli %min3A_590, %mul3A_591 : i32
      %dma_start3A_593 = arith.constant 0 : i32
      %dma_start3A_594 = tpu.memref_slice %arg3[%add3A, %mul3A_592, %dma_start3A_593] : memref<32x80x128xi32, #tpu.memory_space<hbm>> -> memref<1x8x128xi32, #tpu.memory_space<hbm>>
      %dma_start3A_595 = tpu.memref_squeeze %dma_start3A_594 : memref<1x8x128xi32, #tpu.memory_space<hbm>> -> memref<8x128xi32, #tpu.memory_space<hbm>>
      %dma_start3A_596 = arith.constant 0 : i32
      %dma_start3A_597 = tpu.memref_slice %arg3[%add3A, %mul3A_592, %dma_start3A_596] : memref<32x80x128xi32, #tpu.memory_space<hbm>> -> memref<1x8x128xi32, #tpu.memory_space<hbm>>
      %dma_start3A_598 = tpu.memref_squeeze %dma_start3A_597 : memref<1x8x128xi32, #tpu.memory_space<hbm>> -> memref<8x128xi32, #tpu.memory_space<hbm>>
      tpu.enqueue_dma source(%dma_start3A_598 : memref<8x128xi32, #tpu.memory_space<hbm>>) target(%arg8 : memref<8x128xi32, #tpu.memory_space<vmem>>) target_semaphore(%arg15 : memref<!tpu.dma_semaphore, #tpu.memory_space<semaphore_mem>>)
      %mul3A_599 = arith.constant 8 : i32
      %mul3A_600 = arith.muli %min3A_590, %mul3A_599 : i32
      %dma_start3A_601 = arith.constant 0 : i32
      %dma_start3A_602 = tpu.memref_slice %arg4[%add3A, %mul3A_600, %dma_start3A_601] : memref<32x80x128xi32, #tpu.memory_space<hbm>> -> memref<1x8x128xi32, #tpu.memory_space<hbm>>
      %dma_start3A_603 = tpu.memref_squeeze %dma_start3A_602 : memref<1x8x128xi32, #tpu.memory_space<hbm>> -> memref<8x128xi32, #tpu.memory_space<hbm>>
      %dma_start3A_604 = arith.constant 0 : i32
      %dma_start3A_605 = tpu.memref_slice %arg4[%add3A, %mul3A_600, %dma_start3A_604] : memref<32x80x128xi32, #tpu.memory_space<hbm>> -> memref<1x8x128xi32, #tpu.memory_space<hbm>>
      %dma_start3A_606 = tpu.memref_squeeze %dma_start3A_605 : memref<1x8x128xi32, #tpu.memory_space<hbm>> -> memref<8x128xi32, #tpu.memory_space<hbm>>
      tpu.enqueue_dma source(%dma_start3A_606 : memref<8x128xi32, #tpu.memory_space<hbm>>) target(%arg9 : memref<8x128xi32, #tpu.memory_space<vmem>>) target_semaphore(%arg16 : memref<!tpu.dma_semaphore, #tpu.memory_space<semaphore_mem>>)
    }
    %scan3A_56 = arith.constant 5 : i32
    %dma_wait3A = arith.constant 0 : i32
    %dma_wait3A_57 = arith.constant 0 : i32
    %dma_wait3A_58 = tpu.memref_slice %arg6[%dma_wait3A, %dma_wait3A_57] : memref<8x128xi32, #tpu.memory_space<vmem>> -> memref<1x128xi32, #tpu.memory_space<vmem>>
    %dma_wait3A_59 = tpu.memref_squeeze %dma_wait3A_58 : memref<1x128xi32, #tpu.memory_space<vmem>> -> memref<128xi32, #tpu.memory_space<vmem>>
    %dma_wait3A_60 = arith.constant 0 : i32
    %dma_wait3A_61 = arith.constant 0 : i32
    %dma_wait3A_62 = tpu.memref_slice %arg2[%dma_wait3A_60, %dma_wait3A_61] : memref<10000x128xf32, #tpu.memory_space<hbm>> -> memref<10000x128xf32, #tpu.memory_space<hbm>>
    tpu.wait_indirect_dma semaphore(%arg13 : memref<!tpu.dma_semaphore, #tpu.memory_space<semaphore_mem>>) src(%dma_wait3A_62 : memref<10000x128xf32, #tpu.memory_space<hbm>>) dst(%arg10 : memref<128x128xf32, #tpu.memory_space<vmem>>)
    %dma_wait3A_63 = arith.constant 0 : i32
    %dma_wait3A_64 = arith.constant 0 : i32
    %dma_wait3A_65 = tpu.memref_slice %arg3[%add3A, %dma_wait3A_63, %dma_wait3A_64] : memref<32x80x128xi32, #tpu.memory_space<hbm>> -> memref<1x8x128xi32, #tpu.memory_space<hbm>>
    %dma_wait3A_66 = tpu.memref_squeeze %dma_wait3A_65 : memref<1x8x128xi32, #tpu.memory_space<hbm>> -> memref<8x128xi32, #tpu.memory_space<hbm>>
    %dma_wait3A_67 = arith.constant 0 : i32
    %dma_wait3A_68 = arith.constant 0 : i32
    %dma_wait3A_69 = tpu.memref_slice %arg3[%add3A, %dma_wait3A_67, %dma_wait3A_68] : memref<32x80x128xi32, #tpu.memory_space<hbm>> -> memref<1x8x128xi32, #tpu.memory_space<hbm>>
    %dma_wait3A_70 = tpu.memref_squeeze %dma_wait3A_69 : memref<1x8x128xi32, #tpu.memory_space<hbm>> -> memref<8x128xi32, #tpu.memory_space<hbm>>
    tpu.wait_dma2 semaphore(%arg15 : memref<!tpu.dma_semaphore, #tpu.memory_space<semaphore_mem>>) src(%dma_wait3A_70 : memref<8x128xi32, #tpu.memory_space<hbm>>) dst(%arg8 : memref<8x128xi32, #tpu.memory_space<vmem>>)
    %dma_wait3A_71 = arith.constant 0 : i32
    %dma_wait3A_72 = arith.constant 0 : i32
    %dma_wait3A_73 = tpu.memref_slice %arg4[%add3A, %dma_wait3A_71, %dma_wait3A_72] : memref<32x80x128xi32, #tpu.memory_space<hbm>> -> memref<1x8x128xi32, #tpu.memory_space<hbm>>
    %dma_wait3A_74 = tpu.memref_squeeze %dma_wait3A_73 : memref<1x8x128xi32, #tpu.memory_space<hbm>> -> memref<8x128xi32, #tpu.memory_space<hbm>>
    %dma_wait3A_75 = arith.constant 0 : i32
    %dma_wait3A_76 = arith.constant 0 : i32
    %dma_wait3A_77 = tpu.memref_slice %arg4[%add3A, %dma_wait3A_75, %dma_wait3A_76] : memref<32x80x128xi32, #tpu.memory_space<hbm>> -> memref<1x8x128xi32, #tpu.memory_space<hbm>>
    %dma_wait3A_78 = tpu.memref_squeeze %dma_wait3A_77 : memref<1x8x128xi32, #tpu.memory_space<hbm>> -> memref<8x128xi32, #tpu.memory_space<hbm>>
    tpu.wait_dma2 semaphore(%arg16 : memref<!tpu.dma_semaphore, #tpu.memory_space<semaphore_mem>>) src(%dma_wait3A_78 : memref<8x128xi32, #tpu.memory_space<hbm>>) dst(%arg9 : memref<8x128xi32, #tpu.memory_space<vmem>>)
    %barrier3A_79 = arith.constant 0 : index
    tpu.barrier barrier_id(%barrier3A_79)
    %mul3A_80 = arith.constant 640 : i32
    %mul3A_81 = arith.muli %arg1, %mul3A_80 : i32
    "tpu.region"() ({
      %run_scoped3A = tpu.sem_alloc : memref<!tpu.dma_semaphore, #tpu.memory_space<semaphore_mem>>
      %dma_start3A_82 = arith.constant 0 : i32
      %dma_start3A_83 = tpu.memref_slice %arg5[%arg0, %mul3A_81, %dma_start3A_82] : memref<2x10240x128xf32, #tpu.memory_space<hbm>> -> memref<1x640x128xf32, #tpu.memory_space<hbm>>
      %dma_start3A_84 = tpu.memref_squeeze %dma_start3A_83 : memref<1x640x128xf32, #tpu.memory_space<hbm>> -> memref<640x128xf32, #tpu.memory_space<hbm>>
      %dma_start3A_85 = arith.constant 0 : i32
      %dma_start3A_86 = tpu.memref_slice %arg12[%mul3A_81, %dma_start3A_85] : memref<10240x128xf32, #tpu.memory_space<vmem_shared>> -> memref<640x128xf32, #tpu.memory_space<vmem_shared>>
      tpu.enqueue_dma source(%dma_start3A_86 : memref<640x128xf32, #tpu.memory_space<vmem_shared>>) target(%dma_start3A_84 : memref<640x128xf32, #tpu.memory_space<hbm>>) target_semaphore(%run_scoped3A : memref<!tpu.dma_semaphore, #tpu.memory_space<semaphore_mem>>)
      %dma_wait3A_87 = arith.constant 0 : i32
      %dma_wait3A_88 = tpu.memref_slice %arg5[%arg0, %mul3A_81, %dma_wait3A_87] : memref<2x10240x128xf32, #tpu.memory_space<hbm>> -> memref<1x640x128xf32, #tpu.memory_space<hbm>>
      %dma_wait3A_89 = tpu.memref_squeeze %dma_wait3A_88 : memref<1x640x128xf32, #tpu.memory_space<hbm>> -> memref<640x128xf32, #tpu.memory_space<hbm>>
      %dma_wait3A_90 = arith.constant 0 : i32
      %dma_wait3A_91 = tpu.memref_slice %arg12[%mul3A_81, %dma_wait3A_90] : memref<10240x128xf32, #tpu.memory_space<vmem_shared>> -> memref<640x128xf32, #tpu.memory_space<vmem_shared>>
      tpu.wait_dma2 semaphore(%run_scoped3A : memref<!tpu.dma_semaphore, #tpu.memory_space<semaphore_mem>>) src(%dma_wait3A_91 : memref<640x128xf32, #tpu.memory_space<vmem_shared>>) dst(%dma_wait3A_89 : memref<640x128xf32, #tpu.memory_space<hbm>>)
      tpu.yield
    }) : () -> ()
    return
  }
}

#map = affine_map<(d0, d1) -> (0, 0)>
#map1 = affine_map<(d0, d1) -> (0, 0, 0)>
module attributes {stable_mosaic.version = 14 : i64} {
  func.func @body(%arg0: i32, %arg1: i32, %arg2: memref<10000x128xf32, #tpu.memory_space<hbm>>, %arg3: memref<32x80x128xi32, #tpu.memory_space<hbm>>, %arg4: memref<32x80x128xi32, #tpu.memory_space<hbm>>, %arg5: memref<2x10240x128xf32, #tpu.memory_space<hbm>>, %arg6: memref<8x128xi32, #tpu.memory_space<vmem>>, %arg7: memref<8x128xi32, #tpu.memory_space<vmem>>, %arg8: memref<8x128xi32, #tpu.memory_space<vmem>>, %arg9: memref<8x128xi32, #tpu.memory_space<vmem>>, %arg10: memref<128x128xf32, #tpu.memory_space<vmem>>, %arg11: memref<128x128xf32, #tpu.memory_space<vmem>>, %arg12: memref<10240x128xf32, #tpu.memory_space<vmem_shared>>, %arg13: memref<!tpu.dma_semaphore, #tpu.memory_space<semaphore_mem>>, %arg14: memref<!tpu.dma_semaphore, #tpu.memory_space<semaphore_mem>>, %arg15: memref<!tpu.dma_semaphore, #tpu.memory_space<semaphore_mem>>, %arg16: memref<!tpu.dma_semaphore, #tpu.memory_space<semaphore_mem>>, %arg17: memref<!tpu.dma_semaphore, #tpu.memory_space<semaphore_mem>>) attributes {dimension_semantics = [#tpu.dimension_semantics<core_parallel>, #tpu.dimension_semantics<subcore_parallel>], iteration_bounds = array<i64: 2, 16>, scalar_prefetch = 0 : i64, scratch_operands = 12 : i64, tpu.core_type = #tpu.core_type<sc_vector_subcore>, window_params = [{transform_indices = #map}, {transform_indices = #map1}, {transform_indices = #map1}, {transform_indices = #map1}]} {
    %mul3A = arith.constant 16 : i32
    %mul3A_0 = arith.muli %arg0, %mul3A : i32
    %add3A = arith.addi %mul3A_0, %arg1 : i32
    %broadcast_in_dim3A = arith.constant 0.000000e+00 : f32
    %broadcast_in_dim3A_1 = vector.broadcast %broadcast_in_dim3A : f32 to vector<16xf32>
    %scan3A = arith.constant 0 : i32
    %scan3A_2 = arith.constant 0 : i32
    %scan3A_3 = arith.constant 128 : i32
    %scan3A_4 = arith.addi %scan3A_2, %scan3A_3 : i32
    %scan3A_5 = arith.constant 1 : i32
    scf.for %scan3A_82 = %scan3A_2 to %scan3A_4 step %scan3A_5  : i32 {
      %swap3A = arith.index_cast %scan3A_82 : i32 to index
      %swap3A_83 = arith.constant 0 : index
      %swap3A_84 = tpu.vector_load %arg10[%swap3A, %swap3A_83] {strides = array<i32>} : memref<128x128xf32, #tpu.memory_space<vmem>>, vector<1x16xf32>,
      %swap3A_85 = vector.shape_cast %swap3A_84 : vector<1x16xf32> to vector<16xf32>
      %swap3A_86 = vector.shape_cast %broadcast_in_dim3A_1 : vector<16xf32> to vector<1x16xf32>
      tpu.vector_store %arg10[%swap3A, %swap3A_83], %swap3A_86 {strides = array<i32>} : memref<128x128xf32, #tpu.memory_space<vmem>>, vector<1x16xf32>,
      %swap3A_87 = arith.index_cast %scan3A_82 : i32 to index
      %swap3A_88 = arith.constant 16 : index
      %swap3A_89 = tpu.vector_load %arg10[%swap3A_87, %swap3A_88] {strides = array<i32>} : memref<128x128xf32, #tpu.memory_space<vmem>>, vector<1x16xf32>,
      %swap3A_90 = vector.shape_cast %swap3A_89 : vector<1x16xf32> to vector<16xf32>
      %swap3A_91 = vector.shape_cast %broadcast_in_dim3A_1 : vector<16xf32> to vector<1x16xf32>
      tpu.vector_store %arg10[%swap3A_87, %swap3A_88], %swap3A_91 {strides = array<i32>} : memref<128x128xf32, #tpu.memory_space<vmem>>, vector<1x16xf32>,
      %swap3A_92 = arith.index_cast %scan3A_82 : i32 to index
      %swap3A_93 = arith.constant 32 : index
      %swap3A_94 = tpu.vector_load %arg10[%swap3A_92, %swap3A_93] {strides = array<i32>} : memref<128x128xf32, #tpu.memory_space<vmem>>, vector<1x16xf32>,
      %swap3A_95 = vector.shape_cast %swap3A_94 : vector<1x16xf32> to vector<16xf32>
      %swap3A_96 = vector.shape_cast %broadcast_in_dim3A_1 : vector<16xf32> to vector<1x16xf32>
      tpu.vector_store %arg10[%swap3A_92, %swap3A_93], %swap3A_96 {strides = array<i32>} : memref<128x128xf32, #tpu.memory_space<vmem>>, vector<1x16xf32>,
      %swap3A_97 = arith.index_cast %scan3A_82 : i32 to index
      %swap3A_98 = arith.constant 48 : index
      %swap3A_99 = tpu.vector_load %arg10[%swap3A_97, %swap3A_98] {strides = array<i32>} : memref<128x128xf32, #tpu.memory_space<vmem>>, vector<1x16xf32>,
      %swap3A_100 = vector.shape_cast %swap3A_99 : vector<1x16xf32> to vector<16xf32>
      %swap3A_101 = vector.shape_cast %broadcast_in_dim3A_1 : vector<16xf32> to vector<1x16xf32>
      tpu.vector_store %arg10[%swap3A_97, %swap3A_98], %swap3A_101 {strides = array<i32>} : memref<128x128xf32, #tpu.memory_space<vmem>>, vector<1x16xf32>,
      %swap3A_102 = arith.index_cast %scan3A_82 : i32 to index
      %swap3A_103 = arith.constant 64 : index
      %swap3A_104 = tpu.vector_load %arg10[%swap3A_102, %swap3A_103] {strides = array<i32>} : memref<128x128xf32, #tpu.memory_space<vmem>>, vector<1x16xf32>,
      %swap3A_105 = vector.shape_cast %swap3A_104 : vector<1x16xf32> to vector<16xf32>
      %swap3A_106 = vector.shape_cast %broadcast_in_dim3A_1 : vector<16xf32> to vector<1x16xf32>
      tpu.vector_store %arg10[%swap3A_102, %swap3A_103], %swap3A_106 {strides = array<i32>} : memref<128x128xf32, #tpu.memory_space<vmem>>, vector<1x16xf32>,
      %swap3A_107 = arith.index_cast %scan3A_82 : i32 to index
      %swap3A_108 = arith.constant 80 : index
      %swap3A_109 = tpu.vector_load %arg10[%swap3A_107, %swap3A_108] {strides = array<i32>} : memref<128x128xf32, #tpu.memory_space<vmem>>, vector<1x16xf32>,
      %swap3A_110 = vector.shape_cast %swap3A_109 : vector<1x16xf32> to vector<16xf32>
      %swap3A_111 = vector.shape_cast %broadcast_in_dim3A_1 : vector<16xf32> to vector<1x16xf32>
      tpu.vector_store %arg10[%swap3A_107, %swap3A_108], %swap3A_111 {strides = array<i32>} : memref<128x128xf32, #tpu.memory_space<vmem>>, vector<1x16xf32>,
      %swap3A_112 = arith.index_cast %scan3A_82 : i32 to index
      %swap3A_113 = arith.constant 96 : index
      %swap3A_114 = tpu.vector_load %arg10[%swap3A_112, %swap3A_113] {strides = array<i32>} : memref<128x128xf32, #tpu.memory_space<vmem>>, vector<1x16xf32>,
      %swap3A_115 = vector.shape_cast %swap3A_114 : vector<1x16xf32> to vector<16xf32>
      %swap3A_116 = vector.shape_cast %broadcast_in_dim3A_1 : vector<16xf32> to vector<1x16xf32>
      tpu.vector_store %arg10[%swap3A_112, %swap3A_113], %swap3A_116 {strides = array<i32>} : memref<128x128xf32, #tpu.memory_space<vmem>>, vector<1x16xf32>,
      %swap3A_117 = arith.index_cast %scan3A_82 : i32 to index
      %swap3A_118 = arith.constant 112 : index
      %swap3A_119 = tpu.vector_load %arg10[%swap3A_117, %swap3A_118] {strides = array<i32>} : memref<128x128xf32, #tpu.memory_space<vmem>>, vector<1x16xf32>,
      %swap3A_120 = vector.shape_cast %swap3A_119 : vector<1x16xf32> to vector<16xf32>
      %swap3A_121 = vector.shape_cast %broadcast_in_dim3A_1 : vector<16xf32> to vector<1x16xf32>
      tpu.vector_store %arg10[%swap3A_117, %swap3A_118], %swap3A_121 {strides = array<i32>} : memref<128x128xf32, #tpu.memory_space<vmem>>, vector<1x16xf32>,
    }
    %scan3A_6 = arith.constant 128 : i32
    %mul3A_7 = arith.constant 640 : i32
    %mul3A_8 = arith.muli %arg1, %mul3A_7 : i32
    %add3A_9 = arith.constant 0 : i32
    %add3A_10 = arith.addi %mul3A_8, %add3A_9 : i32
    "tpu.region"() ({
      %run_scoped3A = tpu.sem_alloc : memref<!tpu.dma_semaphore, #tpu.memory_space<semaphore_mem>>
      %dma_start3A_82 = arith.constant 0 : i32
      %dma_start3A_83 = tpu.memref_slice %arg12[%add3A_10, %dma_start3A_82] : memref<10240x128xf32, #tpu.memory_space<vmem_shared>> -> memref<128x128xf32, #tpu.memory_space<vmem_shared>>
      %dma_start3A_84 = arith.constant 0 : i32
      %dma_start3A_85 = tpu.memref_slice %arg12[%add3A_10, %dma_start3A_84] : memref<10240x128xf32, #tpu.memory_space<vmem_shared>> -> memref<128x128xf32, #tpu.memory_space<vmem_shared>>
      tpu.enqueue_dma source(%arg10 : memref<128x128xf32, #tpu.memory_space<vmem>>) target(%dma_start3A_85 : memref<128x128xf32, #tpu.memory_space<vmem_shared>>) target_semaphore(%run_scoped3A : memref<!tpu.dma_semaphore, #tpu.memory_space<semaphore_mem>>)
      %dma_wait3A_86 = arith.constant 0 : i32
      %dma_wait3A_87 = tpu.memref_slice %arg12[%add3A_10, %dma_wait3A_86] : memref<10240x128xf32, #tpu.memory_space<vmem_shared>> -> memref<128x128xf32, #tpu.memory_space<vmem_shared>>
      %dma_wait3A_88 = arith.constant 0 : i32
      %dma_wait3A_89 = tpu.memref_slice %arg12[%add3A_10, %dma_wait3A_88] : memref<10240x128xf32, #tpu.memory_space<vmem_shared>> -> memref<128x128xf32, #tpu.memory_space<vmem_shared>>
      tpu.wait_dma2 semaphore(%run_scoped3A : memref<!tpu.dma_semaphore, #tpu.memory_space<semaphore_mem>>) src(%arg10 : memref<128x128xf32, #tpu.memory_space<vmem>>) dst(%dma_wait3A_89 : memref<128x128xf32, #tpu.memory_space<vmem_shared>>)
      tpu.yield
    }) : () -> ()
    %mul3A_11 = arith.constant 640 : i32
    %mul3A_12 = arith.muli %arg1, %mul3A_11 : i32
    %add3A_13 = arith.constant 128 : i32
    %add3A_14 = arith.addi %mul3A_12, %add3A_13 : i32
    "tpu.region"() ({
      %run_scoped3A = tpu.sem_alloc : memref<!tpu.dma_semaphore, #tpu.memory_space<semaphore_mem>>
      %dma_start3A_82 = arith.constant 0 : i32
      %dma_start3A_83 = tpu.memref_slice %arg12[%add3A_14, %dma_start3A_82] : memref<10240x128xf32, #tpu.memory_space<vmem_shared>> -> memref<128x128xf32, #tpu.memory_space<vmem_shared>>
      %dma_start3A_84 = arith.constant 0 : i32
      %dma_start3A_85 = tpu.memref_slice %arg12[%add3A_14, %dma_start3A_84] : memref<10240x128xf32, #tpu.memory_space<vmem_shared>> -> memref<128x128xf32, #tpu.memory_space<vmem_shared>>
      tpu.enqueue_dma source(%arg10 : memref<128x128xf32, #tpu.memory_space<vmem>>) target(%dma_start3A_85 : memref<128x128xf32, #tpu.memory_space<vmem_shared>>) target_semaphore(%run_scoped3A : memref<!tpu.dma_semaphore, #tpu.memory_space<semaphore_mem>>)
      %dma_wait3A_86 = arith.constant 0 : i32
      %dma_wait3A_87 = tpu.memref_slice %arg12[%add3A_14, %dma_wait3A_86] : memref<10240x128xf32, #tpu.memory_space<vmem_shared>> -> memref<128x128xf32, #tpu.memory_space<vmem_shared>>
      %dma_wait3A_88 = arith.constant 0 : i32
      %dma_wait3A_89 = tpu.memref_slice %arg12[%add3A_14, %dma_wait3A_88] : memref<10240x128xf32, #tpu.memory_space<vmem_shared>> -> memref<128x128xf32, #tpu.memory_space<vmem_shared>>
      tpu.wait_dma2 semaphore(%run_scoped3A : memref<!tpu.dma_semaphore, #tpu.memory_space<semaphore_mem>>) src(%arg10 : memref<128x128xf32, #tpu.memory_space<vmem>>) dst(%dma_wait3A_89 : memref<128x128xf32, #tpu.memory_space<vmem_shared>>)
      tpu.yield
    }) : () -> ()
    %mul3A_15 = arith.constant 640 : i32
    %mul3A_16 = arith.muli %arg1, %mul3A_15 : i32
    %add3A_17 = arith.constant 256 : i32
    %add3A_18 = arith.addi %mul3A_16, %add3A_17 : i32
    "tpu.region"() ({
      %run_scoped3A = tpu.sem_alloc : memref<!tpu.dma_semaphore, #tpu.memory_space<semaphore_mem>>
      %dma_start3A_82 = arith.constant 0 : i32
      %dma_start3A_83 = tpu.memref_slice %arg12[%add3A_18, %dma_start3A_82] : memref<10240x128xf32, #tpu.memory_space<vmem_shared>> -> memref<128x128xf32, #tpu.memory_space<vmem_shared>>
      %dma_start3A_84 = arith.constant 0 : i32
      %dma_start3A_85 = tpu.memref_slice %arg12[%add3A_18, %dma_start3A_84] : memref<10240x128xf32, #tpu.memory_space<vmem_shared>> -> memref<128x128xf32, #tpu.memory_space<vmem_shared>>
      tpu.enqueue_dma source(%arg10 : memref<128x128xf32, #tpu.memory_space<vmem>>) target(%dma_start3A_85 : memref<128x128xf32, #tpu.memory_space<vmem_shared>>) target_semaphore(%run_scoped3A : memref<!tpu.dma_semaphore, #tpu.memory_space<semaphore_mem>>)
      %dma_wait3A_86 = arith.constant 0 : i32
      %dma_wait3A_87 = tpu.memref_slice %arg12[%add3A_18, %dma_wait3A_86] : memref<10240x128xf32, #tpu.memory_space<vmem_shared>> -> memref<128x128xf32, #tpu.memory_space<vmem_shared>>
      %dma_wait3A_88 = arith.constant 0 : i32
      %dma_wait3A_89 = tpu.memref_slice %arg12[%add3A_18, %dma_wait3A_88] : memref<10240x128xf32, #tpu.memory_space<vmem_shared>> -> memref<128x128xf32, #tpu.memory_space<vmem_shared>>
      tpu.wait_dma2 semaphore(%run_scoped3A : memref<!tpu.dma_semaphore, #tpu.memory_space<semaphore_mem>>) src(%arg10 : memref<128x128xf32, #tpu.memory_space<vmem>>) dst(%dma_wait3A_89 : memref<128x128xf32, #tpu.memory_space<vmem_shared>>)
      tpu.yield
    }) : () -> ()
    %mul3A_19 = arith.constant 640 : i32
    %mul3A_20 = arith.muli %arg1, %mul3A_19 : i32
    %add3A_21 = arith.constant 384 : i32
    %add3A_22 = arith.addi %mul3A_20, %add3A_21 : i32
    "tpu.region"() ({
      %run_scoped3A = tpu.sem_alloc : memref<!tpu.dma_semaphore, #tpu.memory_space<semaphore_mem>>
      %dma_start3A_82 = arith.constant 0 : i32
      %dma_start3A_83 = tpu.memref_slice %arg12[%add3A_22, %dma_start3A_82] : memref<10240x128xf32, #tpu.memory_space<vmem_shared>> -> memref<128x128xf32, #tpu.memory_space<vmem_shared>>
      %dma_start3A_84 = arith.constant 0 : i32
      %dma_start3A_85 = tpu.memref_slice %arg12[%add3A_22, %dma_start3A_84] : memref<10240x128xf32, #tpu.memory_space<vmem_shared>> -> memref<128x128xf32, #tpu.memory_space<vmem_shared>>
      tpu.enqueue_dma source(%arg10 : memref<128x128xf32, #tpu.memory_space<vmem>>) target(%dma_start3A_85 : memref<128x128xf32, #tpu.memory_space<vmem_shared>>) target_semaphore(%run_scoped3A : memref<!tpu.dma_semaphore, #tpu.memory_space<semaphore_mem>>)
      %dma_wait3A_86 = arith.constant 0 : i32
      %dma_wait3A_87 = tpu.memref_slice %arg12[%add3A_22, %dma_wait3A_86] : memref<10240x128xf32, #tpu.memory_space<vmem_shared>> -> memref<128x128xf32, #tpu.memory_space<vmem_shared>>
      %dma_wait3A_88 = arith.constant 0 : i32
      %dma_wait3A_89 = tpu.memref_slice %arg12[%add3A_22, %dma_wait3A_88] : memref<10240x128xf32, #tpu.memory_space<vmem_shared>> -> memref<128x128xf32, #tpu.memory_space<vmem_shared>>
      tpu.wait_dma2 semaphore(%run_scoped3A : memref<!tpu.dma_semaphore, #tpu.memory_space<semaphore_mem>>) src(%arg10 : memref<128x128xf32, #tpu.memory_space<vmem>>) dst(%dma_wait3A_89 : memref<128x128xf32, #tpu.memory_space<vmem_shared>>)
      tpu.yield
    }) : () -> ()
    %mul3A_23 = arith.constant 640 : i32
    %mul3A_24 = arith.muli %arg1, %mul3A_23 : i32
    %add3A_25 = arith.constant 512 : i32
    %add3A_26 = arith.addi %mul3A_24, %add3A_25 : i32
    "tpu.region"() ({
      %run_scoped3A = tpu.sem_alloc : memref<!tpu.dma_semaphore, #tpu.memory_space<semaphore_mem>>
      %dma_start3A_82 = arith.constant 0 : i32
      %dma_start3A_83 = tpu.memref_slice %arg12[%add3A_26, %dma_start3A_82] : memref<10240x128xf32, #tpu.memory_space<vmem_shared>> -> memref<128x128xf32, #tpu.memory_space<vmem_shared>>
      %dma_start3A_84 = arith.constant 0 : i32
      %dma_start3A_85 = tpu.memref_slice %arg12[%add3A_26, %dma_start3A_84] : memref<10240x128xf32, #tpu.memory_space<vmem_shared>> -> memref<128x128xf32, #tpu.memory_space<vmem_shared>>
      tpu.enqueue_dma source(%arg10 : memref<128x128xf32, #tpu.memory_space<vmem>>) target(%dma_start3A_85 : memref<128x128xf32, #tpu.memory_space<vmem_shared>>) target_semaphore(%run_scoped3A : memref<!tpu.dma_semaphore, #tpu.memory_space<semaphore_mem>>)
      %dma_wait3A_86 = arith.constant 0 : i32
      %dma_wait3A_87 = tpu.memref_slice %arg12[%add3A_26, %dma_wait3A_86] : memref<10240x128xf32, #tpu.memory_space<vmem_shared>> -> memref<128x128xf32, #tpu.memory_space<vmem_shared>>
      %dma_wait3A_88 = arith.constant 0 : i32
      %dma_wait3A_89 = tpu.memref_slice %arg12[%add3A_26, %dma_wait3A_88] : memref<10240x128xf32, #tpu.memory_space<vmem_shared>> -> memref<128x128xf32, #tpu.memory_space<vmem_shared>>
      tpu.wait_dma2 semaphore(%run_scoped3A : memref<!tpu.dma_semaphore, #tpu.memory_space<semaphore_mem>>) src(%arg10 : memref<128x128xf32, #tpu.memory_space<vmem>>) dst(%dma_wait3A_89 : memref<128x128xf32, #tpu.memory_space<vmem_shared>>)
      tpu.yield
    }) : () -> ()
    %barrier3A = arith.constant 0 : index
    tpu.barrier barrier_id(%barrier3A)
    "tpu.region"() ({
      %run_scoped3A = tpu.sem_alloc : memref<!tpu.dma_semaphore, #tpu.memory_space<semaphore_mem>>
      %dma_start3A_82 = arith.constant 0 : i32
      %dma_start3A_83 = arith.constant 0 : i32
      %dma_start3A_84 = tpu.memref_slice %arg3[%add3A, %dma_start3A_82, %dma_start3A_83] : memref<32x80x128xi32, #tpu.memory_space<hbm>> -> memref<1x8x128xi32, #tpu.memory_space<hbm>>
      %dma_start3A_85 = tpu.memref_squeeze %dma_start3A_84 : memref<1x8x128xi32, #tpu.memory_space<hbm>> -> memref<8x128xi32, #tpu.memory_space<hbm>>
      %dma_start3A_86 = arith.constant 0 : i32
      %dma_start3A_87 = arith.constant 0 : i32
      %dma_start3A_88 = tpu.memref_slice %arg3[%add3A, %dma_start3A_86, %dma_start3A_87] : memref<32x80x128xi32, #tpu.memory_space<hbm>> -> memref<1x8x128xi32, #tpu.memory_space<hbm>>
      %dma_start3A_89 = tpu.memref_squeeze %dma_start3A_88 : memref<1x8x128xi32, #tpu.memory_space<hbm>> -> memref<8x128xi32, #tpu.memory_space<hbm>>
      tpu.enqueue_dma source(%dma_start3A_89 : memref<8x128xi32, #tpu.memory_space<hbm>>) target(%arg6 : memref<8x128xi32, #tpu.memory_space<vmem>>) target_semaphore(%run_scoped3A : memref<!tpu.dma_semaphore, #tpu.memory_space<semaphore_mem>>)
      %dma_wait3A_90 = arith.constant 0 : i32
      %dma_wait3A_91 = arith.constant 0 : i32
      %dma_wait3A_92 = tpu.memref_slice %arg3[%add3A, %dma_wait3A_90, %dma_wait3A_91] : memref<32x80x128xi32, #tpu.memory_space<hbm>> -> memref<1x8x128xi32, #tpu.memory_space<hbm>>
      %dma_wait3A_93 = tpu.memref_squeeze %dma_wait3A_92 : memref<1x8x128xi32, #tpu.memory_space<hbm>> -> memref<8x128xi32, #tpu.memory_space<hbm>>
      %dma_wait3A_94 = arith.constant 0 : i32
      %dma_wait3A_95 = arith.constant 0 : i32
      %dma_wait3A_96 = tpu.memref_slice %arg3[%add3A, %dma_wait3A_94, %dma_wait3A_95] : memref<32x80x128xi32, #tpu.memory_space<hbm>> -> memref<1x8x128xi32, #tpu.memory_space<hbm>>
      %dma_wait3A_97 = tpu.memref_squeeze %dma_wait3A_96 : memref<1x8x128xi32, #tpu.memory_space<hbm>> -> memref<8x128xi32, #tpu.memory_space<hbm>>
      tpu.wait_dma2 semaphore(%run_scoped3A : memref<!tpu.dma_semaphore, #tpu.memory_space<semaphore_mem>>) src(%dma_wait3A_97 : memref<8x128xi32, #tpu.memory_space<hbm>>) dst(%arg6 : memref<8x128xi32, #tpu.memory_space<vmem>>)
      tpu.yield
    }) : () -> ()
    "tpu.region"() ({
      %run_scoped3A = tpu.sem_alloc : memref<!tpu.dma_semaphore, #tpu.memory_space<semaphore_mem>>
      %dma_start3A_82 = arith.constant 0 : i32
      %dma_start3A_83 = arith.constant 0 : i32
      %dma_start3A_84 = tpu.memref_slice %arg4[%add3A, %dma_start3A_82, %dma_start3A_83] : memref<32x80x128xi32, #tpu.memory_space<hbm>> -> memref<1x8x128xi32, #tpu.memory_space<hbm>>
      %dma_start3A_85 = tpu.memref_squeeze %dma_start3A_84 : memref<1x8x128xi32, #tpu.memory_space<hbm>> -> memref<8x128xi32, #tpu.memory_space<hbm>>
      %dma_start3A_86 = arith.constant 0 : i32
      %dma_start3A_87 = arith.constant 0 : i32
      %dma_start3A_88 = tpu.memref_slice %arg4[%add3A, %dma_start3A_86, %dma_start3A_87] : memref<32x80x128xi32, #tpu.memory_space<hbm>> -> memref<1x8x128xi32, #tpu.memory_space<hbm>>
      %dma_start3A_89 = tpu.memref_squeeze %dma_start3A_88 : memref<1x8x128xi32, #tpu.memory_space<hbm>> -> memref<8x128xi32, #tpu.memory_space<hbm>>
      tpu.enqueue_dma source(%dma_start3A_89 : memref<8x128xi32, #tpu.memory_space<hbm>>) target(%arg7 : memref<8x128xi32, #tpu.memory_space<vmem>>) target_semaphore(%run_scoped3A : memref<!tpu.dma_semaphore, #tpu.memory_space<semaphore_mem>>)
      %dma_wait3A_90 = arith.constant 0 : i32
      %dma_wait3A_91 = arith.constant 0 : i32
      %dma_wait3A_92 = tpu.memref_slice %arg4[%add3A, %dma_wait3A_90, %dma_wait3A_91] : memref<32x80x128xi32, #tpu.memory_space<hbm>> -> memref<1x8x128xi32, #tpu.memory_space<hbm>>
      %dma_wait3A_93 = tpu.memref_squeeze %dma_wait3A_92 : memref<1x8x128xi32, #tpu.memory_space<hbm>> -> memref<8x128xi32, #tpu.memory_space<hbm>>
      %dma_wait3A_94 = arith.constant 0 : i32
      %dma_wait3A_95 = arith.constant 0 : i32
      %dma_wait3A_96 = tpu.memref_slice %arg4[%add3A, %dma_wait3A_94, %dma_wait3A_95] : memref<32x80x128xi32, #tpu.memory_space<hbm>> -> memref<1x8x128xi32, #tpu.memory_space<hbm>>
      %dma_wait3A_97 = tpu.memref_squeeze %dma_wait3A_96 : memref<1x8x128xi32, #tpu.memory_space<hbm>> -> memref<8x128xi32, #tpu.memory_space<hbm>>
      tpu.wait_dma2 semaphore(%run_scoped3A : memref<!tpu.dma_semaphore, #tpu.memory_space<semaphore_mem>>) src(%dma_wait3A_97 : memref<8x128xi32, #tpu.memory_space<hbm>>) dst(%arg7 : memref<8x128xi32, #tpu.memory_space<vmem>>)
      tpu.yield
    }) : () -> ()
    %min3A = arith.constant 1 : i32
    %min3A_27 = arith.constant 9 : i32
    %min3A_28 = arith.minsi %min3A, %min3A_27 : i32
    %mul3A_29 = arith.constant 8 : i32
    %mul3A_30 = arith.muli %min3A_28, %mul3A_29 : i32
    %dma_start3A = arith.constant 0 : i32
    %dma_start3A_31 = tpu.memref_slice %arg3[%add3A, %mul3A_30, %dma_start3A] : memref<32x80x128xi32, #tpu.memory_space<hbm>> -> memref<1x8x128xi32, #tpu.memory_space<hbm>>
    %dma_start3A_32 = tpu.memref_squeeze %dma_start3A_31 : memref<1x8x128xi32, #tpu.memory_space<hbm>> -> memref<8x128xi32, #tpu.memory_space<hbm>>
    %dma_start3A_33 = arith.constant 0 : i32
    %dma_start3A_34 = tpu.memref_slice %arg3[%add3A, %mul3A_30, %dma_start3A_33] : memref<32x80x128xi32, #tpu.memory_space<hbm>> -> memref<1x8x128xi32, #tpu.memory_space<hbm>>
    %dma_start3A_35 = tpu.memref_squeeze %dma_start3A_34 : memref<1x8x128xi32, #tpu.memory_space<hbm>> -> memref<8x128xi32, #tpu.memory_space<hbm>>
    tpu.enqueue_dma source(%dma_start3A_35 : memref<8x128xi32, #tpu.memory_space<hbm>>) target(%arg8 : memref<8x128xi32, #tpu.memory_space<vmem>>) target_semaphore(%arg15 : memref<!tpu.dma_semaphore, #tpu.memory_space<semaphore_mem>>)
    %mul3A_36 = arith.constant 8 : i32
    %mul3A_37 = arith.muli %min3A_28, %mul3A_36 : i32
    %dma_start3A_38 = arith.constant 0 : i32
    %dma_start3A_39 = tpu.memref_slice %arg4[%add3A, %mul3A_37, %dma_start3A_38] : memref<32x80x128xi32, #tpu.memory_space<hbm>> -> memref<1x8x128xi32, #tpu.memory_space<hbm>>
    %dma_start3A_40 = tpu.memref_squeeze %dma_start3A_39 : memref<1x8x128xi32, #tpu.memory_space<hbm>> -> memref<8x128xi32, #tpu.memory_space<hbm>>
    %dma_start3A_41 = arith.constant 0 : i32
    %dma_start3A_42 = tpu.memref_slice %arg4[%add3A, %mul3A_37, %dma_start3A_41] : memref<32x80x128xi32, #tpu.memory_space<hbm>> -> memref<1x8x128xi32, #tpu.memory_space<hbm>>
    %dma_start3A_43 = tpu.memref_squeeze %dma_start3A_42 : memref<1x8x128xi32, #tpu.memory_space<hbm>> -> memref<8x128xi32, #tpu.memory_space<hbm>>
    tpu.enqueue_dma source(%dma_start3A_43 : memref<8x128xi32, #tpu.memory_space<hbm>>) target(%arg9 : memref<8x128xi32, #tpu.memory_space<vmem>>) target_semaphore(%arg16 : memref<!tpu.dma_semaphore, #tpu.memory_space<semaphore_mem>>)
    %dma_start3A_44 = arith.constant 0 : i32
    %dma_start3A_45 = arith.constant 0 : i32
    %dma_start3A_46 = tpu.memref_slice %arg6[%dma_start3A_44, %dma_start3A_45] : memref<8x128xi32, #tpu.memory_space<vmem>> -> memref<1x128xi32, #tpu.memory_space<vmem>>
    %dma_start3A_47 = tpu.memref_squeeze %dma_start3A_46 : memref<1x128xi32, #tpu.memory_space<vmem>> -> memref<128xi32, #tpu.memory_space<vmem>>
    %dma_start3A_48 = arith.constant 0 : i32
    %dma_start3A_49 = arith.constant 0 : i32
    %dma_start3A_50 = tpu.memref_slice %arg2[%dma_start3A_48, %dma_start3A_49] : memref<10000x128xf32, #tpu.memory_space<hbm>> -> memref<10000x128xf32, #tpu.memory_space<hbm>>
    tpu.enqueue_indirect_dma source(%dma_start3A_50 : memref<10000x128xf32, #tpu.memory_space<hbm>>) target(%arg10 : memref<128x128xf32, #tpu.memory_space<vmem>>) offsets(%dma_start3A_47 : memref<128xi32, #tpu.memory_space<vmem>>) semaphore(%arg13 : memref<!tpu.dma_semaphore, #tpu.memory_space<semaphore_mem>>)
    %scan3A_51 = arith.constant 0 : i32
    %scan3A_52 = arith.constant 0 : i32
    %scan3A_53 = arith.constant 5 : i32
    %scan3A_54 = arith.addi %scan3A_52, %scan3A_53 : i32
    %scan3A_55 = arith.constant 1 : i32
    scf.for %scan3A_82 = %scan3A_52 to %scan3A_54 step %scan3A_55  : i32 {
      %mul3A_83 = arith.constant 2 : i32
      %mul3A_84 = arith.muli %scan3A_82, %mul3A_83 : i32
      %dma_start3A_85 = arith.constant 1 : i32
      %dma_start3A_86 = arith.constant 0 : i32
      %dma_start3A_87 = tpu.memref_slice %arg6[%dma_start3A_85, %dma_start3A_86] : memref<8x128xi32, #tpu.memory_space<vmem>> -> memref<1x128xi32, #tpu.memory_space<vmem>>
      %dma_start3A_88 = tpu.memref_squeeze %dma_start3A_87 : memref<1x128xi32, #tpu.memory_space<vmem>> -> memref<128xi32, #tpu.memory_space<vmem>>
      %dma_start3A_89 = arith.constant 0 : i32
      %dma_start3A_90 = arith.constant 0 : i32
      %dma_start3A_91 = tpu.memref_slice %arg2[%dma_start3A_89, %dma_start3A_90] : memref<10000x128xf32, #tpu.memory_space<hbm>> -> memref<10000x128xf32, #tpu.memory_space<hbm>>
      tpu.enqueue_indirect_dma source(%dma_start3A_91 : memref<10000x128xf32, #tpu.memory_space<hbm>>) target(%arg11 : memref<128x128xf32, #tpu.memory_space<vmem>>) offsets(%dma_start3A_88 : memref<128xi32, #tpu.memory_space<vmem>>) semaphore(%arg14 : memref<!tpu.dma_semaphore, #tpu.memory_space<semaphore_mem>>)
      %dma_wait3A_92 = arith.constant 0 : i32
      %dma_wait3A_93 = arith.constant 0 : i32
      %dma_wait3A_94 = tpu.memref_slice %arg6[%dma_wait3A_92, %dma_wait3A_93] : memref<8x128xi32, #tpu.memory_space<vmem>> -> memref<1x128xi32, #tpu.memory_space<vmem>>
      %dma_wait3A_95 = tpu.memref_squeeze %dma_wait3A_94 : memref<1x128xi32, #tpu.memory_space<vmem>> -> memref<128xi32, #tpu.memory_space<vmem>>
      %dma_wait3A_96 = arith.constant 0 : i32
      %dma_wait3A_97 = arith.constant 0 : i32
      %dma_wait3A_98 = tpu.memref_slice %arg2[%dma_wait3A_96, %dma_wait3A_97] : memref<10000x128xf32, #tpu.memory_space<hbm>> -> memref<10000x128xf32, #tpu.memory_space<hbm>>
      tpu.wait_indirect_dma semaphore(%arg13 : memref<!tpu.dma_semaphore, #tpu.memory_space<semaphore_mem>>) src(%dma_wait3A_98 : memref<10000x128xf32, #tpu.memory_space<hbm>>) dst(%arg10 : memref<128x128xf32, #tpu.memory_space<vmem>>)
      %dma_start3A_99 = arith.constant 0 : i32
      %dma_start3A_100 = arith.constant 0 : i32
      %dma_start3A_101 = tpu.memref_slice %arg7[%dma_start3A_99, %dma_start3A_100] : memref<8x128xi32, #tpu.memory_space<vmem>> -> memref<1x128xi32, #tpu.memory_space<vmem>>
      %dma_start3A_102 = tpu.memref_squeeze %dma_start3A_101 : memref<1x128xi32, #tpu.memory_space<vmem>> -> memref<128xi32, #tpu.memory_space<vmem>>
      %dma_start3A_103 = arith.constant 0 : i32
      %dma_start3A_104 = arith.constant 0 : i32
      %dma_start3A_105 = tpu.memref_slice %arg12[%dma_start3A_103, %dma_start3A_104] : memref<10240x128xf32, #tpu.memory_space<vmem_shared>> -> memref<10240x128xf32, #tpu.memory_space<vmem_shared>>
      tpu.enqueue_indirect_dma source(%arg10 : memref<128x128xf32, #tpu.memory_space<vmem>>) target(%dma_start3A_105 : memref<10240x128xf32, #tpu.memory_space<vmem_shared>>) offsets(%dma_start3A_102 : memref<128xi32, #tpu.memory_space<vmem>>) semaphore(%arg17 : memref<!tpu.dma_semaphore, #tpu.memory_space<semaphore_mem>>) {add = true}
      %dma_wait3A_106 = arith.constant 0 : i32
      %dma_wait3A_107 = arith.constant 0 : i32
      %dma_wait3A_108 = tpu.memref_slice %arg7[%dma_wait3A_106, %dma_wait3A_107] : memref<8x128xi32, #tpu.memory_space<vmem>> -> memref<1x128xi32, #tpu.memory_space<vmem>>
      %dma_wait3A_109 = tpu.memref_squeeze %dma_wait3A_108 : memref<1x128xi32, #tpu.memory_space<vmem>> -> memref<128xi32, #tpu.memory_space<vmem>>
      %dma_wait3A_110 = arith.constant 0 : i32
      %dma_wait3A_111 = arith.constant 0 : i32
      %dma_wait3A_112 = tpu.memref_slice %arg12[%dma_wait3A_110, %dma_wait3A_111] : memref<10240x128xf32, #tpu.memory_space<vmem_shared>> -> memref<10240x128xf32, #tpu.memory_space<vmem_shared>>
      tpu.wait_indirect_dma semaphore(%arg17 : memref<!tpu.dma_semaphore, #tpu.memory_space<semaphore_mem>>) src(%arg10 : memref<128x128xf32, #tpu.memory_space<vmem>>) dst(%dma_wait3A_112 : memref<10240x128xf32, #tpu.memory_space<vmem_shared>>)
      %dma_start3A_113 = arith.constant 2 : i32
      %dma_start3A_114 = arith.constant 0 : i32
      %dma_start3A_115 = tpu.memref_slice %arg6[%dma_start3A_113, %dma_start3A_114] : memref<8x128xi32, #tpu.memory_space<vmem>> -> memref<1x128xi32, #tpu.memory_space<vmem>>
      %dma_start3A_116 = tpu.memref_squeeze %dma_start3A_115 : memref<1x128xi32, #tpu.memory_space<vmem>> -> memref<128xi32, #tpu.memory_space<vmem>>
      %dma_start3A_117 = arith.constant 0 : i32
      %dma_start3A_118 = arith.constant 0 : i32
      %dma_start3A_119 = tpu.memref_slice %arg2[%dma_start3A_117, %dma_start3A_118] : memref<10000x128xf32, #tpu.memory_space<hbm>> -> memref<10000x128xf32, #tpu.memory_space<hbm>>
      tpu.enqueue_indirect_dma source(%dma_start3A_119 : memref<10000x128xf32, #tpu.memory_space<hbm>>) target(%arg10 : memref<128x128xf32, #tpu.memory_space<vmem>>) offsets(%dma_start3A_116 : memref<128xi32, #tpu.memory_space<vmem>>) semaphore(%arg13 : memref<!tpu.dma_semaphore, #tpu.memory_space<semaphore_mem>>)
      %dma_wait3A_120 = arith.constant 1 : i32
      %dma_wait3A_121 = arith.constant 0 : i32
      %dma_wait3A_122 = tpu.memref_slice %arg6[%dma_wait3A_120, %dma_wait3A_121] : memref<8x128xi32, #tpu.memory_space<vmem>> -> memref<1x128xi32, #tpu.memory_space<vmem>>
      %dma_wait3A_123 = tpu.memref_squeeze %dma_wait3A_122 : memref<1x128xi32, #tpu.memory_space<vmem>> -> memref<128xi32, #tpu.memory_space<vmem>>
      %dma_wait3A_124 = arith.constant 0 : i32
      %dma_wait3A_125 = arith.constant 0 : i32
      %dma_wait3A_126 = tpu.memref_slice %arg2[%dma_wait3A_124, %dma_wait3A_125] : memref<10000x128xf32, #tpu.memory_space<hbm>> -> memref<10000x128xf32, #tpu.memory_space<hbm>>
      tpu.wait_indirect_dma semaphore(%arg14 : memref<!tpu.dma_semaphore, #tpu.memory_space<semaphore_mem>>) src(%dma_wait3A_126 : memref<10000x128xf32, #tpu.memory_space<hbm>>) dst(%arg11 : memref<128x128xf32, #tpu.memory_space<vmem>>)
      %dma_start3A_127 = arith.constant 1 : i32
      %dma_start3A_128 = arith.constant 0 : i32
      %dma_start3A_129 = tpu.memref_slice %arg7[%dma_start3A_127, %dma_start3A_128] : memref<8x128xi32, #tpu.memory_space<vmem>> -> memref<1x128xi32, #tpu.memory_space<vmem>>
      %dma_start3A_130 = tpu.memref_squeeze %dma_start3A_129 : memref<1x128xi32, #tpu.memory_space<vmem>> -> memref<128xi32, #tpu.memory_space<vmem>>
      %dma_start3A_131 = arith.constant 0 : i32
      %dma_start3A_132 = arith.constant 0 : i32
      %dma_start3A_133 = tpu.memref_slice %arg12[%dma_start3A_131, %dma_start3A_132] : memref<10240x128xf32, #tpu.memory_space<vmem_shared>> -> memref<10240x128xf32, #tpu.memory_space<vmem_shared>>
      tpu.enqueue_indirect_dma source(%arg11 : memref<128x128xf32, #tpu.memory_space<vmem>>) target(%dma_start3A_133 : memref<10240x128xf32, #tpu.memory_space<vmem_shared>>) offsets(%dma_start3A_130 : memref<128xi32, #tpu.memory_space<vmem>>) semaphore(%arg17 : memref<!tpu.dma_semaphore, #tpu.memory_space<semaphore_mem>>) {add = true}
      %dma_wait3A_134 = arith.constant 1 : i32
      %dma_wait3A_135 = arith.constant 0 : i32
      %dma_wait3A_136 = tpu.memref_slice %arg7[%dma_wait3A_134, %dma_wait3A_135] : memref<8x128xi32, #tpu.memory_space<vmem>> -> memref<1x128xi32, #tpu.memory_space<vmem>>
      %dma_wait3A_137 = tpu.memref_squeeze %dma_wait3A_136 : memref<1x128xi32, #tpu.memory_space<vmem>> -> memref<128xi32, #tpu.memory_space<vmem>>
      %dma_wait3A_138 = arith.constant 0 : i32
      %dma_wait3A_139 = arith.constant 0 : i32
      %dma_wait3A_140 = tpu.memref_slice %arg12[%dma_wait3A_138, %dma_wait3A_139] : memref<10240x128xf32, #tpu.memory_space<vmem_shared>> -> memref<10240x128xf32, #tpu.memory_space<vmem_shared>>
      tpu.wait_indirect_dma semaphore(%arg17 : memref<!tpu.dma_semaphore, #tpu.memory_space<semaphore_mem>>) src(%arg11 : memref<128x128xf32, #tpu.memory_space<vmem>>) dst(%dma_wait3A_140 : memref<10240x128xf32, #tpu.memory_space<vmem_shared>>)
      %dma_start3A_141 = arith.constant 3 : i32
      %dma_start3A_142 = arith.constant 0 : i32
      %dma_start3A_143 = tpu.memref_slice %arg6[%dma_start3A_141, %dma_start3A_142] : memref<8x128xi32, #tpu.memory_space<vmem>> -> memref<1x128xi32, #tpu.memory_space<vmem>>
      %dma_start3A_144 = tpu.memref_squeeze %dma_start3A_143 : memref<1x128xi32, #tpu.memory_space<vmem>> -> memref<128xi32, #tpu.memory_space<vmem>>
      %dma_start3A_145 = arith.constant 0 : i32
      %dma_start3A_146 = arith.constant 0 : i32
      %dma_start3A_147 = tpu.memref_slice %arg2[%dma_start3A_145, %dma_start3A_146] : memref<10000x128xf32, #tpu.memory_space<hbm>> -> memref<10000x128xf32, #tpu.memory_space<hbm>>
      tpu.enqueue_indirect_dma source(%dma_start3A_147 : memref<10000x128xf32, #tpu.memory_space<hbm>>) target(%arg11 : memref<128x128xf32, #tpu.memory_space<vmem>>) offsets(%dma_start3A_144 : memref<128xi32, #tpu.memory_space<vmem>>) semaphore(%arg14 : memref<!tpu.dma_semaphore, #tpu.memory_space<semaphore_mem>>)
      %dma_wait3A_148 = arith.constant 2 : i32
      %dma_wait3A_149 = arith.constant 0 : i32
      %dma_wait3A_150 = tpu.memref_slice %arg6[%dma_wait3A_148, %dma_wait3A_149] : memref<8x128xi32, #tpu.memory_space<vmem>> -> memref<1x128xi32, #tpu.memory_space<vmem>>
      %dma_wait3A_151 = tpu.memref_squeeze %dma_wait3A_150 : memref<1x128xi32, #tpu.memory_space<vmem>> -> memref<128xi32, #tpu.memory_space<vmem>>
      %dma_wait3A_152 = arith.constant 0 : i32
      %dma_wait3A_153 = arith.constant 0 : i32
      %dma_wait3A_154 = tpu.memref_slice %arg2[%dma_wait3A_152, %dma_wait3A_153] : memref<10000x128xf32, #tpu.memory_space<hbm>> -> memref<10000x128xf32, #tpu.memory_space<hbm>>
      tpu.wait_indirect_dma semaphore(%arg13 : memref<!tpu.dma_semaphore, #tpu.memory_space<semaphore_mem>>) src(%dma_wait3A_154 : memref<10000x128xf32, #tpu.memory_space<hbm>>) dst(%arg10 : memref<128x128xf32, #tpu.memory_space<vmem>>)
      %dma_start3A_155 = arith.constant 2 : i32
      %dma_start3A_156 = arith.constant 0 : i32
      %dma_start3A_157 = tpu.memref_slice %arg7[%dma_start3A_155, %dma_start3A_156] : memref<8x128xi32, #tpu.memory_space<vmem>> -> memref<1x128xi32, #tpu.memory_space<vmem>>
      %dma_start3A_158 = tpu.memref_squeeze %dma_start3A_157 : memref<1x128xi32, #tpu.memory_space<vmem>> -> memref<128xi32, #tpu.memory_space<vmem>>
      %dma_start3A_159 = arith.constant 0 : i32
      %dma_start3A_160 = arith.constant 0 : i32
      %dma_start3A_161 = tpu.memref_slice %arg12[%dma_start3A_159, %dma_start3A_160] : memref<10240x128xf32, #tpu.memory_space<vmem_shared>> -> memref<10240x128xf32, #tpu.memory_space<vmem_shared>>
      tpu.enqueue_indirect_dma source(%arg10 : memref<128x128xf32, #tpu.memory_space<vmem>>) target(%dma_start3A_161 : memref<10240x128xf32, #tpu.memory_space<vmem_shared>>) offsets(%dma_start3A_158 : memref<128xi32, #tpu.memory_space<vmem>>) semaphore(%arg17 : memref<!tpu.dma_semaphore, #tpu.memory_space<semaphore_mem>>) {add = true}
      %dma_wait3A_162 = arith.constant 2 : i32
      %dma_wait3A_163 = arith.constant 0 : i32
      %dma_wait3A_164 = tpu.memref_slice %arg7[%dma_wait3A_162, %dma_wait3A_163] : memref<8x128xi32, #tpu.memory_space<vmem>> -> memref<1x128xi32, #tpu.memory_space<vmem>>
      %dma_wait3A_165 = tpu.memref_squeeze %dma_wait3A_164 : memref<1x128xi32, #tpu.memory_space<vmem>> -> memref<128xi32, #tpu.memory_space<vmem>>
      %dma_wait3A_166 = arith.constant 0 : i32
      %dma_wait3A_167 = arith.constant 0 : i32
      %dma_wait3A_168 = tpu.memref_slice %arg12[%dma_wait3A_166, %dma_wait3A_167] : memref<10240x128xf32, #tpu.memory_space<vmem_shared>> -> memref<10240x128xf32, #tpu.memory_space<vmem_shared>>
      tpu.wait_indirect_dma semaphore(%arg17 : memref<!tpu.dma_semaphore, #tpu.memory_space<semaphore_mem>>) src(%arg10 : memref<128x128xf32, #tpu.memory_space<vmem>>) dst(%dma_wait3A_168 : memref<10240x128xf32, #tpu.memory_space<vmem_shared>>)
      %dma_start3A_169 = arith.constant 4 : i32
      %dma_start3A_170 = arith.constant 0 : i32
      %dma_start3A_171 = tpu.memref_slice %arg6[%dma_start3A_169, %dma_start3A_170] : memref<8x128xi32, #tpu.memory_space<vmem>> -> memref<1x128xi32, #tpu.memory_space<vmem>>
      %dma_start3A_172 = tpu.memref_squeeze %dma_start3A_171 : memref<1x128xi32, #tpu.memory_space<vmem>> -> memref<128xi32, #tpu.memory_space<vmem>>
      %dma_start3A_173 = arith.constant 0 : i32
      %dma_start3A_174 = arith.constant 0 : i32
      %dma_start3A_175 = tpu.memref_slice %arg2[%dma_start3A_173, %dma_start3A_174] : memref<10000x128xf32, #tpu.memory_space<hbm>> -> memref<10000x128xf32, #tpu.memory_space<hbm>>
      tpu.enqueue_indirect_dma source(%dma_start3A_175 : memref<10000x128xf32, #tpu.memory_space<hbm>>) target(%arg10 : memref<128x128xf32, #tpu.memory_space<vmem>>) offsets(%dma_start3A_172 : memref<128xi32, #tpu.memory_space<vmem>>) semaphore(%arg13 : memref<!tpu.dma_semaphore, #tpu.memory_space<semaphore_mem>>)
      %dma_wait3A_176 = arith.constant 3 : i32
      %dma_wait3A_177 = arith.constant 0 : i32
      %dma_wait3A_178 = tpu.memref_slice %arg6[%dma_wait3A_176, %dma_wait3A_177] : memref<8x128xi32, #tpu.memory_space<vmem>> -> memref<1x128xi32, #tpu.memory_space<vmem>>
      %dma_wait3A_179 = tpu.memref_squeeze %dma_wait3A_178 : memref<1x128xi32, #tpu.memory_space<vmem>> -> memref<128xi32, #tpu.memory_space<vmem>>
      %dma_wait3A_180 = arith.constant 0 : i32
      %dma_wait3A_181 = arith.constant 0 : i32
      %dma_wait3A_182 = tpu.memref_slice %arg2[%dma_wait3A_180, %dma_wait3A_181] : memref<10000x128xf32, #tpu.memory_space<hbm>> -> memref<10000x128xf32, #tpu.memory_space<hbm>>
      tpu.wait_indirect_dma semaphore(%arg14 : memref<!tpu.dma_semaphore, #tpu.memory_space<semaphore_mem>>) src(%dma_wait3A_182 : memref<10000x128xf32, #tpu.memory_space<hbm>>) dst(%arg11 : memref<128x128xf32, #tpu.memory_space<vmem>>)
      %dma_start3A_183 = arith.constant 3 : i32
      %dma_start3A_184 = arith.constant 0 : i32
      %dma_start3A_185 = tpu.memref_slice %arg7[%dma_start3A_183, %dma_start3A_184] : memref<8x128xi32, #tpu.memory_space<vmem>> -> memref<1x128xi32, #tpu.memory_space<vmem>>
      %dma_start3A_186 = tpu.memref_squeeze %dma_start3A_185 : memref<1x128xi32, #tpu.memory_space<vmem>> -> memref<128xi32, #tpu.memory_space<vmem>>
      %dma_start3A_187 = arith.constant 0 : i32
      %dma_start3A_188 = arith.constant 0 : i32
      %dma_start3A_189 = tpu.memref_slice %arg12[%dma_start3A_187, %dma_start3A_188] : memref<10240x128xf32, #tpu.memory_space<vmem_shared>> -> memref<10240x128xf32, #tpu.memory_space<vmem_shared>>
      tpu.enqueue_indirect_dma source(%arg11 : memref<128x128xf32, #tpu.memory_space<vmem>>) target(%dma_start3A_189 : memref<10240x128xf32, #tpu.memory_space<vmem_shared>>) offsets(%dma_start3A_186 : memref<128xi32, #tpu.memory_space<vmem>>) semaphore(%arg17 : memref<!tpu.dma_semaphore, #tpu.memory_space<semaphore_mem>>) {add = true}
      %dma_wait3A_190 = arith.constant 3 : i32
      %dma_wait3A_191 = arith.constant 0 : i32
      %dma_wait3A_192 = tpu.memref_slice %arg7[%dma_wait3A_190, %dma_wait3A_191] : memref<8x128xi32, #tpu.memory_space<vmem>> -> memref<1x128xi32, #tpu.memory_space<vmem>>
      %dma_wait3A_193 = tpu.memref_squeeze %dma_wait3A_192 : memref<1x128xi32, #tpu.memory_space<vmem>> -> memref<128xi32, #tpu.memory_space<vmem>>
      %dma_wait3A_194 = arith.constant 0 : i32
      %dma_wait3A_195 = arith.constant 0 : i32
      %dma_wait3A_196 = tpu.memref_slice %arg12[%dma_wait3A_194, %dma_wait3A_195] : memref<10240x128xf32, #tpu.memory_space<vmem_shared>> -> memref<10240x128xf32, #tpu.memory_space<vmem_shared>>
      tpu.wait_indirect_dma semaphore(%arg17 : memref<!tpu.dma_semaphore, #tpu.memory_space<semaphore_mem>>) src(%arg11 : memref<128x128xf32, #tpu.memory_space<vmem>>) dst(%dma_wait3A_196 : memref<10240x128xf32, #tpu.memory_space<vmem_shared>>)
      %dma_start3A_197 = arith.constant 5 : i32
      %dma_start3A_198 = arith.constant 0 : i32
      %dma_start3A_199 = tpu.memref_slice %arg6[%dma_start3A_197, %dma_start3A_198] : memref<8x128xi32, #tpu.memory_space<vmem>> -> memref<1x128xi32, #tpu.memory_space<vmem>>
      %dma_start3A_200 = tpu.memref_squeeze %dma_start3A_199 : memref<1x128xi32, #tpu.memory_space<vmem>> -> memref<128xi32, #tpu.memory_space<vmem>>
      %dma_start3A_201 = arith.constant 0 : i32
      %dma_start3A_202 = arith.constant 0 : i32
      %dma_start3A_203 = tpu.memref_slice %arg2[%dma_start3A_201, %dma_start3A_202] : memref<10000x128xf32, #tpu.memory_space<hbm>> -> memref<10000x128xf32, #tpu.memory_space<hbm>>
      tpu.enqueue_indirect_dma source(%dma_start3A_203 : memref<10000x128xf32, #tpu.memory_space<hbm>>) target(%arg11 : memref<128x128xf32, #tpu.memory_space<vmem>>) offsets(%dma_start3A_200 : memref<128xi32, #tpu.memory_space<vmem>>) semaphore(%arg14 : memref<!tpu.dma_semaphore, #tpu.memory_space<semaphore_mem>>)
      %dma_wait3A_204 = arith.constant 4 : i32
      %dma_wait3A_205 = arith.constant 0 : i32
      %dma_wait3A_206 = tpu.memref_slice %arg6[%dma_wait3A_204, %dma_wait3A_205] : memref<8x128xi32, #tpu.memory_space<vmem>> -> memref<1x128xi32, #tpu.memory_space<vmem>>
      %dma_wait3A_207 = tpu.memref_squeeze %dma_wait3A_206 : memref<1x128xi32, #tpu.memory_space<vmem>> -> memref<128xi32, #tpu.memory_space<vmem>>
      %dma_wait3A_208 = arith.constant 0 : i32
      %dma_wait3A_209 = arith.constant 0 : i32
      %dma_wait3A_210 = tpu.memref_slice %arg2[%dma_wait3A_208, %dma_wait3A_209] : memref<10000x128xf32, #tpu.memory_space<hbm>> -> memref<10000x128xf32, #tpu.memory_space<hbm>>
      tpu.wait_indirect_dma semaphore(%arg13 : memref<!tpu.dma_semaphore, #tpu.memory_space<semaphore_mem>>) src(%dma_wait3A_210 : memref<10000x128xf32, #tpu.memory_space<hbm>>) dst(%arg10 : memref<128x128xf32, #tpu.memory_space<vmem>>)
      %dma_start3A_211 = arith.constant 4 : i32
      %dma_start3A_212 = arith.constant 0 : i32
      %dma_start3A_213 = tpu.memref_slice %arg7[%dma_start3A_211, %dma_start3A_212] : memref<8x128xi32, #tpu.memory_space<vmem>> -> memref<1x128xi32, #tpu.memory_space<vmem>>
      %dma_start3A_214 = tpu.memref_squeeze %dma_start3A_213 : memref<1x128xi32, #tpu.memory_space<vmem>> -> memref<128xi32, #tpu.memory_space<vmem>>
      %dma_start3A_215 = arith.constant 0 : i32
      %dma_start3A_216 = arith.constant 0 : i32
      %dma_start3A_217 = tpu.memref_slice %arg12[%dma_start3A_215, %dma_start3A_216] : memref<10240x128xf32, #tpu.memory_space<vmem_shared>> -> memref<10240x128xf32, #tpu.memory_space<vmem_shared>>
      tpu.enqueue_indirect_dma source(%arg10 : memref<128x128xf32, #tpu.memory_space<vmem>>) target(%dma_start3A_217 : memref<10240x128xf32, #tpu.memory_space<vmem_shared>>) offsets(%dma_start3A_214 : memref<128xi32, #tpu.memory_space<vmem>>) semaphore(%arg17 : memref<!tpu.dma_semaphore, #tpu.memory_space<semaphore_mem>>) {add = true}
      %dma_wait3A_218 = arith.constant 4 : i32
      %dma_wait3A_219 = arith.constant 0 : i32
      %dma_wait3A_220 = tpu.memref_slice %arg7[%dma_wait3A_218, %dma_wait3A_219] : memref<8x128xi32, #tpu.memory_space<vmem>> -> memref<1x128xi32, #tpu.memory_space<vmem>>
      %dma_wait3A_221 = tpu.memref_squeeze %dma_wait3A_220 : memref<1x128xi32, #tpu.memory_space<vmem>> -> memref<128xi32, #tpu.memory_space<vmem>>
      %dma_wait3A_222 = arith.constant 0 : i32
      %dma_wait3A_223 = arith.constant 0 : i32
      %dma_wait3A_224 = tpu.memref_slice %arg12[%dma_wait3A_222, %dma_wait3A_223] : memref<10240x128xf32, #tpu.memory_space<vmem_shared>> -> memref<10240x128xf32, #tpu.memory_space<vmem_shared>>
      tpu.wait_indirect_dma semaphore(%arg17 : memref<!tpu.dma_semaphore, #tpu.memory_space<semaphore_mem>>) src(%arg10 : memref<128x128xf32, #tpu.memory_space<vmem>>) dst(%dma_wait3A_224 : memref<10240x128xf32, #tpu.memory_space<vmem_shared>>)
      %dma_start3A_225 = arith.constant 6 : i32
      %dma_start3A_226 = arith.constant 0 : i32
      %dma_start3A_227 = tpu.memref_slice %arg6[%dma_start3A_225, %dma_start3A_226] : memref<8x128xi32, #tpu.memory_space<vmem>> -> memref<1x128xi32, #tpu.memory_space<vmem>>
      %dma_start3A_228 = tpu.memref_squeeze %dma_start3A_227 : memref<1x128xi32, #tpu.memory_space<vmem>> -> memref<128xi32, #tpu.memory_space<vmem>>
      %dma_start3A_229 = arith.constant 0 : i32
      %dma_start3A_230 = arith.constant 0 : i32
      %dma_start3A_231 = tpu.memref_slice %arg2[%dma_start3A_229, %dma_start3A_230] : memref<10000x128xf32, #tpu.memory_space<hbm>> -> memref<10000x128xf32, #tpu.memory_space<hbm>>
      tpu.enqueue_indirect_dma source(%dma_start3A_231 : memref<10000x128xf32, #tpu.memory_space<hbm>>) target(%arg10 : memref<128x128xf32, #tpu.memory_space<vmem>>) offsets(%dma_start3A_228 : memref<128xi32, #tpu.memory_space<vmem>>) semaphore(%arg13 : memref<!tpu.dma_semaphore, #tpu.memory_space<semaphore_mem>>)
      %dma_wait3A_232 = arith.constant 5 : i32
      %dma_wait3A_233 = arith.constant 0 : i32
      %dma_wait3A_234 = tpu.memref_slice %arg6[%dma_wait3A_232, %dma_wait3A_233] : memref<8x128xi32, #tpu.memory_space<vmem>> -> memref<1x128xi32, #tpu.memory_space<vmem>>
      %dma_wait3A_235 = tpu.memref_squeeze %dma_wait3A_234 : memref<1x128xi32, #tpu.memory_space<vmem>> -> memref<128xi32, #tpu.memory_space<vmem>>
      %dma_wait3A_236 = arith.constant 0 : i32
      %dma_wait3A_237 = arith.constant 0 : i32
      %dma_wait3A_238 = tpu.memref_slice %arg2[%dma_wait3A_236, %dma_wait3A_237] : memref<10000x128xf32, #tpu.memory_space<hbm>> -> memref<10000x128xf32, #tpu.memory_space<hbm>>
      tpu.wait_indirect_dma semaphore(%arg14 : memref<!tpu.dma_semaphore, #tpu.memory_space<semaphore_mem>>) src(%dma_wait3A_238 : memref<10000x128xf32, #tpu.memory_space<hbm>>) dst(%arg11 : memref<128x128xf32, #tpu.memory_space<vmem>>)
      %dma_start3A_239 = arith.constant 5 : i32
      %dma_start3A_240 = arith.constant 0 : i32
      %dma_start3A_241 = tpu.memref_slice %arg7[%dma_start3A_239, %dma_start3A_240] : memref<8x128xi32, #tpu.memory_space<vmem>> -> memref<1x128xi32, #tpu.memory_space<vmem>>
      %dma_start3A_242 = tpu.memref_squeeze %dma_start3A_241 : memref<1x128xi32, #tpu.memory_space<vmem>> -> memref<128xi32, #tpu.memory_space<vmem>>
      %dma_start3A_243 = arith.constant 0 : i32
      %dma_start3A_244 = arith.constant 0 : i32
      %dma_start3A_245 = tpu.memref_slice %arg12[%dma_start3A_243, %dma_start3A_244] : memref<10240x128xf32, #tpu.memory_space<vmem_shared>> -> memref<10240x128xf32, #tpu.memory_space<vmem_shared>>
      tpu.enqueue_indirect_dma source(%arg11 : memref<128x128xf32, #tpu.memory_space<vmem>>) target(%dma_start3A_245 : memref<10240x128xf32, #tpu.memory_space<vmem_shared>>) offsets(%dma_start3A_242 : memref<128xi32, #tpu.memory_space<vmem>>) semaphore(%arg17 : memref<!tpu.dma_semaphore, #tpu.memory_space<semaphore_mem>>) {add = true}
      %dma_wait3A_246 = arith.constant 5 : i32
      %dma_wait3A_247 = arith.constant 0 : i32
      %dma_wait3A_248 = tpu.memref_slice %arg7[%dma_wait3A_246, %dma_wait3A_247] : memref<8x128xi32, #tpu.memory_space<vmem>> -> memref<1x128xi32, #tpu.memory_space<vmem>>
      %dma_wait3A_249 = tpu.memref_squeeze %dma_wait3A_248 : memref<1x128xi32, #tpu.memory_space<vmem>> -> memref<128xi32, #tpu.memory_space<vmem>>
      %dma_wait3A_250 = arith.constant 0 : i32
      %dma_wait3A_251 = arith.constant 0 : i32
      %dma_wait3A_252 = tpu.memref_slice %arg12[%dma_wait3A_250, %dma_wait3A_251] : memref<10240x128xf32, #tpu.memory_space<vmem_shared>> -> memref<10240x128xf32, #tpu.memory_space<vmem_shared>>
      tpu.wait_indirect_dma semaphore(%arg17 : memref<!tpu.dma_semaphore, #tpu.memory_space<semaphore_mem>>) src(%arg11 : memref<128x128xf32, #tpu.memory_space<vmem>>) dst(%dma_wait3A_252 : memref<10240x128xf32, #tpu.memory_space<vmem_shared>>)
      %dma_start3A_253 = arith.constant 7 : i32
      %dma_start3A_254 = arith.constant 0 : i32
      %dma_start3A_255 = tpu.memref_slice %arg6[%dma_start3A_253, %dma_start3A_254] : memref<8x128xi32, #tpu.memory_space<vmem>> -> memref<1x128xi32, #tpu.memory_space<vmem>>
      %dma_start3A_256 = tpu.memref_squeeze %dma_start3A_255 : memref<1x128xi32, #tpu.memory_space<vmem>> -> memref<128xi32, #tpu.memory_space<vmem>>
      %dma_start3A_257 = arith.constant 0 : i32
      %dma_start3A_258 = arith.constant 0 : i32
      %dma_start3A_259 = tpu.memref_slice %arg2[%dma_start3A_257, %dma_start3A_258] : memref<10000x128xf32, #tpu.memory_space<hbm>> -> memref<10000x128xf32, #tpu.memory_space<hbm>>
      tpu.enqueue_indirect_dma source(%dma_start3A_259 : memref<10000x128xf32, #tpu.memory_space<hbm>>) target(%arg11 : memref<128x128xf32, #tpu.memory_space<vmem>>) offsets(%dma_start3A_256 : memref<128xi32, #tpu.memory_space<vmem>>) semaphore(%arg14 : memref<!tpu.dma_semaphore, #tpu.memory_space<semaphore_mem>>)
      %dma_wait3A_260 = arith.constant 6 : i32
      %dma_wait3A_261 = arith.constant 0 : i32
      %dma_wait3A_262 = tpu.memref_slice %arg6[%dma_wait3A_260, %dma_wait3A_261] : memref<8x128xi32, #tpu.memory_space<vmem>> -> memref<1x128xi32, #tpu.memory_space<vmem>>
      %dma_wait3A_263 = tpu.memref_squeeze %dma_wait3A_262 : memref<1x128xi32, #tpu.memory_space<vmem>> -> memref<128xi32, #tpu.memory_space<vmem>>
      %dma_wait3A_264 = arith.constant 0 : i32
      %dma_wait3A_265 = arith.constant 0 : i32
      %dma_wait3A_266 = tpu.memref_slice %arg2[%dma_wait3A_264, %dma_wait3A_265] : memref<10000x128xf32, #tpu.memory_space<hbm>> -> memref<10000x128xf32, #tpu.memory_space<hbm>>
      tpu.wait_indirect_dma semaphore(%arg13 : memref<!tpu.dma_semaphore, #tpu.memory_space<semaphore_mem>>) src(%dma_wait3A_266 : memref<10000x128xf32, #tpu.memory_space<hbm>>) dst(%arg10 : memref<128x128xf32, #tpu.memory_space<vmem>>)
      %dma_start3A_267 = arith.constant 6 : i32
      %dma_start3A_268 = arith.constant 0 : i32
      %dma_start3A_269 = tpu.memref_slice %arg7[%dma_start3A_267, %dma_start3A_268] : memref<8x128xi32, #tpu.memory_space<vmem>> -> memref<1x128xi32, #tpu.memory_space<vmem>>
      %dma_start3A_270 = tpu.memref_squeeze %dma_start3A_269 : memref<1x128xi32, #tpu.memory_space<vmem>> -> memref<128xi32, #tpu.memory_space<vmem>>
      %dma_start3A_271 = arith.constant 0 : i32
      %dma_start3A_272 = arith.constant 0 : i32
      %dma_start3A_273 = tpu.memref_slice %arg12[%dma_start3A_271, %dma_start3A_272] : memref<10240x128xf32, #tpu.memory_space<vmem_shared>> -> memref<10240x128xf32, #tpu.memory_space<vmem_shared>>
      tpu.enqueue_indirect_dma source(%arg10 : memref<128x128xf32, #tpu.memory_space<vmem>>) target(%dma_start3A_273 : memref<10240x128xf32, #tpu.memory_space<vmem_shared>>) offsets(%dma_start3A_270 : memref<128xi32, #tpu.memory_space<vmem>>) semaphore(%arg17 : memref<!tpu.dma_semaphore, #tpu.memory_space<semaphore_mem>>) {add = true}
      %dma_wait3A_274 = arith.constant 6 : i32
      %dma_wait3A_275 = arith.constant 0 : i32
      %dma_wait3A_276 = tpu.memref_slice %arg7[%dma_wait3A_274, %dma_wait3A_275] : memref<8x128xi32, #tpu.memory_space<vmem>> -> memref<1x128xi32, #tpu.memory_space<vmem>>
      %dma_wait3A_277 = tpu.memref_squeeze %dma_wait3A_276 : memref<1x128xi32, #tpu.memory_space<vmem>> -> memref<128xi32, #tpu.memory_space<vmem>>
      %dma_wait3A_278 = arith.constant 0 : i32
      %dma_wait3A_279 = arith.constant 0 : i32
      %dma_wait3A_280 = tpu.memref_slice %arg12[%dma_wait3A_278, %dma_wait3A_279] : memref<10240x128xf32, #tpu.memory_space<vmem_shared>> -> memref<10240x128xf32, #tpu.memory_space<vmem_shared>>
      tpu.wait_indirect_dma semaphore(%arg17 : memref<!tpu.dma_semaphore, #tpu.memory_space<semaphore_mem>>) src(%arg10 : memref<128x128xf32, #tpu.memory_space<vmem>>) dst(%dma_wait3A_280 : memref<10240x128xf32, #tpu.memory_space<vmem_shared>>)
      %dma_wait3A_281 = arith.constant 0 : i32
      %dma_wait3A_282 = arith.constant 0 : i32
      %dma_wait3A_283 = tpu.memref_slice %arg3[%add3A, %dma_wait3A_281, %dma_wait3A_282] : memref<32x80x128xi32, #tpu.memory_space<hbm>> -> memref<1x8x128xi32, #tpu.memory_space<hbm>>
      %dma_wait3A_284 = tpu.memref_squeeze %dma_wait3A_283 : memref<1x8x128xi32, #tpu.memory_space<hbm>> -> memref<8x128xi32, #tpu.memory_space<hbm>>
      %dma_wait3A_285 = arith.constant 0 : i32
      %dma_wait3A_286 = arith.constant 0 : i32
      %dma_wait3A_287 = tpu.memref_slice %arg3[%add3A, %dma_wait3A_285, %dma_wait3A_286] : memref<32x80x128xi32, #tpu.memory_space<hbm>> -> memref<1x8x128xi32, #tpu.memory_space<hbm>>
      %dma_wait3A_288 = tpu.memref_squeeze %dma_wait3A_287 : memref<1x8x128xi32, #tpu.memory_space<hbm>> -> memref<8x128xi32, #tpu.memory_space<hbm>>
      tpu.wait_dma2 semaphore(%arg15 : memref<!tpu.dma_semaphore, #tpu.memory_space<semaphore_mem>>) src(%dma_wait3A_288 : memref<8x128xi32, #tpu.memory_space<hbm>>) dst(%arg8 : memref<8x128xi32, #tpu.memory_space<vmem>>)
      %dma_wait3A_289 = arith.constant 0 : i32
      %dma_wait3A_290 = arith.constant 0 : i32
      %dma_wait3A_291 = tpu.memref_slice %arg4[%add3A, %dma_wait3A_289, %dma_wait3A_290] : memref<32x80x128xi32, #tpu.memory_space<hbm>> -> memref<1x8x128xi32, #tpu.memory_space<hbm>>
      %dma_wait3A_292 = tpu.memref_squeeze %dma_wait3A_291 : memref<1x8x128xi32, #tpu.memory_space<hbm>> -> memref<8x128xi32, #tpu.memory_space<hbm>>
      %dma_wait3A_293 = arith.constant 0 : i32
      %dma_wait3A_294 = arith.constant 0 : i32
      %dma_wait3A_295 = tpu.memref_slice %arg4[%add3A, %dma_wait3A_293, %dma_wait3A_294] : memref<32x80x128xi32, #tpu.memory_space<hbm>> -> memref<1x8x128xi32, #tpu.memory_space<hbm>>
      %dma_wait3A_296 = tpu.memref_squeeze %dma_wait3A_295 : memref<1x8x128xi32, #tpu.memory_space<hbm>> -> memref<8x128xi32, #tpu.memory_space<hbm>>
      tpu.wait_dma2 semaphore(%arg16 : memref<!tpu.dma_semaphore, #tpu.memory_space<semaphore_mem>>) src(%dma_wait3A_296 : memref<8x128xi32, #tpu.memory_space<hbm>>) dst(%arg9 : memref<8x128xi32, #tpu.memory_space<vmem>>)
      %dma_start3A_297 = arith.constant 0 : i32
      %dma_start3A_298 = arith.constant 0 : i32
      %dma_start3A_299 = tpu.memref_slice %arg8[%dma_start3A_297, %dma_start3A_298] : memref<8x128xi32, #tpu.memory_space<vmem>> -> memref<1x128xi32, #tpu.memory_space<vmem>>
      %dma_start3A_300 = tpu.memref_squeeze %dma_start3A_299 : memref<1x128xi32, #tpu.memory_space<vmem>> -> memref<128xi32, #tpu.memory_space<vmem>>
      %dma_start3A_301 = arith.constant 0 : i32
      %dma_start3A_302 = arith.constant 0 : i32
      %dma_start3A_303 = tpu.memref_slice %arg2[%dma_start3A_301, %dma_start3A_302] : memref<10000x128xf32, #tpu.memory_space<hbm>> -> memref<10000x128xf32, #tpu.memory_space<hbm>>
      tpu.enqueue_indirect_dma source(%dma_start3A_303 : memref<10000x128xf32, #tpu.memory_space<hbm>>) target(%arg10 : memref<128x128xf32, #tpu.memory_space<vmem>>) offsets(%dma_start3A_300 : memref<128xi32, #tpu.memory_space<vmem>>) semaphore(%arg13 : memref<!tpu.dma_semaphore, #tpu.memory_space<semaphore_mem>>)
      %dma_wait3A_304 = arith.constant 7 : i32
      %dma_wait3A_305 = arith.constant 0 : i32
      %dma_wait3A_306 = tpu.memref_slice %arg6[%dma_wait3A_304, %dma_wait3A_305] : memref<8x128xi32, #tpu.memory_space<vmem>> -> memref<1x128xi32, #tpu.memory_space<vmem>>
      %dma_wait3A_307 = tpu.memref_squeeze %dma_wait3A_306 : memref<1x128xi32, #tpu.memory_space<vmem>> -> memref<128xi32, #tpu.memory_space<vmem>>
      %dma_wait3A_308 = arith.constant 0 : i32
      %dma_wait3A_309 = arith.constant 0 : i32
      %dma_wait3A_310 = tpu.memref_slice %arg2[%dma_wait3A_308, %dma_wait3A_309] : memref<10000x128xf32, #tpu.memory_space<hbm>> -> memref<10000x128xf32, #tpu.memory_space<hbm>>
      tpu.wait_indirect_dma semaphore(%arg14 : memref<!tpu.dma_semaphore, #tpu.memory_space<semaphore_mem>>) src(%dma_wait3A_310 : memref<10000x128xf32, #tpu.memory_space<hbm>>) dst(%arg11 : memref<128x128xf32, #tpu.memory_space<vmem>>)
      %dma_start3A_311 = arith.constant 7 : i32
      %dma_start3A_312 = arith.constant 0 : i32
      %dma_start3A_313 = tpu.memref_slice %arg7[%dma_start3A_311, %dma_start3A_312] : memref<8x128xi32, #tpu.memory_space<vmem>> -> memref<1x128xi32, #tpu.memory_space<vmem>>
      %dma_start3A_314 = tpu.memref_squeeze %dma_start3A_313 : memref<1x128xi32, #tpu.memory_space<vmem>> -> memref<128xi32, #tpu.memory_space<vmem>>
      %dma_start3A_315 = arith.constant 0 : i32
      %dma_start3A_316 = arith.constant 0 : i32
      %dma_start3A_317 = tpu.memref_slice %arg12[%dma_start3A_315, %dma_start3A_316] : memref<10240x128xf32, #tpu.memory_space<vmem_shared>> -> memref<10240x128xf32, #tpu.memory_space<vmem_shared>>
      tpu.enqueue_indirect_dma source(%arg11 : memref<128x128xf32, #tpu.memory_space<vmem>>) target(%dma_start3A_317 : memref<10240x128xf32, #tpu.memory_space<vmem_shared>>) offsets(%dma_start3A_314 : memref<128xi32, #tpu.memory_space<vmem>>) semaphore(%arg17 : memref<!tpu.dma_semaphore, #tpu.memory_space<semaphore_mem>>) {add = true}
      %dma_wait3A_318 = arith.constant 7 : i32
      %dma_wait3A_319 = arith.constant 0 : i32
      %dma_wait3A_320 = tpu.memref_slice %arg7[%dma_wait3A_318, %dma_wait3A_319] : memref<8x128xi32, #tpu.memory_space<vmem>> -> memref<1x128xi32, #tpu.memory_space<vmem>>
      %dma_wait3A_321 = tpu.memref_squeeze %dma_wait3A_320 : memref<1x128xi32, #tpu.memory_space<vmem>> -> memref<128xi32, #tpu.memory_space<vmem>>
      %dma_wait3A_322 = arith.constant 0 : i32
      %dma_wait3A_323 = arith.constant 0 : i32
      %dma_wait3A_324 = tpu.memref_slice %arg12[%dma_wait3A_322, %dma_wait3A_323] : memref<10240x128xf32, #tpu.memory_space<vmem_shared>> -> memref<10240x128xf32, #tpu.memory_space<vmem_shared>>
      tpu.wait_indirect_dma semaphore(%arg17 : memref<!tpu.dma_semaphore, #tpu.memory_space<semaphore_mem>>) src(%arg11 : memref<128x128xf32, #tpu.memory_space<vmem>>) dst(%dma_wait3A_324 : memref<10240x128xf32, #tpu.memory_space<vmem_shared>>)
      %add3A_325 = arith.constant 2 : i32
      %add3A_326 = arith.addi %mul3A_84, %add3A_325 : i32
      %min3A_327 = arith.constant 9 : i32
      %min3A_328 = arith.minsi %add3A_326, %min3A_327 : i32
      %mul3A_329 = arith.constant 8 : i32
      %mul3A_330 = arith.muli %min3A_328, %mul3A_329 : i32
      %dma_start3A_331 = arith.constant 0 : i32
      %dma_start3A_332 = tpu.memref_slice %arg3[%add3A, %mul3A_330, %dma_start3A_331] : memref<32x80x128xi32, #tpu.memory_space<hbm>> -> memref<1x8x128xi32, #tpu.memory_space<hbm>>
      %dma_start3A_333 = tpu.memref_squeeze %dma_start3A_332 : memref<1x8x128xi32, #tpu.memory_space<hbm>> -> memref<8x128xi32, #tpu.memory_space<hbm>>
      %dma_start3A_334 = arith.constant 0 : i32
      %dma_start3A_335 = tpu.memref_slice %arg3[%add3A, %mul3A_330, %dma_start3A_334] : memref<32x80x128xi32, #tpu.memory_space<hbm>> -> memref<1x8x128xi32, #tpu.memory_space<hbm>>
      %dma_start3A_336 = tpu.memref_squeeze %dma_start3A_335 : memref<1x8x128xi32, #tpu.memory_space<hbm>> -> memref<8x128xi32, #tpu.memory_space<hbm>>
      tpu.enqueue_dma source(%dma_start3A_336 : memref<8x128xi32, #tpu.memory_space<hbm>>) target(%arg6 : memref<8x128xi32, #tpu.memory_space<vmem>>) target_semaphore(%arg15 : memref<!tpu.dma_semaphore, #tpu.memory_space<semaphore_mem>>)
      %mul3A_337 = arith.constant 8 : i32
      %mul3A_338 = arith.muli %min3A_328, %mul3A_337 : i32
      %dma_start3A_339 = arith.constant 0 : i32
      %dma_start3A_340 = tpu.memref_slice %arg4[%add3A, %mul3A_338, %dma_start3A_339] : memref<32x80x128xi32, #tpu.memory_space<hbm>> -> memref<1x8x128xi32, #tpu.memory_space<hbm>>
      %dma_start3A_341 = tpu.memref_squeeze %dma_start3A_340 : memref<1x8x128xi32, #tpu.memory_space<hbm>> -> memref<8x128xi32, #tpu.memory_space<hbm>>
      %dma_start3A_342 = arith.constant 0 : i32
      %dma_start3A_343 = tpu.memref_slice %arg4[%add3A, %mul3A_338, %dma_start3A_342] : memref<32x80x128xi32, #tpu.memory_space<hbm>> -> memref<1x8x128xi32, #tpu.memory_space<hbm>>
      %dma_start3A_344 = tpu.memref_squeeze %dma_start3A_343 : memref<1x8x128xi32, #tpu.memory_space<hbm>> -> memref<8x128xi32, #tpu.memory_space<hbm>>
      tpu.enqueue_dma source(%dma_start3A_344 : memref<8x128xi32, #tpu.memory_space<hbm>>) target(%arg7 : memref<8x128xi32, #tpu.memory_space<vmem>>) target_semaphore(%arg16 : memref<!tpu.dma_semaphore, #tpu.memory_space<semaphore_mem>>)
      %add3A_345 = arith.constant 1 : i32
      %add3A_346 = arith.addi %mul3A_84, %add3A_345 : i32
      %dma_start3A_347 = arith.constant 1 : i32
      %dma_start3A_348 = arith.constant 0 : i32
      %dma_start3A_349 = tpu.memref_slice %arg8[%dma_start3A_347, %dma_start3A_348] : memref<8x128xi32, #tpu.memory_space<vmem>> -> memref<1x128xi32, #tpu.memory_space<vmem>>
      %dma_start3A_350 = tpu.memref_squeeze %dma_start3A_349 : memref<1x128xi32, #tpu.memory_space<vmem>> -> memref<128xi32, #tpu.memory_space<vmem>>
      %dma_start3A_351 = arith.constant 0 : i32
      %dma_start3A_352 = arith.constant 0 : i32
      %dma_start3A_353 = tpu.memref_slice %arg2[%dma_start3A_351, %dma_start3A_352] : memref<10000x128xf32, #tpu.memory_space<hbm>> -> memref<10000x128xf32, #tpu.memory_space<hbm>>
      tpu.enqueue_indirect_dma source(%dma_start3A_353 : memref<10000x128xf32, #tpu.memory_space<hbm>>) target(%arg11 : memref<128x128xf32, #tpu.memory_space<vmem>>) offsets(%dma_start3A_350 : memref<128xi32, #tpu.memory_space<vmem>>) semaphore(%arg14 : memref<!tpu.dma_semaphore, #tpu.memory_space<semaphore_mem>>)
      %dma_wait3A_354 = arith.constant 0 : i32
      %dma_wait3A_355 = arith.constant 0 : i32
      %dma_wait3A_356 = tpu.memref_slice %arg8[%dma_wait3A_354, %dma_wait3A_355] : memref<8x128xi32, #tpu.memory_space<vmem>> -> memref<1x128xi32, #tpu.memory_space<vmem>>
      %dma_wait3A_357 = tpu.memref_squeeze %dma_wait3A_356 : memref<1x128xi32, #tpu.memory_space<vmem>> -> memref<128xi32, #tpu.memory_space<vmem>>
      %dma_wait3A_358 = arith.constant 0 : i32
      %dma_wait3A_359 = arith.constant 0 : i32
      %dma_wait3A_360 = tpu.memref_slice %arg2[%dma_wait3A_358, %dma_wait3A_359] : memref<10000x128xf32, #tpu.memory_space<hbm>> -> memref<10000x128xf32, #tpu.memory_space<hbm>>
      tpu.wait_indirect_dma semaphore(%arg13 : memref<!tpu.dma_semaphore, #tpu.memory_space<semaphore_mem>>) src(%dma_wait3A_360 : memref<10000x128xf32, #tpu.memory_space<hbm>>) dst(%arg10 : memref<128x128xf32, #tpu.memory_space<vmem>>)
      %dma_start3A_361 = arith.constant 0 : i32
      %dma_start3A_362 = arith.constant 0 : i32
      %dma_start3A_363 = tpu.memref_slice %arg9[%dma_start3A_361, %dma_start3A_362] : memref<8x128xi32, #tpu.memory_space<vmem>> -> memref<1x128xi32, #tpu.memory_space<vmem>>
      %dma_start3A_364 = tpu.memref_squeeze %dma_start3A_363 : memref<1x128xi32, #tpu.memory_space<vmem>> -> memref<128xi32, #tpu.memory_space<vmem>>
      %dma_start3A_365 = arith.constant 0 : i32
      %dma_start3A_366 = arith.constant 0 : i32
      %dma_start3A_367 = tpu.memref_slice %arg12[%dma_start3A_365, %dma_start3A_366] : memref<10240x128xf32, #tpu.memory_space<vmem_shared>> -> memref<10240x128xf32, #tpu.memory_space<vmem_shared>>
      tpu.enqueue_indirect_dma source(%arg10 : memref<128x128xf32, #tpu.memory_space<vmem>>) target(%dma_start3A_367 : memref<10240x128xf32, #tpu.memory_space<vmem_shared>>) offsets(%dma_start3A_364 : memref<128xi32, #tpu.memory_space<vmem>>) semaphore(%arg17 : memref<!tpu.dma_semaphore, #tpu.memory_space<semaphore_mem>>) {add = true}
      %dma_wait3A_368 = arith.constant 0 : i32
      %dma_wait3A_369 = arith.constant 0 : i32
      %dma_wait3A_370 = tpu.memref_slice %arg9[%dma_wait3A_368, %dma_wait3A_369] : memref<8x128xi32, #tpu.memory_space<vmem>> -> memref<1x128xi32, #tpu.memory_space<vmem>>
      %dma_wait3A_371 = tpu.memref_squeeze %dma_wait3A_370 : memref<1x128xi32, #tpu.memory_space<vmem>> -> memref<128xi32, #tpu.memory_space<vmem>>
      %dma_wait3A_372 = arith.constant 0 : i32
      %dma_wait3A_373 = arith.constant 0 : i32
      %dma_wait3A_374 = tpu.memref_slice %arg12[%dma_wait3A_372, %dma_wait3A_373] : memref<10240x128xf32, #tpu.memory_space<vmem_shared>> -> memref<10240x128xf32, #tpu.memory_space<vmem_shared>>
      tpu.wait_indirect_dma semaphore(%arg17 : memref<!tpu.dma_semaphore, #tpu.memory_space<semaphore_mem>>) src(%arg10 : memref<128x128xf32, #tpu.memory_space<vmem>>) dst(%dma_wait3A_374 : memref<10240x128xf32, #tpu.memory_space<vmem_shared>>)
      %dma_start3A_375 = arith.constant 2 : i32
      %dma_start3A_376 = arith.constant 0 : i32
      %dma_start3A_377 = tpu.memref_slice %arg8[%dma_start3A_375, %dma_start3A_376] : memref<8x128xi32, #tpu.memory_space<vmem>> -> memref<1x128xi32, #tpu.memory_space<vmem>>
      %dma_start3A_378 = tpu.memref_squeeze %dma_start3A_377 : memref<1x128xi32, #tpu.memory_space<vmem>> -> memref<128xi32, #tpu.memory_space<vmem>>
      %dma_start3A_379 = arith.constant 0 : i32
      %dma_start3A_380 = arith.constant 0 : i32
      %dma_start3A_381 = tpu.memref_slice %arg2[%dma_start3A_379, %dma_start3A_380] : memref<10000x128xf32, #tpu.memory_space<hbm>> -> memref<10000x128xf32, #tpu.memory_space<hbm>>
      tpu.enqueue_indirect_dma source(%dma_start3A_381 : memref<10000x128xf32, #tpu.memory_space<hbm>>) target(%arg10 : memref<128x128xf32, #tpu.memory_space<vmem>>) offsets(%dma_start3A_378 : memref<128xi32, #tpu.memory_space<vmem>>) semaphore(%arg13 : memref<!tpu.dma_semaphore, #tpu.memory_space<semaphore_mem>>)
      %dma_wait3A_382 = arith.constant 1 : i32
      %dma_wait3A_383 = arith.constant 0 : i32
      %dma_wait3A_384 = tpu.memref_slice %arg8[%dma_wait3A_382, %dma_wait3A_383] : memref<8x128xi32, #tpu.memory_space<vmem>> -> memref<1x128xi32, #tpu.memory_space<vmem>>
      %dma_wait3A_385 = tpu.memref_squeeze %dma_wait3A_384 : memref<1x128xi32, #tpu.memory_space<vmem>> -> memref<128xi32, #tpu.memory_space<vmem>>
      %dma_wait3A_386 = arith.constant 0 : i32
      %dma_wait3A_387 = arith.constant 0 : i32
      %dma_wait3A_388 = tpu.memref_slice %arg2[%dma_wait3A_386, %dma_wait3A_387] : memref<10000x128xf32, #tpu.memory_space<hbm>> -> memref<10000x128xf32, #tpu.memory_space<hbm>>
      tpu.wait_indirect_dma semaphore(%arg14 : memref<!tpu.dma_semaphore, #tpu.memory_space<semaphore_mem>>) src(%dma_wait3A_388 : memref<10000x128xf32, #tpu.memory_space<hbm>>) dst(%arg11 : memref<128x128xf32, #tpu.memory_space<vmem>>)
      %dma_start3A_389 = arith.constant 1 : i32
      %dma_start3A_390 = arith.constant 0 : i32
      %dma_start3A_391 = tpu.memref_slice %arg9[%dma_start3A_389, %dma_start3A_390] : memref<8x128xi32, #tpu.memory_space<vmem>> -> memref<1x128xi32, #tpu.memory_space<vmem>>
      %dma_start3A_392 = tpu.memref_squeeze %dma_start3A_391 : memref<1x128xi32, #tpu.memory_space<vmem>> -> memref<128xi32, #tpu.memory_space<vmem>>
      %dma_start3A_393 = arith.constant 0 : i32
      %dma_start3A_394 = arith.constant 0 : i32
      %dma_start3A_395 = tpu.memref_slice %arg12[%dma_start3A_393, %dma_start3A_394] : memref<10240x128xf32, #tpu.memory_space<vmem_shared>> -> memref<10240x128xf32, #tpu.memory_space<vmem_shared>>
      tpu.enqueue_indirect_dma source(%arg11 : memref<128x128xf32, #tpu.memory_space<vmem>>) target(%dma_start3A_395 : memref<10240x128xf32, #tpu.memory_space<vmem_shared>>) offsets(%dma_start3A_392 : memref<128xi32, #tpu.memory_space<vmem>>) semaphore(%arg17 : memref<!tpu.dma_semaphore, #tpu.memory_space<semaphore_mem>>) {add = true}
      %dma_wait3A_396 = arith.constant 1 : i32
      %dma_wait3A_397 = arith.constant 0 : i32
      %dma_wait3A_398 = tpu.memref_slice %arg9[%dma_wait3A_396, %dma_wait3A_397] : memref<8x128xi32, #tpu.memory_space<vmem>> -> memref<1x128xi32, #tpu.memory_space<vmem>>
      %dma_wait3A_399 = tpu.memref_squeeze %dma_wait3A_398 : memref<1x128xi32, #tpu.memory_space<vmem>> -> memref<128xi32, #tpu.memory_space<vmem>>
      %dma_wait3A_400 = arith.constant 0 : i32
      %dma_wait3A_401 = arith.constant 0 : i32
      %dma_wait3A_402 = tpu.memref_slice %arg12[%dma_wait3A_400, %dma_wait3A_401] : memref<10240x128xf32, #tpu.memory_space<vmem_shared>> -> memref<10240x128xf32, #tpu.memory_space<vmem_shared>>
      tpu.wait_indirect_dma semaphore(%arg17 : memref<!tpu.dma_semaphore, #tpu.memory_space<semaphore_mem>>) src(%arg11 : memref<128x128xf32, #tpu.memory_space<vmem>>) dst(%dma_wait3A_402 : memref<10240x128xf32, #tpu.memory_space<vmem_shared>>)
      %dma_start3A_403 = arith.constant 3 : i32
      %dma_start3A_404 = arith.constant 0 : i32
      %dma_start3A_405 = tpu.memref_slice %arg8[%dma_start3A_403, %dma_start3A_404] : memref<8x128xi32, #tpu.memory_space<vmem>> -> memref<1x128xi32, #tpu.memory_space<vmem>>
      %dma_start3A_406 = tpu.memref_squeeze %dma_start3A_405 : memref<1x128xi32, #tpu.memory_space<vmem>> -> memref<128xi32, #tpu.memory_space<vmem>>
      %dma_start3A_407 = arith.constant 0 : i32
      %dma_start3A_408 = arith.constant 0 : i32
      %dma_start3A_409 = tpu.memref_slice %arg2[%dma_start3A_407, %dma_start3A_408] : memref<10000x128xf32, #tpu.memory_space<hbm>> -> memref<10000x128xf32, #tpu.memory_space<hbm>>
      tpu.enqueue_indirect_dma source(%dma_start3A_409 : memref<10000x128xf32, #tpu.memory_space<hbm>>) target(%arg11 : memref<128x128xf32, #tpu.memory_space<vmem>>) offsets(%dma_start3A_406 : memref<128xi32, #tpu.memory_space<vmem>>) semaphore(%arg14 : memref<!tpu.dma_semaphore, #tpu.memory_space<semaphore_mem>>)
      %dma_wait3A_410 = arith.constant 2 : i32
      %dma_wait3A_411 = arith.constant 0 : i32
      %dma_wait3A_412 = tpu.memref_slice %arg8[%dma_wait3A_410, %dma_wait3A_411] : memref<8x128xi32, #tpu.memory_space<vmem>> -> memref<1x128xi32, #tpu.memory_space<vmem>>
      %dma_wait3A_413 = tpu.memref_squeeze %dma_wait3A_412 : memref<1x128xi32, #tpu.memory_space<vmem>> -> memref<128xi32, #tpu.memory_space<vmem>>
      %dma_wait3A_414 = arith.constant 0 : i32
      %dma_wait3A_415 = arith.constant 0 : i32
      %dma_wait3A_416 = tpu.memref_slice %arg2[%dma_wait3A_414, %dma_wait3A_415] : memref<10000x128xf32, #tpu.memory_space<hbm>> -> memref<10000x128xf32, #tpu.memory_space<hbm>>
      tpu.wait_indirect_dma semaphore(%arg13 : memref<!tpu.dma_semaphore, #tpu.memory_space<semaphore_mem>>) src(%dma_wait3A_416 : memref<10000x128xf32, #tpu.memory_space<hbm>>) dst(%arg10 : memref<128x128xf32, #tpu.memory_space<vmem>>)
      %dma_start3A_417 = arith.constant 2 : i32
      %dma_start3A_418 = arith.constant 0 : i32
      %dma_start3A_419 = tpu.memref_slice %arg9[%dma_start3A_417, %dma_start3A_418] : memref<8x128xi32, #tpu.memory_space<vmem>> -> memref<1x128xi32, #tpu.memory_space<vmem>>
      %dma_start3A_420 = tpu.memref_squeeze %dma_start3A_419 : memref<1x128xi32, #tpu.memory_space<vmem>> -> memref<128xi32, #tpu.memory_space<vmem>>
      %dma_start3A_421 = arith.constant 0 : i32
      %dma_start3A_422 = arith.constant 0 : i32
      %dma_start3A_423 = tpu.memref_slice %arg12[%dma_start3A_421, %dma_start3A_422] : memref<10240x128xf32, #tpu.memory_space<vmem_shared>> -> memref<10240x128xf32, #tpu.memory_space<vmem_shared>>
      tpu.enqueue_indirect_dma source(%arg10 : memref<128x128xf32, #tpu.memory_space<vmem>>) target(%dma_start3A_423 : memref<10240x128xf32, #tpu.memory_space<vmem_shared>>) offsets(%dma_start3A_420 : memref<128xi32, #tpu.memory_space<vmem>>) semaphore(%arg17 : memref<!tpu.dma_semaphore, #tpu.memory_space<semaphore_mem>>) {add = true}
      %dma_wait3A_424 = arith.constant 2 : i32
      %dma_wait3A_425 = arith.constant 0 : i32
      %dma_wait3A_426 = tpu.memref_slice %arg9[%dma_wait3A_424, %dma_wait3A_425] : memref<8x128xi32, #tpu.memory_space<vmem>> -> memref<1x128xi32, #tpu.memory_space<vmem>>
      %dma_wait3A_427 = tpu.memref_squeeze %dma_wait3A_426 : memref<1x128xi32, #tpu.memory_space<vmem>> -> memref<128xi32, #tpu.memory_space<vmem>>
      %dma_wait3A_428 = arith.constant 0 : i32
      %dma_wait3A_429 = arith.constant 0 : i32
      %dma_wait3A_430 = tpu.memref_slice %arg12[%dma_wait3A_428, %dma_wait3A_429] : memref<10240x128xf32, #tpu.memory_space<vmem_shared>> -> memref<10240x128xf32, #tpu.memory_space<vmem_shared>>
      tpu.wait_indirect_dma semaphore(%arg17 : memref<!tpu.dma_semaphore, #tpu.memory_space<semaphore_mem>>) src(%arg10 : memref<128x128xf32, #tpu.memory_space<vmem>>) dst(%dma_wait3A_430 : memref<10240x128xf32, #tpu.memory_space<vmem_shared>>)
      %dma_start3A_431 = arith.constant 4 : i32
      %dma_start3A_432 = arith.constant 0 : i32
      %dma_start3A_433 = tpu.memref_slice %arg8[%dma_start3A_431, %dma_start3A_432] : memref<8x128xi32, #tpu.memory_space<vmem>> -> memref<1x128xi32, #tpu.memory_space<vmem>>
      %dma_start3A_434 = tpu.memref_squeeze %dma_start3A_433 : memref<1x128xi32, #tpu.memory_space<vmem>> -> memref<128xi32, #tpu.memory_space<vmem>>
      %dma_start3A_435 = arith.constant 0 : i32
      %dma_start3A_436 = arith.constant 0 : i32
      %dma_start3A_437 = tpu.memref_slice %arg2[%dma_start3A_435, %dma_start3A_436] : memref<10000x128xf32, #tpu.memory_space<hbm>> -> memref<10000x128xf32, #tpu.memory_space<hbm>>
      tpu.enqueue_indirect_dma source(%dma_start3A_437 : memref<10000x128xf32, #tpu.memory_space<hbm>>) target(%arg10 : memref<128x128xf32, #tpu.memory_space<vmem>>) offsets(%dma_start3A_434 : memref<128xi32, #tpu.memory_space<vmem>>) semaphore(%arg13 : memref<!tpu.dma_semaphore, #tpu.memory_space<semaphore_mem>>)
      %dma_wait3A_438 = arith.constant 3 : i32
      %dma_wait3A_439 = arith.constant 0 : i32
      %dma_wait3A_440 = tpu.memref_slice %arg8[%dma_wait3A_438, %dma_wait3A_439] : memref<8x128xi32, #tpu.memory_space<vmem>> -> memref<1x128xi32, #tpu.memory_space<vmem>>
      %dma_wait3A_441 = tpu.memref_squeeze %dma_wait3A_440 : memref<1x128xi32, #tpu.memory_space<vmem>> -> memref<128xi32, #tpu.memory_space<vmem>>
      %dma_wait3A_442 = arith.constant 0 : i32
      %dma_wait3A_443 = arith.constant 0 : i32
      %dma_wait3A_444 = tpu.memref_slice %arg2[%dma_wait3A_442, %dma_wait3A_443] : memref<10000x128xf32, #tpu.memory_space<hbm>> -> memref<10000x128xf32, #tpu.memory_space<hbm>>
      tpu.wait_indirect_dma semaphore(%arg14 : memref<!tpu.dma_semaphore, #tpu.memory_space<semaphore_mem>>) src(%dma_wait3A_444 : memref<10000x128xf32, #tpu.memory_space<hbm>>) dst(%arg11 : memref<128x128xf32, #tpu.memory_space<vmem>>)
      %dma_start3A_445 = arith.constant 3 : i32
      %dma_start3A_446 = arith.constant 0 : i32
      %dma_start3A_447 = tpu.memref_slice %arg9[%dma_start3A_445, %dma_start3A_446] : memref<8x128xi32, #tpu.memory_space<vmem>> -> memref<1x128xi32, #tpu.memory_space<vmem>>
      %dma_start3A_448 = tpu.memref_squeeze %dma_start3A_447 : memref<1x128xi32, #tpu.memory_space<vmem>> -> memref<128xi32, #tpu.memory_space<vmem>>
      %dma_start3A_449 = arith.constant 0 : i32
      %dma_start3A_450 = arith.constant 0 : i32
      %dma_start3A_451 = tpu.memref_slice %arg12[%dma_start3A_449, %dma_start3A_450] : memref<10240x128xf32, #tpu.memory_space<vmem_shared>> -> memref<10240x128xf32, #tpu.memory_space<vmem_shared>>
      tpu.enqueue_indirect_dma source(%arg11 : memref<128x128xf32, #tpu.memory_space<vmem>>) target(%dma_start3A_451 : memref<10240x128xf32, #tpu.memory_space<vmem_shared>>) offsets(%dma_start3A_448 : memref<128xi32, #tpu.memory_space<vmem>>) semaphore(%arg17 : memref<!tpu.dma_semaphore, #tpu.memory_space<semaphore_mem>>) {add = true}
      %dma_wait3A_452 = arith.constant 3 : i32
      %dma_wait3A_453 = arith.constant 0 : i32
      %dma_wait3A_454 = tpu.memref_slice %arg9[%dma_wait3A_452, %dma_wait3A_453] : memref<8x128xi32, #tpu.memory_space<vmem>> -> memref<1x128xi32, #tpu.memory_space<vmem>>
      %dma_wait3A_455 = tpu.memref_squeeze %dma_wait3A_454 : memref<1x128xi32, #tpu.memory_space<vmem>> -> memref<128xi32, #tpu.memory_space<vmem>>
      %dma_wait3A_456 = arith.constant 0 : i32
      %dma_wait3A_457 = arith.constant 0 : i32
      %dma_wait3A_458 = tpu.memref_slice %arg12[%dma_wait3A_456, %dma_wait3A_457] : memref<10240x128xf32, #tpu.memory_space<vmem_shared>> -> memref<10240x128xf32, #tpu.memory_space<vmem_shared>>
      tpu.wait_indirect_dma semaphore(%arg17 : memref<!tpu.dma_semaphore, #tpu.memory_space<semaphore_mem>>) src(%arg11 : memref<128x128xf32, #tpu.memory_space<vmem>>) dst(%dma_wait3A_458 : memref<10240x128xf32, #tpu.memory_space<vmem_shared>>)
      %dma_start3A_459 = arith.constant 5 : i32
      %dma_start3A_460 = arith.constant 0 : i32
      %dma_start3A_461 = tpu.memref_slice %arg8[%dma_start3A_459, %dma_start3A_460] : memref<8x128xi32, #tpu.memory_space<vmem>> -> memref<1x128xi32, #tpu.memory_space<vmem>>
      %dma_start3A_462 = tpu.memref_squeeze %dma_start3A_461 : memref<1x128xi32, #tpu.memory_space<vmem>> -> memref<128xi32, #tpu.memory_space<vmem>>
      %dma_start3A_463 = arith.constant 0 : i32
      %dma_start3A_464 = arith.constant 0 : i32
      %dma_start3A_465 = tpu.memref_slice %arg2[%dma_start3A_463, %dma_start3A_464] : memref<10000x128xf32, #tpu.memory_space<hbm>> -> memref<10000x128xf32, #tpu.memory_space<hbm>>
      tpu.enqueue_indirect_dma source(%dma_start3A_465 : memref<10000x128xf32, #tpu.memory_space<hbm>>) target(%arg11 : memref<128x128xf32, #tpu.memory_space<vmem>>) offsets(%dma_start3A_462 : memref<128xi32, #tpu.memory_space<vmem>>) semaphore(%arg14 : memref<!tpu.dma_semaphore, #tpu.memory_space<semaphore_mem>>)
      %dma_wait3A_466 = arith.constant 4 : i32
      %dma_wait3A_467 = arith.constant 0 : i32
      %dma_wait3A_468 = tpu.memref_slice %arg8[%dma_wait3A_466, %dma_wait3A_467] : memref<8x128xi32, #tpu.memory_space<vmem>> -> memref<1x128xi32, #tpu.memory_space<vmem>>
      %dma_wait3A_469 = tpu.memref_squeeze %dma_wait3A_468 : memref<1x128xi32, #tpu.memory_space<vmem>> -> memref<128xi32, #tpu.memory_space<vmem>>
      %dma_wait3A_470 = arith.constant 0 : i32
      %dma_wait3A_471 = arith.constant 0 : i32
      %dma_wait3A_472 = tpu.memref_slice %arg2[%dma_wait3A_470, %dma_wait3A_471] : memref<10000x128xf32, #tpu.memory_space<hbm>> -> memref<10000x128xf32, #tpu.memory_space<hbm>>
      tpu.wait_indirect_dma semaphore(%arg13 : memref<!tpu.dma_semaphore, #tpu.memory_space<semaphore_mem>>) src(%dma_wait3A_472 : memref<10000x128xf32, #tpu.memory_space<hbm>>) dst(%arg10 : memref<128x128xf32, #tpu.memory_space<vmem>>)
      %dma_start3A_473 = arith.constant 4 : i32
      %dma_start3A_474 = arith.constant 0 : i32
      %dma_start3A_475 = tpu.memref_slice %arg9[%dma_start3A_473, %dma_start3A_474] : memref<8x128xi32, #tpu.memory_space<vmem>> -> memref<1x128xi32, #tpu.memory_space<vmem>>
      %dma_start3A_476 = tpu.memref_squeeze %dma_start3A_475 : memref<1x128xi32, #tpu.memory_space<vmem>> -> memref<128xi32, #tpu.memory_space<vmem>>
      %dma_start3A_477 = arith.constant 0 : i32
      %dma_start3A_478 = arith.constant 0 : i32
      %dma_start3A_479 = tpu.memref_slice %arg12[%dma_start3A_477, %dma_start3A_478] : memref<10240x128xf32, #tpu.memory_space<vmem_shared>> -> memref<10240x128xf32, #tpu.memory_space<vmem_shared>>
      tpu.enqueue_indirect_dma source(%arg10 : memref<128x128xf32, #tpu.memory_space<vmem>>) target(%dma_start3A_479 : memref<10240x128xf32, #tpu.memory_space<vmem_shared>>) offsets(%dma_start3A_476 : memref<128xi32, #tpu.memory_space<vmem>>) semaphore(%arg17 : memref<!tpu.dma_semaphore, #tpu.memory_space<semaphore_mem>>) {add = true}
      %dma_wait3A_480 = arith.constant 4 : i32
      %dma_wait3A_481 = arith.constant 0 : i32
      %dma_wait3A_482 = tpu.memref_slice %arg9[%dma_wait3A_480, %dma_wait3A_481] : memref<8x128xi32, #tpu.memory_space<vmem>> -> memref<1x128xi32, #tpu.memory_space<vmem>>
      %dma_wait3A_483 = tpu.memref_squeeze %dma_wait3A_482 : memref<1x128xi32, #tpu.memory_space<vmem>> -> memref<128xi32, #tpu.memory_space<vmem>>
      %dma_wait3A_484 = arith.constant 0 : i32
      %dma_wait3A_485 = arith.constant 0 : i32
      %dma_wait3A_486 = tpu.memref_slice %arg12[%dma_wait3A_484, %dma_wait3A_485] : memref<10240x128xf32, #tpu.memory_space<vmem_shared>> -> memref<10240x128xf32, #tpu.memory_space<vmem_shared>>
      tpu.wait_indirect_dma semaphore(%arg17 : memref<!tpu.dma_semaphore, #tpu.memory_space<semaphore_mem>>) src(%arg10 : memref<128x128xf32, #tpu.memory_space<vmem>>) dst(%dma_wait3A_486 : memref<10240x128xf32, #tpu.memory_space<vmem_shared>>)
      %dma_start3A_487 = arith.constant 6 : i32
      %dma_start3A_488 = arith.constant 0 : i32
      %dma_start3A_489 = tpu.memref_slice %arg8[%dma_start3A_487, %dma_start3A_488] : memref<8x128xi32, #tpu.memory_space<vmem>> -> memref<1x128xi32, #tpu.memory_space<vmem>>
      %dma_start3A_490 = tpu.memref_squeeze %dma_start3A_489 : memref<1x128xi32, #tpu.memory_space<vmem>> -> memref<128xi32, #tpu.memory_space<vmem>>
      %dma_start3A_491 = arith.constant 0 : i32
      %dma_start3A_492 = arith.constant 0 : i32
      %dma_start3A_493 = tpu.memref_slice %arg2[%dma_start3A_491, %dma_start3A_492] : memref<10000x128xf32, #tpu.memory_space<hbm>> -> memref<10000x128xf32, #tpu.memory_space<hbm>>
      tpu.enqueue_indirect_dma source(%dma_start3A_493 : memref<10000x128xf32, #tpu.memory_space<hbm>>) target(%arg10 : memref<128x128xf32, #tpu.memory_space<vmem>>) offsets(%dma_start3A_490 : memref<128xi32, #tpu.memory_space<vmem>>) semaphore(%arg13 : memref<!tpu.dma_semaphore, #tpu.memory_space<semaphore_mem>>)
      %dma_wait3A_494 = arith.constant 5 : i32
      %dma_wait3A_495 = arith.constant 0 : i32
      %dma_wait3A_496 = tpu.memref_slice %arg8[%dma_wait3A_494, %dma_wait3A_495] : memref<8x128xi32, #tpu.memory_space<vmem>> -> memref<1x128xi32, #tpu.memory_space<vmem>>
      %dma_wait3A_497 = tpu.memref_squeeze %dma_wait3A_496 : memref<1x128xi32, #tpu.memory_space<vmem>> -> memref<128xi32, #tpu.memory_space<vmem>>
      %dma_wait3A_498 = arith.constant 0 : i32
      %dma_wait3A_499 = arith.constant 0 : i32
      %dma_wait3A_500 = tpu.memref_slice %arg2[%dma_wait3A_498, %dma_wait3A_499] : memref<10000x128xf32, #tpu.memory_space<hbm>> -> memref<10000x128xf32, #tpu.memory_space<hbm>>
      tpu.wait_indirect_dma semaphore(%arg14 : memref<!tpu.dma_semaphore, #tpu.memory_space<semaphore_mem>>) src(%dma_wait3A_500 : memref<10000x128xf32, #tpu.memory_space<hbm>>) dst(%arg11 : memref<128x128xf32, #tpu.memory_space<vmem>>)
      %dma_start3A_501 = arith.constant 5 : i32
      %dma_start3A_502 = arith.constant 0 : i32
      %dma_start3A_503 = tpu.memref_slice %arg9[%dma_start3A_501, %dma_start3A_502] : memref<8x128xi32, #tpu.memory_space<vmem>> -> memref<1x128xi32, #tpu.memory_space<vmem>>
      %dma_start3A_504 = tpu.memref_squeeze %dma_start3A_503 : memref<1x128xi32, #tpu.memory_space<vmem>> -> memref<128xi32, #tpu.memory_space<vmem>>
      %dma_start3A_505 = arith.constant 0 : i32
      %dma_start3A_506 = arith.constant 0 : i32
      %dma_start3A_507 = tpu.memref_slice %arg12[%dma_start3A_505, %dma_start3A_506] : memref<10240x128xf32, #tpu.memory_space<vmem_shared>> -> memref<10240x128xf32, #tpu.memory_space<vmem_shared>>
      tpu.enqueue_indirect_dma source(%arg11 : memref<128x128xf32, #tpu.memory_space<vmem>>) target(%dma_start3A_507 : memref<10240x128xf32, #tpu.memory_space<vmem_shared>>) offsets(%dma_start3A_504 : memref<128xi32, #tpu.memory_space<vmem>>) semaphore(%arg17 : memref<!tpu.dma_semaphore, #tpu.memory_space<semaphore_mem>>) {add = true}
      %dma_wait3A_508 = arith.constant 5 : i32
      %dma_wait3A_509 = arith.constant 0 : i32
      %dma_wait3A_510 = tpu.memref_slice %arg9[%dma_wait3A_508, %dma_wait3A_509] : memref<8x128xi32, #tpu.memory_space<vmem>> -> memref<1x128xi32, #tpu.memory_space<vmem>>
      %dma_wait3A_511 = tpu.memref_squeeze %dma_wait3A_510 : memref<1x128xi32, #tpu.memory_space<vmem>> -> memref<128xi32, #tpu.memory_space<vmem>>
      %dma_wait3A_512 = arith.constant 0 : i32
      %dma_wait3A_513 = arith.constant 0 : i32
      %dma_wait3A_514 = tpu.memref_slice %arg12[%dma_wait3A_512, %dma_wait3A_513] : memref<10240x128xf32, #tpu.memory_space<vmem_shared>> -> memref<10240x128xf32, #tpu.memory_space<vmem_shared>>
      tpu.wait_indirect_dma semaphore(%arg17 : memref<!tpu.dma_semaphore, #tpu.memory_space<semaphore_mem>>) src(%arg11 : memref<128x128xf32, #tpu.memory_space<vmem>>) dst(%dma_wait3A_514 : memref<10240x128xf32, #tpu.memory_space<vmem_shared>>)
      %dma_start3A_515 = arith.constant 7 : i32
      %dma_start3A_516 = arith.constant 0 : i32
      %dma_start3A_517 = tpu.memref_slice %arg8[%dma_start3A_515, %dma_start3A_516] : memref<8x128xi32, #tpu.memory_space<vmem>> -> memref<1x128xi32, #tpu.memory_space<vmem>>
      %dma_start3A_518 = tpu.memref_squeeze %dma_start3A_517 : memref<1x128xi32, #tpu.memory_space<vmem>> -> memref<128xi32, #tpu.memory_space<vmem>>
      %dma_start3A_519 = arith.constant 0 : i32
      %dma_start3A_520 = arith.constant 0 : i32
      %dma_start3A_521 = tpu.memref_slice %arg2[%dma_start3A_519, %dma_start3A_520] : memref<10000x128xf32, #tpu.memory_space<hbm>> -> memref<10000x128xf32, #tpu.memory_space<hbm>>
      tpu.enqueue_indirect_dma source(%dma_start3A_521 : memref<10000x128xf32, #tpu.memory_space<hbm>>) target(%arg11 : memref<128x128xf32, #tpu.memory_space<vmem>>) offsets(%dma_start3A_518 : memref<128xi32, #tpu.memory_space<vmem>>) semaphore(%arg14 : memref<!tpu.dma_semaphore, #tpu.memory_space<semaphore_mem>>)
      %dma_wait3A_522 = arith.constant 6 : i32
      %dma_wait3A_523 = arith.constant 0 : i32
      %dma_wait3A_524 = tpu.memref_slice %arg8[%dma_wait3A_522, %dma_wait3A_523] : memref<8x128xi32, #tpu.memory_space<vmem>> -> memref<1x128xi32, #tpu.memory_space<vmem>>
      %dma_wait3A_525 = tpu.memref_squeeze %dma_wait3A_524 : memref<1x128xi32, #tpu.memory_space<vmem>> -> memref<128xi32, #tpu.memory_space<vmem>>
      %dma_wait3A_526 = arith.constant 0 : i32
      %dma_wait3A_527 = arith.constant 0 : i32
      %dma_wait3A_528 = tpu.memref_slice %arg2[%dma_wait3A_526, %dma_wait3A_527] : memref<10000x128xf32, #tpu.memory_space<hbm>> -> memref<10000x128xf32, #tpu.memory_space<hbm>>
      tpu.wait_indirect_dma semaphore(%arg13 : memref<!tpu.dma_semaphore, #tpu.memory_space<semaphore_mem>>) src(%dma_wait3A_528 : memref<10000x128xf32, #tpu.memory_space<hbm>>) dst(%arg10 : memref<128x128xf32, #tpu.memory_space<vmem>>)
      %dma_start3A_529 = arith.constant 6 : i32
      %dma_start3A_530 = arith.constant 0 : i32
      %dma_start3A_531 = tpu.memref_slice %arg9[%dma_start3A_529, %dma_start3A_530] : memref<8x128xi32, #tpu.memory_space<vmem>> -> memref<1x128xi32, #tpu.memory_space<vmem>>
      %dma_start3A_532 = tpu.memref_squeeze %dma_start3A_531 : memref<1x128xi32, #tpu.memory_space<vmem>> -> memref<128xi32, #tpu.memory_space<vmem>>
      %dma_start3A_533 = arith.constant 0 : i32
      %dma_start3A_534 = arith.constant 0 : i32
      %dma_start3A_535 = tpu.memref_slice %arg12[%dma_start3A_533, %dma_start3A_534] : memref<10240x128xf32, #tpu.memory_space<vmem_shared>> -> memref<10240x128xf32, #tpu.memory_space<vmem_shared>>
      tpu.enqueue_indirect_dma source(%arg10 : memref<128x128xf32, #tpu.memory_space<vmem>>) target(%dma_start3A_535 : memref<10240x128xf32, #tpu.memory_space<vmem_shared>>) offsets(%dma_start3A_532 : memref<128xi32, #tpu.memory_space<vmem>>) semaphore(%arg17 : memref<!tpu.dma_semaphore, #tpu.memory_space<semaphore_mem>>) {add = true}
      %dma_wait3A_536 = arith.constant 6 : i32
      %dma_wait3A_537 = arith.constant 0 : i32
      %dma_wait3A_538 = tpu.memref_slice %arg9[%dma_wait3A_536, %dma_wait3A_537] : memref<8x128xi32, #tpu.memory_space<vmem>> -> memref<1x128xi32, #tpu.memory_space<vmem>>
      %dma_wait3A_539 = tpu.memref_squeeze %dma_wait3A_538 : memref<1x128xi32, #tpu.memory_space<vmem>> -> memref<128xi32, #tpu.memory_space<vmem>>
      %dma_wait3A_540 = arith.constant 0 : i32
      %dma_wait3A_541 = arith.constant 0 : i32
      %dma_wait3A_542 = tpu.memref_slice %arg12[%dma_wait3A_540, %dma_wait3A_541] : memref<10240x128xf32, #tpu.memory_space<vmem_shared>> -> memref<10240x128xf32, #tpu.memory_space<vmem_shared>>
      tpu.wait_indirect_dma semaphore(%arg17 : memref<!tpu.dma_semaphore, #tpu.memory_space<semaphore_mem>>) src(%arg10 : memref<128x128xf32, #tpu.memory_space<vmem>>) dst(%dma_wait3A_542 : memref<10240x128xf32, #tpu.memory_space<vmem_shared>>)
      %dma_wait3A_543 = arith.constant 0 : i32
      %dma_wait3A_544 = arith.constant 0 : i32
      %dma_wait3A_545 = tpu.memref_slice %arg3[%add3A, %dma_wait3A_543, %dma_wait3A_544] : memref<32x80x128xi32, #tpu.memory_space<hbm>> -> memref<1x8x128xi32, #tpu.memory_space<hbm>>
      %dma_wait3A_546 = tpu.memref_squeeze %dma_wait3A_545 : memref<1x8x128xi32, #tpu.memory_space<hbm>> -> memref<8x128xi32, #tpu.memory_space<hbm>>
      %dma_wait3A_547 = arith.constant 0 : i32
      %dma_wait3A_548 = arith.constant 0 : i32
      %dma_wait3A_549 = tpu.memref_slice %arg3[%add3A, %dma_wait3A_547, %dma_wait3A_548] : memref<32x80x128xi32, #tpu.memory_space<hbm>> -> memref<1x8x128xi32, #tpu.memory_space<hbm>>
      %dma_wait3A_550 = tpu.memref_squeeze %dma_wait3A_549 : memref<1x8x128xi32, #tpu.memory_space<hbm>> -> memref<8x128xi32, #tpu.memory_space<hbm>>
      tpu.wait_dma2 semaphore(%arg15 : memref<!tpu.dma_semaphore, #tpu.memory_space<semaphore_mem>>) src(%dma_wait3A_550 : memref<8x128xi32, #tpu.memory_space<hbm>>) dst(%arg6 : memref<8x128xi32, #tpu.memory_space<vmem>>)
      %dma_wait3A_551 = arith.constant 0 : i32
      %dma_wait3A_552 = arith.constant 0 : i32
      %dma_wait3A_553 = tpu.memref_slice %arg4[%add3A, %dma_wait3A_551, %dma_wait3A_552] : memref<32x80x128xi32, #tpu.memory_space<hbm>> -> memref<1x8x128xi32, #tpu.memory_space<hbm>>
      %dma_wait3A_554 = tpu.memref_squeeze %dma_wait3A_553 : memref<1x8x128xi32, #tpu.memory_space<hbm>> -> memref<8x128xi32, #tpu.memory_space<hbm>>
      %dma_wait3A_555 = arith.constant 0 : i32
      %dma_wait3A_556 = arith.constant 0 : i32
      %dma_wait3A_557 = tpu.memref_slice %arg4[%add3A, %dma_wait3A_555, %dma_wait3A_556] : memref<32x80x128xi32, #tpu.memory_space<hbm>> -> memref<1x8x128xi32, #tpu.memory_space<hbm>>
      %dma_wait3A_558 = tpu.memref_squeeze %dma_wait3A_557 : memref<1x8x128xi32, #tpu.memory_space<hbm>> -> memref<8x128xi32, #tpu.memory_space<hbm>>
      tpu.wait_dma2 semaphore(%arg16 : memref<!tpu.dma_semaphore, #tpu.memory_space<semaphore_mem>>) src(%dma_wait3A_558 : memref<8x128xi32, #tpu.memory_space<hbm>>) dst(%arg7 : memref<8x128xi32, #tpu.memory_space<vmem>>)
      %dma_start3A_559 = arith.constant 0 : i32
      %dma_start3A_560 = arith.constant 0 : i32
      %dma_start3A_561 = tpu.memref_slice %arg6[%dma_start3A_559, %dma_start3A_560] : memref<8x128xi32, #tpu.memory_space<vmem>> -> memref<1x128xi32, #tpu.memory_space<vmem>>
      %dma_start3A_562 = tpu.memref_squeeze %dma_start3A_561 : memref<1x128xi32, #tpu.memory_space<vmem>> -> memref<128xi32, #tpu.memory_space<vmem>>
      %dma_start3A_563 = arith.constant 0 : i32
      %dma_start3A_564 = arith.constant 0 : i32
      %dma_start3A_565 = tpu.memref_slice %arg2[%dma_start3A_563, %dma_start3A_564] : memref<10000x128xf32, #tpu.memory_space<hbm>> -> memref<10000x128xf32, #tpu.memory_space<hbm>>
      tpu.enqueue_indirect_dma source(%dma_start3A_565 : memref<10000x128xf32, #tpu.memory_space<hbm>>) target(%arg10 : memref<128x128xf32, #tpu.memory_space<vmem>>) offsets(%dma_start3A_562 : memref<128xi32, #tpu.memory_space<vmem>>) semaphore(%arg13 : memref<!tpu.dma_semaphore, #tpu.memory_space<semaphore_mem>>)
      %dma_wait3A_566 = arith.constant 7 : i32
      %dma_wait3A_567 = arith.constant 0 : i32
      %dma_wait3A_568 = tpu.memref_slice %arg8[%dma_wait3A_566, %dma_wait3A_567] : memref<8x128xi32, #tpu.memory_space<vmem>> -> memref<1x128xi32, #tpu.memory_space<vmem>>
      %dma_wait3A_569 = tpu.memref_squeeze %dma_wait3A_568 : memref<1x128xi32, #tpu.memory_space<vmem>> -> memref<128xi32, #tpu.memory_space<vmem>>
      %dma_wait3A_570 = arith.constant 0 : i32
      %dma_wait3A_571 = arith.constant 0 : i32
      %dma_wait3A_572 = tpu.memref_slice %arg2[%dma_wait3A_570, %dma_wait3A_571] : memref<10000x128xf32, #tpu.memory_space<hbm>> -> memref<10000x128xf32, #tpu.memory_space<hbm>>
      tpu.wait_indirect_dma semaphore(%arg14 : memref<!tpu.dma_semaphore, #tpu.memory_space<semaphore_mem>>) src(%dma_wait3A_572 : memref<10000x128xf32, #tpu.memory_space<hbm>>) dst(%arg11 : memref<128x128xf32, #tpu.memory_space<vmem>>)
      %dma_start3A_573 = arith.constant 7 : i32
      %dma_start3A_574 = arith.constant 0 : i32
      %dma_start3A_575 = tpu.memref_slice %arg9[%dma_start3A_573, %dma_start3A_574] : memref<8x128xi32, #tpu.memory_space<vmem>> -> memref<1x128xi32, #tpu.memory_space<vmem>>
      %dma_start3A_576 = tpu.memref_squeeze %dma_start3A_575 : memref<1x128xi32, #tpu.memory_space<vmem>> -> memref<128xi32, #tpu.memory_space<vmem>>
      %dma_start3A_577 = arith.constant 0 : i32
      %dma_start3A_578 = arith.constant 0 : i32
      %dma_start3A_579 = tpu.memref_slice %arg12[%dma_start3A_577, %dma_start3A_578] : memref<10240x128xf32, #tpu.memory_space<vmem_shared>> -> memref<10240x128xf32, #tpu.memory_space<vmem_shared>>
      tpu.enqueue_indirect_dma source(%arg11 : memref<128x128xf32, #tpu.memory_space<vmem>>) target(%dma_start3A_579 : memref<10240x128xf32, #tpu.memory_space<vmem_shared>>) offsets(%dma_start3A_576 : memref<128xi32, #tpu.memory_space<vmem>>) semaphore(%arg17 : memref<!tpu.dma_semaphore, #tpu.memory_space<semaphore_mem>>) {add = true}
      %dma_wait3A_580 = arith.constant 7 : i32
      %dma_wait3A_581 = arith.constant 0 : i32
      %dma_wait3A_582 = tpu.memref_slice %arg9[%dma_wait3A_580, %dma_wait3A_581] : memref<8x128xi32, #tpu.memory_space<vmem>> -> memref<1x128xi32, #tpu.memory_space<vmem>>
      %dma_wait3A_583 = tpu.memref_squeeze %dma_wait3A_582 : memref<1x128xi32, #tpu.memory_space<vmem>> -> memref<128xi32, #tpu.memory_space<vmem>>
      %dma_wait3A_584 = arith.constant 0 : i32
      %dma_wait3A_585 = arith.constant 0 : i32
      %dma_wait3A_586 = tpu.memref_slice %arg12[%dma_wait3A_584, %dma_wait3A_585] : memref<10240x128xf32, #tpu.memory_space<vmem_shared>> -> memref<10240x128xf32, #tpu.memory_space<vmem_shared>>
      tpu.wait_indirect_dma semaphore(%arg17 : memref<!tpu.dma_semaphore, #tpu.memory_space<semaphore_mem>>) src(%arg11 : memref<128x128xf32, #tpu.memory_space<vmem>>) dst(%dma_wait3A_586 : memref<10240x128xf32, #tpu.memory_space<vmem_shared>>)
      %add3A_587 = arith.constant 3 : i32
      %add3A_588 = arith.addi %mul3A_84, %add3A_587 : i32
      %min3A_589 = arith.constant 9 : i32
      %min3A_590 = arith.minsi %add3A_588, %min3A_589 : i32
      %mul3A_591 = arith.constant 8 : i32
      %mul3A_592 = arith.muli %min3A_590, %mul3A_591 : i32
      %dma_start3A_593 = arith.constant 0 : i32
      %dma_start3A_594 = tpu.memref_slice %arg3[%add3A, %mul3A_592, %dma_start3A_593] : memref<32x80x128xi32, #tpu.memory_space<hbm>> -> memref<1x8x128xi32, #tpu.memory_space<hbm>>
      %dma_start3A_595 = tpu.memref_squeeze %dma_start3A_594 : memref<1x8x128xi32, #tpu.memory_space<hbm>> -> memref<8x128xi32, #tpu.memory_space<hbm>>
      %dma_start3A_596 = arith.constant 0 : i32
      %dma_start3A_597 = tpu.memref_slice %arg3[%add3A, %mul3A_592, %dma_start3A_596] : memref<32x80x128xi32, #tpu.memory_space<hbm>> -> memref<1x8x128xi32, #tpu.memory_space<hbm>>
      %dma_start3A_598 = tpu.memref_squeeze %dma_start3A_597 : memref<1x8x128xi32, #tpu.memory_space<hbm>> -> memref<8x128xi32, #tpu.memory_space<hbm>>
      tpu.enqueue_dma source(%dma_start3A_598 : memref<8x128xi32, #tpu.memory_space<hbm>>) target(%arg8 : memref<8x128xi32, #tpu.memory_space<vmem>>) target_semaphore(%arg15 : memref<!tpu.dma_semaphore, #tpu.memory_space<semaphore_mem>>)
      %mul3A_599 = arith.constant 8 : i32
      %mul3A_600 = arith.muli %min3A_590, %mul3A_599 : i32
      %dma_start3A_601 = arith.constant 0 : i32
      %dma_start3A_602 = tpu.memref_slice %arg4[%add3A, %mul3A_600, %dma_start3A_601] : memref<32x80x128xi32, #tpu.memory_space<hbm>> -> memref<1x8x128xi32, #tpu.memory_space<hbm>>
      %dma_start3A_603 = tpu.memref_squeeze %dma_start3A_602 : memref<1x8x128xi32, #tpu.memory_space<hbm>> -> memref<8x128xi32, #tpu.memory_space<hbm>>
      %dma_start3A_604 = arith.constant 0 : i32
      %dma_start3A_605 = tpu.memref_slice %arg4[%add3A, %mul3A_600, %dma_start3A_604] : memref<32x80x128xi32, #tpu.memory_space<hbm>> -> memref<1x8x128xi32, #tpu.memory_space<hbm>>
      %dma_start3A_606 = tpu.memref_squeeze %dma_start3A_605 : memref<1x8x128xi32, #tpu.memory_space<hbm>> -> memref<8x128xi32, #tpu.memory_space<hbm>>
      tpu.enqueue_dma source(%dma_start3A_606 : memref<8x128xi32, #tpu.memory_space<hbm>>) target(%arg9 : memref<8x128xi32, #tpu.memory_space<vmem>>) target_semaphore(%arg16 : memref<!tpu.dma_semaphore, #tpu.memory_space<semaphore_mem>>)
    }
    %scan3A_56 = arith.constant 5 : i32
    %dma_wait3A = arith.constant 0 : i32
    %dma_wait3A_57 = arith.constant 0 : i32
    %dma_wait3A_58 = tpu.memref_slice %arg6[%dma_wait3A, %dma_wait3A_57] : memref<8x128xi32, #tpu.memory_space<vmem>> -> memref<1x128xi32, #tpu.memory_space<vmem>>
    %dma_wait3A_59 = tpu.memref_squeeze %dma_wait3A_58 : memref<1x128xi32, #tpu.memory_space<vmem>> -> memref<128xi32, #tpu.memory_space<vmem>>
    %dma_wait3A_60 = arith.constant 0 : i32
    %dma_wait3A_61 = arith.constant 0 : i32
    %dma_wait3A_62 = tpu.memref_slice %arg2[%dma_wait3A_60, %dma_wait3A_61] : memref<10000x128xf32, #tpu.memory_space<hbm>> -> memref<10000x128xf32, #tpu.memory_space<hbm>>
    tpu.wait_indirect_dma semaphore(%arg13 : memref<!tpu.dma_semaphore, #tpu.memory_space<semaphore_mem>>) src(%dma_wait3A_62 : memref<10000x128xf32, #tpu.memory_space<hbm>>) dst(%arg10 : memref<128x128xf32, #tpu.memory_space<vmem>>)
    %dma_wait3A_63 = arith.constant 0 : i32
    %dma_wait3A_64 = arith.constant 0 : i32
    %dma_wait3A_65 = tpu.memref_slice %arg3[%add3A, %dma_wait3A_63, %dma_wait3A_64] : memref<32x80x128xi32, #tpu.memory_space<hbm>> -> memref<1x8x128xi32, #tpu.memory_space<hbm>>
    %dma_wait3A_66 = tpu.memref_squeeze %dma_wait3A_65 : memref<1x8x128xi32, #tpu.memory_space<hbm>> -> memref<8x128xi32, #tpu.memory_space<hbm>>
    %dma_wait3A_67 = arith.constant 0 : i32
    %dma_wait3A_68 = arith.constant 0 : i32
    %dma_wait3A_69 = tpu.memref_slice %arg3[%add3A, %dma_wait3A_67, %dma_wait3A_68] : memref<32x80x128xi32, #tpu.memory_space<hbm>> -> memref<1x8x128xi32, #tpu.memory_space<hbm>>
    %dma_wait3A_70 = tpu.memref_squeeze %dma_wait3A_69 : memref<1x8x128xi32, #tpu.memory_space<hbm>> -> memref<8x128xi32, #tpu.memory_space<hbm>>
    tpu.wait_dma2 semaphore(%arg15 : memref<!tpu.dma_semaphore, #tpu.memory_space<semaphore_mem>>) src(%dma_wait3A_70 : memref<8x128xi32, #tpu.memory_space<hbm>>) dst(%arg8 : memref<8x128xi32, #tpu.memory_space<vmem>>)
    %dma_wait3A_71 = arith.constant 0 : i32
    %dma_wait3A_72 = arith.constant 0 : i32
    %dma_wait3A_73 = tpu.memref_slice %arg4[%add3A, %dma_wait3A_71, %dma_wait3A_72] : memref<32x80x128xi32, #tpu.memory_space<hbm>> -> memref<1x8x128xi32, #tpu.memory_space<hbm>>
    %dma_wait3A_74 = tpu.memref_squeeze %dma_wait3A_73 : memref<1x8x128xi32, #tpu.memory_space<hbm>> -> memref<8x128xi32, #tpu.memory_space<hbm>>
    %dma_wait3A_75 = arith.constant 0 : i32
    %dma_wait3A_76 = arith.constant 0 : i32
    %dma_wait3A_77 = tpu.memref_slice %arg4[%add3A, %dma_wait3A_75, %dma_wait3A_76] : memref<32x80x128xi32, #tpu.memory_space<hbm>> -> memref<1x8x128xi32, #tpu.memory_space<hbm>>
    %dma_wait3A_78 = tpu.memref_squeeze %dma_wait3A_77 : memref<1x8x128xi32, #tpu.memory_space<hbm>> -> memref<8x128xi32, #tpu.memory_space<hbm>>
    tpu.wait_dma2 semaphore(%arg16 : memref<!tpu.dma_semaphore, #tpu.memory_space<semaphore_mem>>) src(%dma_wait3A_78 : memref<8x128xi32, #tpu.memory_space<hbm>>) dst(%arg9 : memref<8x128xi32, #tpu.memory_space<vmem>>)
    %barrier3A_79 = arith.constant 0 : index
    tpu.barrier barrier_id(%barrier3A_79)
    %mul3A_80 = arith.constant 640 : i32
    %mul3A_81 = arith.muli %arg1, %mul3A_80 : i32
    "tpu.region"() ({
      %run_scoped3A = tpu.sem_alloc : memref<!tpu.dma_semaphore, #tpu.memory_space<semaphore_mem>>
      %dma_start3A_82 = arith.constant 0 : i32
      %dma_start3A_83 = tpu.memref_slice %arg5[%arg0, %mul3A_81, %dma_start3A_82] : memref<2x10240x128xf32, #tpu.memory_space<hbm>> -> memref<1x640x128xf32, #tpu.memory_space<hbm>>
      %dma_start3A_84 = tpu.memref_squeeze %dma_start3A_83 : memref<1x640x128xf32, #tpu.memory_space<hbm>> -> memref<640x128xf32, #tpu.memory_space<hbm>>
      %dma_start3A_85 = arith.constant 0 : i32
      %dma_start3A_86 = tpu.memref_slice %arg12[%mul3A_81, %dma_start3A_85] : memref<10240x128xf32, #tpu.memory_space<vmem_shared>> -> memref<640x128xf32, #tpu.memory_space<vmem_shared>>
      tpu.enqueue_dma source(%dma_start3A_86 : memref<640x128xf32, #tpu.memory_space<vmem_shared>>) target(%dma_start3A_84 : memref<640x128xf32, #tpu.memory_space<hbm>>) target_semaphore(%run_scoped3A : memref<!tpu.dma_semaphore, #tpu.memory_space<semaphore_mem>>)
      %dma_wait3A_87 = arith.constant 0 : i32
      %dma_wait3A_88 = tpu.memref_slice %arg5[%arg0, %mul3A_81, %dma_wait3A_87] : memref<2x10240x128xf32, #tpu.memory_space<hbm>> -> memref<1x640x128xf32, #tpu.memory_space<hbm>>
      %dma_wait3A_89 = tpu.memref_squeeze %dma_wait3A_88 : memref<1x640x128xf32, #tpu.memory_space<hbm>> -> memref<640x128xf32, #tpu.memory_space<hbm>>
      %dma_wait3A_90 = arith.constant 0 : i32
      %dma_wait3A_91 = tpu.memref_slice %arg12[%mul3A_81, %dma_wait3A_90] : memref<10240x128xf32, #tpu.memory_space<vmem_shared>> -> memref<640x128xf32, #tpu.memory_space<vmem_shared>>
      tpu.wait_dma2 semaphore(%run_scoped3A : memref<!tpu.dma_semaphore, #tpu.memory_space<semaphore_mem>>) src(%dma_wait3A_91 : memref<640x128xf32, #tpu.memory_space<vmem_shared>>) dst(%dma_wait3A_89 : memref<640x128xf32, #tpu.memory_space<hbm>>)
      tpu.yield
    }) : () -> ()
    return
  }
}

#map = affine_map<(d0, d1) -> (0, 0, 0)>
module attributes {stable_mosaic.version = 14 : i64} {
  func.func @body(%arg0: i32, %arg1: i32, %arg2: memref<32x80x128xi32, #tpu.memory_space<hbm>>, %arg3: memref<2x10240x128xf32, #tpu.memory_space<hbm>>, %arg4: memref<8x128xi32, #tpu.memory_space<vmem>>, %arg5: memref<128x128xf32, #tpu.memory_space<vmem>>, %arg6: memref<10240x128xf32, #tpu.memory_space<vmem_shared>>, %arg7: memref<!tpu.dma_semaphore, #tpu.memory_space<semaphore_mem>>) attributes {dimension_semantics = [#tpu.dimension_semantics<core_parallel>, #tpu.dimension_semantics<subcore_parallel>], iteration_bounds = array<i64: 2, 16>, scalar_prefetch = 0 : i64, scratch_operands = 4 : i64, tpu.core_type = #tpu.core_type<sc_vector_subcore>, window_params = [{transform_indices = #map}, {transform_indices = #map}]} {
    %mul3A = arith.constant 16 : i32
    %mul3A_0 = arith.muli %arg0, %mul3A : i32
    %add3A = arith.addi %mul3A_0, %arg1 : i32
    %broadcast_in_dim3A = arith.constant 0.000000e+00 : f32
    %broadcast_in_dim3A_1 = vector.broadcast %broadcast_in_dim3A : f32 to vector<16xf32>
    %broadcast_in_dim3A_2 = arith.constant 1.000000e+00 : f32
    %broadcast_in_dim3A_3 = vector.broadcast %broadcast_in_dim3A_2 : f32 to vector<16xf32>
    %scan3A = arith.constant 0 : i32
    %scan3A_4 = arith.constant 0 : i32
    %scan3A_5 = arith.constant 128 : i32
    %scan3A_6 = arith.addi %scan3A_4, %scan3A_5 : i32
    %scan3A_7 = arith.constant 1 : i32
    scf.for %scan3A_44 = %scan3A_4 to %scan3A_6 step %scan3A_7  : i32 {
      %swap3A = arith.index_cast %scan3A_44 : i32 to index
      %swap3A_45 = arith.constant 0 : index
      %swap3A_46 = tpu.vector_load %arg5[%swap3A, %swap3A_45] {strides = array<i32>} : memref<128x128xf32, #tpu.memory_space<vmem>>, vector<1x16xf32>,
      %swap3A_47 = vector.shape_cast %swap3A_46 : vector<1x16xf32> to vector<16xf32>
      %swap3A_48 = vector.shape_cast %broadcast_in_dim3A_1 : vector<16xf32> to vector<1x16xf32>
      tpu.vector_store %arg5[%swap3A, %swap3A_45], %swap3A_48 {strides = array<i32>} : memref<128x128xf32, #tpu.memory_space<vmem>>, vector<1x16xf32>,
      %swap3A_49 = arith.index_cast %scan3A_44 : i32 to index
      %swap3A_50 = arith.constant 16 : index
      %swap3A_51 = tpu.vector_load %arg5[%swap3A_49, %swap3A_50] {strides = array<i32>} : memref<128x128xf32, #tpu.memory_space<vmem>>, vector<1x16xf32>,
      %swap3A_52 = vector.shape_cast %swap3A_51 : vector<1x16xf32> to vector<16xf32>
      %swap3A_53 = vector.shape_cast %broadcast_in_dim3A_1 : vector<16xf32> to vector<1x16xf32>
      tpu.vector_store %arg5[%swap3A_49, %swap3A_50], %swap3A_53 {strides = array<i32>} : memref<128x128xf32, #tpu.memory_space<vmem>>, vector<1x16xf32>,
      %swap3A_54 = arith.index_cast %scan3A_44 : i32 to index
      %swap3A_55 = arith.constant 32 : index
      %swap3A_56 = tpu.vector_load %arg5[%swap3A_54, %swap3A_55] {strides = array<i32>} : memref<128x128xf32, #tpu.memory_space<vmem>>, vector<1x16xf32>,
      %swap3A_57 = vector.shape_cast %swap3A_56 : vector<1x16xf32> to vector<16xf32>
      %swap3A_58 = vector.shape_cast %broadcast_in_dim3A_1 : vector<16xf32> to vector<1x16xf32>
      tpu.vector_store %arg5[%swap3A_54, %swap3A_55], %swap3A_58 {strides = array<i32>} : memref<128x128xf32, #tpu.memory_space<vmem>>, vector<1x16xf32>,
      %swap3A_59 = arith.index_cast %scan3A_44 : i32 to index
      %swap3A_60 = arith.constant 48 : index
      %swap3A_61 = tpu.vector_load %arg5[%swap3A_59, %swap3A_60] {strides = array<i32>} : memref<128x128xf32, #tpu.memory_space<vmem>>, vector<1x16xf32>,
      %swap3A_62 = vector.shape_cast %swap3A_61 : vector<1x16xf32> to vector<16xf32>
      %swap3A_63 = vector.shape_cast %broadcast_in_dim3A_1 : vector<16xf32> to vector<1x16xf32>
      tpu.vector_store %arg5[%swap3A_59, %swap3A_60], %swap3A_63 {strides = array<i32>} : memref<128x128xf32, #tpu.memory_space<vmem>>, vector<1x16xf32>,
      %swap3A_64 = arith.index_cast %scan3A_44 : i32 to index
      %swap3A_65 = arith.constant 64 : index
      %swap3A_66 = tpu.vector_load %arg5[%swap3A_64, %swap3A_65] {strides = array<i32>} : memref<128x128xf32, #tpu.memory_space<vmem>>, vector<1x16xf32>,
      %swap3A_67 = vector.shape_cast %swap3A_66 : vector<1x16xf32> to vector<16xf32>
      %swap3A_68 = vector.shape_cast %broadcast_in_dim3A_1 : vector<16xf32> to vector<1x16xf32>
      tpu.vector_store %arg5[%swap3A_64, %swap3A_65], %swap3A_68 {strides = array<i32>} : memref<128x128xf32, #tpu.memory_space<vmem>>, vector<1x16xf32>,
      %swap3A_69 = arith.index_cast %scan3A_44 : i32 to index
      %swap3A_70 = arith.constant 80 : index
      %swap3A_71 = tpu.vector_load %arg5[%swap3A_69, %swap3A_70] {strides = array<i32>} : memref<128x128xf32, #tpu.memory_space<vmem>>, vector<1x16xf32>,
      %swap3A_72 = vector.shape_cast %swap3A_71 : vector<1x16xf32> to vector<16xf32>
      %swap3A_73 = vector.shape_cast %broadcast_in_dim3A_1 : vector<16xf32> to vector<1x16xf32>
      tpu.vector_store %arg5[%swap3A_69, %swap3A_70], %swap3A_73 {strides = array<i32>} : memref<128x128xf32, #tpu.memory_space<vmem>>, vector<1x16xf32>,
      %swap3A_74 = arith.index_cast %scan3A_44 : i32 to index
      %swap3A_75 = arith.constant 96 : index
      %swap3A_76 = tpu.vector_load %arg5[%swap3A_74, %swap3A_75] {strides = array<i32>} : memref<128x128xf32, #tpu.memory_space<vmem>>, vector<1x16xf32>,
      %swap3A_77 = vector.shape_cast %swap3A_76 : vector<1x16xf32> to vector<16xf32>
      %swap3A_78 = vector.shape_cast %broadcast_in_dim3A_1 : vector<16xf32> to vector<1x16xf32>
      tpu.vector_store %arg5[%swap3A_74, %swap3A_75], %swap3A_78 {strides = array<i32>} : memref<128x128xf32, #tpu.memory_space<vmem>>, vector<1x16xf32>,
      %swap3A_79 = arith.index_cast %scan3A_44 : i32 to index
      %swap3A_80 = arith.constant 112 : index
      %swap3A_81 = tpu.vector_load %arg5[%swap3A_79, %swap3A_80] {strides = array<i32>} : memref<128x128xf32, #tpu.memory_space<vmem>>, vector<1x16xf32>,
      %swap3A_82 = vector.shape_cast %swap3A_81 : vector<1x16xf32> to vector<16xf32>
      %swap3A_83 = vector.shape_cast %broadcast_in_dim3A_1 : vector<16xf32> to vector<1x16xf32>
      tpu.vector_store %arg5[%swap3A_79, %swap3A_80], %swap3A_83 {strides = array<i32>} : memref<128x128xf32, #tpu.memory_space<vmem>>, vector<1x16xf32>,
    }
    %scan3A_8 = arith.constant 128 : i32
    %mul3A_9 = arith.constant 640 : i32
    %mul3A_10 = arith.muli %arg1, %mul3A_9 : i32
    %add3A_11 = arith.constant 0 : i32
    %add3A_12 = arith.addi %mul3A_10, %add3A_11 : i32
    "tpu.region"() ({
      %run_scoped3A = tpu.sem_alloc : memref<!tpu.dma_semaphore, #tpu.memory_space<semaphore_mem>>
      %dma_start3A = arith.constant 0 : i32
      %dma_start3A_44 = tpu.memref_slice %arg6[%add3A_12, %dma_start3A] : memref<10240x128xf32, #tpu.memory_space<vmem_shared>> -> memref<128x128xf32, #tpu.memory_space<vmem_shared>>
      %dma_start3A_45 = arith.constant 0 : i32
      %dma_start3A_46 = tpu.memref_slice %arg6[%add3A_12, %dma_start3A_45] : memref<10240x128xf32, #tpu.memory_space<vmem_shared>> -> memref<128x128xf32, #tpu.memory_space<vmem_shared>>
      tpu.enqueue_dma source(%arg5 : memref<128x128xf32, #tpu.memory_space<vmem>>) target(%dma_start3A_46 : memref<128x128xf32, #tpu.memory_space<vmem_shared>>) target_semaphore(%run_scoped3A : memref<!tpu.dma_semaphore, #tpu.memory_space<semaphore_mem>>)
      %dma_wait3A = arith.constant 0 : i32
      %dma_wait3A_47 = tpu.memref_slice %arg6[%add3A_12, %dma_wait3A] : memref<10240x128xf32, #tpu.memory_space<vmem_shared>> -> memref<128x128xf32, #tpu.memory_space<vmem_shared>>
      %dma_wait3A_48 = arith.constant 0 : i32
      %dma_wait3A_49 = tpu.memref_slice %arg6[%add3A_12, %dma_wait3A_48] : memref<10240x128xf32, #tpu.memory_space<vmem_shared>> -> memref<128x128xf32, #tpu.memory_space<vmem_shared>>
      tpu.wait_dma2 semaphore(%run_scoped3A : memref<!tpu.dma_semaphore, #tpu.memory_space<semaphore_mem>>) src(%arg5 : memref<128x128xf32, #tpu.memory_space<vmem>>) dst(%dma_wait3A_49 : memref<128x128xf32, #tpu.memory_space<vmem_shared>>)
      tpu.yield
    }) : () -> ()
    %mul3A_13 = arith.constant 640 : i32
    %mul3A_14 = arith.muli %arg1, %mul3A_13 : i32
    %add3A_15 = arith.constant 128 : i32
    %add3A_16 = arith.addi %mul3A_14, %add3A_15 : i32
    "tpu.region"() ({
      %run_scoped3A = tpu.sem_alloc : memref<!tpu.dma_semaphore, #tpu.memory_space<semaphore_mem>>
      %dma_start3A = arith.constant 0 : i32
      %dma_start3A_44 = tpu.memref_slice %arg6[%add3A_16, %dma_start3A] : memref<10240x128xf32, #tpu.memory_space<vmem_shared>> -> memref<128x128xf32, #tpu.memory_space<vmem_shared>>
      %dma_start3A_45 = arith.constant 0 : i32
      %dma_start3A_46 = tpu.memref_slice %arg6[%add3A_16, %dma_start3A_45] : memref<10240x128xf32, #tpu.memory_space<vmem_shared>> -> memref<128x128xf32, #tpu.memory_space<vmem_shared>>
      tpu.enqueue_dma source(%arg5 : memref<128x128xf32, #tpu.memory_space<vmem>>) target(%dma_start3A_46 : memref<128x128xf32, #tpu.memory_space<vmem_shared>>) target_semaphore(%run_scoped3A : memref<!tpu.dma_semaphore, #tpu.memory_space<semaphore_mem>>)
      %dma_wait3A = arith.constant 0 : i32
      %dma_wait3A_47 = tpu.memref_slice %arg6[%add3A_16, %dma_wait3A] : memref<10240x128xf32, #tpu.memory_space<vmem_shared>> -> memref<128x128xf32, #tpu.memory_space<vmem_shared>>
      %dma_wait3A_48 = arith.constant 0 : i32
      %dma_wait3A_49 = tpu.memref_slice %arg6[%add3A_16, %dma_wait3A_48] : memref<10240x128xf32, #tpu.memory_space<vmem_shared>> -> memref<128x128xf32, #tpu.memory_space<vmem_shared>>
      tpu.wait_dma2 semaphore(%run_scoped3A : memref<!tpu.dma_semaphore, #tpu.memory_space<semaphore_mem>>) src(%arg5 : memref<128x128xf32, #tpu.memory_space<vmem>>) dst(%dma_wait3A_49 : memref<128x128xf32, #tpu.memory_space<vmem_shared>>)
      tpu.yield
    }) : () -> ()
    %mul3A_17 = arith.constant 640 : i32
    %mul3A_18 = arith.muli %arg1, %mul3A_17 : i32
    %add3A_19 = arith.constant 256 : i32
    %add3A_20 = arith.addi %mul3A_18, %add3A_19 : i32
    "tpu.region"() ({
      %run_scoped3A = tpu.sem_alloc : memref<!tpu.dma_semaphore, #tpu.memory_space<semaphore_mem>>
      %dma_start3A = arith.constant 0 : i32
      %dma_start3A_44 = tpu.memref_slice %arg6[%add3A_20, %dma_start3A] : memref<10240x128xf32, #tpu.memory_space<vmem_shared>> -> memref<128x128xf32, #tpu.memory_space<vmem_shared>>
      %dma_start3A_45 = arith.constant 0 : i32
      %dma_start3A_46 = tpu.memref_slice %arg6[%add3A_20, %dma_start3A_45] : memref<10240x128xf32, #tpu.memory_space<vmem_shared>> -> memref<128x128xf32, #tpu.memory_space<vmem_shared>>
      tpu.enqueue_dma source(%arg5 : memref<128x128xf32, #tpu.memory_space<vmem>>) target(%dma_start3A_46 : memref<128x128xf32, #tpu.memory_space<vmem_shared>>) target_semaphore(%run_scoped3A : memref<!tpu.dma_semaphore, #tpu.memory_space<semaphore_mem>>)
      %dma_wait3A = arith.constant 0 : i32
      %dma_wait3A_47 = tpu.memref_slice %arg6[%add3A_20, %dma_wait3A] : memref<10240x128xf32, #tpu.memory_space<vmem_shared>> -> memref<128x128xf32, #tpu.memory_space<vmem_shared>>
      %dma_wait3A_48 = arith.constant 0 : i32
      %dma_wait3A_49 = tpu.memref_slice %arg6[%add3A_20, %dma_wait3A_48] : memref<10240x128xf32, #tpu.memory_space<vmem_shared>> -> memref<128x128xf32, #tpu.memory_space<vmem_shared>>
      tpu.wait_dma2 semaphore(%run_scoped3A : memref<!tpu.dma_semaphore, #tpu.memory_space<semaphore_mem>>) src(%arg5 : memref<128x128xf32, #tpu.memory_space<vmem>>) dst(%dma_wait3A_49 : memref<128x128xf32, #tpu.memory_space<vmem_shared>>)
      tpu.yield
    }) : () -> ()
    %mul3A_21 = arith.constant 640 : i32
    %mul3A_22 = arith.muli %arg1, %mul3A_21 : i32
    %add3A_23 = arith.constant 384 : i32
    %add3A_24 = arith.addi %mul3A_22, %add3A_23 : i32
    "tpu.region"() ({
      %run_scoped3A = tpu.sem_alloc : memref<!tpu.dma_semaphore, #tpu.memory_space<semaphore_mem>>
      %dma_start3A = arith.constant 0 : i32
      %dma_start3A_44 = tpu.memref_slice %arg6[%add3A_24, %dma_start3A] : memref<10240x128xf32, #tpu.memory_space<vmem_shared>> -> memref<128x128xf32, #tpu.memory_space<vmem_shared>>
      %dma_start3A_45 = arith.constant 0 : i32
      %dma_start3A_46 = tpu.memref_slice %arg6[%add3A_24, %dma_start3A_45] : memref<10240x128xf32, #tpu.memory_space<vmem_shared>> -> memref<128x128xf32, #tpu.memory_space<vmem_shared>>
      tpu.enqueue_dma source(%arg5 : memref<128x128xf32, #tpu.memory_space<vmem>>) target(%dma_start3A_46 : memref<128x128xf32, #tpu.memory_space<vmem_shared>>) target_semaphore(%run_scoped3A : memref<!tpu.dma_semaphore, #tpu.memory_space<semaphore_mem>>)
      %dma_wait3A = arith.constant 0 : i32
      %dma_wait3A_47 = tpu.memref_slice %arg6[%add3A_24, %dma_wait3A] : memref<10240x128xf32, #tpu.memory_space<vmem_shared>> -> memref<128x128xf32, #tpu.memory_space<vmem_shared>>
      %dma_wait3A_48 = arith.constant 0 : i32
      %dma_wait3A_49 = tpu.memref_slice %arg6[%add3A_24, %dma_wait3A_48] : memref<10240x128xf32, #tpu.memory_space<vmem_shared>> -> memref<128x128xf32, #tpu.memory_space<vmem_shared>>
      tpu.wait_dma2 semaphore(%run_scoped3A : memref<!tpu.dma_semaphore, #tpu.memory_space<semaphore_mem>>) src(%arg5 : memref<128x128xf32, #tpu.memory_space<vmem>>) dst(%dma_wait3A_49 : memref<128x128xf32, #tpu.memory_space<vmem_shared>>)
      tpu.yield
    }) : () -> ()
    %mul3A_25 = arith.constant 640 : i32
    %mul3A_26 = arith.muli %arg1, %mul3A_25 : i32
    %add3A_27 = arith.constant 512 : i32
    %add3A_28 = arith.addi %mul3A_26, %add3A_27 : i32
    "tpu.region"() ({
      %run_scoped3A = tpu.sem_alloc : memref<!tpu.dma_semaphore, #tpu.memory_space<semaphore_mem>>
      %dma_start3A = arith.constant 0 : i32
      %dma_start3A_44 = tpu.memref_slice %arg6[%add3A_28, %dma_start3A] : memref<10240x128xf32, #tpu.memory_space<vmem_shared>> -> memref<128x128xf32, #tpu.memory_space<vmem_shared>>
      %dma_start3A_45 = arith.constant 0 : i32
      %dma_start3A_46 = tpu.memref_slice %arg6[%add3A_28, %dma_start3A_45] : memref<10240x128xf32, #tpu.memory_space<vmem_shared>> -> memref<128x128xf32, #tpu.memory_space<vmem_shared>>
      tpu.enqueue_dma source(%arg5 : memref<128x128xf32, #tpu.memory_space<vmem>>) target(%dma_start3A_46 : memref<128x128xf32, #tpu.memory_space<vmem_shared>>) target_semaphore(%run_scoped3A : memref<!tpu.dma_semaphore, #tpu.memory_space<semaphore_mem>>)
      %dma_wait3A = arith.constant 0 : i32
      %dma_wait3A_47 = tpu.memref_slice %arg6[%add3A_28, %dma_wait3A] : memref<10240x128xf32, #tpu.memory_space<vmem_shared>> -> memref<128x128xf32, #tpu.memory_space<vmem_shared>>
      %dma_wait3A_48 = arith.constant 0 : i32
      %dma_wait3A_49 = tpu.memref_slice %arg6[%add3A_28, %dma_wait3A_48] : memref<10240x128xf32, #tpu.memory_space<vmem_shared>> -> memref<128x128xf32, #tpu.memory_space<vmem_shared>>
      tpu.wait_dma2 semaphore(%run_scoped3A : memref<!tpu.dma_semaphore, #tpu.memory_space<semaphore_mem>>) src(%arg5 : memref<128x128xf32, #tpu.memory_space<vmem>>) dst(%dma_wait3A_49 : memref<128x128xf32, #tpu.memory_space<vmem_shared>>)
      tpu.yield
    }) : () -> ()
    %scan3A_29 = arith.constant 0 : i32
    %scan3A_30 = arith.constant 0 : i32
    %scan3A_31 = arith.constant 128 : i32
    %scan3A_32 = arith.addi %scan3A_30, %scan3A_31 : i32
    %scan3A_33 = arith.constant 1 : i32
    scf.for %scan3A_44 = %scan3A_30 to %scan3A_32 step %scan3A_33  : i32 {
      %swap3A = arith.index_cast %scan3A_44 : i32 to index
      %swap3A_45 = arith.constant 0 : index
      %swap3A_46 = tpu.vector_load %arg5[%swap3A, %swap3A_45] {strides = array<i32>} : memref<128x128xf32, #tpu.memory_space<vmem>>, vector<1x16xf32>,
      %swap3A_47 = vector.shape_cast %swap3A_46 : vector<1x16xf32> to vector<16xf32>
      %swap3A_48 = vector.shape_cast %broadcast_in_dim3A_3 : vector<16xf32> to vector<1x16xf32>
      tpu.vector_store %arg5[%swap3A, %swap3A_45], %swap3A_48 {strides = array<i32>} : memref<128x128xf32, #tpu.memory_space<vmem>>, vector<1x16xf32>,
      %swap3A_49 = arith.index_cast %scan3A_44 : i32 to index
      %swap3A_50 = arith.constant 16 : index
      %swap3A_51 = tpu.vector_load %arg5[%swap3A_49, %swap3A_50] {strides = array<i32>} : memref<128x128xf32, #tpu.memory_space<vmem>>, vector<1x16xf32>,
      %swap3A_52 = vector.shape_cast %swap3A_51 : vector<1x16xf32> to vector<16xf32>
      %swap3A_53 = vector.shape_cast %broadcast_in_dim3A_3 : vector<16xf32> to vector<1x16xf32>
      tpu.vector_store %arg5[%swap3A_49, %swap3A_50], %swap3A_53 {strides = array<i32>} : memref<128x128xf32, #tpu.memory_space<vmem>>, vector<1x16xf32>,
      %swap3A_54 = arith.index_cast %scan3A_44 : i32 to index
      %swap3A_55 = arith.constant 32 : index
      %swap3A_56 = tpu.vector_load %arg5[%swap3A_54, %swap3A_55] {strides = array<i32>} : memref<128x128xf32, #tpu.memory_space<vmem>>, vector<1x16xf32>,
      %swap3A_57 = vector.shape_cast %swap3A_56 : vector<1x16xf32> to vector<16xf32>
      %swap3A_58 = vector.shape_cast %broadcast_in_dim3A_3 : vector<16xf32> to vector<1x16xf32>
      tpu.vector_store %arg5[%swap3A_54, %swap3A_55], %swap3A_58 {strides = array<i32>} : memref<128x128xf32, #tpu.memory_space<vmem>>, vector<1x16xf32>,
      %swap3A_59 = arith.index_cast %scan3A_44 : i32 to index
      %swap3A_60 = arith.constant 48 : index
      %swap3A_61 = tpu.vector_load %arg5[%swap3A_59, %swap3A_60] {strides = array<i32>} : memref<128x128xf32, #tpu.memory_space<vmem>>, vector<1x16xf32>,
      %swap3A_62 = vector.shape_cast %swap3A_61 : vector<1x16xf32> to vector<16xf32>
      %swap3A_63 = vector.shape_cast %broadcast_in_dim3A_3 : vector<16xf32> to vector<1x16xf32>
      tpu.vector_store %arg5[%swap3A_59, %swap3A_60], %swap3A_63 {strides = array<i32>} : memref<128x128xf32, #tpu.memory_space<vmem>>, vector<1x16xf32>,
      %swap3A_64 = arith.index_cast %scan3A_44 : i32 to index
      %swap3A_65 = arith.constant 64 : index
      %swap3A_66 = tpu.vector_load %arg5[%swap3A_64, %swap3A_65] {strides = array<i32>} : memref<128x128xf32, #tpu.memory_space<vmem>>, vector<1x16xf32>,
      %swap3A_67 = vector.shape_cast %swap3A_66 : vector<1x16xf32> to vector<16xf32>
      %swap3A_68 = vector.shape_cast %broadcast_in_dim3A_3 : vector<16xf32> to vector<1x16xf32>
      tpu.vector_store %arg5[%swap3A_64, %swap3A_65], %swap3A_68 {strides = array<i32>} : memref<128x128xf32, #tpu.memory_space<vmem>>, vector<1x16xf32>,
      %swap3A_69 = arith.index_cast %scan3A_44 : i32 to index
      %swap3A_70 = arith.constant 80 : index
      %swap3A_71 = tpu.vector_load %arg5[%swap3A_69, %swap3A_70] {strides = array<i32>} : memref<128x128xf32, #tpu.memory_space<vmem>>, vector<1x16xf32>,
      %swap3A_72 = vector.shape_cast %swap3A_71 : vector<1x16xf32> to vector<16xf32>
      %swap3A_73 = vector.shape_cast %broadcast_in_dim3A_3 : vector<16xf32> to vector<1x16xf32>
      tpu.vector_store %arg5[%swap3A_69, %swap3A_70], %swap3A_73 {strides = array<i32>} : memref<128x128xf32, #tpu.memory_space<vmem>>, vector<1x16xf32>,
      %swap3A_74 = arith.index_cast %scan3A_44 : i32 to index
      %swap3A_75 = arith.constant 96 : index
      %swap3A_76 = tpu.vector_load %arg5[%swap3A_74, %swap3A_75] {strides = array<i32>} : memref<128x128xf32, #tpu.memory_space<vmem>>, vector<1x16xf32>,
      %swap3A_77 = vector.shape_cast %swap3A_76 : vector<1x16xf32> to vector<16xf32>
      %swap3A_78 = vector.shape_cast %broadcast_in_dim3A_3 : vector<16xf32> to vector<1x16xf32>
      tpu.vector_store %arg5[%swap3A_74, %swap3A_75], %swap3A_78 {strides = array<i32>} : memref<128x128xf32, #tpu.memory_space<vmem>>, vector<1x16xf32>,
      %swap3A_79 = arith.index_cast %scan3A_44 : i32 to index
      %swap3A_80 = arith.constant 112 : index
      %swap3A_81 = tpu.vector_load %arg5[%swap3A_79, %swap3A_80] {strides = array<i32>} : memref<128x128xf32, #tpu.memory_space<vmem>>, vector<1x16xf32>,
      %swap3A_82 = vector.shape_cast %swap3A_81 : vector<1x16xf32> to vector<16xf32>
      %swap3A_83 = vector.shape_cast %broadcast_in_dim3A_3 : vector<16xf32> to vector<1x16xf32>
      tpu.vector_store %arg5[%swap3A_79, %swap3A_80], %swap3A_83 {strides = array<i32>} : memref<128x128xf32, #tpu.memory_space<vmem>>, vector<1x16xf32>,
    }
    %scan3A_34 = arith.constant 128 : i32
    %barrier3A = arith.constant 0 : index
    tpu.barrier barrier_id(%barrier3A)
    %scan3A_35 = arith.constant 0 : i32
    %scan3A_36 = arith.constant 0 : i32
    %scan3A_37 = arith.constant 10 : i32
    %scan3A_38 = arith.addi %scan3A_36, %scan3A_37 : i32
    %scan3A_39 = arith.constant 1 : i32
    scf.for %scan3A_44 = %scan3A_36 to %scan3A_38 step %scan3A_39  : i32 {
      %mul3A_45 = arith.constant 8 : i32
      %mul3A_46 = arith.muli %scan3A_44, %mul3A_45 : i32
      "tpu.region"() ({
        %run_scoped3A = tpu.sem_alloc : memref<!tpu.dma_semaphore, #tpu.memory_space<semaphore_mem>>
        %dma_start3A_157 = arith.constant 0 : i32
        %dma_start3A_158 = tpu.memref_slice %arg2[%add3A, %mul3A_46, %dma_start3A_157] : memref<32x80x128xi32, #tpu.memory_space<hbm>> -> memref<1x8x128xi32, #tpu.memory_space<hbm>>
        %dma_start3A_159 = tpu.memref_squeeze %dma_start3A_158 : memref<1x8x128xi32, #tpu.memory_space<hbm>> -> memref<8x128xi32, #tpu.memory_space<hbm>>
        %dma_start3A_160 = arith.constant 0 : i32
        %dma_start3A_161 = tpu.memref_slice %arg2[%add3A, %mul3A_46, %dma_start3A_160] : memref<32x80x128xi32, #tpu.memory_space<hbm>> -> memref<1x8x128xi32, #tpu.memory_space<hbm>>
        %dma_start3A_162 = tpu.memref_squeeze %dma_start3A_161 : memref<1x8x128xi32, #tpu.memory_space<hbm>> -> memref<8x128xi32, #tpu.memory_space<hbm>>
        tpu.enqueue_dma source(%dma_start3A_162 : memref<8x128xi32, #tpu.memory_space<hbm>>) target(%arg4 : memref<8x128xi32, #tpu.memory_space<vmem>>) target_semaphore(%run_scoped3A : memref<!tpu.dma_semaphore, #tpu.memory_space<semaphore_mem>>)
        %dma_wait3A_163 = arith.constant 0 : i32
        %dma_wait3A_164 = tpu.memref_slice %arg2[%add3A, %mul3A_46, %dma_wait3A_163] : memref<32x80x128xi32, #tpu.memory_space<hbm>> -> memref<1x8x128xi32, #tpu.memory_space<hbm>>
        %dma_wait3A_165 = tpu.memref_squeeze %dma_wait3A_164 : memref<1x8x128xi32, #tpu.memory_space<hbm>> -> memref<8x128xi32, #tpu.memory_space<hbm>>
        %dma_wait3A_166 = arith.constant 0 : i32
        %dma_wait3A_167 = tpu.memref_slice %arg2[%add3A, %mul3A_46, %dma_wait3A_166] : memref<32x80x128xi32, #tpu.memory_space<hbm>> -> memref<1x8x128xi32, #tpu.memory_space<hbm>>
        %dma_wait3A_168 = tpu.memref_squeeze %dma_wait3A_167 : memref<1x8x128xi32, #tpu.memory_space<hbm>> -> memref<8x128xi32, #tpu.memory_space<hbm>>
        tpu.wait_dma2 semaphore(%run_scoped3A : memref<!tpu.dma_semaphore, #tpu.memory_space<semaphore_mem>>) src(%dma_wait3A_168 : memref<8x128xi32, #tpu.memory_space<hbm>>) dst(%arg4 : memref<8x128xi32, #tpu.memory_space<vmem>>)
        tpu.yield
      }) : () -> ()
      %dma_start3A = arith.constant 0 : i32
      %dma_start3A_47 = arith.constant 0 : i32
      %dma_start3A_48 = tpu.memref_slice %arg4[%dma_start3A, %dma_start3A_47] : memref<8x128xi32, #tpu.memory_space<vmem>> -> memref<1x128xi32, #tpu.memory_space<vmem>>
      %dma_start3A_49 = tpu.memref_squeeze %dma_start3A_48 : memref<1x128xi32, #tpu.memory_space<vmem>> -> memref<128xi32, #tpu.memory_space<vmem>>
      %dma_start3A_50 = arith.constant 0 : i32
      %dma_start3A_51 = arith.constant 0 : i32
      %dma_start3A_52 = tpu.memref_slice %arg6[%dma_start3A_50, %dma_start3A_51] : memref<10240x128xf32, #tpu.memory_space<vmem_shared>> -> memref<10240x128xf32, #tpu.memory_space<vmem_shared>>
      tpu.enqueue_indirect_dma source(%arg5 : memref<128x128xf32, #tpu.memory_space<vmem>>) target(%dma_start3A_52 : memref<10240x128xf32, #tpu.memory_space<vmem_shared>>) offsets(%dma_start3A_49 : memref<128xi32, #tpu.memory_space<vmem>>) semaphore(%arg7 : memref<!tpu.dma_semaphore, #tpu.memory_space<semaphore_mem>>) {add = true}
      %dma_start3A_53 = arith.constant 1 : i32
      %dma_start3A_54 = arith.constant 0 : i32
      %dma_start3A_55 = tpu.memref_slice %arg4[%dma_start3A_53, %dma_start3A_54] : memref<8x128xi32, #tpu.memory_space<vmem>> -> memref<1x128xi32, #tpu.memory_space<vmem>>
      %dma_start3A_56 = tpu.memref_squeeze %dma_start3A_55 : memref<1x128xi32, #tpu.memory_space<vmem>> -> memref<128xi32, #tpu.memory_space<vmem>>
      %dma_start3A_57 = arith.constant 0 : i32
      %dma_start3A_58 = arith.constant 0 : i32
      %dma_start3A_59 = tpu.memref_slice %arg6[%dma_start3A_57, %dma_start3A_58] : memref<10240x128xf32, #tpu.memory_space<vmem_shared>> -> memref<10240x128xf32, #tpu.memory_space<vmem_shared>>
      tpu.enqueue_indirect_dma source(%arg5 : memref<128x128xf32, #tpu.memory_space<vmem>>) target(%dma_start3A_59 : memref<10240x128xf32, #tpu.memory_space<vmem_shared>>) offsets(%dma_start3A_56 : memref<128xi32, #tpu.memory_space<vmem>>) semaphore(%arg7 : memref<!tpu.dma_semaphore, #tpu.memory_space<semaphore_mem>>) {add = true}
      %dma_start3A_60 = arith.constant 2 : i32
      %dma_start3A_61 = arith.constant 0 : i32
      %dma_start3A_62 = tpu.memref_slice %arg4[%dma_start3A_60, %dma_start3A_61] : memref<8x128xi32, #tpu.memory_space<vmem>> -> memref<1x128xi32, #tpu.memory_space<vmem>>
      %dma_start3A_63 = tpu.memref_squeeze %dma_start3A_62 : memref<1x128xi32, #tpu.memory_space<vmem>> -> memref<128xi32, #tpu.memory_space<vmem>>
      %dma_start3A_64 = arith.constant 0 : i32
      %dma_start3A_65 = arith.constant 0 : i32
      %dma_start3A_66 = tpu.memref_slice %arg6[%dma_start3A_64, %dma_start3A_65] : memref<10240x128xf32, #tpu.memory_space<vmem_shared>> -> memref<10240x128xf32, #tpu.memory_space<vmem_shared>>
      tpu.enqueue_indirect_dma source(%arg5 : memref<128x128xf32, #tpu.memory_space<vmem>>) target(%dma_start3A_66 : memref<10240x128xf32, #tpu.memory_space<vmem_shared>>) offsets(%dma_start3A_63 : memref<128xi32, #tpu.memory_space<vmem>>) semaphore(%arg7 : memref<!tpu.dma_semaphore, #tpu.memory_space<semaphore_mem>>) {add = true}
      %dma_start3A_67 = arith.constant 3 : i32
      %dma_start3A_68 = arith.constant 0 : i32
      %dma_start3A_69 = tpu.memref_slice %arg4[%dma_start3A_67, %dma_start3A_68] : memref<8x128xi32, #tpu.memory_space<vmem>> -> memref<1x128xi32, #tpu.memory_space<vmem>>
      %dma_start3A_70 = tpu.memref_squeeze %dma_start3A_69 : memref<1x128xi32, #tpu.memory_space<vmem>> -> memref<128xi32, #tpu.memory_space<vmem>>
      %dma_start3A_71 = arith.constant 0 : i32
      %dma_start3A_72 = arith.constant 0 : i32
      %dma_start3A_73 = tpu.memref_slice %arg6[%dma_start3A_71, %dma_start3A_72] : memref<10240x128xf32, #tpu.memory_space<vmem_shared>> -> memref<10240x128xf32, #tpu.memory_space<vmem_shared>>
      tpu.enqueue_indirect_dma source(%arg5 : memref<128x128xf32, #tpu.memory_space<vmem>>) target(%dma_start3A_73 : memref<10240x128xf32, #tpu.memory_space<vmem_shared>>) offsets(%dma_start3A_70 : memref<128xi32, #tpu.memory_space<vmem>>) semaphore(%arg7 : memref<!tpu.dma_semaphore, #tpu.memory_space<semaphore_mem>>) {add = true}
      %dma_start3A_74 = arith.constant 4 : i32
      %dma_start3A_75 = arith.constant 0 : i32
      %dma_start3A_76 = tpu.memref_slice %arg4[%dma_start3A_74, %dma_start3A_75] : memref<8x128xi32, #tpu.memory_space<vmem>> -> memref<1x128xi32, #tpu.memory_space<vmem>>
      %dma_start3A_77 = tpu.memref_squeeze %dma_start3A_76 : memref<1x128xi32, #tpu.memory_space<vmem>> -> memref<128xi32, #tpu.memory_space<vmem>>
      %dma_start3A_78 = arith.constant 0 : i32
      %dma_start3A_79 = arith.constant 0 : i32
      %dma_start3A_80 = tpu.memref_slice %arg6[%dma_start3A_78, %dma_start3A_79] : memref<10240x128xf32, #tpu.memory_space<vmem_shared>> -> memref<10240x128xf32, #tpu.memory_space<vmem_shared>>
      tpu.enqueue_indirect_dma source(%arg5 : memref<128x128xf32, #tpu.memory_space<vmem>>) target(%dma_start3A_80 : memref<10240x128xf32, #tpu.memory_space<vmem_shared>>) offsets(%dma_start3A_77 : memref<128xi32, #tpu.memory_space<vmem>>) semaphore(%arg7 : memref<!tpu.dma_semaphore, #tpu.memory_space<semaphore_mem>>) {add = true}
      %dma_start3A_81 = arith.constant 5 : i32
      %dma_start3A_82 = arith.constant 0 : i32
      %dma_start3A_83 = tpu.memref_slice %arg4[%dma_start3A_81, %dma_start3A_82] : memref<8x128xi32, #tpu.memory_space<vmem>> -> memref<1x128xi32, #tpu.memory_space<vmem>>
      %dma_start3A_84 = tpu.memref_squeeze %dma_start3A_83 : memref<1x128xi32, #tpu.memory_space<vmem>> -> memref<128xi32, #tpu.memory_space<vmem>>
      %dma_start3A_85 = arith.constant 0 : i32
      %dma_start3A_86 = arith.constant 0 : i32
      %dma_start3A_87 = tpu.memref_slice %arg6[%dma_start3A_85, %dma_start3A_86] : memref<10240x128xf32, #tpu.memory_space<vmem_shared>> -> memref<10240x128xf32, #tpu.memory_space<vmem_shared>>
      tpu.enqueue_indirect_dma source(%arg5 : memref<128x128xf32, #tpu.memory_space<vmem>>) target(%dma_start3A_87 : memref<10240x128xf32, #tpu.memory_space<vmem_shared>>) offsets(%dma_start3A_84 : memref<128xi32, #tpu.memory_space<vmem>>) semaphore(%arg7 : memref<!tpu.dma_semaphore, #tpu.memory_space<semaphore_mem>>) {add = true}
      %dma_start3A_88 = arith.constant 6 : i32
      %dma_start3A_89 = arith.constant 0 : i32
      %dma_start3A_90 = tpu.memref_slice %arg4[%dma_start3A_88, %dma_start3A_89] : memref<8x128xi32, #tpu.memory_space<vmem>> -> memref<1x128xi32, #tpu.memory_space<vmem>>
      %dma_start3A_91 = tpu.memref_squeeze %dma_start3A_90 : memref<1x128xi32, #tpu.memory_space<vmem>> -> memref<128xi32, #tpu.memory_space<vmem>>
      %dma_start3A_92 = arith.constant 0 : i32
      %dma_start3A_93 = arith.constant 0 : i32
      %dma_start3A_94 = tpu.memref_slice %arg6[%dma_start3A_92, %dma_start3A_93] : memref<10240x128xf32, #tpu.memory_space<vmem_shared>> -> memref<10240x128xf32, #tpu.memory_space<vmem_shared>>
      tpu.enqueue_indirect_dma source(%arg5 : memref<128x128xf32, #tpu.memory_space<vmem>>) target(%dma_start3A_94 : memref<10240x128xf32, #tpu.memory_space<vmem_shared>>) offsets(%dma_start3A_91 : memref<128xi32, #tpu.memory_space<vmem>>) semaphore(%arg7 : memref<!tpu.dma_semaphore, #tpu.memory_space<semaphore_mem>>) {add = true}
      %dma_start3A_95 = arith.constant 7 : i32
      %dma_start3A_96 = arith.constant 0 : i32
      %dma_start3A_97 = tpu.memref_slice %arg4[%dma_start3A_95, %dma_start3A_96] : memref<8x128xi32, #tpu.memory_space<vmem>> -> memref<1x128xi32, #tpu.memory_space<vmem>>
      %dma_start3A_98 = tpu.memref_squeeze %dma_start3A_97 : memref<1x128xi32, #tpu.memory_space<vmem>> -> memref<128xi32, #tpu.memory_space<vmem>>
      %dma_start3A_99 = arith.constant 0 : i32
      %dma_start3A_100 = arith.constant 0 : i32
      %dma_start3A_101 = tpu.memref_slice %arg6[%dma_start3A_99, %dma_start3A_100] : memref<10240x128xf32, #tpu.memory_space<vmem_shared>> -> memref<10240x128xf32, #tpu.memory_space<vmem_shared>>
      tpu.enqueue_indirect_dma source(%arg5 : memref<128x128xf32, #tpu.memory_space<vmem>>) target(%dma_start3A_101 : memref<10240x128xf32, #tpu.memory_space<vmem_shared>>) offsets(%dma_start3A_98 : memref<128xi32, #tpu.memory_space<vmem>>) semaphore(%arg7 : memref<!tpu.dma_semaphore, #tpu.memory_space<semaphore_mem>>) {add = true}
      %dma_wait3A = arith.constant 0 : i32
      %dma_wait3A_102 = arith.constant 0 : i32
      %dma_wait3A_103 = tpu.memref_slice %arg4[%dma_wait3A, %dma_wait3A_102] : memref<8x128xi32, #tpu.memory_space<vmem>> -> memref<1x128xi32, #tpu.memory_space<vmem>>
      %dma_wait3A_104 = tpu.memref_squeeze %dma_wait3A_103 : memref<1x128xi32, #tpu.memory_space<vmem>> -> memref<128xi32, #tpu.memory_space<vmem>>
      %dma_wait3A_105 = arith.constant 0 : i32
      %dma_wait3A_106 = arith.constant 0 : i32
      %dma_wait3A_107 = tpu.memref_slice %arg6[%dma_wait3A_105, %dma_wait3A_106] : memref<10240x128xf32, #tpu.memory_space<vmem_shared>> -> memref<10240x128xf32, #tpu.memory_space<vmem_shared>>
      tpu.wait_indirect_dma semaphore(%arg7 : memref<!tpu.dma_semaphore, #tpu.memory_space<semaphore_mem>>) src(%arg5 : memref<128x128xf32, #tpu.memory_space<vmem>>) dst(%dma_wait3A_107 : memref<10240x128xf32, #tpu.memory_space<vmem_shared>>)
      %dma_wait3A_108 = arith.constant 1 : i32
      %dma_wait3A_109 = arith.constant 0 : i32
      %dma_wait3A_110 = tpu.memref_slice %arg4[%dma_wait3A_108, %dma_wait3A_109] : memref<8x128xi32, #tpu.memory_space<vmem>> -> memref<1x128xi32, #tpu.memory_space<vmem>>
      %dma_wait3A_111 = tpu.memref_squeeze %dma_wait3A_110 : memref<1x128xi32, #tpu.memory_space<vmem>> -> memref<128xi32, #tpu.memory_space<vmem>>
      %dma_wait3A_112 = arith.constant 0 : i32
      %dma_wait3A_113 = arith.constant 0 : i32
      %dma_wait3A_114 = tpu.memref_slice %arg6[%dma_wait3A_112, %dma_wait3A_113] : memref<10240x128xf32, #tpu.memory_space<vmem_shared>> -> memref<10240x128xf32, #tpu.memory_space<vmem_shared>>
      tpu.wait_indirect_dma semaphore(%arg7 : memref<!tpu.dma_semaphore, #tpu.memory_space<semaphore_mem>>) src(%arg5 : memref<128x128xf32, #tpu.memory_space<vmem>>) dst(%dma_wait3A_114 : memref<10240x128xf32, #tpu.memory_space<vmem_shared>>)
      %dma_wait3A_115 = arith.constant 2 : i32
      %dma_wait3A_116 = arith.constant 0 : i32
      %dma_wait3A_117 = tpu.memref_slice %arg4[%dma_wait3A_115, %dma_wait3A_116] : memref<8x128xi32, #tpu.memory_space<vmem>> -> memref<1x128xi32, #tpu.memory_space<vmem>>
      %dma_wait3A_118 = tpu.memref_squeeze %dma_wait3A_117 : memref<1x128xi32, #tpu.memory_space<vmem>> -> memref<128xi32, #tpu.memory_space<vmem>>
      %dma_wait3A_119 = arith.constant 0 : i32
      %dma_wait3A_120 = arith.constant 0 : i32
      %dma_wait3A_121 = tpu.memref_slice %arg6[%dma_wait3A_119, %dma_wait3A_120] : memref<10240x128xf32, #tpu.memory_space<vmem_shared>> -> memref<10240x128xf32, #tpu.memory_space<vmem_shared>>
      tpu.wait_indirect_dma semaphore(%arg7 : memref<!tpu.dma_semaphore, #tpu.memory_space<semaphore_mem>>) src(%arg5 : memref<128x128xf32, #tpu.memory_space<vmem>>) dst(%dma_wait3A_121 : memref<10240x128xf32, #tpu.memory_space<vmem_shared>>)
      %dma_wait3A_122 = arith.constant 3 : i32
      %dma_wait3A_123 = arith.constant 0 : i32
      %dma_wait3A_124 = tpu.memref_slice %arg4[%dma_wait3A_122, %dma_wait3A_123] : memref<8x128xi32, #tpu.memory_space<vmem>> -> memref<1x128xi32, #tpu.memory_space<vmem>>
      %dma_wait3A_125 = tpu.memref_squeeze %dma_wait3A_124 : memref<1x128xi32, #tpu.memory_space<vmem>> -> memref<128xi32, #tpu.memory_space<vmem>>
      %dma_wait3A_126 = arith.constant 0 : i32
      %dma_wait3A_127 = arith.constant 0 : i32
      %dma_wait3A_128 = tpu.memref_slice %arg6[%dma_wait3A_126, %dma_wait3A_127] : memref<10240x128xf32, #tpu.memory_space<vmem_shared>> -> memref<10240x128xf32, #tpu.memory_space<vmem_shared>>
      tpu.wait_indirect_dma semaphore(%arg7 : memref<!tpu.dma_semaphore, #tpu.memory_space<semaphore_mem>>) src(%arg5 : memref<128x128xf32, #tpu.memory_space<vmem>>) dst(%dma_wait3A_128 : memref<10240x128xf32, #tpu.memory_space<vmem_shared>>)
      %dma_wait3A_129 = arith.constant 4 : i32
      %dma_wait3A_130 = arith.constant 0 : i32
      %dma_wait3A_131 = tpu.memref_slice %arg4[%dma_wait3A_129, %dma_wait3A_130] : memref<8x128xi32, #tpu.memory_space<vmem>> -> memref<1x128xi32, #tpu.memory_space<vmem>>
      %dma_wait3A_132 = tpu.memref_squeeze %dma_wait3A_131 : memref<1x128xi32, #tpu.memory_space<vmem>> -> memref<128xi32, #tpu.memory_space<vmem>>
      %dma_wait3A_133 = arith.constant 0 : i32
      %dma_wait3A_134 = arith.constant 0 : i32
      %dma_wait3A_135 = tpu.memref_slice %arg6[%dma_wait3A_133, %dma_wait3A_134] : memref<10240x128xf32, #tpu.memory_space<vmem_shared>> -> memref<10240x128xf32, #tpu.memory_space<vmem_shared>>
      tpu.wait_indirect_dma semaphore(%arg7 : memref<!tpu.dma_semaphore, #tpu.memory_space<semaphore_mem>>) src(%arg5 : memref<128x128xf32, #tpu.memory_space<vmem>>) dst(%dma_wait3A_135 : memref<10240x128xf32, #tpu.memory_space<vmem_shared>>)
      %dma_wait3A_136 = arith.constant 5 : i32
      %dma_wait3A_137 = arith.constant 0 : i32
      %dma_wait3A_138 = tpu.memref_slice %arg4[%dma_wait3A_136, %dma_wait3A_137] : memref<8x128xi32, #tpu.memory_space<vmem>> -> memref<1x128xi32, #tpu.memory_space<vmem>>
      %dma_wait3A_139 = tpu.memref_squeeze %dma_wait3A_138 : memref<1x128xi32, #tpu.memory_space<vmem>> -> memref<128xi32, #tpu.memory_space<vmem>>
      %dma_wait3A_140 = arith.constant 0 : i32
      %dma_wait3A_141 = arith.constant 0 : i32
      %dma_wait3A_142 = tpu.memref_slice %arg6[%dma_wait3A_140, %dma_wait3A_141] : memref<10240x128xf32, #tpu.memory_space<vmem_shared>> -> memref<10240x128xf32, #tpu.memory_space<vmem_shared>>
      tpu.wait_indirect_dma semaphore(%arg7 : memref<!tpu.dma_semaphore, #tpu.memory_space<semaphore_mem>>) src(%arg5 : memref<128x128xf32, #tpu.memory_space<vmem>>) dst(%dma_wait3A_142 : memref<10240x128xf32, #tpu.memory_space<vmem_shared>>)
      %dma_wait3A_143 = arith.constant 6 : i32
      %dma_wait3A_144 = arith.constant 0 : i32
      %dma_wait3A_145 = tpu.memref_slice %arg4[%dma_wait3A_143, %dma_wait3A_144] : memref<8x128xi32, #tpu.memory_space<vmem>> -> memref<1x128xi32, #tpu.memory_space<vmem>>
      %dma_wait3A_146 = tpu.memref_squeeze %dma_wait3A_145 : memref<1x128xi32, #tpu.memory_space<vmem>> -> memref<128xi32, #tpu.memory_space<vmem>>
      %dma_wait3A_147 = arith.constant 0 : i32
      %dma_wait3A_148 = arith.constant 0 : i32
      %dma_wait3A_149 = tpu.memref_slice %arg6[%dma_wait3A_147, %dma_wait3A_148] : memref<10240x128xf32, #tpu.memory_space<vmem_shared>> -> memref<10240x128xf32, #tpu.memory_space<vmem_shared>>
      tpu.wait_indirect_dma semaphore(%arg7 : memref<!tpu.dma_semaphore, #tpu.memory_space<semaphore_mem>>) src(%arg5 : memref<128x128xf32, #tpu.memory_space<vmem>>) dst(%dma_wait3A_149 : memref<10240x128xf32, #tpu.memory_space<vmem_shared>>)
      %dma_wait3A_150 = arith.constant 7 : i32
      %dma_wait3A_151 = arith.constant 0 : i32
      %dma_wait3A_152 = tpu.memref_slice %arg4[%dma_wait3A_150, %dma_wait3A_151] : memref<8x128xi32, #tpu.memory_space<vmem>> -> memref<1x128xi32, #tpu.memory_space<vmem>>
      %dma_wait3A_153 = tpu.memref_squeeze %dma_wait3A_152 : memref<1x128xi32, #tpu.memory_space<vmem>> -> memref<128xi32, #tpu.memory_space<vmem>>
      %dma_wait3A_154 = arith.constant 0 : i32
      %dma_wait3A_155 = arith.constant 0 : i32
      %dma_wait3A_156 = tpu.memref_slice %arg6[%dma_wait3A_154, %dma_wait3A_155] : memref<10240x128xf32, #tpu.memory_space<vmem_shared>> -> memref<10240x128xf32, #tpu.memory_space<vmem_shared>>
      tpu.wait_indirect_dma semaphore(%arg7 : memref<!tpu.dma_semaphore, #tpu.memory_space<semaphore_mem>>) src(%arg5 : memref<128x128xf32, #tpu.memory_space<vmem>>) dst(%dma_wait3A_156 : memref<10240x128xf32, #tpu.memory_space<vmem_shared>>)
    }
    %scan3A_40 = arith.constant 10 : i32
    %barrier3A_41 = arith.constant 0 : index
    tpu.barrier barrier_id(%barrier3A_41)
    %mul3A_42 = arith.constant 640 : i32
    %mul3A_43 = arith.muli %arg1, %mul3A_42 : i32
    "tpu.region"() ({
      %run_scoped3A = tpu.sem_alloc : memref<!tpu.dma_semaphore, #tpu.memory_space<semaphore_mem>>
      %dma_start3A = arith.constant 0 : i32
      %dma_start3A_44 = tpu.memref_slice %arg3[%arg0, %mul3A_43, %dma_start3A] : memref<2x10240x128xf32, #tpu.memory_space<hbm>> -> memref<1x640x128xf32, #tpu.memory_space<hbm>>
      %dma_start3A_45 = tpu.memref_squeeze %dma_start3A_44 : memref<1x640x128xf32, #tpu.memory_space<hbm>> -> memref<640x128xf32, #tpu.memory_space<hbm>>
      %dma_start3A_46 = arith.constant 0 : i32
      %dma_start3A_47 = tpu.memref_slice %arg6[%mul3A_43, %dma_start3A_46] : memref<10240x128xf32, #tpu.memory_space<vmem_shared>> -> memref<640x128xf32, #tpu.memory_space<vmem_shared>>
      tpu.enqueue_dma source(%dma_start3A_47 : memref<640x128xf32, #tpu.memory_space<vmem_shared>>) target(%dma_start3A_45 : memref<640x128xf32, #tpu.memory_space<hbm>>) target_semaphore(%run_scoped3A : memref<!tpu.dma_semaphore, #tpu.memory_space<semaphore_mem>>)
      %dma_wait3A = arith.constant 0 : i32
      %dma_wait3A_48 = tpu.memref_slice %arg3[%arg0, %mul3A_43, %dma_wait3A] : memref<2x10240x128xf32, #tpu.memory_space<hbm>> -> memref<1x640x128xf32, #tpu.memory_space<hbm>>
      %dma_wait3A_49 = tpu.memref_squeeze %dma_wait3A_48 : memref<1x640x128xf32, #tpu.memory_space<hbm>> -> memref<640x128xf32, #tpu.memory_space<hbm>>
      %dma_wait3A_50 = arith.constant 0 : i32
      %dma_wait3A_51 = tpu.memref_slice %arg6[%mul3A_43, %dma_wait3A_50] : memref<10240x128xf32, #tpu.memory_space<vmem_shared>> -> memref<640x128xf32, #tpu.memory_space<vmem_shared>>
      tpu.wait_dma2 semaphore(%run_scoped3A : memref<!tpu.dma_semaphore, #tpu.memory_space<semaphore_mem>>) src(%dma_wait3A_51 : memref<640x128xf32, #tpu.memory_space<vmem_shared>>) dst(%dma_wait3A_49 : memref<640x128xf32, #tpu.memory_space<hbm>>)
      tpu.yield
    }) : () -> ()
    return
  }
}

#map = affine_map<(d0, d1) -> (0, 0)>
#map1 = affine_map<(d0, d1) -> (0, 0, 0)>
module attributes {stable_mosaic.version = 14 : i64} {
  func.func @body(%arg0: i32, %arg1: i32, %arg2: memref<10000x128xf32, #tpu.memory_space<hbm>>, %arg3: memref<32x80x128xi32, #tpu.memory_space<hbm>>, %arg4: memref<32x80x128xi32, #tpu.memory_space<hbm>>, %arg5: memref<2x10240x128xf32, #tpu.memory_space<hbm>>, %arg6: memref<8x128xi32, #tpu.memory_space<vmem>>, %arg7: memref<8x128xi32, #tpu.memory_space<vmem>>, %arg8: memref<8x128xi32, #tpu.memory_space<vmem>>, %arg9: memref<8x128xi32, #tpu.memory_space<vmem>>, %arg10: memref<128x128xf32, #tpu.memory_space<vmem>>, %arg11: memref<128x128xf32, #tpu.memory_space<vmem>>, %arg12: memref<10240x128xf32, #tpu.memory_space<vmem_shared>>, %arg13: memref<!tpu.dma_semaphore, #tpu.memory_space<semaphore_mem>>, %arg14: memref<!tpu.dma_semaphore, #tpu.memory_space<semaphore_mem>>, %arg15: memref<!tpu.dma_semaphore, #tpu.memory_space<semaphore_mem>>, %arg16: memref<!tpu.dma_semaphore, #tpu.memory_space<semaphore_mem>>, %arg17: memref<!tpu.dma_semaphore, #tpu.memory_space<semaphore_mem>>) attributes {dimension_semantics = [#tpu.dimension_semantics<core_parallel>, #tpu.dimension_semantics<subcore_parallel>], iteration_bounds = array<i64: 2, 16>, scalar_prefetch = 0 : i64, scratch_operands = 12 : i64, tpu.core_type = #tpu.core_type<sc_vector_subcore>, window_params = [{transform_indices = #map}, {transform_indices = #map1}, {transform_indices = #map1}, {transform_indices = #map1}]} {
    %mul3A = arith.constant 16 : i32
    %mul3A_0 = arith.muli %arg0, %mul3A : i32
    %add3A = arith.addi %mul3A_0, %arg1 : i32
    %broadcast_in_dim3A = arith.constant 0.000000e+00 : f32
    %broadcast_in_dim3A_1 = vector.broadcast %broadcast_in_dim3A : f32 to vector<16xf32>
    %scan3A = arith.constant 0 : i32
    %scan3A_2 = arith.constant 0 : i32
    %scan3A_3 = arith.constant 128 : i32
    %scan3A_4 = arith.addi %scan3A_2, %scan3A_3 : i32
    %scan3A_5 = arith.constant 1 : i32
    scf.for %scan3A_82 = %scan3A_2 to %scan3A_4 step %scan3A_5  : i32 {
      %swap3A = arith.index_cast %scan3A_82 : i32 to index
      %swap3A_83 = arith.constant 0 : index
      %swap3A_84 = tpu.vector_load %arg10[%swap3A, %swap3A_83] {strides = array<i32>} : memref<128x128xf32, #tpu.memory_space<vmem>>, vector<1x16xf32>,
      %swap3A_85 = vector.shape_cast %swap3A_84 : vector<1x16xf32> to vector<16xf32>
      %swap3A_86 = vector.shape_cast %broadcast_in_dim3A_1 : vector<16xf32> to vector<1x16xf32>
      tpu.vector_store %arg10[%swap3A, %swap3A_83], %swap3A_86 {strides = array<i32>} : memref<128x128xf32, #tpu.memory_space<vmem>>, vector<1x16xf32>,
      %swap3A_87 = arith.index_cast %scan3A_82 : i32 to index
      %swap3A_88 = arith.constant 16 : index
      %swap3A_89 = tpu.vector_load %arg10[%swap3A_87, %swap3A_88] {strides = array<i32>} : memref<128x128xf32, #tpu.memory_space<vmem>>, vector<1x16xf32>,
      %swap3A_90 = vector.shape_cast %swap3A_89 : vector<1x16xf32> to vector<16xf32>
      %swap3A_91 = vector.shape_cast %broadcast_in_dim3A_1 : vector<16xf32> to vector<1x16xf32>
      tpu.vector_store %arg10[%swap3A_87, %swap3A_88], %swap3A_91 {strides = array<i32>} : memref<128x128xf32, #tpu.memory_space<vmem>>, vector<1x16xf32>,
      %swap3A_92 = arith.index_cast %scan3A_82 : i32 to index
      %swap3A_93 = arith.constant 32 : index
      %swap3A_94 = tpu.vector_load %arg10[%swap3A_92, %swap3A_93] {strides = array<i32>} : memref<128x128xf32, #tpu.memory_space<vmem>>, vector<1x16xf32>,
      %swap3A_95 = vector.shape_cast %swap3A_94 : vector<1x16xf32> to vector<16xf32>
      %swap3A_96 = vector.shape_cast %broadcast_in_dim3A_1 : vector<16xf32> to vector<1x16xf32>
      tpu.vector_store %arg10[%swap3A_92, %swap3A_93], %swap3A_96 {strides = array<i32>} : memref<128x128xf32, #tpu.memory_space<vmem>>, vector<1x16xf32>,
      %swap3A_97 = arith.index_cast %scan3A_82 : i32 to index
      %swap3A_98 = arith.constant 48 : index
      %swap3A_99 = tpu.vector_load %arg10[%swap3A_97, %swap3A_98] {strides = array<i32>} : memref<128x128xf32, #tpu.memory_space<vmem>>, vector<1x16xf32>,
      %swap3A_100 = vector.shape_cast %swap3A_99 : vector<1x16xf32> to vector<16xf32>
      %swap3A_101 = vector.shape_cast %broadcast_in_dim3A_1 : vector<16xf32> to vector<1x16xf32>
      tpu.vector_store %arg10[%swap3A_97, %swap3A_98], %swap3A_101 {strides = array<i32>} : memref<128x128xf32, #tpu.memory_space<vmem>>, vector<1x16xf32>,
      %swap3A_102 = arith.index_cast %scan3A_82 : i32 to index
      %swap3A_103 = arith.constant 64 : index
      %swap3A_104 = tpu.vector_load %arg10[%swap3A_102, %swap3A_103] {strides = array<i32>} : memref<128x128xf32, #tpu.memory_space<vmem>>, vector<1x16xf32>,
      %swap3A_105 = vector.shape_cast %swap3A_104 : vector<1x16xf32> to vector<16xf32>
      %swap3A_106 = vector.shape_cast %broadcast_in_dim3A_1 : vector<16xf32> to vector<1x16xf32>
      tpu.vector_store %arg10[%swap3A_102, %swap3A_103], %swap3A_106 {strides = array<i32>} : memref<128x128xf32, #tpu.memory_space<vmem>>, vector<1x16xf32>,
      %swap3A_107 = arith.index_cast %scan3A_82 : i32 to index
      %swap3A_108 = arith.constant 80 : index
      %swap3A_109 = tpu.vector_load %arg10[%swap3A_107, %swap3A_108] {strides = array<i32>} : memref<128x128xf32, #tpu.memory_space<vmem>>, vector<1x16xf32>,
      %swap3A_110 = vector.shape_cast %swap3A_109 : vector<1x16xf32> to vector<16xf32>
      %swap3A_111 = vector.shape_cast %broadcast_in_dim3A_1 : vector<16xf32> to vector<1x16xf32>
      tpu.vector_store %arg10[%swap3A_107, %swap3A_108], %swap3A_111 {strides = array<i32>} : memref<128x128xf32, #tpu.memory_space<vmem>>, vector<1x16xf32>,
      %swap3A_112 = arith.index_cast %scan3A_82 : i32 to index
      %swap3A_113 = arith.constant 96 : index
      %swap3A_114 = tpu.vector_load %arg10[%swap3A_112, %swap3A_113] {strides = array<i32>} : memref<128x128xf32, #tpu.memory_space<vmem>>, vector<1x16xf32>,
      %swap3A_115 = vector.shape_cast %swap3A_114 : vector<1x16xf32> to vector<16xf32>
      %swap3A_116 = vector.shape_cast %broadcast_in_dim3A_1 : vector<16xf32> to vector<1x16xf32>
      tpu.vector_store %arg10[%swap3A_112, %swap3A_113], %swap3A_116 {strides = array<i32>} : memref<128x128xf32, #tpu.memory_space<vmem>>, vector<1x16xf32>,
      %swap3A_117 = arith.index_cast %scan3A_82 : i32 to index
      %swap3A_118 = arith.constant 112 : index
      %swap3A_119 = tpu.vector_load %arg10[%swap3A_117, %swap3A_118] {strides = array<i32>} : memref<128x128xf32, #tpu.memory_space<vmem>>, vector<1x16xf32>,
      %swap3A_120 = vector.shape_cast %swap3A_119 : vector<1x16xf32> to vector<16xf32>
      %swap3A_121 = vector.shape_cast %broadcast_in_dim3A_1 : vector<16xf32> to vector<1x16xf32>
      tpu.vector_store %arg10[%swap3A_117, %swap3A_118], %swap3A_121 {strides = array<i32>} : memref<128x128xf32, #tpu.memory_space<vmem>>, vector<1x16xf32>,
    }
    %scan3A_6 = arith.constant 128 : i32
    %mul3A_7 = arith.constant 640 : i32
    %mul3A_8 = arith.muli %arg1, %mul3A_7 : i32
    %add3A_9 = arith.constant 0 : i32
    %add3A_10 = arith.addi %mul3A_8, %add3A_9 : i32
    "tpu.region"() ({
      %run_scoped3A = tpu.sem_alloc : memref<!tpu.dma_semaphore, #tpu.memory_space<semaphore_mem>>
      %dma_start3A_82 = arith.constant 0 : i32
      %dma_start3A_83 = tpu.memref_slice %arg12[%add3A_10, %dma_start3A_82] : memref<10240x128xf32, #tpu.memory_space<vmem_shared>> -> memref<128x128xf32, #tpu.memory_space<vmem_shared>>
      %dma_start3A_84 = arith.constant 0 : i32
      %dma_start3A_85 = tpu.memref_slice %arg12[%add3A_10, %dma_start3A_84] : memref<10240x128xf32, #tpu.memory_space<vmem_shared>> -> memref<128x128xf32, #tpu.memory_space<vmem_shared>>
      tpu.enqueue_dma source(%arg10 : memref<128x128xf32, #tpu.memory_space<vmem>>) target(%dma_start3A_85 : memref<128x128xf32, #tpu.memory_space<vmem_shared>>) target_semaphore(%run_scoped3A : memref<!tpu.dma_semaphore, #tpu.memory_space<semaphore_mem>>)
      %dma_wait3A_86 = arith.constant 0 : i32
      %dma_wait3A_87 = tpu.memref_slice %arg12[%add3A_10, %dma_wait3A_86] : memref<10240x128xf32, #tpu.memory_space<vmem_shared>> -> memref<128x128xf32, #tpu.memory_space<vmem_shared>>
      %dma_wait3A_88 = arith.constant 0 : i32
      %dma_wait3A_89 = tpu.memref_slice %arg12[%add3A_10, %dma_wait3A_88] : memref<10240x128xf32, #tpu.memory_space<vmem_shared>> -> memref<128x128xf32, #tpu.memory_space<vmem_shared>>
      tpu.wait_dma2 semaphore(%run_scoped3A : memref<!tpu.dma_semaphore, #tpu.memory_space<semaphore_mem>>) src(%arg10 : memref<128x128xf32, #tpu.memory_space<vmem>>) dst(%dma_wait3A_89 : memref<128x128xf32, #tpu.memory_space<vmem_shared>>)
      tpu.yield
    }) : () -> ()
    %mul3A_11 = arith.constant 640 : i32
    %mul3A_12 = arith.muli %arg1, %mul3A_11 : i32
    %add3A_13 = arith.constant 128 : i32
    %add3A_14 = arith.addi %mul3A_12, %add3A_13 : i32
    "tpu.region"() ({
      %run_scoped3A = tpu.sem_alloc : memref<!tpu.dma_semaphore, #tpu.memory_space<semaphore_mem>>
      %dma_start3A_82 = arith.constant 0 : i32
      %dma_start3A_83 = tpu.memref_slice %arg12[%add3A_14, %dma_start3A_82] : memref<10240x128xf32, #tpu.memory_space<vmem_shared>> -> memref<128x128xf32, #tpu.memory_space<vmem_shared>>
      %dma_start3A_84 = arith.constant 0 : i32
      %dma_start3A_85 = tpu.memref_slice %arg12[%add3A_14, %dma_start3A_84] : memref<10240x128xf32, #tpu.memory_space<vmem_shared>> -> memref<128x128xf32, #tpu.memory_space<vmem_shared>>
      tpu.enqueue_dma source(%arg10 : memref<128x128xf32, #tpu.memory_space<vmem>>) target(%dma_start3A_85 : memref<128x128xf32, #tpu.memory_space<vmem_shared>>) target_semaphore(%run_scoped3A : memref<!tpu.dma_semaphore, #tpu.memory_space<semaphore_mem>>)
      %dma_wait3A_86 = arith.constant 0 : i32
      %dma_wait3A_87 = tpu.memref_slice %arg12[%add3A_14, %dma_wait3A_86] : memref<10240x128xf32, #tpu.memory_space<vmem_shared>> -> memref<128x128xf32, #tpu.memory_space<vmem_shared>>
      %dma_wait3A_88 = arith.constant 0 : i32
      %dma_wait3A_89 = tpu.memref_slice %arg12[%add3A_14, %dma_wait3A_88] : memref<10240x128xf32, #tpu.memory_space<vmem_shared>> -> memref<128x128xf32, #tpu.memory_space<vmem_shared>>
      tpu.wait_dma2 semaphore(%run_scoped3A : memref<!tpu.dma_semaphore, #tpu.memory_space<semaphore_mem>>) src(%arg10 : memref<128x128xf32, #tpu.memory_space<vmem>>) dst(%dma_wait3A_89 : memref<128x128xf32, #tpu.memory_space<vmem_shared>>)
      tpu.yield
    }) : () -> ()
    %mul3A_15 = arith.constant 640 : i32
    %mul3A_16 = arith.muli %arg1, %mul3A_15 : i32
    %add3A_17 = arith.constant 256 : i32
    %add3A_18 = arith.addi %mul3A_16, %add3A_17 : i32
    "tpu.region"() ({
      %run_scoped3A = tpu.sem_alloc : memref<!tpu.dma_semaphore, #tpu.memory_space<semaphore_mem>>
      %dma_start3A_82 = arith.constant 0 : i32
      %dma_start3A_83 = tpu.memref_slice %arg12[%add3A_18, %dma_start3A_82] : memref<10240x128xf32, #tpu.memory_space<vmem_shared>> -> memref<128x128xf32, #tpu.memory_space<vmem_shared>>
      %dma_start3A_84 = arith.constant 0 : i32
      %dma_start3A_85 = tpu.memref_slice %arg12[%add3A_18, %dma_start3A_84] : memref<10240x128xf32, #tpu.memory_space<vmem_shared>> -> memref<128x128xf32, #tpu.memory_space<vmem_shared>>
      tpu.enqueue_dma source(%arg10 : memref<128x128xf32, #tpu.memory_space<vmem>>) target(%dma_start3A_85 : memref<128x128xf32, #tpu.memory_space<vmem_shared>>) target_semaphore(%run_scoped3A : memref<!tpu.dma_semaphore, #tpu.memory_space<semaphore_mem>>)
      %dma_wait3A_86 = arith.constant 0 : i32
      %dma_wait3A_87 = tpu.memref_slice %arg12[%add3A_18, %dma_wait3A_86] : memref<10240x128xf32, #tpu.memory_space<vmem_shared>> -> memref<128x128xf32, #tpu.memory_space<vmem_shared>>
      %dma_wait3A_88 = arith.constant 0 : i32
      %dma_wait3A_89 = tpu.memref_slice %arg12[%add3A_18, %dma_wait3A_88] : memref<10240x128xf32, #tpu.memory_space<vmem_shared>> -> memref<128x128xf32, #tpu.memory_space<vmem_shared>>
      tpu.wait_dma2 semaphore(%run_scoped3A : memref<!tpu.dma_semaphore, #tpu.memory_space<semaphore_mem>>) src(%arg10 : memref<128x128xf32, #tpu.memory_space<vmem>>) dst(%dma_wait3A_89 : memref<128x128xf32, #tpu.memory_space<vmem_shared>>)
      tpu.yield
    }) : () -> ()
    %mul3A_19 = arith.constant 640 : i32
    %mul3A_20 = arith.muli %arg1, %mul3A_19 : i32
    %add3A_21 = arith.constant 384 : i32
    %add3A_22 = arith.addi %mul3A_20, %add3A_21 : i32
    "tpu.region"() ({
      %run_scoped3A = tpu.sem_alloc : memref<!tpu.dma_semaphore, #tpu.memory_space<semaphore_mem>>
      %dma_start3A_82 = arith.constant 0 : i32
      %dma_start3A_83 = tpu.memref_slice %arg12[%add3A_22, %dma_start3A_82] : memref<10240x128xf32, #tpu.memory_space<vmem_shared>> -> memref<128x128xf32, #tpu.memory_space<vmem_shared>>
      %dma_start3A_84 = arith.constant 0 : i32
      %dma_start3A_85 = tpu.memref_slice %arg12[%add3A_22, %dma_start3A_84] : memref<10240x128xf32, #tpu.memory_space<vmem_shared>> -> memref<128x128xf32, #tpu.memory_space<vmem_shared>>
      tpu.enqueue_dma source(%arg10 : memref<128x128xf32, #tpu.memory_space<vmem>>) target(%dma_start3A_85 : memref<128x128xf32, #tpu.memory_space<vmem_shared>>) target_semaphore(%run_scoped3A : memref<!tpu.dma_semaphore, #tpu.memory_space<semaphore_mem>>)
      %dma_wait3A_86 = arith.constant 0 : i32
      %dma_wait3A_87 = tpu.memref_slice %arg12[%add3A_22, %dma_wait3A_86] : memref<10240x128xf32, #tpu.memory_space<vmem_shared>> -> memref<128x128xf32, #tpu.memory_space<vmem_shared>>
      %dma_wait3A_88 = arith.constant 0 : i32
      %dma_wait3A_89 = tpu.memref_slice %arg12[%add3A_22, %dma_wait3A_88] : memref<10240x128xf32, #tpu.memory_space<vmem_shared>> -> memref<128x128xf32, #tpu.memory_space<vmem_shared>>
      tpu.wait_dma2 semaphore(%run_scoped3A : memref<!tpu.dma_semaphore, #tpu.memory_space<semaphore_mem>>) src(%arg10 : memref<128x128xf32, #tpu.memory_space<vmem>>) dst(%dma_wait3A_89 : memref<128x128xf32, #tpu.memory_space<vmem_shared>>)
      tpu.yield
    }) : () -> ()
    %mul3A_23 = arith.constant 640 : i32
    %mul3A_24 = arith.muli %arg1, %mul3A_23 : i32
    %add3A_25 = arith.constant 512 : i32
    %add3A_26 = arith.addi %mul3A_24, %add3A_25 : i32
    "tpu.region"() ({
      %run_scoped3A = tpu.sem_alloc : memref<!tpu.dma_semaphore, #tpu.memory_space<semaphore_mem>>
      %dma_start3A_82 = arith.constant 0 : i32
      %dma_start3A_83 = tpu.memref_slice %arg12[%add3A_26, %dma_start3A_82] : memref<10240x128xf32, #tpu.memory_space<vmem_shared>> -> memref<128x128xf32, #tpu.memory_space<vmem_shared>>
      %dma_start3A_84 = arith.constant 0 : i32
      %dma_start3A_85 = tpu.memref_slice %arg12[%add3A_26, %dma_start3A_84] : memref<10240x128xf32, #tpu.memory_space<vmem_shared>> -> memref<128x128xf32, #tpu.memory_space<vmem_shared>>
      tpu.enqueue_dma source(%arg10 : memref<128x128xf32, #tpu.memory_space<vmem>>) target(%dma_start3A_85 : memref<128x128xf32, #tpu.memory_space<vmem_shared>>) target_semaphore(%run_scoped3A : memref<!tpu.dma_semaphore, #tpu.memory_space<semaphore_mem>>)
      %dma_wait3A_86 = arith.constant 0 : i32
      %dma_wait3A_87 = tpu.memref_slice %arg12[%add3A_26, %dma_wait3A_86] : memref<10240x128xf32, #tpu.memory_space<vmem_shared>> -> memref<128x128xf32, #tpu.memory_space<vmem_shared>>
      %dma_wait3A_88 = arith.constant 0 : i32
      %dma_wait3A_89 = tpu.memref_slice %arg12[%add3A_26, %dma_wait3A_88] : memref<10240x128xf32, #tpu.memory_space<vmem_shared>> -> memref<128x128xf32, #tpu.memory_space<vmem_shared>>
      tpu.wait_dma2 semaphore(%run_scoped3A : memref<!tpu.dma_semaphore, #tpu.memory_space<semaphore_mem>>) src(%arg10 : memref<128x128xf32, #tpu.memory_space<vmem>>) dst(%dma_wait3A_89 : memref<128x128xf32, #tpu.memory_space<vmem_shared>>)
      tpu.yield
    }) : () -> ()
    %barrier3A = arith.constant 0 : index
    tpu.barrier barrier_id(%barrier3A)
    "tpu.region"() ({
      %run_scoped3A = tpu.sem_alloc : memref<!tpu.dma_semaphore, #tpu.memory_space<semaphore_mem>>
      %dma_start3A_82 = arith.constant 0 : i32
      %dma_start3A_83 = arith.constant 0 : i32
      %dma_start3A_84 = tpu.memref_slice %arg3[%add3A, %dma_start3A_82, %dma_start3A_83] : memref<32x80x128xi32, #tpu.memory_space<hbm>> -> memref<1x8x128xi32, #tpu.memory_space<hbm>>
      %dma_start3A_85 = tpu.memref_squeeze %dma_start3A_84 : memref<1x8x128xi32, #tpu.memory_space<hbm>> -> memref<8x128xi32, #tpu.memory_space<hbm>>
      %dma_start3A_86 = arith.constant 0 : i32
      %dma_start3A_87 = arith.constant 0 : i32
      %dma_start3A_88 = tpu.memref_slice %arg3[%add3A, %dma_start3A_86, %dma_start3A_87] : memref<32x80x128xi32, #tpu.memory_space<hbm>> -> memref<1x8x128xi32, #tpu.memory_space<hbm>>
      %dma_start3A_89 = tpu.memref_squeeze %dma_start3A_88 : memref<1x8x128xi32, #tpu.memory_space<hbm>> -> memref<8x128xi32, #tpu.memory_space<hbm>>
      tpu.enqueue_dma source(%dma_start3A_89 : memref<8x128xi32, #tpu.memory_space<hbm>>) target(%arg6 : memref<8x128xi32, #tpu.memory_space<vmem>>) target_semaphore(%run_scoped3A : memref<!tpu.dma_semaphore, #tpu.memory_space<semaphore_mem>>)
      %dma_wait3A_90 = arith.constant 0 : i32
      %dma_wait3A_91 = arith.constant 0 : i32
      %dma_wait3A_92 = tpu.memref_slice %arg3[%add3A, %dma_wait3A_90, %dma_wait3A_91] : memref<32x80x128xi32, #tpu.memory_space<hbm>> -> memref<1x8x128xi32, #tpu.memory_space<hbm>>
      %dma_wait3A_93 = tpu.memref_squeeze %dma_wait3A_92 : memref<1x8x128xi32, #tpu.memory_space<hbm>> -> memref<8x128xi32, #tpu.memory_space<hbm>>
      %dma_wait3A_94 = arith.constant 0 : i32
      %dma_wait3A_95 = arith.constant 0 : i32
      %dma_wait3A_96 = tpu.memref_slice %arg3[%add3A, %dma_wait3A_94, %dma_wait3A_95] : memref<32x80x128xi32, #tpu.memory_space<hbm>> -> memref<1x8x128xi32, #tpu.memory_space<hbm>>
      %dma_wait3A_97 = tpu.memref_squeeze %dma_wait3A_96 : memref<1x8x128xi32, #tpu.memory_space<hbm>> -> memref<8x128xi32, #tpu.memory_space<hbm>>
      tpu.wait_dma2 semaphore(%run_scoped3A : memref<!tpu.dma_semaphore, #tpu.memory_space<semaphore_mem>>) src(%dma_wait3A_97 : memref<8x128xi32, #tpu.memory_space<hbm>>) dst(%arg6 : memref<8x128xi32, #tpu.memory_space<vmem>>)
      tpu.yield
    }) : () -> ()
    "tpu.region"() ({
      %run_scoped3A = tpu.sem_alloc : memref<!tpu.dma_semaphore, #tpu.memory_space<semaphore_mem>>
      %dma_start3A_82 = arith.constant 0 : i32
      %dma_start3A_83 = arith.constant 0 : i32
      %dma_start3A_84 = tpu.memref_slice %arg4[%add3A, %dma_start3A_82, %dma_start3A_83] : memref<32x80x128xi32, #tpu.memory_space<hbm>> -> memref<1x8x128xi32, #tpu.memory_space<hbm>>
      %dma_start3A_85 = tpu.memref_squeeze %dma_start3A_84 : memref<1x8x128xi32, #tpu.memory_space<hbm>> -> memref<8x128xi32, #tpu.memory_space<hbm>>
      %dma_start3A_86 = arith.constant 0 : i32
      %dma_start3A_87 = arith.constant 0 : i32
      %dma_start3A_88 = tpu.memref_slice %arg4[%add3A, %dma_start3A_86, %dma_start3A_87] : memref<32x80x128xi32, #tpu.memory_space<hbm>> -> memref<1x8x128xi32, #tpu.memory_space<hbm>>
      %dma_start3A_89 = tpu.memref_squeeze %dma_start3A_88 : memref<1x8x128xi32, #tpu.memory_space<hbm>> -> memref<8x128xi32, #tpu.memory_space<hbm>>
      tpu.enqueue_dma source(%dma_start3A_89 : memref<8x128xi32, #tpu.memory_space<hbm>>) target(%arg7 : memref<8x128xi32, #tpu.memory_space<vmem>>) target_semaphore(%run_scoped3A : memref<!tpu.dma_semaphore, #tpu.memory_space<semaphore_mem>>)
      %dma_wait3A_90 = arith.constant 0 : i32
      %dma_wait3A_91 = arith.constant 0 : i32
      %dma_wait3A_92 = tpu.memref_slice %arg4[%add3A, %dma_wait3A_90, %dma_wait3A_91] : memref<32x80x128xi32, #tpu.memory_space<hbm>> -> memref<1x8x128xi32, #tpu.memory_space<hbm>>
      %dma_wait3A_93 = tpu.memref_squeeze %dma_wait3A_92 : memref<1x8x128xi32, #tpu.memory_space<hbm>> -> memref<8x128xi32, #tpu.memory_space<hbm>>
      %dma_wait3A_94 = arith.constant 0 : i32
      %dma_wait3A_95 = arith.constant 0 : i32
      %dma_wait3A_96 = tpu.memref_slice %arg4[%add3A, %dma_wait3A_94, %dma_wait3A_95] : memref<32x80x128xi32, #tpu.memory_space<hbm>> -> memref<1x8x128xi32, #tpu.memory_space<hbm>>
      %dma_wait3A_97 = tpu.memref_squeeze %dma_wait3A_96 : memref<1x8x128xi32, #tpu.memory_space<hbm>> -> memref<8x128xi32, #tpu.memory_space<hbm>>
      tpu.wait_dma2 semaphore(%run_scoped3A : memref<!tpu.dma_semaphore, #tpu.memory_space<semaphore_mem>>) src(%dma_wait3A_97 : memref<8x128xi32, #tpu.memory_space<hbm>>) dst(%arg7 : memref<8x128xi32, #tpu.memory_space<vmem>>)
      tpu.yield
    }) : () -> ()
    %min3A = arith.constant 1 : i32
    %min3A_27 = arith.constant 9 : i32
    %min3A_28 = arith.minsi %min3A, %min3A_27 : i32
    %mul3A_29 = arith.constant 8 : i32
    %mul3A_30 = arith.muli %min3A_28, %mul3A_29 : i32
    %dma_start3A = arith.constant 0 : i32
    %dma_start3A_31 = tpu.memref_slice %arg3[%add3A, %mul3A_30, %dma_start3A] : memref<32x80x128xi32, #tpu.memory_space<hbm>> -> memref<1x8x128xi32, #tpu.memory_space<hbm>>
    %dma_start3A_32 = tpu.memref_squeeze %dma_start3A_31 : memref<1x8x128xi32, #tpu.memory_space<hbm>> -> memref<8x128xi32, #tpu.memory_space<hbm>>
    %dma_start3A_33 = arith.constant 0 : i32
    %dma_start3A_34 = tpu.memref_slice %arg3[%add3A, %mul3A_30, %dma_start3A_33] : memref<32x80x128xi32, #tpu.memory_space<hbm>> -> memref<1x8x128xi32, #tpu.memory_space<hbm>>
    %dma_start3A_35 = tpu.memref_squeeze %dma_start3A_34 : memref<1x8x128xi32, #tpu.memory_space<hbm>> -> memref<8x128xi32, #tpu.memory_space<hbm>>
    tpu.enqueue_dma source(%dma_start3A_35 : memref<8x128xi32, #tpu.memory_space<hbm>>) target(%arg8 : memref<8x128xi32, #tpu.memory_space<vmem>>) target_semaphore(%arg15 : memref<!tpu.dma_semaphore, #tpu.memory_space<semaphore_mem>>)
    %mul3A_36 = arith.constant 8 : i32
    %mul3A_37 = arith.muli %min3A_28, %mul3A_36 : i32
    %dma_start3A_38 = arith.constant 0 : i32
    %dma_start3A_39 = tpu.memref_slice %arg4[%add3A, %mul3A_37, %dma_start3A_38] : memref<32x80x128xi32, #tpu.memory_space<hbm>> -> memref<1x8x128xi32, #tpu.memory_space<hbm>>
    %dma_start3A_40 = tpu.memref_squeeze %dma_start3A_39 : memref<1x8x128xi32, #tpu.memory_space<hbm>> -> memref<8x128xi32, #tpu.memory_space<hbm>>
    %dma_start3A_41 = arith.constant 0 : i32
    %dma_start3A_42 = tpu.memref_slice %arg4[%add3A, %mul3A_37, %dma_start3A_41] : memref<32x80x128xi32, #tpu.memory_space<hbm>> -> memref<1x8x128xi32, #tpu.memory_space<hbm>>
    %dma_start3A_43 = tpu.memref_squeeze %dma_start3A_42 : memref<1x8x128xi32, #tpu.memory_space<hbm>> -> memref<8x128xi32, #tpu.memory_space<hbm>>
    tpu.enqueue_dma source(%dma_start3A_43 : memref<8x128xi32, #tpu.memory_space<hbm>>) target(%arg9 : memref<8x128xi32, #tpu.memory_space<vmem>>) target_semaphore(%arg16 : memref<!tpu.dma_semaphore, #tpu.memory_space<semaphore_mem>>)
    %dma_start3A_44 = arith.constant 0 : i32
    %dma_start3A_45 = arith.constant 0 : i32
    %dma_start3A_46 = tpu.memref_slice %arg6[%dma_start3A_44, %dma_start3A_45] : memref<8x128xi32, #tpu.memory_space<vmem>> -> memref<1x128xi32, #tpu.memory_space<vmem>>
    %dma_start3A_47 = tpu.memref_squeeze %dma_start3A_46 : memref<1x128xi32, #tpu.memory_space<vmem>> -> memref<128xi32, #tpu.memory_space<vmem>>
    %dma_start3A_48 = arith.constant 0 : i32
    %dma_start3A_49 = arith.constant 0 : i32
    %dma_start3A_50 = tpu.memref_slice %arg2[%dma_start3A_48, %dma_start3A_49] : memref<10000x128xf32, #tpu.memory_space<hbm>> -> memref<10000x128xf32, #tpu.memory_space<hbm>>
    tpu.enqueue_indirect_dma source(%dma_start3A_50 : memref<10000x128xf32, #tpu.memory_space<hbm>>) target(%arg10 : memref<128x128xf32, #tpu.memory_space<vmem>>) offsets(%dma_start3A_47 : memref<128xi32, #tpu.memory_space<vmem>>) semaphore(%arg13 : memref<!tpu.dma_semaphore, #tpu.memory_space<semaphore_mem>>)
    %scan3A_51 = arith.constant 0 : i32
    %scan3A_52 = arith.constant 0 : i32
    %scan3A_53 = arith.constant 5 : i32
    %scan3A_54 = arith.addi %scan3A_52, %scan3A_53 : i32
    %scan3A_55 = arith.constant 1 : i32
    scf.for %scan3A_82 = %scan3A_52 to %scan3A_54 step %scan3A_55  : i32 {
      %mul3A_83 = arith.constant 2 : i32
      %mul3A_84 = arith.muli %scan3A_82, %mul3A_83 : i32
      %dma_start3A_85 = arith.constant 1 : i32
      %dma_start3A_86 = arith.constant 0 : i32
      %dma_start3A_87 = tpu.memref_slice %arg6[%dma_start3A_85, %dma_start3A_86] : memref<8x128xi32, #tpu.memory_space<vmem>> -> memref<1x128xi32, #tpu.memory_space<vmem>>
      %dma_start3A_88 = tpu.memref_squeeze %dma_start3A_87 : memref<1x128xi32, #tpu.memory_space<vmem>> -> memref<128xi32, #tpu.memory_space<vmem>>
      %dma_start3A_89 = arith.constant 0 : i32
      %dma_start3A_90 = arith.constant 0 : i32
      %dma_start3A_91 = tpu.memref_slice %arg2[%dma_start3A_89, %dma_start3A_90] : memref<10000x128xf32, #tpu.memory_space<hbm>> -> memref<10000x128xf32, #tpu.memory_space<hbm>>
      tpu.enqueue_indirect_dma source(%dma_start3A_91 : memref<10000x128xf32, #tpu.memory_space<hbm>>) target(%arg11 : memref<128x128xf32, #tpu.memory_space<vmem>>) offsets(%dma_start3A_88 : memref<128xi32, #tpu.memory_space<vmem>>) semaphore(%arg14 : memref<!tpu.dma_semaphore, #tpu.memory_space<semaphore_mem>>)
      %dma_wait3A_92 = arith.constant 0 : i32
      %dma_wait3A_93 = arith.constant 0 : i32
      %dma_wait3A_94 = tpu.memref_slice %arg6[%dma_wait3A_92, %dma_wait3A_93] : memref<8x128xi32, #tpu.memory_space<vmem>> -> memref<1x128xi32, #tpu.memory_space<vmem>>
      %dma_wait3A_95 = tpu.memref_squeeze %dma_wait3A_94 : memref<1x128xi32, #tpu.memory_space<vmem>> -> memref<128xi32, #tpu.memory_space<vmem>>
      %dma_wait3A_96 = arith.constant 0 : i32
      %dma_wait3A_97 = arith.constant 0 : i32
      %dma_wait3A_98 = tpu.memref_slice %arg2[%dma_wait3A_96, %dma_wait3A_97] : memref<10000x128xf32, #tpu.memory_space<hbm>> -> memref<10000x128xf32, #tpu.memory_space<hbm>>
      tpu.wait_indirect_dma semaphore(%arg13 : memref<!tpu.dma_semaphore, #tpu.memory_space<semaphore_mem>>) src(%dma_wait3A_98 : memref<10000x128xf32, #tpu.memory_space<hbm>>) dst(%arg10 : memref<128x128xf32, #tpu.memory_space<vmem>>)
      %dma_start3A_99 = arith.constant 0 : i32
      %dma_start3A_100 = arith.constant 0 : i32
      %dma_start3A_101 = tpu.memref_slice %arg7[%dma_start3A_99, %dma_start3A_100] : memref<8x128xi32, #tpu.memory_space<vmem>> -> memref<1x128xi32, #tpu.memory_space<vmem>>
      %dma_start3A_102 = tpu.memref_squeeze %dma_start3A_101 : memref<1x128xi32, #tpu.memory_space<vmem>> -> memref<128xi32, #tpu.memory_space<vmem>>
      %dma_start3A_103 = arith.constant 0 : i32
      %dma_start3A_104 = arith.constant 0 : i32
      %dma_start3A_105 = tpu.memref_slice %arg12[%dma_start3A_103, %dma_start3A_104] : memref<10240x128xf32, #tpu.memory_space<vmem_shared>> -> memref<10240x128xf32, #tpu.memory_space<vmem_shared>>
      tpu.enqueue_indirect_dma source(%arg10 : memref<128x128xf32, #tpu.memory_space<vmem>>) target(%dma_start3A_105 : memref<10240x128xf32, #tpu.memory_space<vmem_shared>>) offsets(%dma_start3A_102 : memref<128xi32, #tpu.memory_space<vmem>>) semaphore(%arg17 : memref<!tpu.dma_semaphore, #tpu.memory_space<semaphore_mem>>) {add = true}
      %dma_wait3A_106 = arith.constant 0 : i32
      %dma_wait3A_107 = arith.constant 0 : i32
      %dma_wait3A_108 = tpu.memref_slice %arg7[%dma_wait3A_106, %dma_wait3A_107] : memref<8x128xi32, #tpu.memory_space<vmem>> -> memref<1x128xi32, #tpu.memory_space<vmem>>
      %dma_wait3A_109 = tpu.memref_squeeze %dma_wait3A_108 : memref<1x128xi32, #tpu.memory_space<vmem>> -> memref<128xi32, #tpu.memory_space<vmem>>
      %dma_wait3A_110 = arith.constant 0 : i32
      %dma_wait3A_111 = arith.constant 0 : i32
      %dma_wait3A_112 = tpu.memref_slice %arg12[%dma_wait3A_110, %dma_wait3A_111] : memref<10240x128xf32, #tpu.memory_space<vmem_shared>> -> memref<10240x128xf32, #tpu.memory_space<vmem_shared>>
      tpu.wait_indirect_dma semaphore(%arg17 : memref<!tpu.dma_semaphore, #tpu.memory_space<semaphore_mem>>) src(%arg10 : memref<128x128xf32, #tpu.memory_space<vmem>>) dst(%dma_wait3A_112 : memref<10240x128xf32, #tpu.memory_space<vmem_shared>>)
      %dma_start3A_113 = arith.constant 2 : i32
      %dma_start3A_114 = arith.constant 0 : i32
      %dma_start3A_115 = tpu.memref_slice %arg6[%dma_start3A_113, %dma_start3A_114] : memref<8x128xi32, #tpu.memory_space<vmem>> -> memref<1x128xi32, #tpu.memory_space<vmem>>
      %dma_start3A_116 = tpu.memref_squeeze %dma_start3A_115 : memref<1x128xi32, #tpu.memory_space<vmem>> -> memref<128xi32, #tpu.memory_space<vmem>>
      %dma_start3A_117 = arith.constant 0 : i32
      %dma_start3A_118 = arith.constant 0 : i32
      %dma_start3A_119 = tpu.memref_slice %arg2[%dma_start3A_117, %dma_start3A_118] : memref<10000x128xf32, #tpu.memory_space<hbm>> -> memref<10000x128xf32, #tpu.memory_space<hbm>>
      tpu.enqueue_indirect_dma source(%dma_start3A_119 : memref<10000x128xf32, #tpu.memory_space<hbm>>) target(%arg10 : memref<128x128xf32, #tpu.memory_space<vmem>>) offsets(%dma_start3A_116 : memref<128xi32, #tpu.memory_space<vmem>>) semaphore(%arg13 : memref<!tpu.dma_semaphore, #tpu.memory_space<semaphore_mem>>)
      %dma_wait3A_120 = arith.constant 1 : i32
      %dma_wait3A_121 = arith.constant 0 : i32
      %dma_wait3A_122 = tpu.memref_slice %arg6[%dma_wait3A_120, %dma_wait3A_121] : memref<8x128xi32, #tpu.memory_space<vmem>> -> memref<1x128xi32, #tpu.memory_space<vmem>>
      %dma_wait3A_123 = tpu.memref_squeeze %dma_wait3A_122 : memref<1x128xi32, #tpu.memory_space<vmem>> -> memref<128xi32, #tpu.memory_space<vmem>>
      %dma_wait3A_124 = arith.constant 0 : i32
      %dma_wait3A_125 = arith.constant 0 : i32
      %dma_wait3A_126 = tpu.memref_slice %arg2[%dma_wait3A_124, %dma_wait3A_125] : memref<10000x128xf32, #tpu.memory_space<hbm>> -> memref<10000x128xf32, #tpu.memory_space<hbm>>
      tpu.wait_indirect_dma semaphore(%arg14 : memref<!tpu.dma_semaphore, #tpu.memory_space<semaphore_mem>>) src(%dma_wait3A_126 : memref<10000x128xf32, #tpu.memory_space<hbm>>) dst(%arg11 : memref<128x128xf32, #tpu.memory_space<vmem>>)
      %dma_start3A_127 = arith.constant 1 : i32
      %dma_start3A_128 = arith.constant 0 : i32
      %dma_start3A_129 = tpu.memref_slice %arg7[%dma_start3A_127, %dma_start3A_128] : memref<8x128xi32, #tpu.memory_space<vmem>> -> memref<1x128xi32, #tpu.memory_space<vmem>>
      %dma_start3A_130 = tpu.memref_squeeze %dma_start3A_129 : memref<1x128xi32, #tpu.memory_space<vmem>> -> memref<128xi32, #tpu.memory_space<vmem>>
      %dma_start3A_131 = arith.constant 0 : i32
      %dma_start3A_132 = arith.constant 0 : i32
      %dma_start3A_133 = tpu.memref_slice %arg12[%dma_start3A_131, %dma_start3A_132] : memref<10240x128xf32, #tpu.memory_space<vmem_shared>> -> memref<10240x128xf32, #tpu.memory_space<vmem_shared>>
      tpu.enqueue_indirect_dma source(%arg11 : memref<128x128xf32, #tpu.memory_space<vmem>>) target(%dma_start3A_133 : memref<10240x128xf32, #tpu.memory_space<vmem_shared>>) offsets(%dma_start3A_130 : memref<128xi32, #tpu.memory_space<vmem>>) semaphore(%arg17 : memref<!tpu.dma_semaphore, #tpu.memory_space<semaphore_mem>>) {add = true}
      %dma_wait3A_134 = arith.constant 1 : i32
      %dma_wait3A_135 = arith.constant 0 : i32
      %dma_wait3A_136 = tpu.memref_slice %arg7[%dma_wait3A_134, %dma_wait3A_135] : memref<8x128xi32, #tpu.memory_space<vmem>> -> memref<1x128xi32, #tpu.memory_space<vmem>>
      %dma_wait3A_137 = tpu.memref_squeeze %dma_wait3A_136 : memref<1x128xi32, #tpu.memory_space<vmem>> -> memref<128xi32, #tpu.memory_space<vmem>>
      %dma_wait3A_138 = arith.constant 0 : i32
      %dma_wait3A_139 = arith.constant 0 : i32
      %dma_wait3A_140 = tpu.memref_slice %arg12[%dma_wait3A_138, %dma_wait3A_139] : memref<10240x128xf32, #tpu.memory_space<vmem_shared>> -> memref<10240x128xf32, #tpu.memory_space<vmem_shared>>
      tpu.wait_indirect_dma semaphore(%arg17 : memref<!tpu.dma_semaphore, #tpu.memory_space<semaphore_mem>>) src(%arg11 : memref<128x128xf32, #tpu.memory_space<vmem>>) dst(%dma_wait3A_140 : memref<10240x128xf32, #tpu.memory_space<vmem_shared>>)
      %dma_start3A_141 = arith.constant 3 : i32
      %dma_start3A_142 = arith.constant 0 : i32
      %dma_start3A_143 = tpu.memref_slice %arg6[%dma_start3A_141, %dma_start3A_142] : memref<8x128xi32, #tpu.memory_space<vmem>> -> memref<1x128xi32, #tpu.memory_space<vmem>>
      %dma_start3A_144 = tpu.memref_squeeze %dma_start3A_143 : memref<1x128xi32, #tpu.memory_space<vmem>> -> memref<128xi32, #tpu.memory_space<vmem>>
      %dma_start3A_145 = arith.constant 0 : i32
      %dma_start3A_146 = arith.constant 0 : i32
      %dma_start3A_147 = tpu.memref_slice %arg2[%dma_start3A_145, %dma_start3A_146] : memref<10000x128xf32, #tpu.memory_space<hbm>> -> memref<10000x128xf32, #tpu.memory_space<hbm>>
      tpu.enqueue_indirect_dma source(%dma_start3A_147 : memref<10000x128xf32, #tpu.memory_space<hbm>>) target(%arg11 : memref<128x128xf32, #tpu.memory_space<vmem>>) offsets(%dma_start3A_144 : memref<128xi32, #tpu.memory_space<vmem>>) semaphore(%arg14 : memref<!tpu.dma_semaphore, #tpu.memory_space<semaphore_mem>>)
      %dma_wait3A_148 = arith.constant 2 : i32
      %dma_wait3A_149 = arith.constant 0 : i32
      %dma_wait3A_150 = tpu.memref_slice %arg6[%dma_wait3A_148, %dma_wait3A_149] : memref<8x128xi32, #tpu.memory_space<vmem>> -> memref<1x128xi32, #tpu.memory_space<vmem>>
      %dma_wait3A_151 = tpu.memref_squeeze %dma_wait3A_150 : memref<1x128xi32, #tpu.memory_space<vmem>> -> memref<128xi32, #tpu.memory_space<vmem>>
      %dma_wait3A_152 = arith.constant 0 : i32
      %dma_wait3A_153 = arith.constant 0 : i32
      %dma_wait3A_154 = tpu.memref_slice %arg2[%dma_wait3A_152, %dma_wait3A_153] : memref<10000x128xf32, #tpu.memory_space<hbm>> -> memref<10000x128xf32, #tpu.memory_space<hbm>>
      tpu.wait_indirect_dma semaphore(%arg13 : memref<!tpu.dma_semaphore, #tpu.memory_space<semaphore_mem>>) src(%dma_wait3A_154 : memref<10000x128xf32, #tpu.memory_space<hbm>>) dst(%arg10 : memref<128x128xf32, #tpu.memory_space<vmem>>)
      %dma_start3A_155 = arith.constant 2 : i32
      %dma_start3A_156 = arith.constant 0 : i32
      %dma_start3A_157 = tpu.memref_slice %arg7[%dma_start3A_155, %dma_start3A_156] : memref<8x128xi32, #tpu.memory_space<vmem>> -> memref<1x128xi32, #tpu.memory_space<vmem>>
      %dma_start3A_158 = tpu.memref_squeeze %dma_start3A_157 : memref<1x128xi32, #tpu.memory_space<vmem>> -> memref<128xi32, #tpu.memory_space<vmem>>
      %dma_start3A_159 = arith.constant 0 : i32
      %dma_start3A_160 = arith.constant 0 : i32
      %dma_start3A_161 = tpu.memref_slice %arg12[%dma_start3A_159, %dma_start3A_160] : memref<10240x128xf32, #tpu.memory_space<vmem_shared>> -> memref<10240x128xf32, #tpu.memory_space<vmem_shared>>
      tpu.enqueue_indirect_dma source(%arg10 : memref<128x128xf32, #tpu.memory_space<vmem>>) target(%dma_start3A_161 : memref<10240x128xf32, #tpu.memory_space<vmem_shared>>) offsets(%dma_start3A_158 : memref<128xi32, #tpu.memory_space<vmem>>) semaphore(%arg17 : memref<!tpu.dma_semaphore, #tpu.memory_space<semaphore_mem>>) {add = true}
      %dma_wait3A_162 = arith.constant 2 : i32
      %dma_wait3A_163 = arith.constant 0 : i32
      %dma_wait3A_164 = tpu.memref_slice %arg7[%dma_wait3A_162, %dma_wait3A_163] : memref<8x128xi32, #tpu.memory_space<vmem>> -> memref<1x128xi32, #tpu.memory_space<vmem>>
      %dma_wait3A_165 = tpu.memref_squeeze %dma_wait3A_164 : memref<1x128xi32, #tpu.memory_space<vmem>> -> memref<128xi32, #tpu.memory_space<vmem>>
      %dma_wait3A_166 = arith.constant 0 : i32
      %dma_wait3A_167 = arith.constant 0 : i32
      %dma_wait3A_168 = tpu.memref_slice %arg12[%dma_wait3A_166, %dma_wait3A_167] : memref<10240x128xf32, #tpu.memory_space<vmem_shared>> -> memref<10240x128xf32, #tpu.memory_space<vmem_shared>>
      tpu.wait_indirect_dma semaphore(%arg17 : memref<!tpu.dma_semaphore, #tpu.memory_space<semaphore_mem>>) src(%arg10 : memref<128x128xf32, #tpu.memory_space<vmem>>) dst(%dma_wait3A_168 : memref<10240x128xf32, #tpu.memory_space<vmem_shared>>)
      %dma_start3A_169 = arith.constant 4 : i32
      %dma_start3A_170 = arith.constant 0 : i32
      %dma_start3A_171 = tpu.memref_slice %arg6[%dma_start3A_169, %dma_start3A_170] : memref<8x128xi32, #tpu.memory_space<vmem>> -> memref<1x128xi32, #tpu.memory_space<vmem>>
      %dma_start3A_172 = tpu.memref_squeeze %dma_start3A_171 : memref<1x128xi32, #tpu.memory_space<vmem>> -> memref<128xi32, #tpu.memory_space<vmem>>
      %dma_start3A_173 = arith.constant 0 : i32
      %dma_start3A_174 = arith.constant 0 : i32
      %dma_start3A_175 = tpu.memref_slice %arg2[%dma_start3A_173, %dma_start3A_174] : memref<10000x128xf32, #tpu.memory_space<hbm>> -> memref<10000x128xf32, #tpu.memory_space<hbm>>
      tpu.enqueue_indirect_dma source(%dma_start3A_175 : memref<10000x128xf32, #tpu.memory_space<hbm>>) target(%arg10 : memref<128x128xf32, #tpu.memory_space<vmem>>) offsets(%dma_start3A_172 : memref<128xi32, #tpu.memory_space<vmem>>) semaphore(%arg13 : memref<!tpu.dma_semaphore, #tpu.memory_space<semaphore_mem>>)
      %dma_wait3A_176 = arith.constant 3 : i32
      %dma_wait3A_177 = arith.constant 0 : i32
      %dma_wait3A_178 = tpu.memref_slice %arg6[%dma_wait3A_176, %dma_wait3A_177] : memref<8x128xi32, #tpu.memory_space<vmem>> -> memref<1x128xi32, #tpu.memory_space<vmem>>
      %dma_wait3A_179 = tpu.memref_squeeze %dma_wait3A_178 : memref<1x128xi32, #tpu.memory_space<vmem>> -> memref<128xi32, #tpu.memory_space<vmem>>
      %dma_wait3A_180 = arith.constant 0 : i32
      %dma_wait3A_181 = arith.constant 0 : i32
      %dma_wait3A_182 = tpu.memref_slice %arg2[%dma_wait3A_180, %dma_wait3A_181] : memref<10000x128xf32, #tpu.memory_space<hbm>> -> memref<10000x128xf32, #tpu.memory_space<hbm>>
      tpu.wait_indirect_dma semaphore(%arg14 : memref<!tpu.dma_semaphore, #tpu.memory_space<semaphore_mem>>) src(%dma_wait3A_182 : memref<10000x128xf32, #tpu.memory_space<hbm>>) dst(%arg11 : memref<128x128xf32, #tpu.memory_space<vmem>>)
      %dma_start3A_183 = arith.constant 3 : i32
      %dma_start3A_184 = arith.constant 0 : i32
      %dma_start3A_185 = tpu.memref_slice %arg7[%dma_start3A_183, %dma_start3A_184] : memref<8x128xi32, #tpu.memory_space<vmem>> -> memref<1x128xi32, #tpu.memory_space<vmem>>
      %dma_start3A_186 = tpu.memref_squeeze %dma_start3A_185 : memref<1x128xi32, #tpu.memory_space<vmem>> -> memref<128xi32, #tpu.memory_space<vmem>>
      %dma_start3A_187 = arith.constant 0 : i32
      %dma_start3A_188 = arith.constant 0 : i32
      %dma_start3A_189 = tpu.memref_slice %arg12[%dma_start3A_187, %dma_start3A_188] : memref<10240x128xf32, #tpu.memory_space<vmem_shared>> -> memref<10240x128xf32, #tpu.memory_space<vmem_shared>>
      tpu.enqueue_indirect_dma source(%arg11 : memref<128x128xf32, #tpu.memory_space<vmem>>) target(%dma_start3A_189 : memref<10240x128xf32, #tpu.memory_space<vmem_shared>>) offsets(%dma_start3A_186 : memref<128xi32, #tpu.memory_space<vmem>>) semaphore(%arg17 : memref<!tpu.dma_semaphore, #tpu.memory_space<semaphore_mem>>) {add = true}
      %dma_wait3A_190 = arith.constant 3 : i32
      %dma_wait3A_191 = arith.constant 0 : i32
      %dma_wait3A_192 = tpu.memref_slice %arg7[%dma_wait3A_190, %dma_wait3A_191] : memref<8x128xi32, #tpu.memory_space<vmem>> -> memref<1x128xi32, #tpu.memory_space<vmem>>
      %dma_wait3A_193 = tpu.memref_squeeze %dma_wait3A_192 : memref<1x128xi32, #tpu.memory_space<vmem>> -> memref<128xi32, #tpu.memory_space<vmem>>
      %dma_wait3A_194 = arith.constant 0 : i32
      %dma_wait3A_195 = arith.constant 0 : i32
      %dma_wait3A_196 = tpu.memref_slice %arg12[%dma_wait3A_194, %dma_wait3A_195] : memref<10240x128xf32, #tpu.memory_space<vmem_shared>> -> memref<10240x128xf32, #tpu.memory_space<vmem_shared>>
      tpu.wait_indirect_dma semaphore(%arg17 : memref<!tpu.dma_semaphore, #tpu.memory_space<semaphore_mem>>) src(%arg11 : memref<128x128xf32, #tpu.memory_space<vmem>>) dst(%dma_wait3A_196 : memref<10240x128xf32, #tpu.memory_space<vmem_shared>>)
      %dma_start3A_197 = arith.constant 5 : i32
      %dma_start3A_198 = arith.constant 0 : i32
      %dma_start3A_199 = tpu.memref_slice %arg6[%dma_start3A_197, %dma_start3A_198] : memref<8x128xi32, #tpu.memory_space<vmem>> -> memref<1x128xi32, #tpu.memory_space<vmem>>
      %dma_start3A_200 = tpu.memref_squeeze %dma_start3A_199 : memref<1x128xi32, #tpu.memory_space<vmem>> -> memref<128xi32, #tpu.memory_space<vmem>>
      %dma_start3A_201 = arith.constant 0 : i32
      %dma_start3A_202 = arith.constant 0 : i32
      %dma_start3A_203 = tpu.memref_slice %arg2[%dma_start3A_201, %dma_start3A_202] : memref<10000x128xf32, #tpu.memory_space<hbm>> -> memref<10000x128xf32, #tpu.memory_space<hbm>>
      tpu.enqueue_indirect_dma source(%dma_start3A_203 : memref<10000x128xf32, #tpu.memory_space<hbm>>) target(%arg11 : memref<128x128xf32, #tpu.memory_space<vmem>>) offsets(%dma_start3A_200 : memref<128xi32, #tpu.memory_space<vmem>>) semaphore(%arg14 : memref<!tpu.dma_semaphore, #tpu.memory_space<semaphore_mem>>)
      %dma_wait3A_204 = arith.constant 4 : i32
      %dma_wait3A_205 = arith.constant 0 : i32
      %dma_wait3A_206 = tpu.memref_slice %arg6[%dma_wait3A_204, %dma_wait3A_205] : memref<8x128xi32, #tpu.memory_space<vmem>> -> memref<1x128xi32, #tpu.memory_space<vmem>>
      %dma_wait3A_207 = tpu.memref_squeeze %dma_wait3A_206 : memref<1x128xi32, #tpu.memory_space<vmem>> -> memref<128xi32, #tpu.memory_space<vmem>>
      %dma_wait3A_208 = arith.constant 0 : i32
      %dma_wait3A_209 = arith.constant 0 : i32
      %dma_wait3A_210 = tpu.memref_slice %arg2[%dma_wait3A_208, %dma_wait3A_209] : memref<10000x128xf32, #tpu.memory_space<hbm>> -> memref<10000x128xf32, #tpu.memory_space<hbm>>
      tpu.wait_indirect_dma semaphore(%arg13 : memref<!tpu.dma_semaphore, #tpu.memory_space<semaphore_mem>>) src(%dma_wait3A_210 : memref<10000x128xf32, #tpu.memory_space<hbm>>) dst(%arg10 : memref<128x128xf32, #tpu.memory_space<vmem>>)
      %dma_start3A_211 = arith.constant 4 : i32
      %dma_start3A_212 = arith.constant 0 : i32
      %dma_start3A_213 = tpu.memref_slice %arg7[%dma_start3A_211, %dma_start3A_212] : memref<8x128xi32, #tpu.memory_space<vmem>> -> memref<1x128xi32, #tpu.memory_space<vmem>>
      %dma_start3A_214 = tpu.memref_squeeze %dma_start3A_213 : memref<1x128xi32, #tpu.memory_space<vmem>> -> memref<128xi32, #tpu.memory_space<vmem>>
      %dma_start3A_215 = arith.constant 0 : i32
      %dma_start3A_216 = arith.constant 0 : i32
      %dma_start3A_217 = tpu.memref_slice %arg12[%dma_start3A_215, %dma_start3A_216] : memref<10240x128xf32, #tpu.memory_space<vmem_shared>> -> memref<10240x128xf32, #tpu.memory_space<vmem_shared>>
      tpu.enqueue_indirect_dma source(%arg10 : memref<128x128xf32, #tpu.memory_space<vmem>>) target(%dma_start3A_217 : memref<10240x128xf32, #tpu.memory_space<vmem_shared>>) offsets(%dma_start3A_214 : memref<128xi32, #tpu.memory_space<vmem>>) semaphore(%arg17 : memref<!tpu.dma_semaphore, #tpu.memory_space<semaphore_mem>>) {add = true}
      %dma_wait3A_218 = arith.constant 4 : i32
      %dma_wait3A_219 = arith.constant 0 : i32
      %dma_wait3A_220 = tpu.memref_slice %arg7[%dma_wait3A_218, %dma_wait3A_219] : memref<8x128xi32, #tpu.memory_space<vmem>> -> memref<1x128xi32, #tpu.memory_space<vmem>>
      %dma_wait3A_221 = tpu.memref_squeeze %dma_wait3A_220 : memref<1x128xi32, #tpu.memory_space<vmem>> -> memref<128xi32, #tpu.memory_space<vmem>>
      %dma_wait3A_222 = arith.constant 0 : i32
      %dma_wait3A_223 = arith.constant 0 : i32
      %dma_wait3A_224 = tpu.memref_slice %arg12[%dma_wait3A_222, %dma_wait3A_223] : memref<10240x128xf32, #tpu.memory_space<vmem_shared>> -> memref<10240x128xf32, #tpu.memory_space<vmem_shared>>
      tpu.wait_indirect_dma semaphore(%arg17 : memref<!tpu.dma_semaphore, #tpu.memory_space<semaphore_mem>>) src(%arg10 : memref<128x128xf32, #tpu.memory_space<vmem>>) dst(%dma_wait3A_224 : memref<10240x128xf32, #tpu.memory_space<vmem_shared>>)
      %dma_start3A_225 = arith.constant 6 : i32
      %dma_start3A_226 = arith.constant 0 : i32
      %dma_start3A_227 = tpu.memref_slice %arg6[%dma_start3A_225, %dma_start3A_226] : memref<8x128xi32, #tpu.memory_space<vmem>> -> memref<1x128xi32, #tpu.memory_space<vmem>>
      %dma_start3A_228 = tpu.memref_squeeze %dma_start3A_227 : memref<1x128xi32, #tpu.memory_space<vmem>> -> memref<128xi32, #tpu.memory_space<vmem>>
      %dma_start3A_229 = arith.constant 0 : i32
      %dma_start3A_230 = arith.constant 0 : i32
      %dma_start3A_231 = tpu.memref_slice %arg2[%dma_start3A_229, %dma_start3A_230] : memref<10000x128xf32, #tpu.memory_space<hbm>> -> memref<10000x128xf32, #tpu.memory_space<hbm>>
      tpu.enqueue_indirect_dma source(%dma_start3A_231 : memref<10000x128xf32, #tpu.memory_space<hbm>>) target(%arg10 : memref<128x128xf32, #tpu.memory_space<vmem>>) offsets(%dma_start3A_228 : memref<128xi32, #tpu.memory_space<vmem>>) semaphore(%arg13 : memref<!tpu.dma_semaphore, #tpu.memory_space<semaphore_mem>>)
      %dma_wait3A_232 = arith.constant 5 : i32
      %dma_wait3A_233 = arith.constant 0 : i32
      %dma_wait3A_234 = tpu.memref_slice %arg6[%dma_wait3A_232, %dma_wait3A_233] : memref<8x128xi32, #tpu.memory_space<vmem>> -> memref<1x128xi32, #tpu.memory_space<vmem>>
      %dma_wait3A_235 = tpu.memref_squeeze %dma_wait3A_234 : memref<1x128xi32, #tpu.memory_space<vmem>> -> memref<128xi32, #tpu.memory_space<vmem>>
      %dma_wait3A_236 = arith.constant 0 : i32
      %dma_wait3A_237 = arith.constant 0 : i32
      %dma_wait3A_238 = tpu.memref_slice %arg2[%dma_wait3A_236, %dma_wait3A_237] : memref<10000x128xf32, #tpu.memory_space<hbm>> -> memref<10000x128xf32, #tpu.memory_space<hbm>>
      tpu.wait_indirect_dma semaphore(%arg14 : memref<!tpu.dma_semaphore, #tpu.memory_space<semaphore_mem>>) src(%dma_wait3A_238 : memref<10000x128xf32, #tpu.memory_space<hbm>>) dst(%arg11 : memref<128x128xf32, #tpu.memory_space<vmem>>)
      %dma_start3A_239 = arith.constant 5 : i32
      %dma_start3A_240 = arith.constant 0 : i32
      %dma_start3A_241 = tpu.memref_slice %arg7[%dma_start3A_239, %dma_start3A_240] : memref<8x128xi32, #tpu.memory_space<vmem>> -> memref<1x128xi32, #tpu.memory_space<vmem>>
      %dma_start3A_242 = tpu.memref_squeeze %dma_start3A_241 : memref<1x128xi32, #tpu.memory_space<vmem>> -> memref<128xi32, #tpu.memory_space<vmem>>
      %dma_start3A_243 = arith.constant 0 : i32
      %dma_start3A_244 = arith.constant 0 : i32
      %dma_start3A_245 = tpu.memref_slice %arg12[%dma_start3A_243, %dma_start3A_244] : memref<10240x128xf32, #tpu.memory_space<vmem_shared>> -> memref<10240x128xf32, #tpu.memory_space<vmem_shared>>
      tpu.enqueue_indirect_dma source(%arg11 : memref<128x128xf32, #tpu.memory_space<vmem>>) target(%dma_start3A_245 : memref<10240x128xf32, #tpu.memory_space<vmem_shared>>) offsets(%dma_start3A_242 : memref<128xi32, #tpu.memory_space<vmem>>) semaphore(%arg17 : memref<!tpu.dma_semaphore, #tpu.memory_space<semaphore_mem>>) {add = true}
      %dma_wait3A_246 = arith.constant 5 : i32
      %dma_wait3A_247 = arith.constant 0 : i32
      %dma_wait3A_248 = tpu.memref_slice %arg7[%dma_wait3A_246, %dma_wait3A_247] : memref<8x128xi32, #tpu.memory_space<vmem>> -> memref<1x128xi32, #tpu.memory_space<vmem>>
      %dma_wait3A_249 = tpu.memref_squeeze %dma_wait3A_248 : memref<1x128xi32, #tpu.memory_space<vmem>> -> memref<128xi32, #tpu.memory_space<vmem>>
      %dma_wait3A_250 = arith.constant 0 : i32
      %dma_wait3A_251 = arith.constant 0 : i32
      %dma_wait3A_252 = tpu.memref_slice %arg12[%dma_wait3A_250, %dma_wait3A_251] : memref<10240x128xf32, #tpu.memory_space<vmem_shared>> -> memref<10240x128xf32, #tpu.memory_space<vmem_shared>>
      tpu.wait_indirect_dma semaphore(%arg17 : memref<!tpu.dma_semaphore, #tpu.memory_space<semaphore_mem>>) src(%arg11 : memref<128x128xf32, #tpu.memory_space<vmem>>) dst(%dma_wait3A_252 : memref<10240x128xf32, #tpu.memory_space<vmem_shared>>)
      %dma_start3A_253 = arith.constant 7 : i32
      %dma_start3A_254 = arith.constant 0 : i32
      %dma_start3A_255 = tpu.memref_slice %arg6[%dma_start3A_253, %dma_start3A_254] : memref<8x128xi32, #tpu.memory_space<vmem>> -> memref<1x128xi32, #tpu.memory_space<vmem>>
      %dma_start3A_256 = tpu.memref_squeeze %dma_start3A_255 : memref<1x128xi32, #tpu.memory_space<vmem>> -> memref<128xi32, #tpu.memory_space<vmem>>
      %dma_start3A_257 = arith.constant 0 : i32
      %dma_start3A_258 = arith.constant 0 : i32
      %dma_start3A_259 = tpu.memref_slice %arg2[%dma_start3A_257, %dma_start3A_258] : memref<10000x128xf32, #tpu.memory_space<hbm>> -> memref<10000x128xf32, #tpu.memory_space<hbm>>
      tpu.enqueue_indirect_dma source(%dma_start3A_259 : memref<10000x128xf32, #tpu.memory_space<hbm>>) target(%arg11 : memref<128x128xf32, #tpu.memory_space<vmem>>) offsets(%dma_start3A_256 : memref<128xi32, #tpu.memory_space<vmem>>) semaphore(%arg14 : memref<!tpu.dma_semaphore, #tpu.memory_space<semaphore_mem>>)
      %dma_wait3A_260 = arith.constant 6 : i32
      %dma_wait3A_261 = arith.constant 0 : i32
      %dma_wait3A_262 = tpu.memref_slice %arg6[%dma_wait3A_260, %dma_wait3A_261] : memref<8x128xi32, #tpu.memory_space<vmem>> -> memref<1x128xi32, #tpu.memory_space<vmem>>
      %dma_wait3A_263 = tpu.memref_squeeze %dma_wait3A_262 : memref<1x128xi32, #tpu.memory_space<vmem>> -> memref<128xi32, #tpu.memory_space<vmem>>
      %dma_wait3A_264 = arith.constant 0 : i32
      %dma_wait3A_265 = arith.constant 0 : i32
      %dma_wait3A_266 = tpu.memref_slice %arg2[%dma_wait3A_264, %dma_wait3A_265] : memref<10000x128xf32, #tpu.memory_space<hbm>> -> memref<10000x128xf32, #tpu.memory_space<hbm>>
      tpu.wait_indirect_dma semaphore(%arg13 : memref<!tpu.dma_semaphore, #tpu.memory_space<semaphore_mem>>) src(%dma_wait3A_266 : memref<10000x128xf32, #tpu.memory_space<hbm>>) dst(%arg10 : memref<128x128xf32, #tpu.memory_space<vmem>>)
      %dma_start3A_267 = arith.constant 6 : i32
      %dma_start3A_268 = arith.constant 0 : i32
      %dma_start3A_269 = tpu.memref_slice %arg7[%dma_start3A_267, %dma_start3A_268] : memref<8x128xi32, #tpu.memory_space<vmem>> -> memref<1x128xi32, #tpu.memory_space<vmem>>
      %dma_start3A_270 = tpu.memref_squeeze %dma_start3A_269 : memref<1x128xi32, #tpu.memory_space<vmem>> -> memref<128xi32, #tpu.memory_space<vmem>>
      %dma_start3A_271 = arith.constant 0 : i32
      %dma_start3A_272 = arith.constant 0 : i32
      %dma_start3A_273 = tpu.memref_slice %arg12[%dma_start3A_271, %dma_start3A_272] : memref<10240x128xf32, #tpu.memory_space<vmem_shared>> -> memref<10240x128xf32, #tpu.memory_space<vmem_shared>>
      tpu.enqueue_indirect_dma source(%arg10 : memref<128x128xf32, #tpu.memory_space<vmem>>) target(%dma_start3A_273 : memref<10240x128xf32, #tpu.memory_space<vmem_shared>>) offsets(%dma_start3A_270 : memref<128xi32, #tpu.memory_space<vmem>>) semaphore(%arg17 : memref<!tpu.dma_semaphore, #tpu.memory_space<semaphore_mem>>) {add = true}
      %dma_wait3A_274 = arith.constant 6 : i32
      %dma_wait3A_275 = arith.constant 0 : i32
      %dma_wait3A_276 = tpu.memref_slice %arg7[%dma_wait3A_274, %dma_wait3A_275] : memref<8x128xi32, #tpu.memory_space<vmem>> -> memref<1x128xi32, #tpu.memory_space<vmem>>
      %dma_wait3A_277 = tpu.memref_squeeze %dma_wait3A_276 : memref<1x128xi32, #tpu.memory_space<vmem>> -> memref<128xi32, #tpu.memory_space<vmem>>
      %dma_wait3A_278 = arith.constant 0 : i32
      %dma_wait3A_279 = arith.constant 0 : i32
      %dma_wait3A_280 = tpu.memref_slice %arg12[%dma_wait3A_278, %dma_wait3A_279] : memref<10240x128xf32, #tpu.memory_space<vmem_shared>> -> memref<10240x128xf32, #tpu.memory_space<vmem_shared>>
      tpu.wait_indirect_dma semaphore(%arg17 : memref<!tpu.dma_semaphore, #tpu.memory_space<semaphore_mem>>) src(%arg10 : memref<128x128xf32, #tpu.memory_space<vmem>>) dst(%dma_wait3A_280 : memref<10240x128xf32, #tpu.memory_space<vmem_shared>>)
      %dma_wait3A_281 = arith.constant 0 : i32
      %dma_wait3A_282 = arith.constant 0 : i32
      %dma_wait3A_283 = tpu.memref_slice %arg3[%add3A, %dma_wait3A_281, %dma_wait3A_282] : memref<32x80x128xi32, #tpu.memory_space<hbm>> -> memref<1x8x128xi32, #tpu.memory_space<hbm>>
      %dma_wait3A_284 = tpu.memref_squeeze %dma_wait3A_283 : memref<1x8x128xi32, #tpu.memory_space<hbm>> -> memref<8x128xi32, #tpu.memory_space<hbm>>
      %dma_wait3A_285 = arith.constant 0 : i32
      %dma_wait3A_286 = arith.constant 0 : i32
      %dma_wait3A_287 = tpu.memref_slice %arg3[%add3A, %dma_wait3A_285, %dma_wait3A_286] : memref<32x80x128xi32, #tpu.memory_space<hbm>> -> memref<1x8x128xi32, #tpu.memory_space<hbm>>
      %dma_wait3A_288 = tpu.memref_squeeze %dma_wait3A_287 : memref<1x8x128xi32, #tpu.memory_space<hbm>> -> memref<8x128xi32, #tpu.memory_space<hbm>>
      tpu.wait_dma2 semaphore(%arg15 : memref<!tpu.dma_semaphore, #tpu.memory_space<semaphore_mem>>) src(%dma_wait3A_288 : memref<8x128xi32, #tpu.memory_space<hbm>>) dst(%arg8 : memref<8x128xi32, #tpu.memory_space<vmem>>)
      %dma_wait3A_289 = arith.constant 0 : i32
      %dma_wait3A_290 = arith.constant 0 : i32
      %dma_wait3A_291 = tpu.memref_slice %arg4[%add3A, %dma_wait3A_289, %dma_wait3A_290] : memref<32x80x128xi32, #tpu.memory_space<hbm>> -> memref<1x8x128xi32, #tpu.memory_space<hbm>>
      %dma_wait3A_292 = tpu.memref_squeeze %dma_wait3A_291 : memref<1x8x128xi32, #tpu.memory_space<hbm>> -> memref<8x128xi32, #tpu.memory_space<hbm>>
      %dma_wait3A_293 = arith.constant 0 : i32
      %dma_wait3A_294 = arith.constant 0 : i32
      %dma_wait3A_295 = tpu.memref_slice %arg4[%add3A, %dma_wait3A_293, %dma_wait3A_294] : memref<32x80x128xi32, #tpu.memory_space<hbm>> -> memref<1x8x128xi32, #tpu.memory_space<hbm>>
      %dma_wait3A_296 = tpu.memref_squeeze %dma_wait3A_295 : memref<1x8x128xi32, #tpu.memory_space<hbm>> -> memref<8x128xi32, #tpu.memory_space<hbm>>
      tpu.wait_dma2 semaphore(%arg16 : memref<!tpu.dma_semaphore, #tpu.memory_space<semaphore_mem>>) src(%dma_wait3A_296 : memref<8x128xi32, #tpu.memory_space<hbm>>) dst(%arg9 : memref<8x128xi32, #tpu.memory_space<vmem>>)
      %dma_start3A_297 = arith.constant 0 : i32
      %dma_start3A_298 = arith.constant 0 : i32
      %dma_start3A_299 = tpu.memref_slice %arg8[%dma_start3A_297, %dma_start3A_298] : memref<8x128xi32, #tpu.memory_space<vmem>> -> memref<1x128xi32, #tpu.memory_space<vmem>>
      %dma_start3A_300 = tpu.memref_squeeze %dma_start3A_299 : memref<1x128xi32, #tpu.memory_space<vmem>> -> memref<128xi32, #tpu.memory_space<vmem>>
      %dma_start3A_301 = arith.constant 0 : i32
      %dma_start3A_302 = arith.constant 0 : i32
      %dma_start3A_303 = tpu.memref_slice %arg2[%dma_start3A_301, %dma_start3A_302] : memref<10000x128xf32, #tpu.memory_space<hbm>> -> memref<10000x128xf32, #tpu.memory_space<hbm>>
      tpu.enqueue_indirect_dma source(%dma_start3A_303 : memref<10000x128xf32, #tpu.memory_space<hbm>>) target(%arg10 : memref<128x128xf32, #tpu.memory_space<vmem>>) offsets(%dma_start3A_300 : memref<128xi32, #tpu.memory_space<vmem>>) semaphore(%arg13 : memref<!tpu.dma_semaphore, #tpu.memory_space<semaphore_mem>>)
      %dma_wait3A_304 = arith.constant 7 : i32
      %dma_wait3A_305 = arith.constant 0 : i32
      %dma_wait3A_306 = tpu.memref_slice %arg6[%dma_wait3A_304, %dma_wait3A_305] : memref<8x128xi32, #tpu.memory_space<vmem>> -> memref<1x128xi32, #tpu.memory_space<vmem>>
      %dma_wait3A_307 = tpu.memref_squeeze %dma_wait3A_306 : memref<1x128xi32, #tpu.memory_space<vmem>> -> memref<128xi32, #tpu.memory_space<vmem>>
      %dma_wait3A_308 = arith.constant 0 : i32
      %dma_wait3A_309 = arith.constant 0 : i32
      %dma_wait3A_310 = tpu.memref_slice %arg2[%dma_wait3A_308, %dma_wait3A_309] : memref<10000x128xf32, #tpu.memory_space<hbm>> -> memref<10000x128xf32, #tpu.memory_space<hbm>>
      tpu.wait_indirect_dma semaphore(%arg14 : memref<!tpu.dma_semaphore, #tpu.memory_space<semaphore_mem>>) src(%dma_wait3A_310 : memref<10000x128xf32, #tpu.memory_space<hbm>>) dst(%arg11 : memref<128x128xf32, #tpu.memory_space<vmem>>)
      %dma_start3A_311 = arith.constant 7 : i32
      %dma_start3A_312 = arith.constant 0 : i32
      %dma_start3A_313 = tpu.memref_slice %arg7[%dma_start3A_311, %dma_start3A_312] : memref<8x128xi32, #tpu.memory_space<vmem>> -> memref<1x128xi32, #tpu.memory_space<vmem>>
      %dma_start3A_314 = tpu.memref_squeeze %dma_start3A_313 : memref<1x128xi32, #tpu.memory_space<vmem>> -> memref<128xi32, #tpu.memory_space<vmem>>
      %dma_start3A_315 = arith.constant 0 : i32
      %dma_start3A_316 = arith.constant 0 : i32
      %dma_start3A_317 = tpu.memref_slice %arg12[%dma_start3A_315, %dma_start3A_316] : memref<10240x128xf32, #tpu.memory_space<vmem_shared>> -> memref<10240x128xf32, #tpu.memory_space<vmem_shared>>
      tpu.enqueue_indirect_dma source(%arg11 : memref<128x128xf32, #tpu.memory_space<vmem>>) target(%dma_start3A_317 : memref<10240x128xf32, #tpu.memory_space<vmem_shared>>) offsets(%dma_start3A_314 : memref<128xi32, #tpu.memory_space<vmem>>) semaphore(%arg17 : memref<!tpu.dma_semaphore, #tpu.memory_space<semaphore_mem>>) {add = true}
      %dma_wait3A_318 = arith.constant 7 : i32
      %dma_wait3A_319 = arith.constant 0 : i32
      %dma_wait3A_320 = tpu.memref_slice %arg7[%dma_wait3A_318, %dma_wait3A_319] : memref<8x128xi32, #tpu.memory_space<vmem>> -> memref<1x128xi32, #tpu.memory_space<vmem>>
      %dma_wait3A_321 = tpu.memref_squeeze %dma_wait3A_320 : memref<1x128xi32, #tpu.memory_space<vmem>> -> memref<128xi32, #tpu.memory_space<vmem>>
      %dma_wait3A_322 = arith.constant 0 : i32
      %dma_wait3A_323 = arith.constant 0 : i32
      %dma_wait3A_324 = tpu.memref_slice %arg12[%dma_wait3A_322, %dma_wait3A_323] : memref<10240x128xf32, #tpu.memory_space<vmem_shared>> -> memref<10240x128xf32, #tpu.memory_space<vmem_shared>>
      tpu.wait_indirect_dma semaphore(%arg17 : memref<!tpu.dma_semaphore, #tpu.memory_space<semaphore_mem>>) src(%arg11 : memref<128x128xf32, #tpu.memory_space<vmem>>) dst(%dma_wait3A_324 : memref<10240x128xf32, #tpu.memory_space<vmem_shared>>)
      %add3A_325 = arith.constant 2 : i32
      %add3A_326 = arith.addi %mul3A_84, %add3A_325 : i32
      %min3A_327 = arith.constant 9 : i32
      %min3A_328 = arith.minsi %add3A_326, %min3A_327 : i32
      %mul3A_329 = arith.constant 8 : i32
      %mul3A_330 = arith.muli %min3A_328, %mul3A_329 : i32
      %dma_start3A_331 = arith.constant 0 : i32
      %dma_start3A_332 = tpu.memref_slice %arg3[%add3A, %mul3A_330, %dma_start3A_331] : memref<32x80x128xi32, #tpu.memory_space<hbm>> -> memref<1x8x128xi32, #tpu.memory_space<hbm>>
      %dma_start3A_333 = tpu.memref_squeeze %dma_start3A_332 : memref<1x8x128xi32, #tpu.memory_space<hbm>> -> memref<8x128xi32, #tpu.memory_space<hbm>>
      %dma_start3A_334 = arith.constant 0 : i32
      %dma_start3A_335 = tpu.memref_slice %arg3[%add3A, %mul3A_330, %dma_start3A_334] : memref<32x80x128xi32, #tpu.memory_space<hbm>> -> memref<1x8x128xi32, #tpu.memory_space<hbm>>
      %dma_start3A_336 = tpu.memref_squeeze %dma_start3A_335 : memref<1x8x128xi32, #tpu.memory_space<hbm>> -> memref<8x128xi32, #tpu.memory_space<hbm>>
      tpu.enqueue_dma source(%dma_start3A_336 : memref<8x128xi32, #tpu.memory_space<hbm>>) target(%arg6 : memref<8x128xi32, #tpu.memory_space<vmem>>) target_semaphore(%arg15 : memref<!tpu.dma_semaphore, #tpu.memory_space<semaphore_mem>>)
      %mul3A_337 = arith.constant 8 : i32
      %mul3A_338 = arith.muli %min3A_328, %mul3A_337 : i32
      %dma_start3A_339 = arith.constant 0 : i32
      %dma_start3A_340 = tpu.memref_slice %arg4[%add3A, %mul3A_338, %dma_start3A_339] : memref<32x80x128xi32, #tpu.memory_space<hbm>> -> memref<1x8x128xi32, #tpu.memory_space<hbm>>
      %dma_start3A_341 = tpu.memref_squeeze %dma_start3A_340 : memref<1x8x128xi32, #tpu.memory_space<hbm>> -> memref<8x128xi32, #tpu.memory_space<hbm>>
      %dma_start3A_342 = arith.constant 0 : i32
      %dma_start3A_343 = tpu.memref_slice %arg4[%add3A, %mul3A_338, %dma_start3A_342] : memref<32x80x128xi32, #tpu.memory_space<hbm>> -> memref<1x8x128xi32, #tpu.memory_space<hbm>>
      %dma_start3A_344 = tpu.memref_squeeze %dma_start3A_343 : memref<1x8x128xi32, #tpu.memory_space<hbm>> -> memref<8x128xi32, #tpu.memory_space<hbm>>
      tpu.enqueue_dma source(%dma_start3A_344 : memref<8x128xi32, #tpu.memory_space<hbm>>) target(%arg7 : memref<8x128xi32, #tpu.memory_space<vmem>>) target_semaphore(%arg16 : memref<!tpu.dma_semaphore, #tpu.memory_space<semaphore_mem>>)
      %add3A_345 = arith.constant 1 : i32
      %add3A_346 = arith.addi %mul3A_84, %add3A_345 : i32
      %dma_start3A_347 = arith.constant 1 : i32
      %dma_start3A_348 = arith.constant 0 : i32
      %dma_start3A_349 = tpu.memref_slice %arg8[%dma_start3A_347, %dma_start3A_348] : memref<8x128xi32, #tpu.memory_space<vmem>> -> memref<1x128xi32, #tpu.memory_space<vmem>>
      %dma_start3A_350 = tpu.memref_squeeze %dma_start3A_349 : memref<1x128xi32, #tpu.memory_space<vmem>> -> memref<128xi32, #tpu.memory_space<vmem>>
      %dma_start3A_351 = arith.constant 0 : i32
      %dma_start3A_352 = arith.constant 0 : i32
      %dma_start3A_353 = tpu.memref_slice %arg2[%dma_start3A_351, %dma_start3A_352] : memref<10000x128xf32, #tpu.memory_space<hbm>> -> memref<10000x128xf32, #tpu.memory_space<hbm>>
      tpu.enqueue_indirect_dma source(%dma_start3A_353 : memref<10000x128xf32, #tpu.memory_space<hbm>>) target(%arg11 : memref<128x128xf32, #tpu.memory_space<vmem>>) offsets(%dma_start3A_350 : memref<128xi32, #tpu.memory_space<vmem>>) semaphore(%arg14 : memref<!tpu.dma_semaphore, #tpu.memory_space<semaphore_mem>>)
      %dma_wait3A_354 = arith.constant 0 : i32
      %dma_wait3A_355 = arith.constant 0 : i32
      %dma_wait3A_356 = tpu.memref_slice %arg8[%dma_wait3A_354, %dma_wait3A_355] : memref<8x128xi32, #tpu.memory_space<vmem>> -> memref<1x128xi32, #tpu.memory_space<vmem>>
      %dma_wait3A_357 = tpu.memref_squeeze %dma_wait3A_356 : memref<1x128xi32, #tpu.memory_space<vmem>> -> memref<128xi32, #tpu.memory_space<vmem>>
      %dma_wait3A_358 = arith.constant 0 : i32
      %dma_wait3A_359 = arith.constant 0 : i32
      %dma_wait3A_360 = tpu.memref_slice %arg2[%dma_wait3A_358, %dma_wait3A_359] : memref<10000x128xf32, #tpu.memory_space<hbm>> -> memref<10000x128xf32, #tpu.memory_space<hbm>>
      tpu.wait_indirect_dma semaphore(%arg13 : memref<!tpu.dma_semaphore, #tpu.memory_space<semaphore_mem>>) src(%dma_wait3A_360 : memref<10000x128xf32, #tpu.memory_space<hbm>>) dst(%arg10 : memref<128x128xf32, #tpu.memory_space<vmem>>)
      %dma_start3A_361 = arith.constant 0 : i32
      %dma_start3A_362 = arith.constant 0 : i32
      %dma_start3A_363 = tpu.memref_slice %arg9[%dma_start3A_361, %dma_start3A_362] : memref<8x128xi32, #tpu.memory_space<vmem>> -> memref<1x128xi32, #tpu.memory_space<vmem>>
      %dma_start3A_364 = tpu.memref_squeeze %dma_start3A_363 : memref<1x128xi32, #tpu.memory_space<vmem>> -> memref<128xi32, #tpu.memory_space<vmem>>
      %dma_start3A_365 = arith.constant 0 : i32
      %dma_start3A_366 = arith.constant 0 : i32
      %dma_start3A_367 = tpu.memref_slice %arg12[%dma_start3A_365, %dma_start3A_366] : memref<10240x128xf32, #tpu.memory_space<vmem_shared>> -> memref<10240x128xf32, #tpu.memory_space<vmem_shared>>
      tpu.enqueue_indirect_dma source(%arg10 : memref<128x128xf32, #tpu.memory_space<vmem>>) target(%dma_start3A_367 : memref<10240x128xf32, #tpu.memory_space<vmem_shared>>) offsets(%dma_start3A_364 : memref<128xi32, #tpu.memory_space<vmem>>) semaphore(%arg17 : memref<!tpu.dma_semaphore, #tpu.memory_space<semaphore_mem>>) {add = true}
      %dma_wait3A_368 = arith.constant 0 : i32
      %dma_wait3A_369 = arith.constant 0 : i32
      %dma_wait3A_370 = tpu.memref_slice %arg9[%dma_wait3A_368, %dma_wait3A_369] : memref<8x128xi32, #tpu.memory_space<vmem>> -> memref<1x128xi32, #tpu.memory_space<vmem>>
      %dma_wait3A_371 = tpu.memref_squeeze %dma_wait3A_370 : memref<1x128xi32, #tpu.memory_space<vmem>> -> memref<128xi32, #tpu.memory_space<vmem>>
      %dma_wait3A_372 = arith.constant 0 : i32
      %dma_wait3A_373 = arith.constant 0 : i32
      %dma_wait3A_374 = tpu.memref_slice %arg12[%dma_wait3A_372, %dma_wait3A_373] : memref<10240x128xf32, #tpu.memory_space<vmem_shared>> -> memref<10240x128xf32, #tpu.memory_space<vmem_shared>>
      tpu.wait_indirect_dma semaphore(%arg17 : memref<!tpu.dma_semaphore, #tpu.memory_space<semaphore_mem>>) src(%arg10 : memref<128x128xf32, #tpu.memory_space<vmem>>) dst(%dma_wait3A_374 : memref<10240x128xf32, #tpu.memory_space<vmem_shared>>)
      %dma_start3A_375 = arith.constant 2 : i32
      %dma_start3A_376 = arith.constant 0 : i32
      %dma_start3A_377 = tpu.memref_slice %arg8[%dma_start3A_375, %dma_start3A_376] : memref<8x128xi32, #tpu.memory_space<vmem>> -> memref<1x128xi32, #tpu.memory_space<vmem>>
      %dma_start3A_378 = tpu.memref_squeeze %dma_start3A_377 : memref<1x128xi32, #tpu.memory_space<vmem>> -> memref<128xi32, #tpu.memory_space<vmem>>
      %dma_start3A_379 = arith.constant 0 : i32
      %dma_start3A_380 = arith.constant 0 : i32
      %dma_start3A_381 = tpu.memref_slice %arg2[%dma_start3A_379, %dma_start3A_380] : memref<10000x128xf32, #tpu.memory_space<hbm>> -> memref<10000x128xf32, #tpu.memory_space<hbm>>
      tpu.enqueue_indirect_dma source(%dma_start3A_381 : memref<10000x128xf32, #tpu.memory_space<hbm>>) target(%arg10 : memref<128x128xf32, #tpu.memory_space<vmem>>) offsets(%dma_start3A_378 : memref<128xi32, #tpu.memory_space<vmem>>) semaphore(%arg13 : memref<!tpu.dma_semaphore, #tpu.memory_space<semaphore_mem>>)
      %dma_wait3A_382 = arith.constant 1 : i32
      %dma_wait3A_383 = arith.constant 0 : i32
      %dma_wait3A_384 = tpu.memref_slice %arg8[%dma_wait3A_382, %dma_wait3A_383] : memref<8x128xi32, #tpu.memory_space<vmem>> -> memref<1x128xi32, #tpu.memory_space<vmem>>
      %dma_wait3A_385 = tpu.memref_squeeze %dma_wait3A_384 : memref<1x128xi32, #tpu.memory_space<vmem>> -> memref<128xi32, #tpu.memory_space<vmem>>
      %dma_wait3A_386 = arith.constant 0 : i32
      %dma_wait3A_387 = arith.constant 0 : i32
      %dma_wait3A_388 = tpu.memref_slice %arg2[%dma_wait3A_386, %dma_wait3A_387] : memref<10000x128xf32, #tpu.memory_space<hbm>> -> memref<10000x128xf32, #tpu.memory_space<hbm>>
      tpu.wait_indirect_dma semaphore(%arg14 : memref<!tpu.dma_semaphore, #tpu.memory_space<semaphore_mem>>) src(%dma_wait3A_388 : memref<10000x128xf32, #tpu.memory_space<hbm>>) dst(%arg11 : memref<128x128xf32, #tpu.memory_space<vmem>>)
      %dma_start3A_389 = arith.constant 1 : i32
      %dma_start3A_390 = arith.constant 0 : i32
      %dma_start3A_391 = tpu.memref_slice %arg9[%dma_start3A_389, %dma_start3A_390] : memref<8x128xi32, #tpu.memory_space<vmem>> -> memref<1x128xi32, #tpu.memory_space<vmem>>
      %dma_start3A_392 = tpu.memref_squeeze %dma_start3A_391 : memref<1x128xi32, #tpu.memory_space<vmem>> -> memref<128xi32, #tpu.memory_space<vmem>>
      %dma_start3A_393 = arith.constant 0 : i32
      %dma_start3A_394 = arith.constant 0 : i32
      %dma_start3A_395 = tpu.memref_slice %arg12[%dma_start3A_393, %dma_start3A_394] : memref<10240x128xf32, #tpu.memory_space<vmem_shared>> -> memref<10240x128xf32, #tpu.memory_space<vmem_shared>>
      tpu.enqueue_indirect_dma source(%arg11 : memref<128x128xf32, #tpu.memory_space<vmem>>) target(%dma_start3A_395 : memref<10240x128xf32, #tpu.memory_space<vmem_shared>>) offsets(%dma_start3A_392 : memref<128xi32, #tpu.memory_space<vmem>>) semaphore(%arg17 : memref<!tpu.dma_semaphore, #tpu.memory_space<semaphore_mem>>) {add = true}
      %dma_wait3A_396 = arith.constant 1 : i32
      %dma_wait3A_397 = arith.constant 0 : i32
      %dma_wait3A_398 = tpu.memref_slice %arg9[%dma_wait3A_396, %dma_wait3A_397] : memref<8x128xi32, #tpu.memory_space<vmem>> -> memref<1x128xi32, #tpu.memory_space<vmem>>
      %dma_wait3A_399 = tpu.memref_squeeze %dma_wait3A_398 : memref<1x128xi32, #tpu.memory_space<vmem>> -> memref<128xi32, #tpu.memory_space<vmem>>
      %dma_wait3A_400 = arith.constant 0 : i32
      %dma_wait3A_401 = arith.constant 0 : i32
      %dma_wait3A_402 = tpu.memref_slice %arg12[%dma_wait3A_400, %dma_wait3A_401] : memref<10240x128xf32, #tpu.memory_space<vmem_shared>> -> memref<10240x128xf32, #tpu.memory_space<vmem_shared>>
      tpu.wait_indirect_dma semaphore(%arg17 : memref<!tpu.dma_semaphore, #tpu.memory_space<semaphore_mem>>) src(%arg11 : memref<128x128xf32, #tpu.memory_space<vmem>>) dst(%dma_wait3A_402 : memref<10240x128xf32, #tpu.memory_space<vmem_shared>>)
      %dma_start3A_403 = arith.constant 3 : i32
      %dma_start3A_404 = arith.constant 0 : i32
      %dma_start3A_405 = tpu.memref_slice %arg8[%dma_start3A_403, %dma_start3A_404] : memref<8x128xi32, #tpu.memory_space<vmem>> -> memref<1x128xi32, #tpu.memory_space<vmem>>
      %dma_start3A_406 = tpu.memref_squeeze %dma_start3A_405 : memref<1x128xi32, #tpu.memory_space<vmem>> -> memref<128xi32, #tpu.memory_space<vmem>>
      %dma_start3A_407 = arith.constant 0 : i32
      %dma_start3A_408 = arith.constant 0 : i32
      %dma_start3A_409 = tpu.memref_slice %arg2[%dma_start3A_407, %dma_start3A_408] : memref<10000x128xf32, #tpu.memory_space<hbm>> -> memref<10000x128xf32, #tpu.memory_space<hbm>>
      tpu.enqueue_indirect_dma source(%dma_start3A_409 : memref<10000x128xf32, #tpu.memory_space<hbm>>) target(%arg11 : memref<128x128xf32, #tpu.memory_space<vmem>>) offsets(%dma_start3A_406 : memref<128xi32, #tpu.memory_space<vmem>>) semaphore(%arg14 : memref<!tpu.dma_semaphore, #tpu.memory_space<semaphore_mem>>)
      %dma_wait3A_410 = arith.constant 2 : i32
      %dma_wait3A_411 = arith.constant 0 : i32
      %dma_wait3A_412 = tpu.memref_slice %arg8[%dma_wait3A_410, %dma_wait3A_411] : memref<8x128xi32, #tpu.memory_space<vmem>> -> memref<1x128xi32, #tpu.memory_space<vmem>>
      %dma_wait3A_413 = tpu.memref_squeeze %dma_wait3A_412 : memref<1x128xi32, #tpu.memory_space<vmem>> -> memref<128xi32, #tpu.memory_space<vmem>>
      %dma_wait3A_414 = arith.constant 0 : i32
      %dma_wait3A_415 = arith.constant 0 : i32
      %dma_wait3A_416 = tpu.memref_slice %arg2[%dma_wait3A_414, %dma_wait3A_415] : memref<10000x128xf32, #tpu.memory_space<hbm>> -> memref<10000x128xf32, #tpu.memory_space<hbm>>
      tpu.wait_indirect_dma semaphore(%arg13 : memref<!tpu.dma_semaphore, #tpu.memory_space<semaphore_mem>>) src(%dma_wait3A_416 : memref<10000x128xf32, #tpu.memory_space<hbm>>) dst(%arg10 : memref<128x128xf32, #tpu.memory_space<vmem>>)
      %dma_start3A_417 = arith.constant 2 : i32
      %dma_start3A_418 = arith.constant 0 : i32
      %dma_start3A_419 = tpu.memref_slice %arg9[%dma_start3A_417, %dma_start3A_418] : memref<8x128xi32, #tpu.memory_space<vmem>> -> memref<1x128xi32, #tpu.memory_space<vmem>>
      %dma_start3A_420 = tpu.memref_squeeze %dma_start3A_419 : memref<1x128xi32, #tpu.memory_space<vmem>> -> memref<128xi32, #tpu.memory_space<vmem>>
      %dma_start3A_421 = arith.constant 0 : i32
      %dma_start3A_422 = arith.constant 0 : i32
      %dma_start3A_423 = tpu.memref_slice %arg12[%dma_start3A_421, %dma_start3A_422] : memref<10240x128xf32, #tpu.memory_space<vmem_shared>> -> memref<10240x128xf32, #tpu.memory_space<vmem_shared>>
      tpu.enqueue_indirect_dma source(%arg10 : memref<128x128xf32, #tpu.memory_space<vmem>>) target(%dma_start3A_423 : memref<10240x128xf32, #tpu.memory_space<vmem_shared>>) offsets(%dma_start3A_420 : memref<128xi32, #tpu.memory_space<vmem>>) semaphore(%arg17 : memref<!tpu.dma_semaphore, #tpu.memory_space<semaphore_mem>>) {add = true}
      %dma_wait3A_424 = arith.constant 2 : i32
      %dma_wait3A_425 = arith.constant 0 : i32
      %dma_wait3A_426 = tpu.memref_slice %arg9[%dma_wait3A_424, %dma_wait3A_425] : memref<8x128xi32, #tpu.memory_space<vmem>> -> memref<1x128xi32, #tpu.memory_space<vmem>>
      %dma_wait3A_427 = tpu.memref_squeeze %dma_wait3A_426 : memref<1x128xi32, #tpu.memory_space<vmem>> -> memref<128xi32, #tpu.memory_space<vmem>>
      %dma_wait3A_428 = arith.constant 0 : i32
      %dma_wait3A_429 = arith.constant 0 : i32
      %dma_wait3A_430 = tpu.memref_slice %arg12[%dma_wait3A_428, %dma_wait3A_429] : memref<10240x128xf32, #tpu.memory_space<vmem_shared>> -> memref<10240x128xf32, #tpu.memory_space<vmem_shared>>
      tpu.wait_indirect_dma semaphore(%arg17 : memref<!tpu.dma_semaphore, #tpu.memory_space<semaphore_mem>>) src(%arg10 : memref<128x128xf32, #tpu.memory_space<vmem>>) dst(%dma_wait3A_430 : memref<10240x128xf32, #tpu.memory_space<vmem_shared>>)
      %dma_start3A_431 = arith.constant 4 : i32
      %dma_start3A_432 = arith.constant 0 : i32
      %dma_start3A_433 = tpu.memref_slice %arg8[%dma_start3A_431, %dma_start3A_432] : memref<8x128xi32, #tpu.memory_space<vmem>> -> memref<1x128xi32, #tpu.memory_space<vmem>>
      %dma_start3A_434 = tpu.memref_squeeze %dma_start3A_433 : memref<1x128xi32, #tpu.memory_space<vmem>> -> memref<128xi32, #tpu.memory_space<vmem>>
      %dma_start3A_435 = arith.constant 0 : i32
      %dma_start3A_436 = arith.constant 0 : i32
      %dma_start3A_437 = tpu.memref_slice %arg2[%dma_start3A_435, %dma_start3A_436] : memref<10000x128xf32, #tpu.memory_space<hbm>> -> memref<10000x128xf32, #tpu.memory_space<hbm>>
      tpu.enqueue_indirect_dma source(%dma_start3A_437 : memref<10000x128xf32, #tpu.memory_space<hbm>>) target(%arg10 : memref<128x128xf32, #tpu.memory_space<vmem>>) offsets(%dma_start3A_434 : memref<128xi32, #tpu.memory_space<vmem>>) semaphore(%arg13 : memref<!tpu.dma_semaphore, #tpu.memory_space<semaphore_mem>>)
      %dma_wait3A_438 = arith.constant 3 : i32
      %dma_wait3A_439 = arith.constant 0 : i32
      %dma_wait3A_440 = tpu.memref_slice %arg8[%dma_wait3A_438, %dma_wait3A_439] : memref<8x128xi32, #tpu.memory_space<vmem>> -> memref<1x128xi32, #tpu.memory_space<vmem>>
      %dma_wait3A_441 = tpu.memref_squeeze %dma_wait3A_440 : memref<1x128xi32, #tpu.memory_space<vmem>> -> memref<128xi32, #tpu.memory_space<vmem>>
      %dma_wait3A_442 = arith.constant 0 : i32
      %dma_wait3A_443 = arith.constant 0 : i32
      %dma_wait3A_444 = tpu.memref_slice %arg2[%dma_wait3A_442, %dma_wait3A_443] : memref<10000x128xf32, #tpu.memory_space<hbm>> -> memref<10000x128xf32, #tpu.memory_space<hbm>>
      tpu.wait_indirect_dma semaphore(%arg14 : memref<!tpu.dma_semaphore, #tpu.memory_space<semaphore_mem>>) src(%dma_wait3A_444 : memref<10000x128xf32, #tpu.memory_space<hbm>>) dst(%arg11 : memref<128x128xf32, #tpu.memory_space<vmem>>)
      %dma_start3A_445 = arith.constant 3 : i32
      %dma_start3A_446 = arith.constant 0 : i32
      %dma_start3A_447 = tpu.memref_slice %arg9[%dma_start3A_445, %dma_start3A_446] : memref<8x128xi32, #tpu.memory_space<vmem>> -> memref<1x128xi32, #tpu.memory_space<vmem>>
      %dma_start3A_448 = tpu.memref_squeeze %dma_start3A_447 : memref<1x128xi32, #tpu.memory_space<vmem>> -> memref<128xi32, #tpu.memory_space<vmem>>
      %dma_start3A_449 = arith.constant 0 : i32
      %dma_start3A_450 = arith.constant 0 : i32
      %dma_start3A_451 = tpu.memref_slice %arg12[%dma_start3A_449, %dma_start3A_450] : memref<10240x128xf32, #tpu.memory_space<vmem_shared>> -> memref<10240x128xf32, #tpu.memory_space<vmem_shared>>
      tpu.enqueue_indirect_dma source(%arg11 : memref<128x128xf32, #tpu.memory_space<vmem>>) target(%dma_start3A_451 : memref<10240x128xf32, #tpu.memory_space<vmem_shared>>) offsets(%dma_start3A_448 : memref<128xi32, #tpu.memory_space<vmem>>) semaphore(%arg17 : memref<!tpu.dma_semaphore, #tpu.memory_space<semaphore_mem>>) {add = true}
      %dma_wait3A_452 = arith.constant 3 : i32
      %dma_wait3A_453 = arith.constant 0 : i32
      %dma_wait3A_454 = tpu.memref_slice %arg9[%dma_wait3A_452, %dma_wait3A_453] : memref<8x128xi32, #tpu.memory_space<vmem>> -> memref<1x128xi32, #tpu.memory_space<vmem>>
      %dma_wait3A_455 = tpu.memref_squeeze %dma_wait3A_454 : memref<1x128xi32, #tpu.memory_space<vmem>> -> memref<128xi32, #tpu.memory_space<vmem>>
      %dma_wait3A_456 = arith.constant 0 : i32
      %dma_wait3A_457 = arith.constant 0 : i32
      %dma_wait3A_458 = tpu.memref_slice %arg12[%dma_wait3A_456, %dma_wait3A_457] : memref<10240x128xf32, #tpu.memory_space<vmem_shared>> -> memref<10240x128xf32, #tpu.memory_space<vmem_shared>>
      tpu.wait_indirect_dma semaphore(%arg17 : memref<!tpu.dma_semaphore, #tpu.memory_space<semaphore_mem>>) src(%arg11 : memref<128x128xf32, #tpu.memory_space<vmem>>) dst(%dma_wait3A_458 : memref<10240x128xf32, #tpu.memory_space<vmem_shared>>)
      %dma_start3A_459 = arith.constant 5 : i32
      %dma_start3A_460 = arith.constant 0 : i32
      %dma_start3A_461 = tpu.memref_slice %arg8[%dma_start3A_459, %dma_start3A_460] : memref<8x128xi32, #tpu.memory_space<vmem>> -> memref<1x128xi32, #tpu.memory_space<vmem>>
      %dma_start3A_462 = tpu.memref_squeeze %dma_start3A_461 : memref<1x128xi32, #tpu.memory_space<vmem>> -> memref<128xi32, #tpu.memory_space<vmem>>
      %dma_start3A_463 = arith.constant 0 : i32
      %dma_start3A_464 = arith.constant 0 : i32
      %dma_start3A_465 = tpu.memref_slice %arg2[%dma_start3A_463, %dma_start3A_464] : memref<10000x128xf32, #tpu.memory_space<hbm>> -> memref<10000x128xf32, #tpu.memory_space<hbm>>
      tpu.enqueue_indirect_dma source(%dma_start3A_465 : memref<10000x128xf32, #tpu.memory_space<hbm>>) target(%arg11 : memref<128x128xf32, #tpu.memory_space<vmem>>) offsets(%dma_start3A_462 : memref<128xi32, #tpu.memory_space<vmem>>) semaphore(%arg14 : memref<!tpu.dma_semaphore, #tpu.memory_space<semaphore_mem>>)
      %dma_wait3A_466 = arith.constant 4 : i32
      %dma_wait3A_467 = arith.constant 0 : i32
      %dma_wait3A_468 = tpu.memref_slice %arg8[%dma_wait3A_466, %dma_wait3A_467] : memref<8x128xi32, #tpu.memory_space<vmem>> -> memref<1x128xi32, #tpu.memory_space<vmem>>
      %dma_wait3A_469 = tpu.memref_squeeze %dma_wait3A_468 : memref<1x128xi32, #tpu.memory_space<vmem>> -> memref<128xi32, #tpu.memory_space<vmem>>
      %dma_wait3A_470 = arith.constant 0 : i32
      %dma_wait3A_471 = arith.constant 0 : i32
      %dma_wait3A_472 = tpu.memref_slice %arg2[%dma_wait3A_470, %dma_wait3A_471] : memref<10000x128xf32, #tpu.memory_space<hbm>> -> memref<10000x128xf32, #tpu.memory_space<hbm>>
      tpu.wait_indirect_dma semaphore(%arg13 : memref<!tpu.dma_semaphore, #tpu.memory_space<semaphore_mem>>) src(%dma_wait3A_472 : memref<10000x128xf32, #tpu.memory_space<hbm>>) dst(%arg10 : memref<128x128xf32, #tpu.memory_space<vmem>>)
      %dma_start3A_473 = arith.constant 4 : i32
      %dma_start3A_474 = arith.constant 0 : i32
      %dma_start3A_475 = tpu.memref_slice %arg9[%dma_start3A_473, %dma_start3A_474] : memref<8x128xi32, #tpu.memory_space<vmem>> -> memref<1x128xi32, #tpu.memory_space<vmem>>
      %dma_start3A_476 = tpu.memref_squeeze %dma_start3A_475 : memref<1x128xi32, #tpu.memory_space<vmem>> -> memref<128xi32, #tpu.memory_space<vmem>>
      %dma_start3A_477 = arith.constant 0 : i32
      %dma_start3A_478 = arith.constant 0 : i32
      %dma_start3A_479 = tpu.memref_slice %arg12[%dma_start3A_477, %dma_start3A_478] : memref<10240x128xf32, #tpu.memory_space<vmem_shared>> -> memref<10240x128xf32, #tpu.memory_space<vmem_shared>>
      tpu.enqueue_indirect_dma source(%arg10 : memref<128x128xf32, #tpu.memory_space<vmem>>) target(%dma_start3A_479 : memref<10240x128xf32, #tpu.memory_space<vmem_shared>>) offsets(%dma_start3A_476 : memref<128xi32, #tpu.memory_space<vmem>>) semaphore(%arg17 : memref<!tpu.dma_semaphore, #tpu.memory_space<semaphore_mem>>) {add = true}
      %dma_wait3A_480 = arith.constant 4 : i32
      %dma_wait3A_481 = arith.constant 0 : i32
      %dma_wait3A_482 = tpu.memref_slice %arg9[%dma_wait3A_480, %dma_wait3A_481] : memref<8x128xi32, #tpu.memory_space<vmem>> -> memref<1x128xi32, #tpu.memory_space<vmem>>
      %dma_wait3A_483 = tpu.memref_squeeze %dma_wait3A_482 : memref<1x128xi32, #tpu.memory_space<vmem>> -> memref<128xi32, #tpu.memory_space<vmem>>
      %dma_wait3A_484 = arith.constant 0 : i32
      %dma_wait3A_485 = arith.constant 0 : i32
      %dma_wait3A_486 = tpu.memref_slice %arg12[%dma_wait3A_484, %dma_wait3A_485] : memref<10240x128xf32, #tpu.memory_space<vmem_shared>> -> memref<10240x128xf32, #tpu.memory_space<vmem_shared>>
      tpu.wait_indirect_dma semaphore(%arg17 : memref<!tpu.dma_semaphore, #tpu.memory_space<semaphore_mem>>) src(%arg10 : memref<128x128xf32, #tpu.memory_space<vmem>>) dst(%dma_wait3A_486 : memref<10240x128xf32, #tpu.memory_space<vmem_shared>>)
      %dma_start3A_487 = arith.constant 6 : i32
      %dma_start3A_488 = arith.constant 0 : i32
      %dma_start3A_489 = tpu.memref_slice %arg8[%dma_start3A_487, %dma_start3A_488] : memref<8x128xi32, #tpu.memory_space<vmem>> -> memref<1x128xi32, #tpu.memory_space<vmem>>
      %dma_start3A_490 = tpu.memref_squeeze %dma_start3A_489 : memref<1x128xi32, #tpu.memory_space<vmem>> -> memref<128xi32, #tpu.memory_space<vmem>>
      %dma_start3A_491 = arith.constant 0 : i32
      %dma_start3A_492 = arith.constant 0 : i32
      %dma_start3A_493 = tpu.memref_slice %arg2[%dma_start3A_491, %dma_start3A_492] : memref<10000x128xf32, #tpu.memory_space<hbm>> -> memref<10000x128xf32, #tpu.memory_space<hbm>>
      tpu.enqueue_indirect_dma source(%dma_start3A_493 : memref<10000x128xf32, #tpu.memory_space<hbm>>) target(%arg10 : memref<128x128xf32, #tpu.memory_space<vmem>>) offsets(%dma_start3A_490 : memref<128xi32, #tpu.memory_space<vmem>>) semaphore(%arg13 : memref<!tpu.dma_semaphore, #tpu.memory_space<semaphore_mem>>)
      %dma_wait3A_494 = arith.constant 5 : i32
      %dma_wait3A_495 = arith.constant 0 : i32
      %dma_wait3A_496 = tpu.memref_slice %arg8[%dma_wait3A_494, %dma_wait3A_495] : memref<8x128xi32, #tpu.memory_space<vmem>> -> memref<1x128xi32, #tpu.memory_space<vmem>>
      %dma_wait3A_497 = tpu.memref_squeeze %dma_wait3A_496 : memref<1x128xi32, #tpu.memory_space<vmem>> -> memref<128xi32, #tpu.memory_space<vmem>>
      %dma_wait3A_498 = arith.constant 0 : i32
      %dma_wait3A_499 = arith.constant 0 : i32
      %dma_wait3A_500 = tpu.memref_slice %arg2[%dma_wait3A_498, %dma_wait3A_499] : memref<10000x128xf32, #tpu.memory_space<hbm>> -> memref<10000x128xf32, #tpu.memory_space<hbm>>
      tpu.wait_indirect_dma semaphore(%arg14 : memref<!tpu.dma_semaphore, #tpu.memory_space<semaphore_mem>>) src(%dma_wait3A_500 : memref<10000x128xf32, #tpu.memory_space<hbm>>) dst(%arg11 : memref<128x128xf32, #tpu.memory_space<vmem>>)
      %dma_start3A_501 = arith.constant 5 : i32
      %dma_start3A_502 = arith.constant 0 : i32
      %dma_start3A_503 = tpu.memref_slice %arg9[%dma_start3A_501, %dma_start3A_502] : memref<8x128xi32, #tpu.memory_space<vmem>> -> memref<1x128xi32, #tpu.memory_space<vmem>>
      %dma_start3A_504 = tpu.memref_squeeze %dma_start3A_503 : memref<1x128xi32, #tpu.memory_space<vmem>> -> memref<128xi32, #tpu.memory_space<vmem>>
      %dma_start3A_505 = arith.constant 0 : i32
      %dma_start3A_506 = arith.constant 0 : i32
      %dma_start3A_507 = tpu.memref_slice %arg12[%dma_start3A_505, %dma_start3A_506] : memref<10240x128xf32, #tpu.memory_space<vmem_shared>> -> memref<10240x128xf32, #tpu.memory_space<vmem_shared>>
      tpu.enqueue_indirect_dma source(%arg11 : memref<128x128xf32, #tpu.memory_space<vmem>>) target(%dma_start3A_507 : memref<10240x128xf32, #tpu.memory_space<vmem_shared>>) offsets(%dma_start3A_504 : memref<128xi32, #tpu.memory_space<vmem>>) semaphore(%arg17 : memref<!tpu.dma_semaphore, #tpu.memory_space<semaphore_mem>>) {add = true}
      %dma_wait3A_508 = arith.constant 5 : i32
      %dma_wait3A_509 = arith.constant 0 : i32
      %dma_wait3A_510 = tpu.memref_slice %arg9[%dma_wait3A_508, %dma_wait3A_509] : memref<8x128xi32, #tpu.memory_space<vmem>> -> memref<1x128xi32, #tpu.memory_space<vmem>>
      %dma_wait3A_511 = tpu.memref_squeeze %dma_wait3A_510 : memref<1x128xi32, #tpu.memory_space<vmem>> -> memref<128xi32, #tpu.memory_space<vmem>>
      %dma_wait3A_512 = arith.constant 0 : i32
      %dma_wait3A_513 = arith.constant 0 : i32
      %dma_wait3A_514 = tpu.memref_slice %arg12[%dma_wait3A_512, %dma_wait3A_513] : memref<10240x128xf32, #tpu.memory_space<vmem_shared>> -> memref<10240x128xf32, #tpu.memory_space<vmem_shared>>
      tpu.wait_indirect_dma semaphore(%arg17 : memref<!tpu.dma_semaphore, #tpu.memory_space<semaphore_mem>>) src(%arg11 : memref<128x128xf32, #tpu.memory_space<vmem>>) dst(%dma_wait3A_514 : memref<10240x128xf32, #tpu.memory_space<vmem_shared>>)
      %dma_start3A_515 = arith.constant 7 : i32
      %dma_start3A_516 = arith.constant 0 : i32
      %dma_start3A_517 = tpu.memref_slice %arg8[%dma_start3A_515, %dma_start3A_516] : memref<8x128xi32, #tpu.memory_space<vmem>> -> memref<1x128xi32, #tpu.memory_space<vmem>>
      %dma_start3A_518 = tpu.memref_squeeze %dma_start3A_517 : memref<1x128xi32, #tpu.memory_space<vmem>> -> memref<128xi32, #tpu.memory_space<vmem>>
      %dma_start3A_519 = arith.constant 0 : i32
      %dma_start3A_520 = arith.constant 0 : i32
      %dma_start3A_521 = tpu.memref_slice %arg2[%dma_start3A_519, %dma_start3A_520] : memref<10000x128xf32, #tpu.memory_space<hbm>> -> memref<10000x128xf32, #tpu.memory_space<hbm>>
      tpu.enqueue_indirect_dma source(%dma_start3A_521 : memref<10000x128xf32, #tpu.memory_space<hbm>>) target(%arg11 : memref<128x128xf32, #tpu.memory_space<vmem>>) offsets(%dma_start3A_518 : memref<128xi32, #tpu.memory_space<vmem>>) semaphore(%arg14 : memref<!tpu.dma_semaphore, #tpu.memory_space<semaphore_mem>>)
      %dma_wait3A_522 = arith.constant 6 : i32
      %dma_wait3A_523 = arith.constant 0 : i32
      %dma_wait3A_524 = tpu.memref_slice %arg8[%dma_wait3A_522, %dma_wait3A_523] : memref<8x128xi32, #tpu.memory_space<vmem>> -> memref<1x128xi32, #tpu.memory_space<vmem>>
      %dma_wait3A_525 = tpu.memref_squeeze %dma_wait3A_524 : memref<1x128xi32, #tpu.memory_space<vmem>> -> memref<128xi32, #tpu.memory_space<vmem>>
      %dma_wait3A_526 = arith.constant 0 : i32
      %dma_wait3A_527 = arith.constant 0 : i32
      %dma_wait3A_528 = tpu.memref_slice %arg2[%dma_wait3A_526, %dma_wait3A_527] : memref<10000x128xf32, #tpu.memory_space<hbm>> -> memref<10000x128xf32, #tpu.memory_space<hbm>>
      tpu.wait_indirect_dma semaphore(%arg13 : memref<!tpu.dma_semaphore, #tpu.memory_space<semaphore_mem>>) src(%dma_wait3A_528 : memref<10000x128xf32, #tpu.memory_space<hbm>>) dst(%arg10 : memref<128x128xf32, #tpu.memory_space<vmem>>)
      %dma_start3A_529 = arith.constant 6 : i32
      %dma_start3A_530 = arith.constant 0 : i32
      %dma_start3A_531 = tpu.memref_slice %arg9[%dma_start3A_529, %dma_start3A_530] : memref<8x128xi32, #tpu.memory_space<vmem>> -> memref<1x128xi32, #tpu.memory_space<vmem>>
      %dma_start3A_532 = tpu.memref_squeeze %dma_start3A_531 : memref<1x128xi32, #tpu.memory_space<vmem>> -> memref<128xi32, #tpu.memory_space<vmem>>
      %dma_start3A_533 = arith.constant 0 : i32
      %dma_start3A_534 = arith.constant 0 : i32
      %dma_start3A_535 = tpu.memref_slice %arg12[%dma_start3A_533, %dma_start3A_534] : memref<10240x128xf32, #tpu.memory_space<vmem_shared>> -> memref<10240x128xf32, #tpu.memory_space<vmem_shared>>
      tpu.enqueue_indirect_dma source(%arg10 : memref<128x128xf32, #tpu.memory_space<vmem>>) target(%dma_start3A_535 : memref<10240x128xf32, #tpu.memory_space<vmem_shared>>) offsets(%dma_start3A_532 : memref<128xi32, #tpu.memory_space<vmem>>) semaphore(%arg17 : memref<!tpu.dma_semaphore, #tpu.memory_space<semaphore_mem>>) {add = true}
      %dma_wait3A_536 = arith.constant 6 : i32
      %dma_wait3A_537 = arith.constant 0 : i32
      %dma_wait3A_538 = tpu.memref_slice %arg9[%dma_wait3A_536, %dma_wait3A_537] : memref<8x128xi32, #tpu.memory_space<vmem>> -> memref<1x128xi32, #tpu.memory_space<vmem>>
      %dma_wait3A_539 = tpu.memref_squeeze %dma_wait3A_538 : memref<1x128xi32, #tpu.memory_space<vmem>> -> memref<128xi32, #tpu.memory_space<vmem>>
      %dma_wait3A_540 = arith.constant 0 : i32
      %dma_wait3A_541 = arith.constant 0 : i32
      %dma_wait3A_542 = tpu.memref_slice %arg12[%dma_wait3A_540, %dma_wait3A_541] : memref<10240x128xf32, #tpu.memory_space<vmem_shared>> -> memref<10240x128xf32, #tpu.memory_space<vmem_shared>>
      tpu.wait_indirect_dma semaphore(%arg17 : memref<!tpu.dma_semaphore, #tpu.memory_space<semaphore_mem>>) src(%arg10 : memref<128x128xf32, #tpu.memory_space<vmem>>) dst(%dma_wait3A_542 : memref<10240x128xf32, #tpu.memory_space<vmem_shared>>)
      %dma_wait3A_543 = arith.constant 0 : i32
      %dma_wait3A_544 = arith.constant 0 : i32
      %dma_wait3A_545 = tpu.memref_slice %arg3[%add3A, %dma_wait3A_543, %dma_wait3A_544] : memref<32x80x128xi32, #tpu.memory_space<hbm>> -> memref<1x8x128xi32, #tpu.memory_space<hbm>>
      %dma_wait3A_546 = tpu.memref_squeeze %dma_wait3A_545 : memref<1x8x128xi32, #tpu.memory_space<hbm>> -> memref<8x128xi32, #tpu.memory_space<hbm>>
      %dma_wait3A_547 = arith.constant 0 : i32
      %dma_wait3A_548 = arith.constant 0 : i32
      %dma_wait3A_549 = tpu.memref_slice %arg3[%add3A, %dma_wait3A_547, %dma_wait3A_548] : memref<32x80x128xi32, #tpu.memory_space<hbm>> -> memref<1x8x128xi32, #tpu.memory_space<hbm>>
      %dma_wait3A_550 = tpu.memref_squeeze %dma_wait3A_549 : memref<1x8x128xi32, #tpu.memory_space<hbm>> -> memref<8x128xi32, #tpu.memory_space<hbm>>
      tpu.wait_dma2 semaphore(%arg15 : memref<!tpu.dma_semaphore, #tpu.memory_space<semaphore_mem>>) src(%dma_wait3A_550 : memref<8x128xi32, #tpu.memory_space<hbm>>) dst(%arg6 : memref<8x128xi32, #tpu.memory_space<vmem>>)
      %dma_wait3A_551 = arith.constant 0 : i32
      %dma_wait3A_552 = arith.constant 0 : i32
      %dma_wait3A_553 = tpu.memref_slice %arg4[%add3A, %dma_wait3A_551, %dma_wait3A_552] : memref<32x80x128xi32, #tpu.memory_space<hbm>> -> memref<1x8x128xi32, #tpu.memory_space<hbm>>
      %dma_wait3A_554 = tpu.memref_squeeze %dma_wait3A_553 : memref<1x8x128xi32, #tpu.memory_space<hbm>> -> memref<8x128xi32, #tpu.memory_space<hbm>>
      %dma_wait3A_555 = arith.constant 0 : i32
      %dma_wait3A_556 = arith.constant 0 : i32
      %dma_wait3A_557 = tpu.memref_slice %arg4[%add3A, %dma_wait3A_555, %dma_wait3A_556] : memref<32x80x128xi32, #tpu.memory_space<hbm>> -> memref<1x8x128xi32, #tpu.memory_space<hbm>>
      %dma_wait3A_558 = tpu.memref_squeeze %dma_wait3A_557 : memref<1x8x128xi32, #tpu.memory_space<hbm>> -> memref<8x128xi32, #tpu.memory_space<hbm>>
      tpu.wait_dma2 semaphore(%arg16 : memref<!tpu.dma_semaphore, #tpu.memory_space<semaphore_mem>>) src(%dma_wait3A_558 : memref<8x128xi32, #tpu.memory_space<hbm>>) dst(%arg7 : memref<8x128xi32, #tpu.memory_space<vmem>>)
      %dma_start3A_559 = arith.constant 0 : i32
      %dma_start3A_560 = arith.constant 0 : i32
      %dma_start3A_561 = tpu.memref_slice %arg6[%dma_start3A_559, %dma_start3A_560] : memref<8x128xi32, #tpu.memory_space<vmem>> -> memref<1x128xi32, #tpu.memory_space<vmem>>
      %dma_start3A_562 = tpu.memref_squeeze %dma_start3A_561 : memref<1x128xi32, #tpu.memory_space<vmem>> -> memref<128xi32, #tpu.memory_space<vmem>>
      %dma_start3A_563 = arith.constant 0 : i32
      %dma_start3A_564 = arith.constant 0 : i32
      %dma_start3A_565 = tpu.memref_slice %arg2[%dma_start3A_563, %dma_start3A_564] : memref<10000x128xf32, #tpu.memory_space<hbm>> -> memref<10000x128xf32, #tpu.memory_space<hbm>>
      tpu.enqueue_indirect_dma source(%dma_start3A_565 : memref<10000x128xf32, #tpu.memory_space<hbm>>) target(%arg10 : memref<128x128xf32, #tpu.memory_space<vmem>>) offsets(%dma_start3A_562 : memref<128xi32, #tpu.memory_space<vmem>>) semaphore(%arg13 : memref<!tpu.dma_semaphore, #tpu.memory_space<semaphore_mem>>)
      %dma_wait3A_566 = arith.constant 7 : i32
      %dma_wait3A_567 = arith.constant 0 : i32
      %dma_wait3A_568 = tpu.memref_slice %arg8[%dma_wait3A_566, %dma_wait3A_567] : memref<8x128xi32, #tpu.memory_space<vmem>> -> memref<1x128xi32, #tpu.memory_space<vmem>>
      %dma_wait3A_569 = tpu.memref_squeeze %dma_wait3A_568 : memref<1x128xi32, #tpu.memory_space<vmem>> -> memref<128xi32, #tpu.memory_space<vmem>>
      %dma_wait3A_570 = arith.constant 0 : i32
      %dma_wait3A_571 = arith.constant 0 : i32
      %dma_wait3A_572 = tpu.memref_slice %arg2[%dma_wait3A_570, %dma_wait3A_571] : memref<10000x128xf32, #tpu.memory_space<hbm>> -> memref<10000x128xf32, #tpu.memory_space<hbm>>
      tpu.wait_indirect_dma semaphore(%arg14 : memref<!tpu.dma_semaphore, #tpu.memory_space<semaphore_mem>>) src(%dma_wait3A_572 : memref<10000x128xf32, #tpu.memory_space<hbm>>) dst(%arg11 : memref<128x128xf32, #tpu.memory_space<vmem>>)
      %dma_start3A_573 = arith.constant 7 : i32
      %dma_start3A_574 = arith.constant 0 : i32
      %dma_start3A_575 = tpu.memref_slice %arg9[%dma_start3A_573, %dma_start3A_574] : memref<8x128xi32, #tpu.memory_space<vmem>> -> memref<1x128xi32, #tpu.memory_space<vmem>>
      %dma_start3A_576 = tpu.memref_squeeze %dma_start3A_575 : memref<1x128xi32, #tpu.memory_space<vmem>> -> memref<128xi32, #tpu.memory_space<vmem>>
      %dma_start3A_577 = arith.constant 0 : i32
      %dma_start3A_578 = arith.constant 0 : i32
      %dma_start3A_579 = tpu.memref_slice %arg12[%dma_start3A_577, %dma_start3A_578] : memref<10240x128xf32, #tpu.memory_space<vmem_shared>> -> memref<10240x128xf32, #tpu.memory_space<vmem_shared>>
      tpu.enqueue_indirect_dma source(%arg11 : memref<128x128xf32, #tpu.memory_space<vmem>>) target(%dma_start3A_579 : memref<10240x128xf32, #tpu.memory_space<vmem_shared>>) offsets(%dma_start3A_576 : memref<128xi32, #tpu.memory_space<vmem>>) semaphore(%arg17 : memref<!tpu.dma_semaphore, #tpu.memory_space<semaphore_mem>>) {add = true}
      %dma_wait3A_580 = arith.constant 7 : i32
      %dma_wait3A_581 = arith.constant 0 : i32
      %dma_wait3A_582 = tpu.memref_slice %arg9[%dma_wait3A_580, %dma_wait3A_581] : memref<8x128xi32, #tpu.memory_space<vmem>> -> memref<1x128xi32, #tpu.memory_space<vmem>>
      %dma_wait3A_583 = tpu.memref_squeeze %dma_wait3A_582 : memref<1x128xi32, #tpu.memory_space<vmem>> -> memref<128xi32, #tpu.memory_space<vmem>>
      %dma_wait3A_584 = arith.constant 0 : i32
      %dma_wait3A_585 = arith.constant 0 : i32
      %dma_wait3A_586 = tpu.memref_slice %arg12[%dma_wait3A_584, %dma_wait3A_585] : memref<10240x128xf32, #tpu.memory_space<vmem_shared>> -> memref<10240x128xf32, #tpu.memory_space<vmem_shared>>
      tpu.wait_indirect_dma semaphore(%arg17 : memref<!tpu.dma_semaphore, #tpu.memory_space<semaphore_mem>>) src(%arg11 : memref<128x128xf32, #tpu.memory_space<vmem>>) dst(%dma_wait3A_586 : memref<10240x128xf32, #tpu.memory_space<vmem_shared>>)
      %add3A_587 = arith.constant 3 : i32
      %add3A_588 = arith.addi %mul3A_84, %add3A_587 : i32
      %min3A_589 = arith.constant 9 : i32
      %min3A_590 = arith.minsi %add3A_588, %min3A_589 : i32
      %mul3A_591 = arith.constant 8 : i32
      %mul3A_592 = arith.muli %min3A_590, %mul3A_591 : i32
      %dma_start3A_593 = arith.constant 0 : i32
      %dma_start3A_594 = tpu.memref_slice %arg3[%add3A, %mul3A_592, %dma_start3A_593] : memref<32x80x128xi32, #tpu.memory_space<hbm>> -> memref<1x8x128xi32, #tpu.memory_space<hbm>>
      %dma_start3A_595 = tpu.memref_squeeze %dma_start3A_594 : memref<1x8x128xi32, #tpu.memory_space<hbm>> -> memref<8x128xi32, #tpu.memory_space<hbm>>
      %dma_start3A_596 = arith.constant 0 : i32
      %dma_start3A_597 = tpu.memref_slice %arg3[%add3A, %mul3A_592, %dma_start3A_596] : memref<32x80x128xi32, #tpu.memory_space<hbm>> -> memref<1x8x128xi32, #tpu.memory_space<hbm>>
      %dma_start3A_598 = tpu.memref_squeeze %dma_start3A_597 : memref<1x8x128xi32, #tpu.memory_space<hbm>> -> memref<8x128xi32, #tpu.memory_space<hbm>>
      tpu.enqueue_dma source(%dma_start3A_598 : memref<8x128xi32, #tpu.memory_space<hbm>>) target(%arg8 : memref<8x128xi32, #tpu.memory_space<vmem>>) target_semaphore(%arg15 : memref<!tpu.dma_semaphore, #tpu.memory_space<semaphore_mem>>)
      %mul3A_599 = arith.constant 8 : i32
      %mul3A_600 = arith.muli %min3A_590, %mul3A_599 : i32
      %dma_start3A_601 = arith.constant 0 : i32
      %dma_start3A_602 = tpu.memref_slice %arg4[%add3A, %mul3A_600, %dma_start3A_601] : memref<32x80x128xi32, #tpu.memory_space<hbm>> -> memref<1x8x128xi32, #tpu.memory_space<hbm>>
      %dma_start3A_603 = tpu.memref_squeeze %dma_start3A_602 : memref<1x8x128xi32, #tpu.memory_space<hbm>> -> memref<8x128xi32, #tpu.memory_space<hbm>>
      %dma_start3A_604 = arith.constant 0 : i32
      %dma_start3A_605 = tpu.memref_slice %arg4[%add3A, %mul3A_600, %dma_start3A_604] : memref<32x80x128xi32, #tpu.memory_space<hbm>> -> memref<1x8x128xi32, #tpu.memory_space<hbm>>
      %dma_start3A_606 = tpu.memref_squeeze %dma_start3A_605 : memref<1x8x128xi32, #tpu.memory_space<hbm>> -> memref<8x128xi32, #tpu.memory_space<hbm>>
      tpu.enqueue_dma source(%dma_start3A_606 : memref<8x128xi32, #tpu.memory_space<hbm>>) target(%arg9 : memref<8x128xi32, #tpu.memory_space<vmem>>) target_semaphore(%arg16 : memref<!tpu.dma_semaphore, #tpu.memory_space<semaphore_mem>>)
    }
    %scan3A_56 = arith.constant 5 : i32
    %dma_wait3A = arith.constant 0 : i32
    %dma_wait3A_57 = arith.constant 0 : i32
    %dma_wait3A_58 = tpu.memref_slice %arg6[%dma_wait3A, %dma_wait3A_57] : memref<8x128xi32, #tpu.memory_space<vmem>> -> memref<1x128xi32, #tpu.memory_space<vmem>>
    %dma_wait3A_59 = tpu.memref_squeeze %dma_wait3A_58 : memref<1x128xi32, #tpu.memory_space<vmem>> -> memref<128xi32, #tpu.memory_space<vmem>>
    %dma_wait3A_60 = arith.constant 0 : i32
    %dma_wait3A_61 = arith.constant 0 : i32
    %dma_wait3A_62 = tpu.memref_slice %arg2[%dma_wait3A_60, %dma_wait3A_61] : memref<10000x128xf32, #tpu.memory_space<hbm>> -> memref<10000x128xf32, #tpu.memory_space<hbm>>
    tpu.wait_indirect_dma semaphore(%arg13 : memref<!tpu.dma_semaphore, #tpu.memory_space<semaphore_mem>>) src(%dma_wait3A_62 : memref<10000x128xf32, #tpu.memory_space<hbm>>) dst(%arg10 : memref<128x128xf32, #tpu.memory_space<vmem>>)
    %dma_wait3A_63 = arith.constant 0 : i32
    %dma_wait3A_64 = arith.constant 0 : i32
    %dma_wait3A_65 = tpu.memref_slice %arg3[%add3A, %dma_wait3A_63, %dma_wait3A_64] : memref<32x80x128xi32, #tpu.memory_space<hbm>> -> memref<1x8x128xi32, #tpu.memory_space<hbm>>
    %dma_wait3A_66 = tpu.memref_squeeze %dma_wait3A_65 : memref<1x8x128xi32, #tpu.memory_space<hbm>> -> memref<8x128xi32, #tpu.memory_space<hbm>>
    %dma_wait3A_67 = arith.constant 0 : i32
    %dma_wait3A_68 = arith.constant 0 : i32
    %dma_wait3A_69 = tpu.memref_slice %arg3[%add3A, %dma_wait3A_67, %dma_wait3A_68] : memref<32x80x128xi32, #tpu.memory_space<hbm>> -> memref<1x8x128xi32, #tpu.memory_space<hbm>>
    %dma_wait3A_70 = tpu.memref_squeeze %dma_wait3A_69 : memref<1x8x128xi32, #tpu.memory_space<hbm>> -> memref<8x128xi32, #tpu.memory_space<hbm>>
    tpu.wait_dma2 semaphore(%arg15 : memref<!tpu.dma_semaphore, #tpu.memory_space<semaphore_mem>>) src(%dma_wait3A_70 : memref<8x128xi32, #tpu.memory_space<hbm>>) dst(%arg8 : memref<8x128xi32, #tpu.memory_space<vmem>>)
    %dma_wait3A_71 = arith.constant 0 : i32
    %dma_wait3A_72 = arith.constant 0 : i32
    %dma_wait3A_73 = tpu.memref_slice %arg4[%add3A, %dma_wait3A_71, %dma_wait3A_72] : memref<32x80x128xi32, #tpu.memory_space<hbm>> -> memref<1x8x128xi32, #tpu.memory_space<hbm>>
    %dma_wait3A_74 = tpu.memref_squeeze %dma_wait3A_73 : memref<1x8x128xi32, #tpu.memory_space<hbm>> -> memref<8x128xi32, #tpu.memory_space<hbm>>
    %dma_wait3A_75 = arith.constant 0 : i32
    %dma_wait3A_76 = arith.constant 0 : i32
    %dma_wait3A_77 = tpu.memref_slice %arg4[%add3A, %dma_wait3A_75, %dma_wait3A_76] : memref<32x80x128xi32, #tpu.memory_space<hbm>> -> memref<1x8x128xi32, #tpu.memory_space<hbm>>
    %dma_wait3A_78 = tpu.memref_squeeze %dma_wait3A_77 : memref<1x8x128xi32, #tpu.memory_space<hbm>> -> memref<8x128xi32, #tpu.memory_space<hbm>>
    tpu.wait_dma2 semaphore(%arg16 : memref<!tpu.dma_semaphore, #tpu.memory_space<semaphore_mem>>) src(%dma_wait3A_78 : memref<8x128xi32, #tpu.memory_space<hbm>>) dst(%arg9 : memref<8x128xi32, #tpu.memory_space<vmem>>)
    %barrier3A_79 = arith.constant 0 : index
    tpu.barrier barrier_id(%barrier3A_79)
    %mul3A_80 = arith.constant 640 : i32
    %mul3A_81 = arith.muli %arg1, %mul3A_80 : i32
    "tpu.region"() ({
      %run_scoped3A = tpu.sem_alloc : memref<!tpu.dma_semaphore, #tpu.memory_space<semaphore_mem>>
      %dma_start3A_82 = arith.constant 0 : i32
      %dma_start3A_83 = tpu.memref_slice %arg5[%arg0, %mul3A_81, %dma_start3A_82] : memref<2x10240x128xf32, #tpu.memory_space<hbm>> -> memref<1x640x128xf32, #tpu.memory_space<hbm>>
      %dma_start3A_84 = tpu.memref_squeeze %dma_start3A_83 : memref<1x640x128xf32, #tpu.memory_space<hbm>> -> memref<640x128xf32, #tpu.memory_space<hbm>>
      %dma_start3A_85 = arith.constant 0 : i32
      %dma_start3A_86 = tpu.memref_slice %arg12[%mul3A_81, %dma_start3A_85] : memref<10240x128xf32, #tpu.memory_space<vmem_shared>> -> memref<640x128xf32, #tpu.memory_space<vmem_shared>>
      tpu.enqueue_dma source(%dma_start3A_86 : memref<640x128xf32, #tpu.memory_space<vmem_shared>>) target(%dma_start3A_84 : memref<640x128xf32, #tpu.memory_space<hbm>>) target_semaphore(%run_scoped3A : memref<!tpu.dma_semaphore, #tpu.memory_space<semaphore_mem>>)
      %dma_wait3A_87 = arith.constant 0 : i32
      %dma_wait3A_88 = tpu.memref_slice %arg5[%arg0, %mul3A_81, %dma_wait3A_87] : memref<2x10240x128xf32, #tpu.memory_space<hbm>> -> memref<1x640x128xf32, #tpu.memory_space<hbm>>
      %dma_wait3A_89 = tpu.memref_squeeze %dma_wait3A_88 : memref<1x640x128xf32, #tpu.memory_space<hbm>> -> memref<640x128xf32, #tpu.memory_space<hbm>>
      %dma_wait3A_90 = arith.constant 0 : i32
      %dma_wait3A_91 = tpu.memref_slice %arg12[%mul3A_81, %dma_wait3A_90] : memref<10240x128xf32, #tpu.memory_space<vmem_shared>> -> memref<640x128xf32, #tpu.memory_space<vmem_shared>>
      tpu.wait_dma2 semaphore(%run_scoped3A : memref<!tpu.dma_semaphore, #tpu.memory_space<semaphore_mem>>) src(%dma_wait3A_91 : memref<640x128xf32, #tpu.memory_space<vmem_shared>>) dst(%dma_wait3A_89 : memref<640x128xf32, #tpu.memory_space<hbm>>)
      tpu.yield
    }) : () -> ()
    return
  }
}

module attributes {stable_mosaic.version = 14 : i64} {
  func.func @_tc_layer_body(%arg0: i32, %arg1: memref<2x2000x128xf32, #tpu.memory_space<vmem>>, %arg2: memref<2x2000x1xf32, #tpu.memory_space<vmem>>, %arg3: memref<2000x128xf32, #tpu.memory_space<vmem>>, %arg4: memref<128x128xf32, #tpu.memory_space<vmem>>, %arg5: memref<128x128xf32, #tpu.memory_space<vmem>>, %arg6: memref<1x128xf32, #tpu.memory_space<vmem>>, %arg7: memref<2000x128xf32, #tpu.memory_space<vmem>>) attributes {dimension_semantics = [#tpu.dimension_semantics<arbitrary>], iteration_bounds = array<i64: 5>, scalar_prefetch = 0 : i64, scratch_operands = 0 : i64, tpu.core_type = #tpu.core_type<tc>, window_params = [{transform_indices = @transform_0, window_bounds = array<i64: 2, 2000, 128>}, {transform_indices = @transform_1, window_bounds = array<i64: 2, 2000, 1>}, {transform_indices = @transform_2, window_bounds = array<i64: 2000, 128>}, {pipeline_mode = #tpu.pipeline_mode<synchronous>, transform_indices = @transform_3, window_bounds = array<i64: 128, 128>}, {pipeline_mode = #tpu.pipeline_mode<synchronous>, transform_indices = @transform_4, window_bounds = array<i64: 128, 128>}, {pipeline_mode = #tpu.pipeline_mode<synchronous>, transform_indices = @transform_5, window_bounds = array<i64: 1, 128>}, {transform_indices = @transform_6, window_bounds = array<i64: 2000, 128>}]} {
    %get3A = arith.constant 0 : index
    %get3A_0 = arith.constant 0 : index
    %get3A_1 = vector.load %arg3[%get3A, %get3A_0] : memref<2000x128xf32, #tpu.memory_space<vmem>>, vector<2000x128xf32>
    %get3A_2 = arith.constant 0 : index
    %get3A_3 = arith.constant 0 : index
    %get3A_4 = arith.constant 0 : index
    %get3A_5 = vector.load %arg1[%get3A_2, %get3A_3, %get3A_4] : memref<2x2000x128xf32, #tpu.memory_space<vmem>>, vector<1x2000x128xf32>
    %get3A_6 = vector.shape_cast %get3A_5 : vector<1x2000x128xf32> to vector<2000x128xf32>
    %get3A_7 = arith.constant 1 : index
    %get3A_8 = arith.constant 0 : index
    %get3A_9 = arith.constant 0 : index
    %get3A_10 = vector.load %arg1[%get3A_7, %get3A_8, %get3A_9] : memref<2x2000x128xf32, #tpu.memory_space<vmem>>, vector<1x2000x128xf32>
    %get3A_11 = vector.shape_cast %get3A_10 : vector<1x2000x128xf32> to vector<2000x128xf32>
    %add3A = arith.addf %get3A_6, %get3A_11 : vector<2000x128xf32>
    %add3A_12 = arith.addf %add3A, %get3A_1 : vector<2000x128xf32>
    %get3A_13 = arith.constant 0 : index
    %get3A_14 = arith.constant 0 : index
    %get3A_15 = arith.constant 0 : index
    %get3A_16 = vector.load %arg2[%get3A_13, %get3A_14, %get3A_15] : memref<2x2000x1xf32, #tpu.memory_space<vmem>>, vector<1x2000x1xf32>
    %get3A_17 = vector.shape_cast %get3A_16 : vector<1x2000x1xf32> to vector<2000x1xf32>
    %get3A_18 = arith.constant 1 : index
    %get3A_19 = arith.constant 0 : index
    %get3A_20 = arith.constant 0 : index
    %get3A_21 = vector.load %arg2[%get3A_18, %get3A_19, %get3A_20] : memref<2x2000x1xf32, #tpu.memory_space<vmem>>, vector<1x2000x1xf32>
    %get3A_22 = vector.shape_cast %get3A_21 : vector<1x2000x1xf32> to vector<2000x1xf32>
    %add3A_23 = arith.addf %get3A_17, %get3A_22 : vector<2000x1xf32>
    %add3A_24 = arith.constant 1.000000e+00 : f32
    %add3A_25 = vector.broadcast %add3A_24 : f32 to vector<2000x1xf32>
    %add3A_26 = arith.addf %add3A_23, %add3A_25 : vector<2000x1xf32>
    %div3A = vector.broadcast %add3A_26 : vector<2000x1xf32> to vector<2000x128xf32>
    %div3A_27 = arith.divf %add3A_12, %div3A : vector<2000x128xf32>
    %get3A_28 = arith.constant 0 : index
    %get3A_29 = arith.constant 0 : index
    %get3A_30 = vector.load %arg4[%get3A_28, %get3A_29] : memref<128x128xf32, #tpu.memory_space<vmem>>, vector<128x128xf32>
    %dot_general3A = arith.constant dense<0.000000e+00> : vector<2000x128xf32>
    %dot_general3A_31 = tpu.matmul %div3A_27, %get3A_30, %dot_general3A {dimension_numbers = #tpu.dot_dimension_numbers<[1], [0], [0], [1], [0, 0, 1, 1], [], []>, transpose_lhs_hint = false} : vector<2000x128xf32>, vector<128x128xf32>, vector<2000x128xf32> -> vector<2000x128xf32>
    %get3A_32 = arith.constant 0 : index
    %get3A_33 = arith.constant 0 : index
    %get3A_34 = vector.load %arg5[%get3A_32, %get3A_33] : memref<128x128xf32, #tpu.memory_space<vmem>>, vector<128x128xf32>
    %dot_general3A_35 = arith.constant dense<0.000000e+00> : vector<2000x128xf32>
    %dot_general3A_36 = tpu.matmul %get3A_1, %get3A_34, %dot_general3A_35 {dimension_numbers = #tpu.dot_dimension_numbers<[1], [0], [0], [1], [0, 0, 1, 1], [], []>, transpose_lhs_hint = false} : vector<2000x128xf32>, vector<128x128xf32>, vector<2000x128xf32> -> vector<2000x128xf32>
    %add3A_37 = arith.addf %dot_general3A_31, %dot_general3A_36 : vector<2000x128xf32>
    %get3A_38 = arith.constant 0 : index
    %get3A_39 = arith.constant 0 : index
    %get3A_40 = vector.load %arg6[%get3A_38, %get3A_39] : memref<1x128xf32, #tpu.memory_space<vmem>>, vector<1x128xf32>
    %add3A_41 = vector.broadcast %get3A_40 : vector<1x128xf32> to vector<2000x128xf32>
    %add3A_42 = arith.addf %add3A_37, %add3A_41 : vector<2000x128xf32>
    %max3A = arith.constant 0.000000e+00 : f32
    %max3A_43 = vector.broadcast %max3A : f32 to vector<2000x128xf32>
    %max3A_44 = arith.maximumf %add3A_42, %max3A_43 : vector<2000x128xf32>
    %swap3A = arith.constant 0 : index
    %swap3A_45 = arith.constant 0 : index
    %swap3A_46 = vector.load %arg7[%swap3A, %swap3A_45] : memref<2000x128xf32, #tpu.memory_space<vmem>>, vector<2000x128xf32>
    tpu.vector_store %arg7[%swap3A, %swap3A_45], %max3A_44 {strides = array<i32>} : memref<2000x128xf32, #tpu.memory_space<vmem>>, vector<2000x128xf32>,
    return
  }
  func.func @transform_0(%arg0: i32) -> (i32, i32, i32) {
    %c0_i32 = arith.constant 0 : i32
    %c0_i32_0 = arith.constant 0 : i32
    %c0_i32_1 = arith.constant 0 : i32
    return %c0_i32, %arg0, %c0_i32_0 : i32, i32, i32
  }
  func.func @transform_1(%arg0: i32) -> (i32, i32, i32) {
    %c0_i32 = arith.constant 0 : i32
    %c0_i32_0 = arith.constant 0 : i32
    %c0_i32_1 = arith.constant 0 : i32
    return %c0_i32, %arg0, %c0_i32_0 : i32, i32, i32
  }
  func.func @transform_2(%arg0: i32) -> (i32, i32) {
    %c0_i32 = arith.constant 0 : i32
    %c0_i32_0 = arith.constant 0 : i32
    return %arg0, %c0_i32 : i32, i32
  }
  func.func @transform_3(%arg0: i32) -> (i32, i32) {
    %c0_i32 = arith.constant 0 : i32
    %c0_i32_0 = arith.constant 0 : i32
    %c0_i32_1 = arith.constant 0 : i32
    return %c0_i32, %c0_i32_0 : i32, i32
  }
  func.func @transform_4(%arg0: i32) -> (i32, i32) {
    %c0_i32 = arith.constant 0 : i32
    %c0_i32_0 = arith.constant 0 : i32
    %c0_i32_1 = arith.constant 0 : i32
    return %c0_i32, %c0_i32_0 : i32, i32
  }
  func.func @transform_5(%arg0: i32) -> (i32, i32) {
    %c0_i32 = arith.constant 0 : i32
    %c0_i32_0 = arith.constant 0 : i32
    %c0_i32_1 = arith.constant 0 : i32
    return %c0_i32, %c0_i32_0 : i32, i32
  }
  func.func @transform_6(%arg0: i32) -> (i32, i32) {
    %c0_i32 = arith.constant 0 : i32
    %c0_i32_0 = arith.constant 0 : i32
    return %arg0, %c0_i32 : i32, i32
  }
}

module attributes {stable_mosaic.version = 14 : i64} {
  func.func @_tc_layer_body(%arg0: i32, %arg1: memref<2x2000x128xf32, #tpu.memory_space<vmem>>, %arg2: memref<2x2000x1xf32, #tpu.memory_space<vmem>>, %arg3: memref<2000x128xf32, #tpu.memory_space<vmem>>, %arg4: memref<128x128xf32, #tpu.memory_space<vmem>>, %arg5: memref<128x128xf32, #tpu.memory_space<vmem>>, %arg6: memref<1x128xf32, #tpu.memory_space<vmem>>, %arg7: memref<2000x128xf32, #tpu.memory_space<vmem>>) attributes {dimension_semantics = [#tpu.dimension_semantics<arbitrary>], iteration_bounds = array<i64: 5>, scalar_prefetch = 0 : i64, scratch_operands = 0 : i64, tpu.core_type = #tpu.core_type<tc>, window_params = [{transform_indices = @transform_0, window_bounds = array<i64: 2, 2000, 128>}, {transform_indices = @transform_1, window_bounds = array<i64: 2, 2000, 1>}, {transform_indices = @transform_2, window_bounds = array<i64: 2000, 128>}, {pipeline_mode = #tpu.pipeline_mode<synchronous>, transform_indices = @transform_3, window_bounds = array<i64: 128, 128>}, {pipeline_mode = #tpu.pipeline_mode<synchronous>, transform_indices = @transform_4, window_bounds = array<i64: 128, 128>}, {pipeline_mode = #tpu.pipeline_mode<synchronous>, transform_indices = @transform_5, window_bounds = array<i64: 1, 128>}, {transform_indices = @transform_6, window_bounds = array<i64: 2000, 128>}]} {
    %get3A = arith.constant 0 : index
    %get3A_0 = arith.constant 0 : index
    %get3A_1 = vector.load %arg3[%get3A, %get3A_0] : memref<2000x128xf32, #tpu.memory_space<vmem>>, vector<2000x128xf32>
    %get3A_2 = arith.constant 0 : index
    %get3A_3 = arith.constant 0 : index
    %get3A_4 = arith.constant 0 : index
    %get3A_5 = vector.load %arg1[%get3A_2, %get3A_3, %get3A_4] : memref<2x2000x128xf32, #tpu.memory_space<vmem>>, vector<1x2000x128xf32>
    %get3A_6 = vector.shape_cast %get3A_5 : vector<1x2000x128xf32> to vector<2000x128xf32>
    %get3A_7 = arith.constant 1 : index
    %get3A_8 = arith.constant 0 : index
    %get3A_9 = arith.constant 0 : index
    %get3A_10 = vector.load %arg1[%get3A_7, %get3A_8, %get3A_9] : memref<2x2000x128xf32, #tpu.memory_space<vmem>>, vector<1x2000x128xf32>
    %get3A_11 = vector.shape_cast %get3A_10 : vector<1x2000x128xf32> to vector<2000x128xf32>
    %add3A = arith.addf %get3A_6, %get3A_11 : vector<2000x128xf32>
    %add3A_12 = arith.addf %add3A, %get3A_1 : vector<2000x128xf32>
    %get3A_13 = arith.constant 0 : index
    %get3A_14 = arith.constant 0 : index
    %get3A_15 = arith.constant 0 : index
    %get3A_16 = vector.load %arg2[%get3A_13, %get3A_14, %get3A_15] : memref<2x2000x1xf32, #tpu.memory_space<vmem>>, vector<1x2000x1xf32>
    %get3A_17 = vector.shape_cast %get3A_16 : vector<1x2000x1xf32> to vector<2000x1xf32>
    %get3A_18 = arith.constant 1 : index
    %get3A_19 = arith.constant 0 : index
    %get3A_20 = arith.constant 0 : index
    %get3A_21 = vector.load %arg2[%get3A_18, %get3A_19, %get3A_20] : memref<2x2000x1xf32, #tpu.memory_space<vmem>>, vector<1x2000x1xf32>
    %get3A_22 = vector.shape_cast %get3A_21 : vector<1x2000x1xf32> to vector<2000x1xf32>
    %add3A_23 = arith.addf %get3A_17, %get3A_22 : vector<2000x1xf32>
    %add3A_24 = arith.constant 1.000000e+00 : f32
    %add3A_25 = vector.broadcast %add3A_24 : f32 to vector<2000x1xf32>
    %add3A_26 = arith.addf %add3A_23, %add3A_25 : vector<2000x1xf32>
    %div3A = vector.broadcast %add3A_26 : vector<2000x1xf32> to vector<2000x128xf32>
    %div3A_27 = arith.divf %add3A_12, %div3A : vector<2000x128xf32>
    %get3A_28 = arith.constant 0 : index
    %get3A_29 = arith.constant 0 : index
    %get3A_30 = vector.load %arg4[%get3A_28, %get3A_29] : memref<128x128xf32, #tpu.memory_space<vmem>>, vector<128x128xf32>
    %dot_general3A = arith.constant dense<0.000000e+00> : vector<2000x128xf32>
    %dot_general3A_31 = tpu.matmul %div3A_27, %get3A_30, %dot_general3A {dimension_numbers = #tpu.dot_dimension_numbers<[1], [0], [0], [1], [0, 0, 1, 1], [], []>, transpose_lhs_hint = false} : vector<2000x128xf32>, vector<128x128xf32>, vector<2000x128xf32> -> vector<2000x128xf32>
    %get3A_32 = arith.constant 0 : index
    %get3A_33 = arith.constant 0 : index
    %get3A_34 = vector.load %arg5[%get3A_32, %get3A_33] : memref<128x128xf32, #tpu.memory_space<vmem>>, vector<128x128xf32>
    %dot_general3A_35 = arith.constant dense<0.000000e+00> : vector<2000x128xf32>
    %dot_general3A_36 = tpu.matmul %get3A_1, %get3A_34, %dot_general3A_35 {dimension_numbers = #tpu.dot_dimension_numbers<[1], [0], [0], [1], [0, 0, 1, 1], [], []>, transpose_lhs_hint = false} : vector<2000x128xf32>, vector<128x128xf32>, vector<2000x128xf32> -> vector<2000x128xf32>
    %add3A_37 = arith.addf %dot_general3A_31, %dot_general3A_36 : vector<2000x128xf32>
    %get3A_38 = arith.constant 0 : index
    %get3A_39 = arith.constant 0 : index
    %get3A_40 = vector.load %arg6[%get3A_38, %get3A_39] : memref<1x128xf32, #tpu.memory_space<vmem>>, vector<1x128xf32>
    %add3A_41 = vector.broadcast %get3A_40 : vector<1x128xf32> to vector<2000x128xf32>
    %add3A_42 = arith.addf %add3A_37, %add3A_41 : vector<2000x128xf32>
    %swap3A = arith.constant 0 : index
    %swap3A_43 = arith.constant 0 : index
    %swap3A_44 = vector.load %arg7[%swap3A, %swap3A_43] : memref<2000x128xf32, #tpu.memory_space<vmem>>, vector<2000x128xf32>
    tpu.vector_store %arg7[%swap3A, %swap3A_43], %add3A_42 {strides = array<i32>} : memref<2000x128xf32, #tpu.memory_space<vmem>>, vector<2000x128xf32>,
    return
  }
  func.func @transform_0(%arg0: i32) -> (i32, i32, i32) {
    %c0_i32 = arith.constant 0 : i32
    %c0_i32_0 = arith.constant 0 : i32
    %c0_i32_1 = arith.constant 0 : i32
    return %c0_i32, %arg0, %c0_i32_0 : i32, i32, i32
  }
  func.func @transform_1(%arg0: i32) -> (i32, i32, i32) {
    %c0_i32 = arith.constant 0 : i32
    %c0_i32_0 = arith.constant 0 : i32
    %c0_i32_1 = arith.constant 0 : i32
    return %c0_i32, %arg0, %c0_i32_0 : i32, i32, i32
  }
  func.func @transform_2(%arg0: i32) -> (i32, i32) {
    %c0_i32 = arith.constant 0 : i32
    %c0_i32_0 = arith.constant 0 : i32
    return %arg0, %c0_i32 : i32, i32
  }
  func.func @transform_3(%arg0: i32) -> (i32, i32) {
    %c0_i32 = arith.constant 0 : i32
    %c0_i32_0 = arith.constant 0 : i32
    %c0_i32_1 = arith.constant 0 : i32
    return %c0_i32, %c0_i32_0 : i32, i32
  }
  func.func @transform_4(%arg0: i32) -> (i32, i32) {
    %c0_i32 = arith.constant 0 : i32
    %c0_i32_0 = arith.constant 0 : i32
    %c0_i32_1 = arith.constant 0 : i32
    return %c0_i32, %c0_i32_0 : i32, i32
  }
  func.func @transform_5(%arg0: i32) -> (i32, i32) {
    %c0_i32 = arith.constant 0 : i32
    %c0_i32_0 = arith.constant 0 : i32
    %c0_i32_1 = arith.constant 0 : i32
    return %c0_i32, %c0_i32_0 : i32, i32
  }
  func.func @transform_6(%arg0: i32) -> (i32, i32) {
    %c0_i32 = arith.constant 0 : i32
    %c0_i32_0 = arith.constant 0 : i32
    return %arg0, %c0_i32 : i32, i32
  }
}

</mosaic_0001>

<sc_bundles>
// kernel: kernel.12.cloned.1.call-start
scs
__scs_entry_jumppad:
0x0: {  	(pc) =	sbr.rel $0x88, $3  }
0x1: {  	(tag) =	ssettag $0x0;
	lr =	simm.s32 $0x1  }
0x2: {  	[smem:$0x3F96] =	sst lr;
	_ =	strace $0xD0000000  }
0x3: {  	_ = 	snop  }
0x4: {  	_ = 	snop  }
0x5: {  	_ = 	snop  }
0x6: {  	_ = 	snop  }
0x7: {  	_ = 	snop  }
__scs_overlays_trampoline_lowered:
0x8: {  	[smem:$0x3FA5] =	sst s0  }
0x9: {  	[smem:$0x3FA6] =	sst s1  }
0xa: {  	[smem:$0x3FA7] =	sst s2  }
0xb: {  	[smem:$0x3FA8] =	sst s3  }
0xc: {  	[smem:$0x3FA9] =	sst s4  }
0xd: {  	[smem:$0x3FAA] =	sst s5  }
0xe: {  	[smem:$0x3FAB] =	sst s6  }
0xf: {  	[smem:$0x3FAC] =	sst s7  }
0x10: {  	[smem:$0x3FAD] =	sst s8  }
0x11: {  	[smem:$0x3FAE] =	sst s9;
	s0 =	simm.s32 @!p0 $0x0  }
0x12: {  	s1 =	sld [smem:$0x3F94];
	s0 =	simm.s32 @p0 $0x1  }
0x13: {  	[smem:$0x3FAF] =	sst s0;
	s0 =	simm.s32 @!p1 $0x0  }
0x14: {  	s2 =	sld [smem:$0x3F93];
	s0 =	simm.s32 @p1 $0x1  }
0x15: {  	[smem:$0x3FB0] =	sst s0;
	s0 =	simm.s32 @!p2 $0x0  }
0x16: {  	s3 =	sld [smem:$0x3FDB];
	s0 =	simm.s32 @p2 $0x1  }
0x17: {  	s4 =	simm.s32 $0x1BF5;
	[smem:$0x3FB2] =	sst s0  }
0x18: {  	s0 =	sld [smem:$0x3F95];
	_ =	swait.ge [sflag:s4], $0x0  }
0x19: {  	s7 =	sld [smem:$0x3F96]  }
0x1a: {  	s8 =	sadd.s32 $0xFFFFE003, lr  }
0x1b: {  	s9 =	sadd.s32 $0xFFFFFEF7, lr;
	s5 =	simm.s32 $0xFFFFFFFF;
	p2 =	slt.u32 s8, $0xFFFFF086  }
0x1c: {  	p1 =	slt.u32 s9, $0xF7A;
	s5 =	simm.s32 @!p2 $0x0  }
0x1d: {  	s5 =	simm.s32 @p1 $0x1;
	p0 =	seq.s32 s7, s2  }
0x1e: {  	s7 =	smul.u32 @!p0 $0xF7A, s2;
	p2 =	seq.s32 @!p0 s5, $0x0  }
0x1f: {  	s9 =	smul.u32 $0xF7A, s1;
	s8 =	simm.s32 @!p0 $0x1BF5;
	p2 =	por !p2, p0  }
0x20: {  	[sflag:s8] =	ssyncset.s32 @!p0 $0xFFFFF086;
	s6 =	sadd.s32 @!p0 s3, s7;
	s7 =	simm.s32 @!p0 $0x108  }
0x21: {  	s3 =	sadd.s32 s3, s9;
	s6 =	sadd.s32 @!p0 $0x88, s6;
	s7 =	simm.s32 @p2 $0x1082  }
0x22: {  	[simem:s7], [sflag:s8] =	dma.local @!p0 [hbm:s6], $0xF7A  }
0x23: {  	s9 =	sor.u32 $0xD0000000, s2;
	s6 =	simm.s32 $0x108;
	_ =	swait.ge @!p0 [sflag:s8], $0x0  }
0x24: {  	s3 =	sadd.s32 $0x88, s3;
	s6 =	simm.s32 @!p1 $0x1082;
	[sflag:s4] =	ssyncset.s32 $0xFFFFF086  }
0x25: {  	[simem:s6], [sflag:s4] =	dma.local [hbm:s3], $0xF7A  }
0x26: {  	[smem:$0x3F96] =	sst s1;
	(tag) =	ssettag s2;
	_ =	strace s9  }
0x27: {  	s1 =	sld [smem:$0x3FA6]  }
0x28: {  	s2 =	sld [smem:$0x3FA7]  }
0x29: {  	s4 =	sld [smem:$0x3FA9]  }
0x2a: {  	p0 =	seq.s32 s5, $0x0;
	s5 =	sld [smem:$0x3FAA]  }
0x2b: {  	s6 =	sld [smem:$0x3FAB]  }
0x2c: {  	s7 =	sld [smem:$0x3FAC]  }
0x2d: {  	s3 =	simm.s32 $0x108;
	s8 =	sld [smem:$0x3FAD]  }
0x2e: {  	s3 =	simm.s32 @!p0 $0x1082;
	s9 =	sld [smem:$0x3FAE]  }
0x2f: {  	lr =	sadd.s32 s0, s3;
	s0 =	sld [smem:$0x3FA5]  }
0x30: {  	s3 =	sld [smem:$0x3FA8]  }
0x31: {  	[smem:$0x3FB1] =	sst s10  }
0x32: {  	s10 =	sld [smem:$0x3FAF];
	_ =	sdelay $0x3  }
0x33: {  	p0 =	seq.s32 s10, $0x1;
	s10 =	sld [smem:$0x3FB1];
	_ =	sdelay $0x3  }
0x34: {  	[smem:$0x3FB1] =	sst s10  }
0x35: {  	s10 =	sld [smem:$0x3FB0];
	_ =	sdelay $0x3  }
0x36: {  	p1 =	seq.s32 s10, $0x1;
	s10 =	sld [smem:$0x3FB1];
	_ =	sdelay $0x3  }
0x37: {  	[smem:$0x3FB1] =	sst s10  }
0x38: {  	s10 =	sld [smem:$0x3FB2]  }
0x39: {  	_ = 	snop;
	(pc) =	sbr.ind lr, $3  }
0x3a: {  	_ = 	snop  }
0x3b: {  	_ = 	snop  }
0x3c: {  	p2 =	seq.s32 s10, $0x1;
	s10 =	sld [smem:$0x3FB1]  }
0x3d: {  	_ =	shalt  }
0x3e: {  	_ =	shalt  }
0x3f: {  	_ =	shalt  }
0x40: {  	_ =	shalt  }
0x41: {  	_ =	shalt  }
0x42: {  	_ =	shalt  }
0x43: {  	_ =	shalt  }
0x44: {  	_ =	shalt  }
0x45: {  	_ =	shalt  }
0x46: {  	_ =	shalt  }
0x47: {  	_ =	shalt  }
0x48: {  	_ =	shalt  }
0x49: {  	_ =	shalt  }
0x4a: {  	_ =	shalt  }
0x4b: {  	_ =	shalt  }
0x4c: {  	_ =	shalt  }
0x4d: {  	_ =	shalt  }
0x4e: {  	_ =	shalt  }
0x4f: {  	_ =	shalt  }
0x50: {  	_ =	shalt  }
0x51: {  	_ =	shalt  }
0x52: {  	_ =	shalt  }
0x53: {  	_ =	shalt  }
0x54: {  	_ =	shalt  }
0x55: {  	_ =	shalt  }
0x56: {  	_ =	shalt  }
0x57: {  	_ =	shalt  }
0x58: {  	_ =	shalt  }
0x59: {  	_ =	shalt  }
0x5a: {  	_ =	shalt  }
0x5b: {  	_ =	shalt  }
0x5c: {  	_ =	shalt  }
0x5d: {  	_ =	shalt  }
0x5e: {  	_ =	shalt  }
0x5f: {  	_ =	shalt  }
0x60: {  	_ =	shalt  }
0x61: {  	_ =	shalt  }
0x62: {  	_ =	shalt  }
0x63: {  	_ =	shalt  }
0x64: {  	_ =	shalt  }
0x65: {  	_ =	shalt  }
0x66: {  	_ =	shalt  }
0x67: {  	_ =	shalt  }
0x68: {  	_ =	shalt  }
0x69: {  	_ =	shalt  }
0x6a: {  	_ =	shalt  }
0x6b: {  	_ =	shalt  }
0x6c: {  	_ =	shalt  }
0x6d: {  	_ =	shalt  }
0x6e: {  	_ =	shalt  }
0x6f: {  	_ =	shalt  }
0x70: {  	_ =	shalt  }
0x71: {  	_ =	shalt  }
0x72: {  	_ =	shalt  }
0x73: {  	_ =	shalt  }
0x74: {  	_ =	shalt  }
0x75: {  	_ =	shalt  }
0x76: {  	_ =	shalt  }
0x77: {  	_ =	shalt  }
0x78: {  	_ =	shalt  }
0x79: {  	_ =	shalt  }
0x7a: {  	_ =	shalt  }
0x7b: {  	_ =	shalt  }
0x7c: {  	_ =	shalt  }
0x7d: {  	_ =	shalt  }
0x7e: {  	_ =	shalt  }
0x7f: {  	_ =	shalt  }
0x80: {  	_ =	shalt  }
0x81: {  	_ =	shalt  }
0x82: {  	_ =	shalt  }
0x83: {  	_ =	shalt  }
0x84: {  	_ =	shalt  }
0x85: {  	_ =	shalt  }
0x86: {  	_ =	shalt  }
0x87: {  	_ =	shalt  }
.Lfunc_end0:
.L_simem_size_0:
called_computation.1_lowered:
.L_overlay_start_0:
0x88: {  	s2 =	sld [smem:$0x3FD9]  }
0x89: {  	s3 =	sld [smem:$0x3FFE];
	_ =	sdelay $0x1  }
0x8a: {  	s1 =	srdreg.scid  }
0x8b: {  	s0 =	sand.u32 $0x1, s1  }
0x8c: {  	s17 =	sshll.u32 s0, $0xA;
	s2 =	sadd.s32 s3, s2  }
0x8d: {  	s2 =	sadd.s32 s2, s17  }
0x8e: {  	[smem:$0x3FBD] =	sst s2  }
0x8f: {  	_ = 	snop  }
0x90: {  	s2 =	sld [smem:$0x3FC9];
	(tm) =	ssettm $0x1  }
0x91: {  	s18 =	sld [smem:$0x3FFB];
	_ =	sdelay $0x3  }
0x92: {  	_ =	strace s18  }
0x93: {  	s3 =	sld [smem:$0x3FFC];
	_ =	sdelay $0x3  }
0x94: {  	_ =	strace s3  }
0x95: {  	s3 =	sld [smem:$0x3FFD];
	_ =	sdelay $0x3  }
0x96: {  	_ =	strace s3  }
0x97: {  	_ =	strace $0x8FFFFFFF  }
0x98: {  	s19 =	sld [smem:$0x3FDB];
	_ =	sdelay $0x1  }
0x99: {  	s4 =	simm.s32 $_scs_section_size  }
0x9a: {  	s5 =	simm.s32 $_size__tile_overlayer_lowered;
	s6 =	simm.s32 $_tile_overlayer_lowered  }
0x9b: {  	s22 =	simm.s32 $0x1BFF;
	s21 =	sshll.u32 s6, $0x1;
	s3 =	sadd.s32 s4, s19  }
0x9c: {  	s7 =	simm.s32 $0x0;
	s20 =	sshll.u32 s5, $0x1;
	s5 =	sadd.s32 s21, s3  }
0x9d: {  	[timem:s7], [sflag:s22] =	dma.local [hbm:s5], s20  }
0x9e: {  	_ =	swait.ge [sflag:s22], s20  }
0x9f: {  	s4 =	ssub.s32 $0x0, s20;
	[sflag:s22] =	ssyncset.done $0x0  }
0xa0: {  	[sflag:s22] =	ssyncadd.s32 s4;
	_ =	sdelay $0x1  }
0xa1: {  	s23 =	simm.s32 $0x1B8B  }
0xa2: {  	_ =	swait.ge [sflag:s23], $0x1  }
0xa3: {  	[sflag:s23] =	ssyncset.done $0x0  }
0xa4: {  	s25 =	simm.s32 $0x1B8E;
	s24 =	sld [smem:$0x3FFE];
	[sflag:s23] =	ssyncadd.s32 $0xFFFFFFFF  }
0xa5: {  	s26 =	simm.s32 $execute0_lowered;
	[smem:$0x3FD2] =	sst s25  }
0xa6: {  	s5 =	sshll.u32 s26, $0x1;
	_ =	strace $0x80000046;
	[dreg:$0x1] =	wrdreg $0xFFFFFFFF  }
0xa7: {  	s28 =	simm.s32 $_size_execute0_lowered;
	s3 =	sadd.s32 s3, s5;
	[dreg:$0x0] =	wrdreg $0x0  }
0xa8: {  	s5 =	sshll.u32 s28, $0x1;
	[dreg:$0x2] =	wrdreg s3  }
0xa9: {  	[dreg:$0x3] =	wrdreg s5  }
0xaa: {  	[dreg:$0x4] =	wrdreg $0xC0  }
0xab: {  	_ =	task [dreg:s7], $0x5FFFF  }
0xac: {  	[dreg:$0x1] =	wrdreg $0xFFFFFFFF  }
0xad: {  	[dreg:$0x0] =	wrdreg $0x60  }
0xae: {  	[dreg:$0x2] =	wrdreg s2  }
0xaf: {  	[dreg:$0x3] =	wrdreg s24  }
0xb0: {  	[dreg:$0x4] =	wrdreg $0x90000  }
0xb1: {  	[dreg:$0x5] =	wrdreg $0xA  }
0xb2: {  	_ =	task.clear_ibuf [dreg:s7], $0x6FFFF;
	_ =	strace $0x90000046  }
0xb3: {  	s29 =	simm.s32 $0xA;
	_ =	strace $0x80000048  }
0xb4: {  	_ =	swait.ge [sflag:s29], $0x1  }
0xb5: {  	[sflag:s29] =	ssyncadd.s32 $0xFFFFFFFF  }
0xb6: {  	_ =	strace $0x90000048  }
0xb7: {  	_ =	sfence  }
0xb8: {  	s30 =	sld [smem:$0x0];
	_ =	sdelay $0x2  }
0xb9: {  	s31 =	sshll.u32 s1, $0xD;
	s1 =	sshrl.u32 s1, $0x2  }
0xba: {  	s3 =	sand.u32 $0x4000, s31;
	s1 =	sadd.s32 s1, s30  }
0xbb: {  	s0 =	sor.u32 s3, s0;
	s1 =	sshll.u32 s1, $0x11  }
0xbc: {  	s0 =	sor.u32 s1, s0  }
0xbd: {  	s0 =	sadd.s32 $0x8F2B, s0  }
0xbe: {  	[sflag:s0] =	ssyncadd.remote.s32 $0x1  }
0xbf: {  	_ =	sfence.sel $0xFFFF  }
0xc0: {  	[dreg:$0x0] =	wrdreg $0xFFFFFFFF;
	(pc) =	sbr.abs _section_cstart, $3  }
0xc1: {  	[dreg:$0x1] =	wrdreg $0xFFFFFFFF  }
0xc2: {  	_ =	task.clear_ibuf [dreg:s7], $0x2FFFF;
	_ =	strace $0x9FFFFFFF  }
0xc3: {  	(tm) =	ssettm $0x7FFFFFFF  }
tec
execute0_lowered:
.L_overlay_start_1:
0x0: {  	(tag) =	ssettag $0x1  }
0x1: {  	s1 =	rddreg [dreg:$0x0]  }
0x2: {  	s0 =	rddreg [dreg:$0x1]  }
0x3: {  	s3 =	rddreg [dreg:$0x2];
	s4 =	simm.s32 $0x0  }
0x4: {  	s12 =	simm.s32 $0x100;
	[smem:$0x7FF] =	sst s4  }
0x5: {  	s13 =	simm.s32 $0x480;
	_ =	strace $0x80000047;
	[dreg:$0x6] =	wrdreg s12  }
0x6: {  	s15 =	simm.s32 $0x180;
	[dreg:$0x7] =	wrdreg s13  }
0x7: {  	s2 =	srdreg.scid;
	s16 =	simm.s32 $0x500;
	[dreg:$0x8] =	wrdreg s15  }
0x8: {  	s10 =	stileid.u32;
	s17 =	simm.s32 $0x200;
	[dreg:$0x9] =	wrdreg s16  }
0x9: {  	s19 =	simm.s32 $0x580;
	s20 =	simm.s32 $0x280;
	[dreg:$0xa] =	wrdreg s17  }
0xa: {  	s22 =	simm.s32 $0x600;
	s24 =	simm.s32 $0x300;
	[dreg:$0xb] =	wrdreg s19  }
0xb: {  	s28 =	simm.s32 $0x2;
	s29 =	simm.s32 $0x3;
	[dreg:$0xc] =	wrdreg s20  }
0xc: {  	s30 =	simm.s32 $0x4;
	s31 =	simm.s32 $0xB80;
	[dreg:$0xd] =	wrdreg s22  }
0xd: {  	s2 =	sand.u32 $0x1, s2;
	[dreg:$0xe] =	wrdreg s24;
	s12 =	simm.s32 $0x380  }
0xe: {  	s8 =	smul.u32 $0x14000, s10;
	s13 =	simm.s32 $0x700;
	[dreg:$0x10] =	wrdreg s12  }
0xf: {  	s6 =	sadd.s32 $0x3000, s0;
	s15 =	simm.s32 $0x780;
	[dreg:$0x11] =	wrdreg s13  }
0x10: {  	s7 =	smul.u32 $0x140000, s2;
	s16 =	simm.s32 $0x880;
	[dreg:$0x12] =	wrdreg s15  }
0x11: {  	s5 =	sshll.u32 s2, $0x4;
	s17 =	simm.s32 $0x900;
	[dreg:$0x13] =	wrdreg s16  }
0x12: {  	s2 =	ssub.s32 $0x2, s2;
	s19 =	simm.s32 $0x980;
	[dreg:$0x14] =	wrdreg s17  }
0x13: {  	s20 =	simm.s32 $0xD00;
	s22 =	simm.s32 $0xD80;
	[dreg:$0x16] =	wrdreg s19  }
0x14: {  	s24 =	simm.s32 $0xE00;
	s5 =	sor.u32 s10, s5;
	[dreg:$0x17] =	wrdreg s20  }
0x15: {  	s14 =	sshrl.u32 s2, $0x1;
	s10 =	smul.u32 $0x50000, s10;
	[dreg:$0x19] =	wrdreg s22  }
0x16: {  	s19 =	simm.s32 $0x6;
	s20 =	simm.s32 $0x400;
	[dreg:$0x1b] =	wrdreg s24  }
0x17: {  	s22 =	simm.s32 $0xC00;
	s24 =	simm.s32 $0x5000;
	s9 =	smul.u32 $0x2800, s5  }
0x18: {  	s5 =	sadd.s32 $0xD000, s0;
	s7 =	sadd.s32 s8, s7;
	s2 =	ssub.s32 s2, s14  }
0x19: {  	s8 =	simm.s32 $0x0;
	s7 =	sshrl.u32 s7, $0x3;
	s18 =	sshrl.u32 s10, $0x2  }
0x1a: {  	s17 =	smax.u32 s2, $0x1;
	s2 =	simm.s32 $0xF80;
	s26 =	sadd.s32 $0x800, s9  }
0x1b: {  	s11 =	sadd.s32 $0xC00, s9;
	s0 =	sadd.s32 s7, s0;
	[dreg:$0x4] =	wrdreg s26  }
0x1c: {  	s7 =	sadd.s32 s18, s3;
	s18 =	simm.s32 $0xC80;
	[dreg:$0x5] =	wrdreg s11  }
0x1d: {  	s9 =	sshrl.u32 s9, $0x3;
	s21 =	sadd.s32 $0x4000, s7;
	[dreg:$0x15] =	wrdreg s18  }
0x1e: {  	s23 =	sadd.s32 $0x8000, s7;
	s25 =	sadd.s32 $0xC000, s7;
	[dreg:$0x1e] =	wrdreg s21  }
0x1f: {  	s26 =	simm.s32 $0x680;
	s11 =	sadd.s32 $0x10000, s7;
	[dreg:$0x1f] =	wrdreg s23  }
0x20: {  	s14 =	sadd.s32 s5, s9;
	s13 =	sadd.s32 s6, s9;
	[smem:$0x7FB] =	sst s25  }
0x21: {  	s9 =	sor.u32 $0x80, s9;
	s16 =	sadd.s32 $0x17000, s0;
	[smem:$0x7FC] =	sst s11  }
0x22: {  	s18 =	simm.s32 $0x1000;
	s0 =	simm.s32 $0xF00;
	[dreg:$0xf] =	wrdreg s26  }
0x23: {  	[smem:$0x7FD] =	sst s14;
	s14 =	sadd.s32 s5, s9;
	s21 =	simm.s32 $0xA00  }
0x24: {  	s15 =	sadd.s32 s6, s9;
	s23 =	simm.s32 $0xA80;
	[dreg:$0x18] =	wrdreg s21  }
0x25: {  	s25 =	simm.s32 $0xB00;
	s26 =	simm.s32 $0xE80;
	[dreg:$0x1a] =	wrdreg s23  }
0x26: {  	s21 =	simm.s32 $0x800;
	[dreg:$0x1c] =	wrdreg s25;
	s23 =	simm.s32 $0x80  }
0x27: {  	v0 =	vimm.f32 $0.0e+00;
	[dreg:$0x1d] =	wrdreg s26;
	s25 =	simm.s32 $0x1;
	s26 =	simm.s32 $0x5  }
.LBB2_1:
0x28: {  	s9 =	simm.s32 $0x0;
	s10 =	simm.s32 $0x200  }
.LBB2_2:
0x29: {  	p0 =	sne.s32 s10, $0xFE00;
	[tilespmem:s9+$0x1070] =	vst v0  }
0x2a: {  	[tilespmem:s9+$0x1000] =	vst v0  }
0x2b: {  	[tilespmem:s9+$0x1010] =	vst v0  }
.Ltmp0:
0x2c: {  	[tilespmem:s9+$0x1020] =	vst v0;
	(pc) =	sbr.rel @p0 .LBB2_2-.Ltmp0, $4  }
0x2d: {  	[tilespmem:s9+$0x1030] =	vst v0  }
0x2e: {  	[tilespmem:s9+$0x1040] =	vst v0  }
0x2f: {  	[tilespmem:s9+$0x1050] =	vst v0  }
0x30: {  	[tilespmem:s9+$0x1060] =	vst v0;
	s9 =	sshra.s32 s10, $0x2;
	s10 =	sadd.s32 $0x200, s10  }
0x31: {  	[tilespmem:s9+$0x1070] =	vst v0  }
0x32: {  	[tilespmem:s9+$0x1000] =	vst v0  }
0x33: {  	[tilespmem:s9+$0x1010] =	vst v0  }
0x34: {  	[tilespmem:s9+$0x1020] =	vst v0  }
0x35: {  	[tilespmem:s9+$0x1030] =	vst v0  }
0x36: {  	[tilespmem:s9+$0x1040] =	vst v0  }
0x37: {  	[tilespmem:s9+$0x1050] =	vst v0  }
0x38: {  	[tilespmem:s9+$0x1060] =	vst v0  }
0x39: {  	[spmem:s7] =	stream.linear.scatter [tilespmem:s18], [sflag:$0x6], $0x4000, $0x38;
	[tilespmem:$0x1D000] =	vst v63  }
0x3a: {  	_ =	swait.ge [sflag:s19], $0x4000  }
0x3b: {  	[sflag:s19] =	ssyncset.done $0x0  }
0x3c: {  	s10 =	rddreg [dreg:$0x1e];
	[sflag:s19] =	ssyncadd.s32 $0xFFFFC000  }
0x3d: {  	[spmem:s10] =	stream.linear.scatter [tilespmem:s18], [sflag:$0x6], $0x4000, $0x38;
	[tilespmem:$0x1D000] =	vst v63  }
0x3e: {  	_ =	swait.ge [sflag:s19], $0x4000  }
0x3f: {  	[sflag:s19] =	ssyncset.done $0x0  }
0x40: {  	s11 =	rddreg [dreg:$0x1f];
	[sflag:s19] =	ssyncadd.s32 $0xFFFFC000  }
0x41: {  	[spmem:s11] =	stream.linear.scatter [tilespmem:s18], [sflag:$0x6], $0x4000, $0x38;
	[tilespmem:$0x1D000] =	vst v63  }
0x42: {  	_ =	swait.ge [sflag:s19], $0x4000  }
0x43: {  	s12 =	sld [smem:$0x7FB]  }
0x44: {  	[sflag:s19] =	ssyncset.done $0x0  }
0x45: {  	[sflag:s19] =	ssyncadd.s32 $0xFFFFC000  }
0x46: {  	[spmem:s12] =	stream.linear.scatter [tilespmem:s18], [sflag:$0x6], $0x4000, $0x38;
	[tilespmem:$0x1D000] =	vst v63  }
0x47: {  	_ =	swait.ge [sflag:s19], $0x4000  }
0x48: {  	s10 =	sld [smem:$0x7FC]  }
0x49: {  	[sflag:s19] =	ssyncset.done $0x0  }
0x4a: {  	[sflag:s19] =	ssyncadd.s32 $0xFFFFC000  }
0x4b: {  	[spmem:s10] =	stream.linear.scatter [tilespmem:s18], [sflag:$0x6], $0x4000, $0x38;
	[tilespmem:$0x1D000] =	vst v63  }
0x4c: {  	_ =	swait.ge [sflag:s19], $0x4000  }
0x4d: {  	[sflag:s19] =	ssyncset.done $0x0  }
0x4e: {  	[sflag:s19] =	ssyncadd.s32 $0xFFFFC000  }
0x4f: {  	[bflag:$0x0] =	sbarrier.arrive $0xFFFF  }
0x50: {  	s10 =	sld [smem:$0x7FD];
	_ =	sdelay $0x1  }
0x51: {  	s9 =	simm.s32 $0x0  }
0x52: {  	[tilespmem:s9], [sflag:$0x6] =	stream.linear.gather [hbm4b:s10+s9], $0x400, $0x38;
	[tilespmem:$0x1D000] =	vst v63  }
0x53: {  	_ =	swait.ge [sflag:s19], $0x400  }
0x54: {  	[sflag:s19] =	ssyncset.done $0x0  }
0x55: {  	[sflag:s19] =	ssyncadd.s32 $0xFFFFFC00  }
0x56: {  	[tilespmem:s20], [sflag:$0x6] =	stream.linear.gather [hbm4b:s13+s9], $0x400, $0x38;
	[tilespmem:$0x1D000] =	vst v63  }
0x57: {  	_ =	swait.ge [sflag:s19], $0x400  }
0x58: {  	[sflag:s19] =	ssyncset.done $0x0  }
0x59: {  	[sflag:s19] =	ssyncadd.s32 $0xFFFFFC00  }
0x5a: {  	[tilespmem:s21], [sflag:$0x3] =	stream.linear.gather [hbm4b:s14+s9], $0x400, $0x38;
	[tilespmem:$0x1D000] =	vst v63  }
0x5b: {  	_ = 	snop  }
0x5c: {  	[tilespmem:s22], [sflag:$0x4] =	stream.linear.gather [hbm4b:s15+s9], $0x400, $0x38;
	[tilespmem:$0x1D000] =	vst v63  }
0x5d: {  	_ = 	snop  }
0x5e: {  	[tilespmem:s18], [sflag:$0x1] =	stream.indirect.gather [hbm4b:s1+s23], $0x80, s9, s23, $0xb8;
	[tilespmem:$0x1D000] =	vst v63  }
0x5f: {  	_ = 	snop  }
0x60: {  	[tilespmem:s24], [sflag:$0x2] =	stream.indirect.gather [hbm4b:s1+s23], $0x80, s23, s23, $0xb8;
	[tilespmem:$0x1D000] =	vst v63  }
0x61: {  	_ =	swait.ge [sflag:s25], $0x4000  }
0x62: {  	[sflag:s25] =	ssyncset.done $0x0  }
0x63: {  	[sflag:s25] =	ssyncadd.s32 $0xFFFFC000  }
0x64: {  	[spmem:s3] =	stream.indirect.scatter.add.f32 [tilespmem:s18], [sflag:$0x5], $0x80, s20, s23, $0xb8;
	[tilespmem:$0x1D000] =	vst v63  }
0x65: {  	_ =	swait.ge [sflag:s26], $0x4000  }
0x66: {  	[sflag:s26] =	ssyncset.done $0x0  }
0x67: {  	s11 =	rddreg [dreg:$0x6];
	[sflag:s26] =	ssyncadd.s32 $0xFFFFC000  }
0x68: {  	[tilespmem:s18], [sflag:$0x1] =	stream.indirect.gather [hbm4b:s1+s23], $0x80, s11, s23, $0xb8;
	[tilespmem:$0x1D000] =	vst v63  }
0x69: {  	_ =	swait.ge [sflag:s28], $0x4000  }
0x6a: {  	[sflag:s28] =	ssyncset.done $0x0  }
0x6b: {  	s12 =	rddreg [dreg:$0x7];
	[sflag:s28] =	ssyncadd.s32 $0xFFFFC000  }
0x6c: {  	[spmem:s3] =	stream.indirect.scatter.add.f32 [tilespmem:s24], [sflag:$0x5], $0x80, s12, s23, $0xb8;
	[tilespmem:$0x1D000] =	vst v63  }
0x6d: {  	_ =	swait.ge [sflag:s26], $0x4000  }
0x6e: {  	[sflag:s26] =	ssyncset.done $0x0  }
0x6f: {  	s11 =	rddreg [dreg:$0x8];
	[sflag:s26] =	ssyncadd.s32 $0xFFFFC000  }
0x70: {  	[tilespmem:s24], [sflag:$0x2] =	stream.indirect.gather [hbm4b:s1+s23], $0x80, s11, s23, $0xb8;
	[tilespmem:$0x1D000] =	vst v63  }
0x71: {  	_ =	swait.ge [sflag:s25], $0x4000  }
0x72: {  	[sflag:s25] =	ssyncset.done $0x0  }
0x73: {  	s12 =	rddreg [dreg:$0x9];
	[sflag:s25] =	ssyncadd.s32 $0xFFFFC000  }
0x74: {  	[spmem:s3] =	stream.indirect.scatter.add.f32 [tilespmem:s18], [sflag:$0x5], $0x80, s12, s23, $0xb8;
	[tilespmem:$0x1D000] =	vst v63  }
0x75: {  	_ =	swait.ge [sflag:s26], $0x4000  }
0x76: {  	[sflag:s26] =	ssyncset.done $0x0  }
0x77: {  	s11 =	rddreg [dreg:$0xa];
	[sflag:s26] =	ssyncadd.s32 $0xFFFFC000  }
0x78: {  	[tilespmem:s18], [sflag:$0x1] =	stream.indirect.gather [hbm4b:s1+s23], $0x80, s11, s23, $0xb8;
	[tilespmem:$0x1D000] =	vst v63  }
0x79: {  	_ =	swait.ge [sflag:s28], $0x4000  }
0x7a: {  	[sflag:s28] =	ssyncset.done $0x0  }
0x7b: {  	s12 =	rddreg [dreg:$0xb];
	[sflag:s28] =	ssyncadd.s32 $0xFFFFC000  }
0x7c: {  	[spmem:s3] =	stream.indirect.scatter.add.f32 [tilespmem:s24], [sflag:$0x5], $0x80, s12, s23, $0xb8;
	[tilespmem:$0x1D000] =	vst v63  }
0x7d: {  	_ =	swait.ge [sflag:s26], $0x4000  }
0x7e: {  	[sflag:s26] =	ssyncset.done $0x0  }
0x7f: {  	s11 =	rddreg [dreg:$0xc];
	[sflag:s26] =	ssyncadd.s32 $0xFFFFC000  }
0x80: {  	[tilespmem:s24], [sflag:$0x2] =	stream.indirect.gather [hbm4b:s1+s23], $0x80, s11, s23, $0xb8;
	[tilespmem:$0x1D000] =	vst v63  }
0x81: {  	_ =	swait.ge [sflag:s25], $0x4000  }
0x82: {  	[sflag:s25] =	ssyncset.done $0x0  }
0x83: {  	s12 =	rddreg [dreg:$0xd];
	[sflag:s25] =	ssyncadd.s32 $0xFFFFC000  }
0x84: {  	[spmem:s3] =	stream.indirect.scatter.add.f32 [tilespmem:s18], [sflag:$0x5], $0x80, s12, s23, $0xb8;
	[tilespmem:$0x1D000] =	vst v63  }
0x85: {  	_ =	swait.ge [sflag:s26], $0x4000  }
0x86: {  	[sflag:s26] =	ssyncset.done $0x0  }
0x87: {  	s11 =	rddreg [dreg:$0xe];
	[sflag:s26] =	ssyncadd.s32 $0xFFFFC000  }
0x88: {  	[tilespmem:s18], [sflag:$0x1] =	stream.indirect.gather [hbm4b:s1+s23], $0x80, s11, s23, $0xb8;
	[tilespmem:$0x1D000] =	vst v63  }
0x89: {  	_ =	swait.ge [sflag:s28], $0x4000  }
0x8a: {  	[sflag:s28] =	ssyncset.done $0x0  }
0x8b: {  	s12 =	rddreg [dreg:$0xf];
	[sflag:s28] =	ssyncadd.s32 $0xFFFFC000  }
0x8c: {  	[spmem:s3] =	stream.indirect.scatter.add.f32 [tilespmem:s24], [sflag:$0x5], $0x80, s12, s23, $0xb8;
	[tilespmem:$0x1D000] =	vst v63  }
0x8d: {  	_ =	swait.ge [sflag:s26], $0x4000  }
0x8e: {  	[sflag:s26] =	ssyncset.done $0x0  }
0x8f: {  	s11 =	rddreg [dreg:$0x10];
	[sflag:s26] =	ssyncadd.s32 $0xFFFFC000  }
0x90: {  	[tilespmem:s24], [sflag:$0x2] =	stream.indirect.gather [hbm4b:s1+s23], $0x80, s11, s23, $0xb8;
	[tilespmem:$0x1D000] =	vst v63  }
0x91: {  	_ =	swait.ge [sflag:s25], $0x4000  }
0x92: {  	[sflag:s25] =	ssyncset.done $0x0  }
0x93: {  	s12 =	rddreg [dreg:$0x11];
	[sflag:s25] =	ssyncadd.s32 $0xFFFFC000  }
0x94: {  	[spmem:s3] =	stream.indirect.scatter.add.f32 [tilespmem:s18], [sflag:$0x5], $0x80, s12, s23, $0xb8;
	[tilespmem:$0x1D000] =	vst v63  }
0x95: {  	_ =	swait.ge [sflag:s26], $0x4000  }
0x96: {  	[sflag:s26] =	ssyncset.done $0x0  }
0x97: {  	[sflag:s26] =	ssyncadd.s32 $0xFFFFC000  }
0x98: {  	_ =	swait.ge [sflag:s29], $0x400  }
0x99: {  	[sflag:s29] =	ssyncset.done $0x0  }
0x9a: {  	[sflag:s29] =	ssyncadd.s32 $0xFFFFFC00  }
0x9b: {  	_ =	swait.ge [sflag:s30], $0x400  }
0x9c: {  	[sflag:s30] =	ssyncset.done $0x0  }
0x9d: {  	[sflag:s30] =	ssyncadd.s32 $0xFFFFFC00  }
0x9e: {  	[tilespmem:s18], [sflag:$0x1] =	stream.indirect.gather [hbm4b:s1+s23], $0x80, s21, s23, $0xb8;
	[tilespmem:$0x1D000] =	vst v63  }
0x9f: {  	_ =	swait.ge [sflag:s28], $0x4000  }
0xa0: {  	[sflag:s28] =	ssyncset.done $0x0  }
0xa1: {  	s11 =	rddreg [dreg:$0x12];
	[sflag:s28] =	ssyncadd.s32 $0xFFFFC000  }
0xa2: {  	[spmem:s3] =	stream.indirect.scatter.add.f32 [tilespmem:s24], [sflag:$0x5], $0x80, s11, s23, $0xb8;
	[tilespmem:$0x1D000] =	vst v63  }
0xa3: {  	s11 =	smin.u32 s9, $0x7;
	_ =	swait.ge [sflag:s26], $0x4000  }
0xa4: {  	s11 =	sshll.u32 s11, $0xA;
	s12 =	rddreg [dreg:$0x4]  }
0xa5: {  	s10 =	sadd.s32 s11, s12  }
0xa6: {  	[sflag:s26] =	ssyncset.done $0x0;
	s10 =	sshrl.u32 s10, $0x3  }
0xa7: {  	[sflag:s26] =	ssyncadd.s32 $0xFFFFC000;
	s12 =	sadd.s32 s5, s10  }
0xa8: {  	[tilespmem:s4], [sflag:$0x3] =	stream.linear.gather [hbm4b:s12+s4], $0x400, $0x38;
	[tilespmem:$0x1D000] =	vst v63  }
0xa9: {  	s10 =	sadd.s32 s6, s10  }
0xaa: {  	[tilespmem:s20], [sflag:$0x4] =	stream.linear.gather [hbm4b:s10+s4], $0x400, $0x38;
	[tilespmem:$0x1D000] =	vst v63  }
0xab: {  	s12 =	rddreg [dreg:$0x13]  }
0xac: {  	[tilespmem:s24], [sflag:$0x2] =	stream.indirect.gather [hbm4b:s1+s23], $0x80, s12, s23, $0xb8;
	[tilespmem:$0x1D000] =	vst v63  }
0xad: {  	_ =	swait.ge [sflag:s25], $0x4000  }
0xae: {  	[sflag:s25] =	ssyncset.done $0x0  }
0xaf: {  	[sflag:s25] =	ssyncadd.s32 $0xFFFFC000  }
0xb0: {  	[spmem:s3] =	stream.indirect.scatter.add.f32 [tilespmem:s18], [sflag:$0x5], $0x80, s22, s23, $0xb8;
	[tilespmem:$0x1D000] =	vst v63  }
0xb1: {  	_ =	swait.ge [sflag:s26], $0x4000  }
0xb2: {  	[sflag:s26] =	ssyncset.done $0x0  }
0xb3: {  	s12 =	rddreg [dreg:$0x14];
	[sflag:s26] =	ssyncadd.s32 $0xFFFFC000  }
0xb4: {  	[tilespmem:s18], [sflag:$0x1] =	stream.indirect.gather [hbm4b:s1+s23], $0x80, s12, s23, $0xb8;
	[tilespmem:$0x1D000] =	vst v63  }
0xb5: {  	_ =	swait.ge [sflag:s28], $0x4000  }
0xb6: {  	[sflag:s28] =	ssyncset.done $0x0  }
0xb7: {  	s11 =	rddreg [dreg:$0x15];
	[sflag:s28] =	ssyncadd.s32 $0xFFFFC000  }
0xb8: {  	[spmem:s3] =	stream.indirect.scatter.add.f32 [tilespmem:s24], [sflag:$0x5], $0x80, s11, s23, $0xb8;
	[tilespmem:$0x1D000] =	vst v63  }
0xb9: {  	_ =	swait.ge [sflag:s26], $0x4000  }
0xba: {  	[sflag:s26] =	ssyncset.done $0x0  }
0xbb: {  	s12 =	rddreg [dreg:$0x16];
	[sflag:s26] =	ssyncadd.s32 $0xFFFFC000  }
0xbc: {  	[tilespmem:s24], [sflag:$0x2] =	stream.indirect.gather [hbm4b:s1+s23], $0x80, s12, s23, $0xb8;
	[tilespmem:$0x1D000] =	vst v63  }
0xbd: {  	_ =	swait.ge [sflag:s25], $0x4000  }
0xbe: {  	[sflag:s25] =	ssyncset.done $0x0  }
0xbf: {  	s11 =	rddreg [dreg:$0x17];
	[sflag:s25] =	ssyncadd.s32 $0xFFFFC000  }
0xc0: {  	[spmem:s3] =	stream.indirect.scatter.add.f32 [tilespmem:s18], [sflag:$0x5], $0x80, s11, s23, $0xb8;
	[tilespmem:$0x1D000] =	vst v63  }
0xc1: {  	_ =	swait.ge [sflag:s26], $0x4000  }
0xc2: {  	[sflag:s26] =	ssyncset.done $0x0  }
0xc3: {  	s12 =	rddreg [dreg:$0x18];
	[sflag:s26] =	ssyncadd.s32 $0xFFFFC000  }
0xc4: {  	[tilespmem:s18], [sflag:$0x1] =	stream.indirect.gather [hbm4b:s1+s23], $0x80, s12, s23, $0xb8;
	[tilespmem:$0x1D000] =	vst v63  }
0xc5: {  	_ =	swait.ge [sflag:s28], $0x4000  }
0xc6: {  	[sflag:s28] =	ssyncset.done $0x0  }
0xc7: {  	s11 =	rddreg [dreg:$0x19];
	[sflag:s28] =	ssyncadd.s32 $0xFFFFC000  }
0xc8: {  	[spmem:s3] =	stream.indirect.scatter.add.f32 [tilespmem:s24], [sflag:$0x5], $0x80, s11, s23, $0xb8;
	[tilespmem:$0x1D000] =	vst v63  }
0xc9: {  	_ =	swait.ge [sflag:s26], $0x4000  }
0xca: {  	[sflag:s26] =	ssyncset.done $0x0  }
0xcb: {  	s12 =	rddreg [dreg:$0x1a];
	[sflag:s26] =	ssyncadd.s32 $0xFFFFC000  }
0xcc: {  	[tilespmem:s24], [sflag:$0x2] =	stream.indirect.gather [hbm4b:s1+s23], $0x80, s12, s23, $0xb8;
	[tilespmem:$0x1D000] =	vst v63  }
0xcd: {  	_ =	swait.ge [sflag:s25], $0x4000  }
0xce: {  	[sflag:s25] =	ssyncset.done $0x0  }
0xcf: {  	s11 =	rddreg [dreg:$0x1b];
	[sflag:s25] =	ssyncadd.s32 $0xFFFFC000  }
0xd0: {  	[spmem:s3] =	stream.indirect.scatter.add.f32 [tilespmem:s18], [sflag:$0x5], $0x80, s11, s23, $0xb8;
	[tilespmem:$0x1D000] =	vst v63  }
0xd1: {  	_ =	swait.ge [sflag:s26], $0x4000  }
0xd2: {  	[sflag:s26] =	ssyncset.done $0x0  }
0xd3: {  	s12 =	rddreg [dreg:$0x1c];
	[sflag:s26] =	ssyncadd.s32 $0xFFFFC000  }
0xd4: {  	[tilespmem:s18], [sflag:$0x1] =	stream.indirect.gather [hbm4b:s1+s23], $0x80, s12, s23, $0xb8;
	[tilespmem:$0x1D000] =	vst v63  }
0xd5: {  	_ =	swait.ge [sflag:s28], $0x4000  }
0xd6: {  	[sflag:s28] =	ssyncset.done $0x0  }
0xd7: {  	s11 =	rddreg [dreg:$0x1d];
	[sflag:s28] =	ssyncadd.s32 $0xFFFFC000  }
0xd8: {  	[spmem:s3] =	stream.indirect.scatter.add.f32 [tilespmem:s24], [sflag:$0x5], $0x80, s11, s23, $0xb8;
	[tilespmem:$0x1D000] =	vst v63  }
0xd9: {  	_ =	swait.ge [sflag:s26], $0x4000  }
0xda: {  	[sflag:s26] =	ssyncset.done $0x0  }
0xdb: {  	[sflag:s26] =	ssyncadd.s32 $0xFFFFC000  }
0xdc: {  	[tilespmem:s24], [sflag:$0x2] =	stream.indirect.gather [hbm4b:s1+s23], $0x80, s31, s23, $0xb8;
	[tilespmem:$0x1D000] =	vst v63  }
0xdd: {  	_ =	swait.ge [sflag:s25], $0x4000  }
0xde: {  	[sflag:s25] =	ssyncset.done $0x0  }
0xdf: {  	[sflag:s25] =	ssyncadd.s32 $0xFFFFC000  }
0xe0: {  	[spmem:s3] =	stream.indirect.scatter.add.f32 [tilespmem:s18], [sflag:$0x5], $0x80, s0, s23, $0xb8;
	[tilespmem:$0x1D000] =	vst v63  }
0xe1: {  	_ =	swait.ge [sflag:s26], $0x4000  }
0xe2: {  	[sflag:s26] =	ssyncset.done $0x0  }
0xe3: {  	[sflag:s26] =	ssyncadd.s32 $0xFFFFC000  }
0xe4: {  	_ =	swait.ge [sflag:s29], $0x400  }
0xe5: {  	[sflag:s29] =	ssyncset.done $0x0  }
0xe6: {  	[sflag:s29] =	ssyncadd.s32 $0xFFFFFC00  }
0xe7: {  	_ =	swait.ge [sflag:s30], $0x400  }
0xe8: {  	[sflag:s30] =	ssyncset.done $0x0  }
0xe9: {  	[sflag:s30] =	ssyncadd.s32 $0xFFFFFC00  }
0xea: {  	[tilespmem:s18], [sflag:$0x1] =	stream.indirect.gather [hbm4b:s1+s23], $0x80, s4, s23, $0xb8;
	[tilespmem:$0x1D000] =	vst v63  }
0xeb: {  	_ =	swait.ge [sflag:s28], $0x4000  }
0xec: {  	[sflag:s28] =	ssyncset.done $0x0  }
0xed: {  	[sflag:s28] =	ssyncadd.s32 $0xFFFFC000  }
0xee: {  	[spmem:s3] =	stream.indirect.scatter.add.f32 [tilespmem:s24], [sflag:$0x5], $0x80, s2, s23, $0xb8;
	[tilespmem:$0x1D000] =	vst v63  }
0xef: {  	s9 =	smin.u32 s9, $0x6;
	_ =	swait.ge [sflag:s26], $0x4000  }
0xf0: {  	s9 =	sshll.u32 s9, $0xA;
	s12 =	rddreg [dreg:$0x5]  }
0xf1: {  	s9 =	sadd.s32 s9, s12  }
0xf2: {  	[sflag:s26] =	ssyncset.done $0x0;
	s10 =	sshrl.u32 s9, $0x3  }
0xf3: {  	[sflag:s26] =	ssyncadd.s32 $0xFFFFC000;
	s9 =	sadd.s32 s5, s10  }
0xf4: {  	[tilespmem:s21], [sflag:$0x3] =	stream.linear.gather [hbm4b:s9+s4], $0x400, $0x38;
	[tilespmem:$0x1D000] =	vst v63  }
0xf5: {  	s10 =	sadd.s32 s6, s10;
	s9 =	simm.s32 $0x2  }
.LBB2_4:
0xf6: {  	[tilespmem:s22], [sflag:$0x4] =	stream.linear.gather [hbm4b:s10+s4], $0x400, $0x38;
	[tilespmem:$0x1D000] =	vst v63  }
0xf7: {  	_ = 	snop  }
0xf8: {  	[tilespmem:s24], [sflag:$0x2] =	stream.indirect.gather [hbm4b:s1+s23], $0x80, s23, s23, $0xb8;
	[tilespmem:$0x1D000] =	vst v63  }
0xf9: {  	_ =	swait.ge [sflag:s25], $0x4000  }
0xfa: {  	[sflag:s25] =	ssyncset.done $0x0  }
0xfb: {  	[sflag:s25] =	ssyncadd.s32 $0xFFFFC000  }
0xfc: {  	[spmem:s3] =	stream.indirect.scatter.add.f32 [tilespmem:s18], [sflag:$0x5], $0x80, s20, s23, $0xb8;
	[tilespmem:$0x1D000] =	vst v63  }
0xfd: {  	_ =	swait.ge [sflag:s26], $0x4000  }
0xfe: {  	[sflag:s26] =	ssyncset.done $0x0  }
0xff: {  	s11 =	rddreg [dreg:$0x6];
	[sflag:s26] =	ssyncadd.s32 $0xFFFFC000  }
0x100: {  	[tilespmem:s18], [sflag:$0x1] =	stream.indirect.gather [hbm4b:s1+s23], $0x80, s11, s23, $0xb8;
	[tilespmem:$0x1D000] =	vst v63  }
0x101: {  	_ =	swait.ge [sflag:s28], $0x4000  }
0x102: {  	[sflag:s28] =	ssyncset.done $0x0  }
0x103: {  	s12 =	rddreg [dreg:$0x7];
	[sflag:s28] =	ssyncadd.s32 $0xFFFFC000  }
0x104: {  	[spmem:s3] =	stream.indirect.scatter.add.f32 [tilespmem:s24], [sflag:$0x5], $0x80, s12, s23, $0xb8;
	[tilespmem:$0x1D000] =	vst v63  }
0x105: {  	_ =	swait.ge [sflag:s26], $0x4000  }
0x106: {  	[sflag:s26] =	ssyncset.done $0x0  }
0x107: {  	s12 =	rddreg [dreg:$0x8];
	[sflag:s26] =	ssyncadd.s32 $0xFFFFC000  }
0x108: {  	[tilespmem:s24], [sflag:$0x2] =	stream.indirect.gather [hbm4b:s1+s23], $0x80, s12, s23, $0xb8;
	[tilespmem:$0x1D000] =	vst v63  }
0x109: {  	_ =	swait.ge [sflag:s25], $0x4000  }
0x10a: {  	[sflag:s25] =	ssyncset.done $0x0  }
0x10b: {  	s12 =	rddreg [dreg:$0x9];
	[sflag:s25] =	ssyncadd.s32 $0xFFFFC000  }
0x10c: {  	[spmem:s3] =	stream.indirect.scatter.add.f32 [tilespmem:s18], [sflag:$0x5], $0x80, s12, s23, $0xb8;
	[tilespmem:$0x1D000] =	vst v63  }
0x10d: {  	_ =	swait.ge [sflag:s26], $0x4000  }
0x10e: {  	[sflag:s26] =	ssyncset.done $0x0  }
0x10f: {  	s12 =	rddreg [dreg:$0xa];
	[sflag:s26] =	ssyncadd.s32 $0xFFFFC000  }
0x110: {  	[tilespmem:s18], [sflag:$0x1] =	stream.indirect.gather [hbm4b:s1+s23], $0x80, s12, s23, $0xb8;
	[tilespmem:$0x1D000] =	vst v63  }
0x111: {  	_ =	swait.ge [sflag:s28], $0x4000  }
0x112: {  	[sflag:s28] =	ssyncset.done $0x0  }
0x113: {  	s12 =	rddreg [dreg:$0xb];
	[sflag:s28] =	ssyncadd.s32 $0xFFFFC000  }
0x114: {  	[spmem:s3] =	stream.indirect.scatter.add.f32 [tilespmem:s24], [sflag:$0x5], $0x80, s12, s23, $0xb8;
	[tilespmem:$0x1D000] =	vst v63  }
0x115: {  	_ =	swait.ge [sflag:s26], $0x4000  }
0x116: {  	[sflag:s26] =	ssyncset.done $0x0  }
0x117: {  	s12 =	rddreg [dreg:$0xc];
	[sflag:s26] =	ssyncadd.s32 $0xFFFFC000  }
0x118: {  	[tilespmem:s24], [sflag:$0x2] =	stream.indirect.gather [hbm4b:s1+s23], $0x80, s12, s23, $0xb8;
	[tilespmem:$0x1D000] =	vst v63  }
0x119: {  	_ =	swait.ge [sflag:s25], $0x4000  }
0x11a: {  	[sflag:s25] =	ssyncset.done $0x0  }
0x11b: {  	s12 =	rddreg [dreg:$0xd];
	[sflag:s25] =	ssyncadd.s32 $0xFFFFC000  }
0x11c: {  	[spmem:s3] =	stream.indirect.scatter.add.f32 [tilespmem:s18], [sflag:$0x5], $0x80, s12, s23, $0xb8;
	[tilespmem:$0x1D000] =	vst v63  }
0x11d: {  	_ =	swait.ge [sflag:s26], $0x4000  }
0x11e: {  	[sflag:s26] =	ssyncset.done $0x0  }
0x11f: {  	s12 =	rddreg [dreg:$0xe];
	[sflag:s26] =	ssyncadd.s32 $0xFFFFC000  }
0x120: {  	[tilespmem:s18], [sflag:$0x1] =	stream.indirect.gather [hbm4b:s1+s23], $0x80, s12, s23, $0xb8;
	[tilespmem:$0x1D000] =	vst v63  }
0x121: {  	_ =	swait.ge [sflag:s28], $0x4000  }
0x122: {  	[sflag:s28] =	ssyncset.done $0x0  }
0x123: {  	s12 =	rddreg [dreg:$0xf];
	[sflag:s28] =	ssyncadd.s32 $0xFFFFC000  }
0x124: {  	[spmem:s3] =	stream.indirect.scatter.add.f32 [tilespmem:s24], [sflag:$0x5], $0x80, s12, s23, $0xb8;
	[tilespmem:$0x1D000] =	vst v63  }
0x125: {  	_ =	swait.ge [sflag:s26], $0x4000  }
0x126: {  	[sflag:s26] =	ssyncset.done $0x0  }
0x127: {  	s12 =	rddreg [dreg:$0x10];
	[sflag:s26] =	ssyncadd.s32 $0xFFFFC000  }
0x128: {  	[tilespmem:s24], [sflag:$0x2] =	stream.indirect.gather [hbm4b:s1+s23], $0x80, s12, s23, $0xb8;
	[tilespmem:$0x1D000] =	vst v63  }
0x129: {  	_ =	swait.ge [sflag:s25], $0x4000  }
0x12a: {  	[sflag:s25] =	ssyncset.done $0x0  }
0x12b: {  	s12 =	rddreg [dreg:$0x11];
	[sflag:s25] =	ssyncadd.s32 $0xFFFFC000  }
0x12c: {  	[spmem:s3] =	stream.indirect.scatter.add.f32 [tilespmem:s18], [sflag:$0x5], $0x80, s12, s23, $0xb8;
	[tilespmem:$0x1D000] =	vst v63  }
0x12d: {  	_ =	swait.ge [sflag:s26], $0x4000  }
0x12e: {  	[sflag:s26] =	ssyncset.done $0x0  }
0x12f: {  	[sflag:s26] =	ssyncadd.s32 $0xFFFFC000  }
0x130: {  	_ =	swait.ge [sflag:s29], $0x400  }
0x131: {  	[sflag:s29] =	ssyncset.done $0x0  }
0x132: {  	[sflag:s29] =	ssyncadd.s32 $0xFFFFFC00  }
0x133: {  	_ =	swait.ge [sflag:s30], $0x400  }
0x134: {  	[sflag:s30] =	ssyncset.done $0x0  }
0x135: {  	[sflag:s30] =	ssyncadd.s32 $0xFFFFFC00  }
0x136: {  	[tilespmem:s18], [sflag:$0x1] =	stream.indirect.gather [hbm4b:s1+s23], $0x80, s21, s23, $0xb8;
	[tilespmem:$0x1D000] =	vst v63  }
0x137: {  	_ =	swait.ge [sflag:s28], $0x4000  }
0x138: {  	[sflag:s28] =	ssyncset.done $0x0  }
0x139: {  	s10 =	smov.u32 s9;
	s12 =	rddreg [dreg:$0x12];
	[sflag:s28] =	ssyncadd.s32 $0xFFFFC000  }
0x13a: {  	[spmem:s3] =	stream.indirect.scatter.add.f32 [tilespmem:s24], [sflag:$0x5], $0x80, s12, s23, $0xb8;
	[tilespmem:$0x1D000] =	vst v63  }
0x13b: {  	s12 =	smin.u32 s10, $0x7;
	_ =	swait.ge [sflag:s26], $0x4000  }
0x13c: {  	s12 =	sshll.u32 s12, $0xA;
	s11 =	rddreg [dreg:$0x4]  }
0x13d: {  	s11 =	sadd.s32 s12, s11  }
0x13e: {  	[sflag:s26] =	ssyncset.done $0x0;
	s11 =	sshrl.u32 s11, $0x3  }
0x13f: {  	[sflag:s26] =	ssyncadd.s32 $0xFFFFC000;
	s12 =	sadd.s32 s5, s11  }
0x140: {  	[tilespmem:s4], [sflag:$0x3] =	stream.linear.gather [hbm4b:s12+s4], $0x400, $0x38;
	[tilespmem:$0x1D000] =	vst v63  }
0x141: {  	s11 =	sadd.s32 s6, s11  }
0x142: {  	[tilespmem:s20], [sflag:$0x4] =	stream.linear.gather [hbm4b:s11+s4], $0x400, $0x38;
	[tilespmem:$0x1D000] =	vst v63  }
0x143: {  	s12 =	rddreg [dreg:$0x13]  }
0x144: {  	[tilespmem:s24], [sflag:$0x2] =	stream.indirect.gather [hbm4b:s1+s23], $0x80, s12, s23, $0xb8;
	[tilespmem:$0x1D000] =	vst v63  }
0x145: {  	_ =	swait.ge [sflag:s25], $0x4000  }
0x146: {  	[sflag:s25] =	ssyncset.done $0x0  }
0x147: {  	[sflag:s25] =	ssyncadd.s32 $0xFFFFC000  }
0x148: {  	[spmem:s3] =	stream.indirect.scatter.add.f32 [tilespmem:s18], [sflag:$0x5], $0x80, s22, s23, $0xb8;
	[tilespmem:$0x1D000] =	vst v63  }
0x149: {  	_ =	swait.ge [sflag:s26], $0x4000  }
0x14a: {  	[sflag:s26] =	ssyncset.done $0x0  }
0x14b: {  	s12 =	rddreg [dreg:$0x14];
	[sflag:s26] =	ssyncadd.s32 $0xFFFFC000  }
0x14c: {  	[tilespmem:s18], [sflag:$0x1] =	stream.indirect.gather [hbm4b:s1+s23], $0x80, s12, s23, $0xb8;
	[tilespmem:$0x1D000] =	vst v63  }
0x14d: {  	_ =	swait.ge [sflag:s28], $0x4000  }
0x14e: {  	[sflag:s28] =	ssyncset.done $0x0  }
0x14f: {  	s12 =	rddreg [dreg:$0x15];
	[sflag:s28] =	ssyncadd.s32 $0xFFFFC000  }
0x150: {  	[spmem:s3] =	stream.indirect.scatter.add.f32 [tilespmem:s24], [sflag:$0x5], $0x80, s12, s23, $0xb8;
	[tilespmem:$0x1D000] =	vst v63  }
0x151: {  	_ =	swait.ge [sflag:s26], $0x4000  }
0x152: {  	[sflag:s26] =	ssyncset.done $0x0  }
0x153: {  	s12 =	rddreg [dreg:$0x16];
	[sflag:s26] =	ssyncadd.s32 $0xFFFFC000  }
0x154: {  	[tilespmem:s24], [sflag:$0x2] =	stream.indirect.gather [hbm4b:s1+s23], $0x80, s12, s23, $0xb8;
	[tilespmem:$0x1D000] =	vst v63  }
0x155: {  	_ =	swait.ge [sflag:s25], $0x4000  }
0x156: {  	[sflag:s25] =	ssyncset.done $0x0  }
0x157: {  	s12 =	rddreg [dreg:$0x17];
	[sflag:s25] =	ssyncadd.s32 $0xFFFFC000  }
0x158: {  	[spmem:s3] =	stream.indirect.scatter.add.f32 [tilespmem:s18], [sflag:$0x5], $0x80, s12, s23, $0xb8;
	[tilespmem:$0x1D000] =	vst v63  }
0x159: {  	_ =	swait.ge [sflag:s26], $0x4000  }
0x15a: {  	[sflag:s26] =	ssyncset.done $0x0  }
0x15b: {  	s12 =	rddreg [dreg:$0x18];
	[sflag:s26] =	ssyncadd.s32 $0xFFFFC000  }
0x15c: {  	[tilespmem:s18], [sflag:$0x1] =	stream.indirect.gather [hbm4b:s1+s23], $0x80, s12, s23, $0xb8;
	[tilespmem:$0x1D000] =	vst v63  }
0x15d: {  	_ =	swait.ge [sflag:s28], $0x4000  }
0x15e: {  	[sflag:s28] =	ssyncset.done $0x0  }
0x15f: {  	s12 =	rddreg [dreg:$0x19];
	[sflag:s28] =	ssyncadd.s32 $0xFFFFC000  }
0x160: {  	[spmem:s3] =	stream.indirect.scatter.add.f32 [tilespmem:s24], [sflag:$0x5], $0x80, s12, s23, $0xb8;
	[tilespmem:$0x1D000] =	vst v63  }
0x161: {  	_ =	swait.ge [sflag:s26], $0x4000  }
0x162: {  	[sflag:s26] =	ssyncset.done $0x0  }
0x163: {  	s12 =	rddreg [dreg:$0x1a];
	[sflag:s26] =	ssyncadd.s32 $0xFFFFC000  }
0x164: {  	[tilespmem:s24], [sflag:$0x2] =	stream.indirect.gather [hbm4b:s1+s23], $0x80, s12, s23, $0xb8;
	[tilespmem:$0x1D000] =	vst v63  }
0x165: {  	_ =	swait.ge [sflag:s25], $0x4000  }
0x166: {  	[sflag:s25] =	ssyncset.done $0x0  }
0x167: {  	s12 =	rddreg [dreg:$0x1b];
	[sflag:s25] =	ssyncadd.s32 $0xFFFFC000  }
0x168: {  	[spmem:s3] =	stream.indirect.scatter.add.f32 [tilespmem:s18], [sflag:$0x5], $0x80, s12, s23, $0xb8;
	[tilespmem:$0x1D000] =	vst v63  }
0x169: {  	_ =	swait.ge [sflag:s26], $0x4000  }
0x16a: {  	[sflag:s26] =	ssyncset.done $0x0  }
0x16b: {  	s12 =	rddreg [dreg:$0x1c];
	[sflag:s26] =	ssyncadd.s32 $0xFFFFC000  }
0x16c: {  	[tilespmem:s18], [sflag:$0x1] =	stream.indirect.gather [hbm4b:s1+s23], $0x80, s12, s23, $0xb8;
	[tilespmem:$0x1D000] =	vst v63  }
0x16d: {  	_ =	swait.ge [sflag:s28], $0x4000  }
0x16e: {  	[sflag:s28] =	ssyncset.done $0x0  }
0x16f: {  	s12 =	rddreg [dreg:$0x1d];
	[sflag:s28] =	ssyncadd.s32 $0xFFFFC000  }
0x170: {  	[spmem:s3] =	stream.indirect.scatter.add.f32 [tilespmem:s24], [sflag:$0x5], $0x80, s12, s23, $0xb8;
	[tilespmem:$0x1D000] =	vst v63  }
0x171: {  	_ =	swait.ge [sflag:s26], $0x4000  }
0x172: {  	[sflag:s26] =	ssyncset.done $0x0  }
0x173: {  	[sflag:s26] =	ssyncadd.s32 $0xFFFFC000  }
0x174: {  	[tilespmem:s24], [sflag:$0x2] =	stream.indirect.gather [hbm4b:s1+s23], $0x80, s31, s23, $0xb8;
	[tilespmem:$0x1D000] =	vst v63  }
0x175: {  	_ =	swait.ge [sflag:s25], $0x4000  }
0x176: {  	[sflag:s25] =	ssyncset.done $0x0  }
0x177: {  	[sflag:s25] =	ssyncadd.s32 $0xFFFFC000  }
0x178: {  	[spmem:s3] =	stream.indirect.scatter.add.f32 [tilespmem:s18], [sflag:$0x5], $0x80, s0, s23, $0xb8;
	[tilespmem:$0x1D000] =	vst v63  }
0x179: {  	_ =	swait.ge [sflag:s26], $0x4000  }
0x17a: {  	[sflag:s26] =	ssyncset.done $0x0  }
0x17b: {  	[sflag:s26] =	ssyncadd.s32 $0xFFFFC000  }
0x17c: {  	_ =	swait.ge [sflag:s29], $0x400  }
0x17d: {  	[sflag:s29] =	ssyncset.done $0x0  }
0x17e: {  	[sflag:s29] =	ssyncadd.s32 $0xFFFFFC00  }
0x17f: {  	_ =	swait.ge [sflag:s30], $0x400  }
0x180: {  	[sflag:s30] =	ssyncset.done $0x0  }
0x181: {  	[sflag:s30] =	ssyncadd.s32 $0xFFFFFC00  }
0x182: {  	[tilespmem:s18], [sflag:$0x1] =	stream.indirect.gather [hbm4b:s1+s23], $0x80, s4, s23, $0xb8;
	[tilespmem:$0x1D000] =	vst v63  }
0x183: {  	_ =	swait.ge [sflag:s28], $0x4000  }
0x184: {  	[sflag:s28] =	ssyncset.done $0x0  }
0x185: {  	[sflag:s28] =	ssyncadd.s32 $0xFFFFC000  }
0x186: {  	[spmem:s3] =	stream.indirect.scatter.add.f32 [tilespmem:s24], [sflag:$0x5], $0x80, s2, s23, $0xb8;
	[tilespmem:$0x1D000] =	vst v63  }
0x187: {  	p0 =	sne.s32 s9, $0x8;
	s10 =	smin.u32 s10, $0x6;
	_ =	swait.ge [sflag:s26], $0x4000  }
.Ltmp1:
0x188: {  	s10 =	sshll.u32 s10, $0xA;
	s12 =	rddreg [dreg:$0x5];
	(pc) =	sbr.rel @p0 .LBB2_4-.Ltmp1, $4  }
0x189: {  	s10 =	sadd.s32 s10, s12  }
0x18a: {  	s9 =	sadd.s32 $0x2, s9;
	[sflag:s26] =	ssyncset.done $0x0;
	s10 =	sshrl.u32 s10, $0x3  }
0x18b: {  	[sflag:s26] =	ssyncadd.s32 $0xFFFFC000;
	s12 =	sadd.s32 s5, s10;
	s10 =	sadd.s32 s6, s10  }
0x18c: {  	[tilespmem:s21], [sflag:$0x3] =	stream.linear.gather [hbm4b:s12+s4], $0x400, $0x38;
	[tilespmem:$0x1D000] =	vst v63  }
0x18d: {  	[tilespmem:s22], [sflag:$0x4] =	stream.linear.gather [hbm4b:s10+s4], $0x400, $0x38;
	[tilespmem:$0x1D000] =	vst v63  }
0x18e: {  	_ =	swait.ge [sflag:s25], $0x4000  }
0x18f: {  	[sflag:s25] =	ssyncset.done $0x0  }
0x190: {  	[sflag:s25] =	ssyncadd.s32 $0xFFFFC000  }
0x191: {  	_ =	swait.ge [sflag:s29], $0x400  }
0x192: {  	[sflag:s29] =	ssyncset.done $0x0  }
0x193: {  	[sflag:s29] =	ssyncadd.s32 $0xFFFFFC00  }
0x194: {  	s9 =	stileid.u32;
	_ =	swait.ge [sflag:s30], $0x400  }
0x195: {  	s12 =	sshrl.u32 s7, $0x3;
	s8 =	sadd.s32 $0x1, s8;
	[sflag:s30] =	ssyncset.done $0x0  }
0x196: {  	s9 =	sshll.u32 s9, $0x6;
	p0 =	sne.s32 s8, s17;
	[sflag:s30] =	ssyncadd.s32 $0xFFFFFC00  }
.Ltmp2:
0x197: {  	s9 =	sor.u32 $0x1C06, s9;
	[bflag:$0x0] =	sbarrier.arrive $0xFFFF;
	(pc) =	sbr.rel @p0 .LBB2_1-.Ltmp2, $4  }
0x198: {  	[hbm:s16], [sflag:s9] =	dma.local [spmem:s12], $0x2800  }
0x199: {  	_ =	swait.ge [sflag:s19], $0x2800  }
0x19a: {  	[sflag:s19] =	ssyncset.done $0x0  }
0x19b: {  	[sflag:s19] =	ssyncadd.s32 $0xFFFFD800  }
0x19c: {  	_ =	sfence.sel $0x180000  }
0x19d: {  	[bflag:$0x0] =	sbarrier.arrive $0xFFFF  }
0x19e: {  	_ =	strace $0x90000047  }
0x19f: {  	s0 =	stileid.u32;
	[bflag:$0x2] =	sbarrier.arrive $0xFFFF  }
0x1a0: {  	p0 =	sne.s32 s0, $0x0;
	s0 =	rddreg [dreg:$0x3]  }
0x1a1: {  	s0 =	sadd.s32 @!p0 $0x100000, s0  }
0x1a2: {  	[sflag:s0] =	ssyncadd.tile.s32 @!p0 $0x1;
	_ =	shalt  }
.Lfunc_end2:
_tile_overlayer_lowered:
.L_overlay_start_2:
0x1a3: {  	(tag) =	ssettag $0x2  }
0x1a4: {  	s0 =	rddreg [dreg:$0x0];
	s2 =	stileid.u32  }
0x1a5: {  	s1 =	rddreg [dreg:$0x1];
	p0 =	sne.s32 s2, $0x0  }
0x1a6: {  	s3 =	rddreg [dreg:$0x2];
	[bflag:$0x3] =	sbarrier.arrive $0xFFFF;
	s2 =	simm.s32 @!p0 $0x1C06  }
0x1a7: {  	[timem:s3], [sflag:s2] =	dma.local @!p0 [hbm:s0], s1  }
0x1a8: {  	s0 =	simm.s32 @!p0 $0x6  }
0x1a9: {  	_ =	swait.ge @!p0 [sflag:s0], s1  }
0x1aa: {  	s1 =	ssub.s32 @!p0 $0x0, s1;
	[sflag:s0] =	ssyncset.done @!p0 $0x0  }
0x1ab: {  	[sflag:s0] =	ssyncadd.s32 @!p0 s1  }
0x1ac: {  	[bflag:$0x3] =	sbarrier.arrive $0xFFFF  }
0x1ad: {  	_ =	shalt  }

// kernel: kernel.15.cloned.1.call-start
scs
__scs_entry_jumppad:
0x0: {  	(pc) =	sbr.rel $0x88, $3  }
0x1: {  	(tag) =	ssettag $0x0;
	lr =	simm.s32 $0x1  }
0x2: {  	[smem:$0x3F96] =	sst lr;
	_ =	strace $0xD0000000  }
0x3: {  	_ = 	snop  }
0x4: {  	_ = 	snop  }
0x5: {  	_ = 	snop  }
0x6: {  	_ = 	snop  }
0x7: {  	_ = 	snop  }
__scs_overlays_trampoline_lowered:
0x8: {  	[smem:$0x3FA5] =	sst s0  }
0x9: {  	[smem:$0x3FA6] =	sst s1  }
0xa: {  	[smem:$0x3FA7] =	sst s2  }
0xb: {  	[smem:$0x3FA8] =	sst s3  }
0xc: {  	[smem:$0x3FA9] =	sst s4  }
0xd: {  	[smem:$0x3FAA] =	sst s5  }
0xe: {  	[smem:$0x3FAB] =	sst s6  }
0xf: {  	[smem:$0x3FAC] =	sst s7  }
0x10: {  	[smem:$0x3FAD] =	sst s8  }
0x11: {  	[smem:$0x3FAE] =	sst s9;
	s0 =	simm.s32 @!p0 $0x0  }
0x12: {  	s1 =	sld [smem:$0x3F94];
	s0 =	simm.s32 @p0 $0x1  }
0x13: {  	[smem:$0x3FAF] =	sst s0;
	s0 =	simm.s32 @!p1 $0x0  }
0x14: {  	s2 =	sld [smem:$0x3F93];
	s0 =	simm.s32 @p1 $0x1  }
0x15: {  	[smem:$0x3FB0] =	sst s0;
	s0 =	simm.s32 @!p2 $0x0  }
0x16: {  	s3 =	sld [smem:$0x3FDB];
	s0 =	simm.s32 @p2 $0x1  }
0x17: {  	s4 =	simm.s32 $0x1BF5;
	[smem:$0x3FB2] =	sst s0  }
0x18: {  	s0 =	sld [smem:$0x3F95];
	_ =	swait.ge [sflag:s4], $0x0  }
0x19: {  	s7 =	sld [smem:$0x3F96]  }
0x1a: {  	s8 =	sadd.s32 $0xFFFFE003, lr  }
0x1b: {  	s9 =	sadd.s32 $0xFFFFFEF7, lr;
	s5 =	simm.s32 $0xFFFFFFFF;
	p2 =	slt.u32 s8, $0xFFFFF086  }
0x1c: {  	p1 =	slt.u32 s9, $0xF7A;
	s5 =	simm.s32 @!p2 $0x0  }
0x1d: {  	s5 =	simm.s32 @p1 $0x1;
	p0 =	seq.s32 s7, s2  }
0x1e: {  	s7 =	smul.u32 @!p0 $0xF7A, s2;
	p2 =	seq.s32 @!p0 s5, $0x0  }
0x1f: {  	s9 =	smul.u32 $0xF7A, s1;
	s8 =	simm.s32 @!p0 $0x1BF5;
	p2 =	por !p2, p0  }
0x20: {  	[sflag:s8] =	ssyncset.s32 @!p0 $0xFFFFF086;
	s6 =	sadd.s32 @!p0 s3, s7;
	s7 =	simm.s32 @!p0 $0x108  }
0x21: {  	s3 =	sadd.s32 s3, s9;
	s6 =	sadd.s32 @!p0 $0x88, s6;
	s7 =	simm.s32 @p2 $0x1082  }
0x22: {  	[simem:s7], [sflag:s8] =	dma.local @!p0 [hbm:s6], $0xF7A  }
0x23: {  	s9 =	sor.u32 $0xD0000000, s2;
	s6 =	simm.s32 $0x108;
	_ =	swait.ge @!p0 [sflag:s8], $0x0  }
0x24: {  	s3 =	sadd.s32 $0x88, s3;
	s6 =	simm.s32 @!p1 $0x1082;
	[sflag:s4] =	ssyncset.s32 $0xFFFFF086  }
0x25: {  	[simem:s6], [sflag:s4] =	dma.local [hbm:s3], $0xF7A  }
0x26: {  	[smem:$0x3F96] =	sst s1;
	(tag) =	ssettag s2;
	_ =	strace s9  }
0x27: {  	s1 =	sld [smem:$0x3FA6]  }
0x28: {  	s2 =	sld [smem:$0x3FA7]  }
0x29: {  	s4 =	sld [smem:$0x3FA9]  }
0x2a: {  	p0 =	seq.s32 s5, $0x0;
	s5 =	sld [smem:$0x3FAA]  }
0x2b: {  	s6 =	sld [smem:$0x3FAB]  }
0x2c: {  	s7 =	sld [smem:$0x3FAC]  }
0x2d: {  	s3 =	simm.s32 $0x108;
	s8 =	sld [smem:$0x3FAD]  }
0x2e: {  	s3 =	simm.s32 @!p0 $0x1082;
	s9 =	sld [smem:$0x3FAE]  }
0x2f: {  	lr =	sadd.s32 s0, s3;
	s0 =	sld [smem:$0x3FA5]  }
0x30: {  	s3 =	sld [smem:$0x3FA8]  }
0x31: {  	[smem:$0x3FB1] =	sst s10  }
0x32: {  	s10 =	sld [smem:$0x3FAF];
	_ =	sdelay $0x3  }
0x33: {  	p0 =	seq.s32 s10, $0x1;
	s10 =	sld [smem:$0x3FB1];
	_ =	sdelay $0x3  }
0x34: {  	[smem:$0x3FB1] =	sst s10  }
0x35: {  	s10 =	sld [smem:$0x3FB0];
	_ =	sdelay $0x3  }
0x36: {  	p1 =	seq.s32 s10, $0x1;
	s10 =	sld [smem:$0x3FB1];
	_ =	sdelay $0x3  }
0x37: {  	[smem:$0x3FB1] =	sst s10  }
0x38: {  	s10 =	sld [smem:$0x3FB2]  }
0x39: {  	_ = 	snop;
	(pc) =	sbr.ind lr, $3  }
0x3a: {  	_ = 	snop  }
0x3b: {  	_ = 	snop  }
0x3c: {  	p2 =	seq.s32 s10, $0x1;
	s10 =	sld [smem:$0x3FB1]  }
0x3d: {  	_ =	shalt  }
0x3e: {  	_ =	shalt  }
0x3f: {  	_ =	shalt  }
0x40: {  	_ =	shalt  }
0x41: {  	_ =	shalt  }
0x42: {  	_ =	shalt  }
0x43: {  	_ =	shalt  }
0x44: {  	_ =	shalt  }
0x45: {  	_ =	shalt  }
0x46: {  	_ =	shalt  }
0x47: {  	_ =	shalt  }
0x48: {  	_ =	shalt  }
0x49: {  	_ =	shalt  }
0x4a: {  	_ =	shalt  }
0x4b: {  	_ =	shalt  }
0x4c: {  	_ =	shalt  }
0x4d: {  	_ =	shalt  }
0x4e: {  	_ =	shalt  }
0x4f: {  	_ =	shalt  }
0x50: {  	_ =	shalt  }
0x51: {  	_ =	shalt  }
0x52: {  	_ =	shalt  }
0x53: {  	_ =	shalt  }
0x54: {  	_ =	shalt  }
0x55: {  	_ =	shalt  }
0x56: {  	_ =	shalt  }
0x57: {  	_ =	shalt  }
0x58: {  	_ =	shalt  }
0x59: {  	_ =	shalt  }
0x5a: {  	_ =	shalt  }
0x5b: {  	_ =	shalt  }
0x5c: {  	_ =	shalt  }
0x5d: {  	_ =	shalt  }
0x5e: {  	_ =	shalt  }
0x5f: {  	_ =	shalt  }
0x60: {  	_ =	shalt  }
0x61: {  	_ =	shalt  }
0x62: {  	_ =	shalt  }
0x63: {  	_ =	shalt  }
0x64: {  	_ =	shalt  }
0x65: {  	_ =	shalt  }
0x66: {  	_ =	shalt  }
0x67: {  	_ =	shalt  }
0x68: {  	_ =	shalt  }
0x69: {  	_ =	shalt  }
0x6a: {  	_ =	shalt  }
0x6b: {  	_ =	shalt  }
0x6c: {  	_ =	shalt  }
0x6d: {  	_ =	shalt  }
0x6e: {  	_ =	shalt  }
0x6f: {  	_ =	shalt  }
0x70: {  	_ =	shalt  }
0x71: {  	_ =	shalt  }
0x72: {  	_ =	shalt  }
0x73: {  	_ =	shalt  }
0x74: {  	_ =	shalt  }
0x75: {  	_ =	shalt  }
0x76: {  	_ =	shalt  }
0x77: {  	_ =	shalt  }
0x78: {  	_ =	shalt  }
0x79: {  	_ =	shalt  }
0x7a: {  	_ =	shalt  }
0x7b: {  	_ =	shalt  }
0x7c: {  	_ =	shalt  }
0x7d: {  	_ =	shalt  }
0x7e: {  	_ =	shalt  }
0x7f: {  	_ =	shalt  }
0x80: {  	_ =	shalt  }
0x81: {  	_ =	shalt  }
0x82: {  	_ =	shalt  }
0x83: {  	_ =	shalt  }
0x84: {  	_ =	shalt  }
0x85: {  	_ =	shalt  }
0x86: {  	_ =	shalt  }
0x87: {  	_ =	shalt  }
.Lfunc_end0:
.L_simem_size_0:
called_computation.2_lowered:
.L_overlay_start_0:
0x88: {  	s2 =	sld [smem:$0x3FD9]  }
0x89: {  	s3 =	sld [smem:$0x3FFE];
	_ =	sdelay $0x1  }
0x8a: {  	s1 =	srdreg.scid  }
0x8b: {  	s0 =	sand.u32 $0x1, s1  }
0x8c: {  	s17 =	sshll.u32 s0, $0xA;
	s2 =	sadd.s32 s3, s2  }
0x8d: {  	s2 =	sadd.s32 s2, s17  }
0x8e: {  	[smem:$0x3FBD] =	sst s2  }
0x8f: {  	_ = 	snop  }
0x90: {  	s2 =	sld [smem:$0x3FD0];
	(tm) =	ssettm $0x1  }
0x91: {  	s18 =	sld [smem:$0x3FFB];
	_ =	sdelay $0x3  }
0x92: {  	_ =	strace s18  }
0x93: {  	s3 =	sld [smem:$0x3FFC];
	_ =	sdelay $0x3  }
0x94: {  	_ =	strace s3  }
0x95: {  	s3 =	sld [smem:$0x3FFD];
	_ =	sdelay $0x3  }
0x96: {  	_ =	strace s3  }
0x97: {  	_ =	strace $0x8FFFFFFF  }
0x98: {  	s19 =	sld [smem:$0x3FDB];
	_ =	sdelay $0x1  }
0x99: {  	s4 =	simm.s32 $_scs_section_size  }
0x9a: {  	s5 =	simm.s32 $_size__tile_overlayer_lowered;
	s6 =	simm.s32 $_tile_overlayer_lowered  }
0x9b: {  	s22 =	simm.s32 $0x1BFF;
	s21 =	sshll.u32 s6, $0x1;
	s3 =	sadd.s32 s4, s19  }
0x9c: {  	s7 =	simm.s32 $0x0;
	s20 =	sshll.u32 s5, $0x1;
	s5 =	sadd.s32 s21, s3  }
0x9d: {  	[timem:s7], [sflag:s22] =	dma.local [hbm:s5], s20  }
0x9e: {  	_ =	swait.ge [sflag:s22], s20  }
0x9f: {  	s4 =	ssub.s32 $0x0, s20;
	[sflag:s22] =	ssyncset.done $0x0  }
0xa0: {  	[sflag:s22] =	ssyncadd.s32 s4;
	_ =	sdelay $0x1  }
0xa1: {  	s23 =	simm.s32 $0x1B8B  }
0xa2: {  	_ =	swait.ge [sflag:s23], $0x1  }
0xa3: {  	[sflag:s23] =	ssyncset.done $0x0  }
0xa4: {  	s25 =	simm.s32 $0x1B8E;
	s24 =	sld [smem:$0x3FFE];
	[sflag:s23] =	ssyncadd.s32 $0xFFFFFFFF  }
0xa5: {  	s26 =	simm.s32 $execute0_lowered;
	[smem:$0x3FD2] =	sst s25  }
0xa6: {  	s5 =	sshll.u32 s26, $0x1;
	_ =	strace $0x8000004C;
	[dreg:$0x1] =	wrdreg $0xFFFFFFFF  }
0xa7: {  	s28 =	simm.s32 $_size_execute0_lowered;
	s3 =	sadd.s32 s3, s5;
	[dreg:$0x0] =	wrdreg $0x0  }
0xa8: {  	s5 =	sshll.u32 s28, $0x1;
	[dreg:$0x2] =	wrdreg s3  }
0xa9: {  	[dreg:$0x3] =	wrdreg s5  }
0xaa: {  	[dreg:$0x4] =	wrdreg $0xC0  }
0xab: {  	_ =	task [dreg:s7], $0x5FFFF  }
0xac: {  	[dreg:$0x1] =	wrdreg $0xFFFFFFFF  }
0xad: {  	[dreg:$0x0] =	wrdreg $0x60  }
0xae: {  	[dreg:$0x2] =	wrdreg s2  }
0xaf: {  	[dreg:$0x3] =	wrdreg s24  }
0xb0: {  	[dreg:$0x4] =	wrdreg $0x90000  }
0xb1: {  	[dreg:$0x5] =	wrdreg $0x9  }
0xb2: {  	_ =	task.clear_ibuf [dreg:s7], $0x6FFFF;
	_ =	strace $0x9000004C  }
0xb3: {  	s29 =	simm.s32 $0x9;
	_ =	strace $0x8000004E  }
0xb4: {  	_ =	swait.ge [sflag:s29], $0x1  }
0xb5: {  	[sflag:s29] =	ssyncadd.s32 $0xFFFFFFFF  }
0xb6: {  	_ =	strace $0x9000004E  }
0xb7: {  	_ =	sfence  }
0xb8: {  	s30 =	sld [smem:$0x0];
	_ =	sdelay $0x2  }
0xb9: {  	s31 =	sshll.u32 s1, $0xD;
	s1 =	sshrl.u32 s1, $0x2  }
0xba: {  	s3 =	sand.u32 $0x4000, s31;
	s1 =	sadd.s32 s1, s30  }
0xbb: {  	s0 =	sor.u32 s3, s0;
	s1 =	sshll.u32 s1, $0x11  }
0xbc: {  	s0 =	sor.u32 s1, s0  }
0xbd: {  	s0 =	sadd.s32 $0x8F2B, s0  }
0xbe: {  	[sflag:s0] =	ssyncadd.remote.s32 $0x1  }
0xbf: {  	_ =	sfence.sel $0xFFFF  }
0xc0: {  	[dreg:$0x0] =	wrdreg $0xFFFFFFFF;
	(pc) =	sbr.abs _section_cstart, $3  }
0xc1: {  	[dreg:$0x1] =	wrdreg $0xFFFFFFFF  }
0xc2: {  	_ =	task.clear_ibuf [dreg:s7], $0x2FFFF;
	_ =	strace $0x9FFFFFFF  }
0xc3: {  	(tm) =	ssettm $0x7FFFFFFF  }
tec
execute0_lowered:
.L_overlay_start_1:
0x0: {  	(tag) =	ssettag $0x1  }
0x1: {  	s1 =	rddreg [dreg:$0x0]  }
0x2: {  	s0 =	rddreg [dreg:$0x1]  }
0x3: {  	s3 =	rddreg [dreg:$0x2];
	s4 =	simm.s32 $0x0  }
0x4: {  	s12 =	simm.s32 $0x100;
	[smem:$0x7FF] =	sst s4  }
0x5: {  	s13 =	simm.s32 $0x480;
	_ =	strace $0x8000004D;
	[dreg:$0x6] =	wrdreg s12  }
0x6: {  	s15 =	simm.s32 $0x180;
	[dreg:$0x7] =	wrdreg s13  }
0x7: {  	s2 =	srdreg.scid;
	s16 =	simm.s32 $0x500;
	[dreg:$0x8] =	wrdreg s15  }
0x8: {  	s10 =	stileid.u32;
	s17 =	simm.s32 $0x200;
	[dreg:$0x9] =	wrdreg s16  }
0x9: {  	s19 =	simm.s32 $0x580;
	s20 =	simm.s32 $0x280;
	[dreg:$0xa] =	wrdreg s17  }
0xa: {  	s22 =	simm.s32 $0x600;
	s24 =	simm.s32 $0x300;
	[dreg:$0xb] =	wrdreg s19  }
0xb: {  	s28 =	simm.s32 $0x2;
	s29 =	simm.s32 $0x3;
	[dreg:$0xc] =	wrdreg s20  }
0xc: {  	s30 =	simm.s32 $0x4;
	s31 =	simm.s32 $0xB80;
	[dreg:$0xd] =	wrdreg s22  }
0xd: {  	s2 =	sand.u32 $0x1, s2;
	[dreg:$0xe] =	wrdreg s24;
	s12 =	simm.s32 $0x380  }
0xe: {  	s8 =	smul.u32 $0x14000, s10;
	s13 =	simm.s32 $0x700;
	[dreg:$0x10] =	wrdreg s12  }
0xf: {  	s6 =	sadd.s32 $0x3000, s0;
	s15 =	simm.s32 $0x780;
	[dreg:$0x11] =	wrdreg s13  }
0x10: {  	s7 =	smul.u32 $0x140000, s2;
	s16 =	simm.s32 $0x880;
	[dreg:$0x12] =	wrdreg s15  }
0x11: {  	s5 =	sshll.u32 s2, $0x4;
	s17 =	simm.s32 $0x900;
	[dreg:$0x13] =	wrdreg s16  }
0x12: {  	s2 =	ssub.s32 $0x2, s2;
	s19 =	simm.s32 $0x980;
	[dreg:$0x14] =	wrdreg s17  }
0x13: {  	s20 =	simm.s32 $0xD00;
	s22 =	simm.s32 $0xD80;
	[dreg:$0x16] =	wrdreg s19  }
0x14: {  	s24 =	simm.s32 $0xE00;
	s5 =	sor.u32 s10, s5;
	[dreg:$0x17] =	wrdreg s20  }
0x15: {  	s14 =	sshrl.u32 s2, $0x1;
	s10 =	smul.u32 $0x50000, s10;
	[dreg:$0x19] =	wrdreg s22  }
0x16: {  	s19 =	simm.s32 $0x6;
	s20 =	simm.s32 $0x400;
	[dreg:$0x1b] =	wrdreg s24  }
0x17: {  	s22 =	simm.s32 $0xC00;
	s24 =	simm.s32 $0x5000;
	s9 =	smul.u32 $0x2800, s5  }
0x18: {  	s5 =	sadd.s32 $0xD000, s0;
	s7 =	sadd.s32 s8, s7;
	s2 =	ssub.s32 s2, s14  }
0x19: {  	s8 =	simm.s32 $0x0;
	s7 =	sshrl.u32 s7, $0x3;
	s18 =	sshrl.u32 s10, $0x2  }
0x1a: {  	s17 =	smax.u32 s2, $0x1;
	s2 =	simm.s32 $0xF80;
	s26 =	sadd.s32 $0x800, s9  }
0x1b: {  	s11 =	sadd.s32 $0xC00, s9;
	s0 =	sadd.s32 s7, s0;
	[dreg:$0x4] =	wrdreg s26  }
0x1c: {  	s7 =	sadd.s32 s18, s3;
	s18 =	simm.s32 $0xC80;
	[dreg:$0x5] =	wrdreg s11  }
0x1d: {  	s9 =	sshrl.u32 s9, $0x3;
	s21 =	sadd.s32 $0x4000, s7;
	[dreg:$0x15] =	wrdreg s18  }
0x1e: {  	s23 =	sadd.s32 $0x8000, s7;
	s25 =	sadd.s32 $0xC000, s7;
	[dreg:$0x1e] =	wrdreg s21  }
0x1f: {  	s26 =	simm.s32 $0x680;
	s11 =	sadd.s32 $0x10000, s7;
	[dreg:$0x1f] =	wrdreg s23  }
0x20: {  	s14 =	sadd.s32 s5, s9;
	s13 =	sadd.s32 s6, s9;
	[smem:$0x7FB] =	sst s25  }
0x21: {  	s9 =	sor.u32 $0x80, s9;
	s16 =	sadd.s32 $0x17000, s0;
	[smem:$0x7FC] =	sst s11  }
0x22: {  	s18 =	simm.s32 $0x1000;
	s0 =	simm.s32 $0xF00;
	[dreg:$0xf] =	wrdreg s26  }
0x23: {  	[smem:$0x7FD] =	sst s14;
	s14 =	sadd.s32 s5, s9;
	s21 =	simm.s32 $0xA00  }
0x24: {  	s15 =	sadd.s32 s6, s9;
	s23 =	simm.s32 $0xA80;
	[dreg:$0x18] =	wrdreg s21  }
0x25: {  	s25 =	simm.s32 $0xB00;
	s26 =	simm.s32 $0xE80;
	[dreg:$0x1a] =	wrdreg s23  }
0x26: {  	s21 =	simm.s32 $0x800;
	[dreg:$0x1c] =	wrdreg s25;
	s23 =	simm.s32 $0x80  }
0x27: {  	v0 =	vimm.f32 $0.0e+00;
	[dreg:$0x1d] =	wrdreg s26;
	s25 =	simm.s32 $0x1;
	s26 =	simm.s32 $0x5  }
.LBB2_1:
0x28: {  	s9 =	simm.s32 $0x0;
	s10 =	simm.s32 $0x200  }
.LBB2_2:
0x29: {  	p0 =	sne.s32 s10, $0xFE00;
	[tilespmem:s9+$0x1070] =	vst v0  }
0x2a: {  	[tilespmem:s9+$0x1000] =	vst v0  }
0x2b: {  	[tilespmem:s9+$0x1010] =	vst v0  }
.Ltmp0:
0x2c: {  	[tilespmem:s9+$0x1020] =	vst v0;
	(pc) =	sbr.rel @p0 .LBB2_2-.Ltmp0, $4  }
0x2d: {  	[tilespmem:s9+$0x1030] =	vst v0  }
0x2e: {  	[tilespmem:s9+$0x1040] =	vst v0  }
0x2f: {  	[tilespmem:s9+$0x1050] =	vst v0  }
0x30: {  	[tilespmem:s9+$0x1060] =	vst v0;
	s9 =	sshra.s32 s10, $0x2;
	s10 =	sadd.s32 $0x200, s10  }
0x31: {  	[tilespmem:s9+$0x1070] =	vst v0  }
0x32: {  	[tilespmem:s9+$0x1000] =	vst v0  }
0x33: {  	[tilespmem:s9+$0x1010] =	vst v0  }
0x34: {  	[tilespmem:s9+$0x1020] =	vst v0  }
0x35: {  	[tilespmem:s9+$0x1030] =	vst v0  }
0x36: {  	[tilespmem:s9+$0x1040] =	vst v0  }
0x37: {  	[tilespmem:s9+$0x1050] =	vst v0  }
0x38: {  	[tilespmem:s9+$0x1060] =	vst v0  }
0x39: {  	[spmem:s7] =	stream.linear.scatter [tilespmem:s18], [sflag:$0x6], $0x4000, $0x38;
	[tilespmem:$0x1D000] =	vst v63  }
0x3a: {  	_ =	swait.ge [sflag:s19], $0x4000  }
0x3b: {  	[sflag:s19] =	ssyncset.done $0x0  }
0x3c: {  	s10 =	rddreg [dreg:$0x1e];
	[sflag:s19] =	ssyncadd.s32 $0xFFFFC000  }
0x3d: {  	[spmem:s10] =	stream.linear.scatter [tilespmem:s18], [sflag:$0x6], $0x4000, $0x38;
	[tilespmem:$0x1D000] =	vst v63  }
0x3e: {  	_ =	swait.ge [sflag:s19], $0x4000  }
0x3f: {  	[sflag:s19] =	ssyncset.done $0x0  }
0x40: {  	s11 =	rddreg [dreg:$0x1f];
	[sflag:s19] =	ssyncadd.s32 $0xFFFFC000  }
0x41: {  	[spmem:s11] =	stream.linear.scatter [tilespmem:s18], [sflag:$0x6], $0x4000, $0x38;
	[tilespmem:$0x1D000] =	vst v63  }
0x42: {  	_ =	swait.ge [sflag:s19], $0x4000  }
0x43: {  	s12 =	sld [smem:$0x7FB]  }
0x44: {  	[sflag:s19] =	ssyncset.done $0x0  }
0x45: {  	[sflag:s19] =	ssyncadd.s32 $0xFFFFC000  }
0x46: {  	[spmem:s12] =	stream.linear.scatter [tilespmem:s18], [sflag:$0x6], $0x4000, $0x38;
	[tilespmem:$0x1D000] =	vst v63  }
0x47: {  	_ =	swait.ge [sflag:s19], $0x4000  }
0x48: {  	s10 =	sld [smem:$0x7FC]  }
0x49: {  	[sflag:s19] =	ssyncset.done $0x0  }
0x4a: {  	[sflag:s19] =	ssyncadd.s32 $0xFFFFC000  }
0x4b: {  	[spmem:s10] =	stream.linear.scatter [tilespmem:s18], [sflag:$0x6], $0x4000, $0x38;
	[tilespmem:$0x1D000] =	vst v63  }
0x4c: {  	_ =	swait.ge [sflag:s19], $0x4000  }
0x4d: {  	[sflag:s19] =	ssyncset.done $0x0  }
0x4e: {  	[sflag:s19] =	ssyncadd.s32 $0xFFFFC000  }
0x4f: {  	[bflag:$0x0] =	sbarrier.arrive $0xFFFF  }
0x50: {  	s10 =	sld [smem:$0x7FD];
	_ =	sdelay $0x1  }
0x51: {  	s9 =	simm.s32 $0x0  }
0x52: {  	[tilespmem:s9], [sflag:$0x6] =	stream.linear.gather [hbm4b:s10+s9], $0x400, $0x38;
	[tilespmem:$0x1D000] =	vst v63  }
0x53: {  	_ =	swait.ge [sflag:s19], $0x400  }
0x54: {  	[sflag:s19] =	ssyncset.done $0x0  }
0x55: {  	[sflag:s19] =	ssyncadd.s32 $0xFFFFFC00  }
0x56: {  	[tilespmem:s20], [sflag:$0x6] =	stream.linear.gather [hbm4b:s13+s9], $0x400, $0x38;
	[tilespmem:$0x1D000] =	vst v63  }
0x57: {  	_ =	swait.ge [sflag:s19], $0x400  }
0x58: {  	[sflag:s19] =	ssyncset.done $0x0  }
0x59: {  	[sflag:s19] =	ssyncadd.s32 $0xFFFFFC00  }
0x5a: {  	[tilespmem:s21], [sflag:$0x3] =	stream.linear.gather [hbm4b:s14+s9], $0x400, $0x38;
	[tilespmem:$0x1D000] =	vst v63  }
0x5b: {  	_ = 	snop  }
0x5c: {  	[tilespmem:s22], [sflag:$0x4] =	stream.linear.gather [hbm4b:s15+s9], $0x400, $0x38;
	[tilespmem:$0x1D000] =	vst v63  }
0x5d: {  	_ = 	snop  }
0x5e: {  	[tilespmem:s18], [sflag:$0x1] =	stream.indirect.gather [hbm4b:s1+s23], $0x80, s9, s23, $0xb8;
	[tilespmem:$0x1D000] =	vst v63  }
0x5f: {  	_ = 	snop  }
0x60: {  	[tilespmem:s24], [sflag:$0x2] =	stream.indirect.gather [hbm4b:s1+s23], $0x80, s23, s23, $0xb8;
	[tilespmem:$0x1D000] =	vst v63  }
0x61: {  	_ =	swait.ge [sflag:s25], $0x4000  }
0x62: {  	[sflag:s25] =	ssyncset.done $0x0  }
0x63: {  	[sflag:s25] =	ssyncadd.s32 $0xFFFFC000  }
0x64: {  	[spmem:s3] =	stream.indirect.scatter.add.f32 [tilespmem:s18], [sflag:$0x5], $0x80, s20, s23, $0xb8;
	[tilespmem:$0x1D000] =	vst v63  }
0x65: {  	_ =	swait.ge [sflag:s26], $0x4000  }
0x66: {  	[sflag:s26] =	ssyncset.done $0x0  }
0x67: {  	s11 =	rddreg [dreg:$0x6];
	[sflag:s26] =	ssyncadd.s32 $0xFFFFC000  }
0x68: {  	[tilespmem:s18], [sflag:$0x1] =	stream.indirect.gather [hbm4b:s1+s23], $0x80, s11, s23, $0xb8;
	[tilespmem:$0x1D000] =	vst v63  }
0x69: {  	_ =	swait.ge [sflag:s28], $0x4000  }
0x6a: {  	[sflag:s28] =	ssyncset.done $0x0  }
0x6b: {  	s12 =	rddreg [dreg:$0x7];
	[sflag:s28] =	ssyncadd.s32 $0xFFFFC000  }
0x6c: {  	[spmem:s3] =	stream.indirect.scatter.add.f32 [tilespmem:s24], [sflag:$0x5], $0x80, s12, s23, $0xb8;
	[tilespmem:$0x1D000] =	vst v63  }
0x6d: {  	_ =	swait.ge [sflag:s26], $0x4000  }
0x6e: {  	[sflag:s26] =	ssyncset.done $0x0  }
0x6f: {  	s11 =	rddreg [dreg:$0x8];
	[sflag:s26] =	ssyncadd.s32 $0xFFFFC000  }
0x70: {  	[tilespmem:s24], [sflag:$0x2] =	stream.indirect.gather [hbm4b:s1+s23], $0x80, s11, s23, $0xb8;
	[tilespmem:$0x1D000] =	vst v63  }
0x71: {  	_ =	swait.ge [sflag:s25], $0x4000  }
0x72: {  	[sflag:s25] =	ssyncset.done $0x0  }
0x73: {  	s12 =	rddreg [dreg:$0x9];
	[sflag:s25] =	ssyncadd.s32 $0xFFFFC000  }
0x74: {  	[spmem:s3] =	stream.indirect.scatter.add.f32 [tilespmem:s18], [sflag:$0x5], $0x80, s12, s23, $0xb8;
	[tilespmem:$0x1D000] =	vst v63  }
0x75: {  	_ =	swait.ge [sflag:s26], $0x4000  }
0x76: {  	[sflag:s26] =	ssyncset.done $0x0  }
0x77: {  	s11 =	rddreg [dreg:$0xa];
	[sflag:s26] =	ssyncadd.s32 $0xFFFFC000  }
0x78: {  	[tilespmem:s18], [sflag:$0x1] =	stream.indirect.gather [hbm4b:s1+s23], $0x80, s11, s23, $0xb8;
	[tilespmem:$0x1D000] =	vst v63  }
0x79: {  	_ =	swait.ge [sflag:s28], $0x4000  }
0x7a: {  	[sflag:s28] =	ssyncset.done $0x0  }
0x7b: {  	s12 =	rddreg [dreg:$0xb];
	[sflag:s28] =	ssyncadd.s32 $0xFFFFC000  }
0x7c: {  	[spmem:s3] =	stream.indirect.scatter.add.f32 [tilespmem:s24], [sflag:$0x5], $0x80, s12, s23, $0xb8;
	[tilespmem:$0x1D000] =	vst v63  }
0x7d: {  	_ =	swait.ge [sflag:s26], $0x4000  }
0x7e: {  	[sflag:s26] =	ssyncset.done $0x0  }
0x7f: {  	s11 =	rddreg [dreg:$0xc];
	[sflag:s26] =	ssyncadd.s32 $0xFFFFC000  }
0x80: {  	[tilespmem:s24], [sflag:$0x2] =	stream.indirect.gather [hbm4b:s1+s23], $0x80, s11, s23, $0xb8;
	[tilespmem:$0x1D000] =	vst v63  }
0x81: {  	_ =	swait.ge [sflag:s25], $0x4000  }
0x82: {  	[sflag:s25] =	ssyncset.done $0x0  }
0x83: {  	s12 =	rddreg [dreg:$0xd];
	[sflag:s25] =	ssyncadd.s32 $0xFFFFC000  }
0x84: {  	[spmem:s3] =	stream.indirect.scatter.add.f32 [tilespmem:s18], [sflag:$0x5], $0x80, s12, s23, $0xb8;
	[tilespmem:$0x1D000] =	vst v63  }
0x85: {  	_ =	swait.ge [sflag:s26], $0x4000  }
0x86: {  	[sflag:s26] =	ssyncset.done $0x0  }
0x87: {  	s11 =	rddreg [dreg:$0xe];
	[sflag:s26] =	ssyncadd.s32 $0xFFFFC000  }
0x88: {  	[tilespmem:s18], [sflag:$0x1] =	stream.indirect.gather [hbm4b:s1+s23], $0x80, s11, s23, $0xb8;
	[tilespmem:$0x1D000] =	vst v63  }
0x89: {  	_ =	swait.ge [sflag:s28], $0x4000  }
0x8a: {  	[sflag:s28] =	ssyncset.done $0x0  }
0x8b: {  	s12 =	rddreg [dreg:$0xf];
	[sflag:s28] =	ssyncadd.s32 $0xFFFFC000  }
0x8c: {  	[spmem:s3] =	stream.indirect.scatter.add.f32 [tilespmem:s24], [sflag:$0x5], $0x80, s12, s23, $0xb8;
	[tilespmem:$0x1D000] =	vst v63  }
0x8d: {  	_ =	swait.ge [sflag:s26], $0x4000  }
0x8e: {  	[sflag:s26] =	ssyncset.done $0x0  }
0x8f: {  	s11 =	rddreg [dreg:$0x10];
	[sflag:s26] =	ssyncadd.s32 $0xFFFFC000  }
0x90: {  	[tilespmem:s24], [sflag:$0x2] =	stream.indirect.gather [hbm4b:s1+s23], $0x80, s11, s23, $0xb8;
	[tilespmem:$0x1D000] =	vst v63  }
0x91: {  	_ =	swait.ge [sflag:s25], $0x4000  }
0x92: {  	[sflag:s25] =	ssyncset.done $0x0  }
0x93: {  	s12 =	rddreg [dreg:$0x11];
	[sflag:s25] =	ssyncadd.s32 $0xFFFFC000  }
0x94: {  	[spmem:s3] =	stream.indirect.scatter.add.f32 [tilespmem:s18], [sflag:$0x5], $0x80, s12, s23, $0xb8;
	[tilespmem:$0x1D000] =	vst v63  }
0x95: {  	_ =	swait.ge [sflag:s26], $0x4000  }
0x96: {  	[sflag:s26] =	ssyncset.done $0x0  }
0x97: {  	[sflag:s26] =	ssyncadd.s32 $0xFFFFC000  }
0x98: {  	_ =	swait.ge [sflag:s29], $0x400  }
0x99: {  	[sflag:s29] =	ssyncset.done $0x0  }
0x9a: {  	[sflag:s29] =	ssyncadd.s32 $0xFFFFFC00  }
0x9b: {  	_ =	swait.ge [sflag:s30], $0x400  }
0x9c: {  	[sflag:s30] =	ssyncset.done $0x0  }
0x9d: {  	[sflag:s30] =	ssyncadd.s32 $0xFFFFFC00  }
0x9e: {  	[tilespmem:s18], [sflag:$0x1] =	stream.indirect.gather [hbm4b:s1+s23], $0x80, s21, s23, $0xb8;
	[tilespmem:$0x1D000] =	vst v63  }
0x9f: {  	_ =	swait.ge [sflag:s28], $0x4000  }
0xa0: {  	[sflag:s28] =	ssyncset.done $0x0  }
0xa1: {  	s11 =	rddreg [dreg:$0x12];
	[sflag:s28] =	ssyncadd.s32 $0xFFFFC000  }
0xa2: {  	[spmem:s3] =	stream.indirect.scatter.add.f32 [tilespmem:s24], [sflag:$0x5], $0x80, s11, s23, $0xb8;
	[tilespmem:$0x1D000] =	vst v63  }
0xa3: {  	s11 =	smin.u32 s9, $0x7;
	_ =	swait.ge [sflag:s26], $0x4000  }
0xa4: {  	s11 =	sshll.u32 s11, $0xA;
	s12 =	rddreg [dreg:$0x4]  }
0xa5: {  	s10 =	sadd.s32 s11, s12  }
0xa6: {  	[sflag:s26] =	ssyncset.done $0x0;
	s10 =	sshrl.u32 s10, $0x3  }
0xa7: {  	[sflag:s26] =	ssyncadd.s32 $0xFFFFC000;
	s12 =	sadd.s32 s5, s10  }
0xa8: {  	[tilespmem:s4], [sflag:$0x3] =	stream.linear.gather [hbm4b:s12+s4], $0x400, $0x38;
	[tilespmem:$0x1D000] =	vst v63  }
0xa9: {  	s10 =	sadd.s32 s6, s10  }
0xaa: {  	[tilespmem:s20], [sflag:$0x4] =	stream.linear.gather [hbm4b:s10+s4], $0x400, $0x38;
	[tilespmem:$0x1D000] =	vst v63  }
0xab: {  	s12 =	rddreg [dreg:$0x13]  }
0xac: {  	[tilespmem:s24], [sflag:$0x2] =	stream.indirect.gather [hbm4b:s1+s23], $0x80, s12, s23, $0xb8;
	[tilespmem:$0x1D000] =	vst v63  }
0xad: {  	_ =	swait.ge [sflag:s25], $0x4000  }
0xae: {  	[sflag:s25] =	ssyncset.done $0x0  }
0xaf: {  	[sflag:s25] =	ssyncadd.s32 $0xFFFFC000  }
0xb0: {  	[spmem:s3] =	stream.indirect.scatter.add.f32 [tilespmem:s18], [sflag:$0x5], $0x80, s22, s23, $0xb8;
	[tilespmem:$0x1D000] =	vst v63  }
0xb1: {  	_ =	swait.ge [sflag:s26], $0x4000  }
0xb2: {  	[sflag:s26] =	ssyncset.done $0x0  }
0xb3: {  	s12 =	rddreg [dreg:$0x14];
	[sflag:s26] =	ssyncadd.s32 $0xFFFFC000  }
0xb4: {  	[tilespmem:s18], [sflag:$0x1] =	stream.indirect.gather [hbm4b:s1+s23], $0x80, s12, s23, $0xb8;
	[tilespmem:$0x1D000] =	vst v63  }
0xb5: {  	_ =	swait.ge [sflag:s28], $0x4000  }
0xb6: {  	[sflag:s28] =	ssyncset.done $0x0  }
0xb7: {  	s11 =	rddreg [dreg:$0x15];
	[sflag:s28] =	ssyncadd.s32 $0xFFFFC000  }
0xb8: {  	[spmem:s3] =	stream.indirect.scatter.add.f32 [tilespmem:s24], [sflag:$0x5], $0x80, s11, s23, $0xb8;
	[tilespmem:$0x1D000] =	vst v63  }
0xb9: {  	_ =	swait.ge [sflag:s26], $0x4000  }
0xba: {  	[sflag:s26] =	ssyncset.done $0x0  }
0xbb: {  	s12 =	rddreg [dreg:$0x16];
	[sflag:s26] =	ssyncadd.s32 $0xFFFFC000  }
0xbc: {  	[tilespmem:s24], [sflag:$0x2] =	stream.indirect.gather [hbm4b:s1+s23], $0x80, s12, s23, $0xb8;
	[tilespmem:$0x1D000] =	vst v63  }
0xbd: {  	_ =	swait.ge [sflag:s25], $0x4000  }
0xbe: {  	[sflag:s25] =	ssyncset.done $0x0  }
0xbf: {  	s11 =	rddreg [dreg:$0x17];
	[sflag:s25] =	ssyncadd.s32 $0xFFFFC000  }
0xc0: {  	[spmem:s3] =	stream.indirect.scatter.add.f32 [tilespmem:s18], [sflag:$0x5], $0x80, s11, s23, $0xb8;
	[tilespmem:$0x1D000] =	vst v63  }
0xc1: {  	_ =	swait.ge [sflag:s26], $0x4000  }
0xc2: {  	[sflag:s26] =	ssyncset.done $0x0  }
0xc3: {  	s12 =	rddreg [dreg:$0x18];
	[sflag:s26] =	ssyncadd.s32 $0xFFFFC000  }
0xc4: {  	[tilespmem:s18], [sflag:$0x1] =	stream.indirect.gather [hbm4b:s1+s23], $0x80, s12, s23, $0xb8;
	[tilespmem:$0x1D000] =	vst v63  }
0xc5: {  	_ =	swait.ge [sflag:s28], $0x4000  }
0xc6: {  	[sflag:s28] =	ssyncset.done $0x0  }
0xc7: {  	s11 =	rddreg [dreg:$0x19];
	[sflag:s28] =	ssyncadd.s32 $0xFFFFC000  }
0xc8: {  	[spmem:s3] =	stream.indirect.scatter.add.f32 [tilespmem:s24], [sflag:$0x5], $0x80, s11, s23, $0xb8;
	[tilespmem:$0x1D000] =	vst v63  }
0xc9: {  	_ =	swait.ge [sflag:s26], $0x4000  }
0xca: {  	[sflag:s26] =	ssyncset.done $0x0  }
0xcb: {  	s12 =	rddreg [dreg:$0x1a];
	[sflag:s26] =	ssyncadd.s32 $0xFFFFC000  }
0xcc: {  	[tilespmem:s24], [sflag:$0x2] =	stream.indirect.gather [hbm4b:s1+s23], $0x80, s12, s23, $0xb8;
	[tilespmem:$0x1D000] =	vst v63  }
0xcd: {  	_ =	swait.ge [sflag:s25], $0x4000  }
0xce: {  	[sflag:s25] =	ssyncset.done $0x0  }
0xcf: {  	s11 =	rddreg [dreg:$0x1b];
	[sflag:s25] =	ssyncadd.s32 $0xFFFFC000  }
0xd0: {  	[spmem:s3] =	stream.indirect.scatter.add.f32 [tilespmem:s18], [sflag:$0x5], $0x80, s11, s23, $0xb8;
	[tilespmem:$0x1D000] =	vst v63  }
0xd1: {  	_ =	swait.ge [sflag:s26], $0x4000  }
0xd2: {  	[sflag:s26] =	ssyncset.done $0x0  }
0xd3: {  	s12 =	rddreg [dreg:$0x1c];
	[sflag:s26] =	ssyncadd.s32 $0xFFFFC000  }
0xd4: {  	[tilespmem:s18], [sflag:$0x1] =	stream.indirect.gather [hbm4b:s1+s23], $0x80, s12, s23, $0xb8;
	[tilespmem:$0x1D000] =	vst v63  }
0xd5: {  	_ =	swait.ge [sflag:s28], $0x4000  }
0xd6: {  	[sflag:s28] =	ssyncset.done $0x0  }
0xd7: {  	s11 =	rddreg [dreg:$0x1d];
	[sflag:s28] =	ssyncadd.s32 $0xFFFFC000  }
0xd8: {  	[spmem:s3] =	stream.indirect.scatter.add.f32 [tilespmem:s24], [sflag:$0x5], $0x80, s11, s23, $0xb8;
	[tilespmem:$0x1D000] =	vst v63  }
0xd9: {  	_ =	swait.ge [sflag:s26], $0x4000  }
0xda: {  	[sflag:s26] =	ssyncset.done $0x0  }
0xdb: {  	[sflag:s26] =	ssyncadd.s32 $0xFFFFC000  }
0xdc: {  	[tilespmem:s24], [sflag:$0x2] =	stream.indirect.gather [hbm4b:s1+s23], $0x80, s31, s23, $0xb8;
	[tilespmem:$0x1D000] =	vst v63  }
0xdd: {  	_ =	swait.ge [sflag:s25], $0x4000  }
0xde: {  	[sflag:s25] =	ssyncset.done $0x0  }
0xdf: {  	[sflag:s25] =	ssyncadd.s32 $0xFFFFC000  }
0xe0: {  	[spmem:s3] =	stream.indirect.scatter.add.f32 [tilespmem:s18], [sflag:$0x5], $0x80, s0, s23, $0xb8;
	[tilespmem:$0x1D000] =	vst v63  }
0xe1: {  	_ =	swait.ge [sflag:s26], $0x4000  }
0xe2: {  	[sflag:s26] =	ssyncset.done $0x0  }
0xe3: {  	[sflag:s26] =	ssyncadd.s32 $0xFFFFC000  }
0xe4: {  	_ =	swait.ge [sflag:s29], $0x400  }
0xe5: {  	[sflag:s29] =	ssyncset.done $0x0  }
0xe6: {  	[sflag:s29] =	ssyncadd.s32 $0xFFFFFC00  }
0xe7: {  	_ =	swait.ge [sflag:s30], $0x400  }
0xe8: {  	[sflag:s30] =	ssyncset.done $0x0  }
0xe9: {  	[sflag:s30] =	ssyncadd.s32 $0xFFFFFC00  }
0xea: {  	[tilespmem:s18], [sflag:$0x1] =	stream.indirect.gather [hbm4b:s1+s23], $0x80, s4, s23, $0xb8;
	[tilespmem:$0x1D000] =	vst v63  }
0xeb: {  	_ =	swait.ge [sflag:s28], $0x4000  }
0xec: {  	[sflag:s28] =	ssyncset.done $0x0  }
0xed: {  	[sflag:s28] =	ssyncadd.s32 $0xFFFFC000  }
0xee: {  	[spmem:s3] =	stream.indirect.scatter.add.f32 [tilespmem:s24], [sflag:$0x5], $0x80, s2, s23, $0xb8;
	[tilespmem:$0x1D000] =	vst v63  }
0xef: {  	s9 =	smin.u32 s9, $0x6;
	_ =	swait.ge [sflag:s26], $0x4000  }
0xf0: {  	s9 =	sshll.u32 s9, $0xA;
	s12 =	rddreg [dreg:$0x5]  }
0xf1: {  	s9 =	sadd.s32 s9, s12  }
0xf2: {  	[sflag:s26] =	ssyncset.done $0x0;
	s10 =	sshrl.u32 s9, $0x3  }
0xf3: {  	[sflag:s26] =	ssyncadd.s32 $0xFFFFC000;
	s9 =	sadd.s32 s5, s10  }
0xf4: {  	[tilespmem:s21], [sflag:$0x3] =	stream.linear.gather [hbm4b:s9+s4], $0x400, $0x38;
	[tilespmem:$0x1D000] =	vst v63  }
0xf5: {  	s10 =	sadd.s32 s6, s10;
	s9 =	simm.s32 $0x2  }
.LBB2_4:
0xf6: {  	[tilespmem:s22], [sflag:$0x4] =	stream.linear.gather [hbm4b:s10+s4], $0x400, $0x38;
	[tilespmem:$0x1D000] =	vst v63  }
0xf7: {  	_ = 	snop  }
0xf8: {  	[tilespmem:s24], [sflag:$0x2] =	stream.indirect.gather [hbm4b:s1+s23], $0x80, s23, s23, $0xb8;
	[tilespmem:$0x1D000] =	vst v63  }
0xf9: {  	_ =	swait.ge [sflag:s25], $0x4000  }
0xfa: {  	[sflag:s25] =	ssyncset.done $0x0  }
0xfb: {  	[sflag:s25] =	ssyncadd.s32 $0xFFFFC000  }
0xfc: {  	[spmem:s3] =	stream.indirect.scatter.add.f32 [tilespmem:s18], [sflag:$0x5], $0x80, s20, s23, $0xb8;
	[tilespmem:$0x1D000] =	vst v63  }
0xfd: {  	_ =	swait.ge [sflag:s26], $0x4000  }
0xfe: {  	[sflag:s26] =	ssyncset.done $0x0  }
0xff: {  	s11 =	rddreg [dreg:$0x6];
	[sflag:s26] =	ssyncadd.s32 $0xFFFFC000  }
0x100: {  	[tilespmem:s18], [sflag:$0x1] =	stream.indirect.gather [hbm4b:s1+s23], $0x80, s11, s23, $0xb8;
	[tilespmem:$0x1D000] =	vst v63  }
0x101: {  	_ =	swait.ge [sflag:s28], $0x4000  }
0x102: {  	[sflag:s28] =	ssyncset.done $0x0  }
0x103: {  	s12 =	rddreg [dreg:$0x7];
	[sflag:s28] =	ssyncadd.s32 $0xFFFFC000  }
0x104: {  	[spmem:s3] =	stream.indirect.scatter.add.f32 [tilespmem:s24], [sflag:$0x5], $0x80, s12, s23, $0xb8;
	[tilespmem:$0x1D000] =	vst v63  }
0x105: {  	_ =	swait.ge [sflag:s26], $0x4000  }
0x106: {  	[sflag:s26] =	ssyncset.done $0x0  }
0x107: {  	s12 =	rddreg [dreg:$0x8];
	[sflag:s26] =	ssyncadd.s32 $0xFFFFC000  }
0x108: {  	[tilespmem:s24], [sflag:$0x2] =	stream.indirect.gather [hbm4b:s1+s23], $0x80, s12, s23, $0xb8;
	[tilespmem:$0x1D000] =	vst v63  }
0x109: {  	_ =	swait.ge [sflag:s25], $0x4000  }
0x10a: {  	[sflag:s25] =	ssyncset.done $0x0  }
0x10b: {  	s12 =	rddreg [dreg:$0x9];
	[sflag:s25] =	ssyncadd.s32 $0xFFFFC000  }
0x10c: {  	[spmem:s3] =	stream.indirect.scatter.add.f32 [tilespmem:s18], [sflag:$0x5], $0x80, s12, s23, $0xb8;
	[tilespmem:$0x1D000] =	vst v63  }
0x10d: {  	_ =	swait.ge [sflag:s26], $0x4000  }
0x10e: {  	[sflag:s26] =	ssyncset.done $0x0  }
0x10f: {  	s12 =	rddreg [dreg:$0xa];
	[sflag:s26] =	ssyncadd.s32 $0xFFFFC000  }
0x110: {  	[tilespmem:s18], [sflag:$0x1] =	stream.indirect.gather [hbm4b:s1+s23], $0x80, s12, s23, $0xb8;
	[tilespmem:$0x1D000] =	vst v63  }
0x111: {  	_ =	swait.ge [sflag:s28], $0x4000  }
0x112: {  	[sflag:s28] =	ssyncset.done $0x0  }
0x113: {  	s12 =	rddreg [dreg:$0xb];
	[sflag:s28] =	ssyncadd.s32 $0xFFFFC000  }
0x114: {  	[spmem:s3] =	stream.indirect.scatter.add.f32 [tilespmem:s24], [sflag:$0x5], $0x80, s12, s23, $0xb8;
	[tilespmem:$0x1D000] =	vst v63  }
0x115: {  	_ =	swait.ge [sflag:s26], $0x4000  }
0x116: {  	[sflag:s26] =	ssyncset.done $0x0  }
0x117: {  	s12 =	rddreg [dreg:$0xc];
	[sflag:s26] =	ssyncadd.s32 $0xFFFFC000  }
0x118: {  	[tilespmem:s24], [sflag:$0x2] =	stream.indirect.gather [hbm4b:s1+s23], $0x80, s12, s23, $0xb8;
	[tilespmem:$0x1D000] =	vst v63  }
0x119: {  	_ =	swait.ge [sflag:s25], $0x4000  }
0x11a: {  	[sflag:s25] =	ssyncset.done $0x0  }
0x11b: {  	s12 =	rddreg [dreg:$0xd];
	[sflag:s25] =	ssyncadd.s32 $0xFFFFC000  }
0x11c: {  	[spmem:s3] =	stream.indirect.scatter.add.f32 [tilespmem:s18], [sflag:$0x5], $0x80, s12, s23, $0xb8;
	[tilespmem:$0x1D000] =	vst v63  }
0x11d: {  	_ =	swait.ge [sflag:s26], $0x4000  }
0x11e: {  	[sflag:s26] =	ssyncset.done $0x0  }
0x11f: {  	s12 =	rddreg [dreg:$0xe];
	[sflag:s26] =	ssyncadd.s32 $0xFFFFC000  }
0x120: {  	[tilespmem:s18], [sflag:$0x1] =	stream.indirect.gather [hbm4b:s1+s23], $0x80, s12, s23, $0xb8;
	[tilespmem:$0x1D000] =	vst v63  }
0x121: {  	_ =	swait.ge [sflag:s28], $0x4000  }
0x122: {  	[sflag:s28] =	ssyncset.done $0x0  }
0x123: {  	s12 =	rddreg [dreg:$0xf];
	[sflag:s28] =	ssyncadd.s32 $0xFFFFC000  }
0x124: {  	[spmem:s3] =	stream.indirect.scatter.add.f32 [tilespmem:s24], [sflag:$0x5], $0x80, s12, s23, $0xb8;
	[tilespmem:$0x1D000] =	vst v63  }
0x125: {  	_ =	swait.ge [sflag:s26], $0x4000  }
0x126: {  	[sflag:s26] =	ssyncset.done $0x0  }
0x127: {  	s12 =	rddreg [dreg:$0x10];
	[sflag:s26] =	ssyncadd.s32 $0xFFFFC000  }
0x128: {  	[tilespmem:s24], [sflag:$0x2] =	stream.indirect.gather [hbm4b:s1+s23], $0x80, s12, s23, $0xb8;
	[tilespmem:$0x1D000] =	vst v63  }
0x129: {  	_ =	swait.ge [sflag:s25], $0x4000  }
0x12a: {  	[sflag:s25] =	ssyncset.done $0x0  }
0x12b: {  	s12 =	rddreg [dreg:$0x11];
	[sflag:s25] =	ssyncadd.s32 $0xFFFFC000  }
0x12c: {  	[spmem:s3] =	stream.indirect.scatter.add.f32 [tilespmem:s18], [sflag:$0x5], $0x80, s12, s23, $0xb8;
	[tilespmem:$0x1D000] =	vst v63  }
0x12d: {  	_ =	swait.ge [sflag:s26], $0x4000  }
0x12e: {  	[sflag:s26] =	ssyncset.done $0x0  }
0x12f: {  	[sflag:s26] =	ssyncadd.s32 $0xFFFFC000  }
0x130: {  	_ =	swait.ge [sflag:s29], $0x400  }
0x131: {  	[sflag:s29] =	ssyncset.done $0x0  }
0x132: {  	[sflag:s29] =	ssyncadd.s32 $0xFFFFFC00  }
0x133: {  	_ =	swait.ge [sflag:s30], $0x400  }
0x134: {  	[sflag:s30] =	ssyncset.done $0x0  }
0x135: {  	[sflag:s30] =	ssyncadd.s32 $0xFFFFFC00  }
0x136: {  	[tilespmem:s18], [sflag:$0x1] =	stream.indirect.gather [hbm4b:s1+s23], $0x80, s21, s23, $0xb8;
	[tilespmem:$0x1D000] =	vst v63  }
0x137: {  	_ =	swait.ge [sflag:s28], $0x4000  }
0x138: {  	[sflag:s28] =	ssyncset.done $0x0  }
0x139: {  	s10 =	smov.u32 s9;
	s12 =	rddreg [dreg:$0x12];
	[sflag:s28] =	ssyncadd.s32 $0xFFFFC000  }
0x13a: {  	[spmem:s3] =	stream.indirect.scatter.add.f32 [tilespmem:s24], [sflag:$0x5], $0x80, s12, s23, $0xb8;
	[tilespmem:$0x1D000] =	vst v63  }
0x13b: {  	s12 =	smin.u32 s10, $0x7;
	_ =	swait.ge [sflag:s26], $0x4000  }
0x13c: {  	s12 =	sshll.u32 s12, $0xA;
	s11 =	rddreg [dreg:$0x4]  }
0x13d: {  	s11 =	sadd.s32 s12, s11  }
0x13e: {  	[sflag:s26] =	ssyncset.done $0x0;
	s11 =	sshrl.u32 s11, $0x3  }
0x13f: {  	[sflag:s26] =	ssyncadd.s32 $0xFFFFC000;
	s12 =	sadd.s32 s5, s11  }
0x140: {  	[tilespmem:s4], [sflag:$0x3] =	stream.linear.gather [hbm4b:s12+s4], $0x400, $0x38;
	[tilespmem:$0x1D000] =	vst v63  }
0x141: {  	s11 =	sadd.s32 s6, s11  }
0x142: {  	[tilespmem:s20], [sflag:$0x4] =	stream.linear.gather [hbm4b:s11+s4], $0x400, $0x38;
	[tilespmem:$0x1D000] =	vst v63  }
0x143: {  	s12 =	rddreg [dreg:$0x13]  }
0x144: {  	[tilespmem:s24], [sflag:$0x2] =	stream.indirect.gather [hbm4b:s1+s23], $0x80, s12, s23, $0xb8;
	[tilespmem:$0x1D000] =	vst v63  }
0x145: {  	_ =	swait.ge [sflag:s25], $0x4000  }
0x146: {  	[sflag:s25] =	ssyncset.done $0x0  }
0x147: {  	[sflag:s25] =	ssyncadd.s32 $0xFFFFC000  }
0x148: {  	[spmem:s3] =	stream.indirect.scatter.add.f32 [tilespmem:s18], [sflag:$0x5], $0x80, s22, s23, $0xb8;
	[tilespmem:$0x1D000] =	vst v63  }
0x149: {  	_ =	swait.ge [sflag:s26], $0x4000  }
0x14a: {  	[sflag:s26] =	ssyncset.done $0x0  }
0x14b: {  	s12 =	rddreg [dreg:$0x14];
	[sflag:s26] =	ssyncadd.s32 $0xFFFFC000  }
0x14c: {  	[tilespmem:s18], [sflag:$0x1] =	stream.indirect.gather [hbm4b:s1+s23], $0x80, s12, s23, $0xb8;
	[tilespmem:$0x1D000] =	vst v63  }
0x14d: {  	_ =	swait.ge [sflag:s28], $0x4000  }
0x14e: {  	[sflag:s28] =	ssyncset.done $0x0  }
0x14f: {  	s12 =	rddreg [dreg:$0x15];
	[sflag:s28] =	ssyncadd.s32 $0xFFFFC000  }
0x150: {  	[spmem:s3] =	stream.indirect.scatter.add.f32 [tilespmem:s24], [sflag:$0x5], $0x80, s12, s23, $0xb8;
	[tilespmem:$0x1D000] =	vst v63  }
0x151: {  	_ =	swait.ge [sflag:s26], $0x4000  }
0x152: {  	[sflag:s26] =	ssyncset.done $0x0  }
0x153: {  	s12 =	rddreg [dreg:$0x16];
	[sflag:s26] =	ssyncadd.s32 $0xFFFFC000  }
0x154: {  	[tilespmem:s24], [sflag:$0x2] =	stream.indirect.gather [hbm4b:s1+s23], $0x80, s12, s23, $0xb8;
	[tilespmem:$0x1D000] =	vst v63  }
0x155: {  	_ =	swait.ge [sflag:s25], $0x4000  }
0x156: {  	[sflag:s25] =	ssyncset.done $0x0  }
0x157: {  	s12 =	rddreg [dreg:$0x17];
	[sflag:s25] =	ssyncadd.s32 $0xFFFFC000  }
0x158: {  	[spmem:s3] =	stream.indirect.scatter.add.f32 [tilespmem:s18], [sflag:$0x5], $0x80, s12, s23, $0xb8;
	[tilespmem:$0x1D000] =	vst v63  }
0x159: {  	_ =	swait.ge [sflag:s26], $0x4000  }
0x15a: {  	[sflag:s26] =	ssyncset.done $0x0  }
0x15b: {  	s12 =	rddreg [dreg:$0x18];
	[sflag:s26] =	ssyncadd.s32 $0xFFFFC000  }
0x15c: {  	[tilespmem:s18], [sflag:$0x1] =	stream.indirect.gather [hbm4b:s1+s23], $0x80, s12, s23, $0xb8;
	[tilespmem:$0x1D000] =	vst v63  }
0x15d: {  	_ =	swait.ge [sflag:s28], $0x4000  }
0x15e: {  	[sflag:s28] =	ssyncset.done $0x0  }
0x15f: {  	s12 =	rddreg [dreg:$0x19];
	[sflag:s28] =	ssyncadd.s32 $0xFFFFC000  }
0x160: {  	[spmem:s3] =	stream.indirect.scatter.add.f32 [tilespmem:s24], [sflag:$0x5], $0x80, s12, s23, $0xb8;
	[tilespmem:$0x1D000] =	vst v63  }
0x161: {  	_ =	swait.ge [sflag:s26], $0x4000  }
0x162: {  	[sflag:s26] =	ssyncset.done $0x0  }
0x163: {  	s12 =	rddreg [dreg:$0x1a];
	[sflag:s26] =	ssyncadd.s32 $0xFFFFC000  }
0x164: {  	[tilespmem:s24], [sflag:$0x2] =	stream.indirect.gather [hbm4b:s1+s23], $0x80, s12, s23, $0xb8;
	[tilespmem:$0x1D000] =	vst v63  }
0x165: {  	_ =	swait.ge [sflag:s25], $0x4000  }
0x166: {  	[sflag:s25] =	ssyncset.done $0x0  }
0x167: {  	s12 =	rddreg [dreg:$0x1b];
	[sflag:s25] =	ssyncadd.s32 $0xFFFFC000  }
0x168: {  	[spmem:s3] =	stream.indirect.scatter.add.f32 [tilespmem:s18], [sflag:$0x5], $0x80, s12, s23, $0xb8;
	[tilespmem:$0x1D000] =	vst v63  }
0x169: {  	_ =	swait.ge [sflag:s26], $0x4000  }
0x16a: {  	[sflag:s26] =	ssyncset.done $0x0  }
0x16b: {  	s12 =	rddreg [dreg:$0x1c];
	[sflag:s26] =	ssyncadd.s32 $0xFFFFC000  }
0x16c: {  	[tilespmem:s18], [sflag:$0x1] =	stream.indirect.gather [hbm4b:s1+s23], $0x80, s12, s23, $0xb8;
	[tilespmem:$0x1D000] =	vst v63  }
0x16d: {  	_ =	swait.ge [sflag:s28], $0x4000  }
0x16e: {  	[sflag:s28] =	ssyncset.done $0x0  }
0x16f: {  	s12 =	rddreg [dreg:$0x1d];
	[sflag:s28] =	ssyncadd.s32 $0xFFFFC000  }
0x170: {  	[spmem:s3] =	stream.indirect.scatter.add.f32 [tilespmem:s24], [sflag:$0x5], $0x80, s12, s23, $0xb8;
	[tilespmem:$0x1D000] =	vst v63  }
0x171: {  	_ =	swait.ge [sflag:s26], $0x4000  }
0x172: {  	[sflag:s26] =	ssyncset.done $0x0  }
0x173: {  	[sflag:s26] =	ssyncadd.s32 $0xFFFFC000  }
0x174: {  	[tilespmem:s24], [sflag:$0x2] =	stream.indirect.gather [hbm4b:s1+s23], $0x80, s31, s23, $0xb8;
	[tilespmem:$0x1D000] =	vst v63  }
0x175: {  	_ =	swait.ge [sflag:s25], $0x4000  }
0x176: {  	[sflag:s25] =	ssyncset.done $0x0  }
0x177: {  	[sflag:s25] =	ssyncadd.s32 $0xFFFFC000  }
0x178: {  	[spmem:s3] =	stream.indirect.scatter.add.f32 [tilespmem:s18], [sflag:$0x5], $0x80, s0, s23, $0xb8;
	[tilespmem:$0x1D000] =	vst v63  }
0x179: {  	_ =	swait.ge [sflag:s26], $0x4000  }
0x17a: {  	[sflag:s26] =	ssyncset.done $0x0  }
0x17b: {  	[sflag:s26] =	ssyncadd.s32 $0xFFFFC000  }
0x17c: {  	_ =	swait.ge [sflag:s29], $0x400  }
0x17d: {  	[sflag:s29] =	ssyncset.done $0x0  }
0x17e: {  	[sflag:s29] =	ssyncadd.s32 $0xFFFFFC00  }
0x17f: {  	_ =	swait.ge [sflag:s30], $0x400  }
0x180: {  	[sflag:s30] =	ssyncset.done $0x0  }
0x181: {  	[sflag:s30] =	ssyncadd.s32 $0xFFFFFC00  }
0x182: {  	[tilespmem:s18], [sflag:$0x1] =	stream.indirect.gather [hbm4b:s1+s23], $0x80, s4, s23, $0xb8;
	[tilespmem:$0x1D000] =	vst v63  }
0x183: {  	_ =	swait.ge [sflag:s28], $0x4000  }
0x184: {  	[sflag:s28] =	ssyncset.done $0x0  }
0x185: {  	[sflag:s28] =	ssyncadd.s32 $0xFFFFC000  }
0x186: {  	[spmem:s3] =	stream.indirect.scatter.add.f32 [tilespmem:s24], [sflag:$0x5], $0x80, s2, s23, $0xb8;
	[tilespmem:$0x1D000] =	vst v63  }
0x187: {  	p0 =	sne.s32 s9, $0x8;
	s10 =	smin.u32 s10, $0x6;
	_ =	swait.ge [sflag:s26], $0x4000  }
.Ltmp1:
0x188: {  	s10 =	sshll.u32 s10, $0xA;
	s12 =	rddreg [dreg:$0x5];
	(pc) =	sbr.rel @p0 .LBB2_4-.Ltmp1, $4  }
0x189: {  	s10 =	sadd.s32 s10, s12  }
0x18a: {  	s9 =	sadd.s32 $0x2, s9;
	[sflag:s26] =	ssyncset.done $0x0;
	s10 =	sshrl.u32 s10, $0x3  }
0x18b: {  	[sflag:s26] =	ssyncadd.s32 $0xFFFFC000;
	s12 =	sadd.s32 s5, s10;
	s10 =	sadd.s32 s6, s10  }
0x18c: {  	[tilespmem:s21], [sflag:$0x3] =	stream.linear.gather [hbm4b:s12+s4], $0x400, $0x38;
	[tilespmem:$0x1D000] =	vst v63  }
0x18d: {  	[tilespmem:s22], [sflag:$0x4] =	stream.linear.gather [hbm4b:s10+s4], $0x400, $0x38;
	[tilespmem:$0x1D000] =	vst v63  }
0x18e: {  	_ =	swait.ge [sflag:s25], $0x4000  }
0x18f: {  	[sflag:s25] =	ssyncset.done $0x0  }
0x190: {  	[sflag:s25] =	ssyncadd.s32 $0xFFFFC000  }
0x191: {  	_ =	swait.ge [sflag:s29], $0x400  }
0x192: {  	[sflag:s29] =	ssyncset.done $0x0  }
0x193: {  	[sflag:s29] =	ssyncadd.s32 $0xFFFFFC00  }
0x194: {  	s9 =	stileid.u32;
	_ =	swait.ge [sflag:s30], $0x400  }
0x195: {  	s12 =	sshrl.u32 s7, $0x3;
	s8 =	sadd.s32 $0x1, s8;
	[sflag:s30] =	ssyncset.done $0x0  }
0x196: {  	s9 =	sshll.u32 s9, $0x6;
	p0 =	sne.s32 s8, s17;
	[sflag:s30] =	ssyncadd.s32 $0xFFFFFC00  }
.Ltmp2:
0x197: {  	s9 =	sor.u32 $0x1C06, s9;
	[bflag:$0x0] =	sbarrier.arrive $0xFFFF;
	(pc) =	sbr.rel @p0 .LBB2_1-.Ltmp2, $4  }
0x198: {  	[hbm:s16], [sflag:s9] =	dma.local [spmem:s12], $0x2800  }
0x199: {  	_ =	swait.ge [sflag:s19], $0x2800  }
0x19a: {  	[sflag:s19] =	ssyncset.done $0x0  }
0x19b: {  	[sflag:s19] =	ssyncadd.s32 $0xFFFFD800  }
0x19c: {  	_ =	sfence.sel $0x180000  }
0x19d: {  	[bflag:$0x0] =	sbarrier.arrive $0xFFFF  }
0x19e: {  	_ =	strace $0x9000004D  }
0x19f: {  	s0 =	stileid.u32;
	[bflag:$0x2] =	sbarrier.arrive $0xFFFF  }
0x1a0: {  	p0 =	sne.s32 s0, $0x0;
	s0 =	rddreg [dreg:$0x3]  }
0x1a1: {  	s0 =	sadd.s32 @!p0 $0x100000, s0  }
0x1a2: {  	[sflag:s0] =	ssyncadd.tile.s32 @!p0 $0x1;
	_ =	shalt  }
.Lfunc_end2:
_tile_overlayer_lowered:
.L_overlay_start_2:
0x1a3: {  	(tag) =	ssettag $0x2  }
0x1a4: {  	s0 =	rddreg [dreg:$0x0];
	s2 =	stileid.u32  }
0x1a5: {  	s1 =	rddreg [dreg:$0x1];
	p0 =	sne.s32 s2, $0x0  }
0x1a6: {  	s3 =	rddreg [dreg:$0x2];
	[bflag:$0x3] =	sbarrier.arrive $0xFFFF;
	s2 =	simm.s32 @!p0 $0x1C06  }
0x1a7: {  	[timem:s3], [sflag:s2] =	dma.local @!p0 [hbm:s0], s1  }
0x1a8: {  	s0 =	simm.s32 @!p0 $0x6  }
0x1a9: {  	_ =	swait.ge @!p0 [sflag:s0], s1  }
0x1aa: {  	s1 =	ssub.s32 @!p0 $0x0, s1;
	[sflag:s0] =	ssyncset.done @!p0 $0x0  }
0x1ab: {  	[sflag:s0] =	ssyncadd.s32 @!p0 s1  }
0x1ac: {  	[bflag:$0x3] =	sbarrier.arrive $0xFFFF  }
0x1ad: {  	_ =	shalt  }

// kernel: kernel.18.cloned.1.call-start
scs
__scs_entry_jumppad:
0x0: {  	(pc) =	sbr.rel $0x88, $3  }
0x1: {  	(tag) =	ssettag $0x0;
	lr =	simm.s32 $0x1  }
0x2: {  	[smem:$0x3F96] =	sst lr;
	_ =	strace $0xD0000000  }
0x3: {  	_ = 	snop  }
0x4: {  	_ = 	snop  }
0x5: {  	_ = 	snop  }
0x6: {  	_ = 	snop  }
0x7: {  	_ = 	snop  }
__scs_overlays_trampoline_lowered:
0x8: {  	[smem:$0x3FA5] =	sst s0  }
0x9: {  	[smem:$0x3FA6] =	sst s1  }
0xa: {  	[smem:$0x3FA7] =	sst s2  }
0xb: {  	[smem:$0x3FA8] =	sst s3  }
0xc: {  	[smem:$0x3FA9] =	sst s4  }
0xd: {  	[smem:$0x3FAA] =	sst s5  }
0xe: {  	[smem:$0x3FAB] =	sst s6  }
0xf: {  	[smem:$0x3FAC] =	sst s7  }
0x10: {  	[smem:$0x3FAD] =	sst s8  }
0x11: {  	[smem:$0x3FAE] =	sst s9;
	s0 =	simm.s32 @!p0 $0x0  }
0x12: {  	s1 =	sld [smem:$0x3F94];
	s0 =	simm.s32 @p0 $0x1  }
0x13: {  	[smem:$0x3FAF] =	sst s0;
	s0 =	simm.s32 @!p1 $0x0  }
0x14: {  	s2 =	sld [smem:$0x3F93];
	s0 =	simm.s32 @p1 $0x1  }
0x15: {  	[smem:$0x3FB0] =	sst s0;
	s0 =	simm.s32 @!p2 $0x0  }
0x16: {  	s3 =	sld [smem:$0x3FDB];
	s0 =	simm.s32 @p2 $0x1  }
0x17: {  	s4 =	simm.s32 $0x1BF5;
	[smem:$0x3FB2] =	sst s0  }
0x18: {  	s0 =	sld [smem:$0x3F95];
	_ =	swait.ge [sflag:s4], $0x0  }
0x19: {  	s7 =	sld [smem:$0x3F96]  }
0x1a: {  	s8 =	sadd.s32 $0xFFFFE003, lr  }
0x1b: {  	s9 =	sadd.s32 $0xFFFFFEF7, lr;
	s5 =	simm.s32 $0xFFFFFFFF;
	p2 =	slt.u32 s8, $0xFFFFF086  }
0x1c: {  	p1 =	slt.u32 s9, $0xF7A;
	s5 =	simm.s32 @!p2 $0x0  }
0x1d: {  	s5 =	simm.s32 @p1 $0x1;
	p0 =	seq.s32 s7, s2  }
0x1e: {  	s7 =	smul.u32 @!p0 $0xF7A, s2;
	p2 =	seq.s32 @!p0 s5, $0x0  }
0x1f: {  	s9 =	smul.u32 $0xF7A, s1;
	s8 =	simm.s32 @!p0 $0x1BF5;
	p2 =	por !p2, p0  }
0x20: {  	[sflag:s8] =	ssyncset.s32 @!p0 $0xFFFFF086;
	s6 =	sadd.s32 @!p0 s3, s7;
	s7 =	simm.s32 @!p0 $0x108  }
0x21: {  	s3 =	sadd.s32 s3, s9;
	s6 =	sadd.s32 @!p0 $0x88, s6;
	s7 =	simm.s32 @p2 $0x1082  }
0x22: {  	[simem:s7], [sflag:s8] =	dma.local @!p0 [hbm:s6], $0xF7A  }
0x23: {  	s9 =	sor.u32 $0xD0000000, s2;
	s6 =	simm.s32 $0x108;
	_ =	swait.ge @!p0 [sflag:s8], $0x0  }
0x24: {  	s3 =	sadd.s32 $0x88, s3;
	s6 =	simm.s32 @!p1 $0x1082;
	[sflag:s4] =	ssyncset.s32 $0xFFFFF086  }
0x25: {  	[simem:s6], [sflag:s4] =	dma.local [hbm:s3], $0xF7A  }
0x26: {  	[smem:$0x3F96] =	sst s1;
	(tag) =	ssettag s2;
	_ =	strace s9  }
0x27: {  	s1 =	sld [smem:$0x3FA6]  }
0x28: {  	s2 =	sld [smem:$0x3FA7]  }
0x29: {  	s4 =	sld [smem:$0x3FA9]  }
0x2a: {  	p0 =	seq.s32 s5, $0x0;
	s5 =	sld [smem:$0x3FAA]  }
0x2b: {  	s6 =	sld [smem:$0x3FAB]  }
0x2c: {  	s7 =	sld [smem:$0x3FAC]  }
0x2d: {  	s3 =	simm.s32 $0x108;
	s8 =	sld [smem:$0x3FAD]  }
0x2e: {  	s3 =	simm.s32 @!p0 $0x1082;
	s9 =	sld [smem:$0x3FAE]  }
0x2f: {  	lr =	sadd.s32 s0, s3;
	s0 =	sld [smem:$0x3FA5]  }
0x30: {  	s3 =	sld [smem:$0x3FA8]  }
0x31: {  	[smem:$0x3FB1] =	sst s10  }
0x32: {  	s10 =	sld [smem:$0x3FAF];
	_ =	sdelay $0x3  }
0x33: {  	p0 =	seq.s32 s10, $0x1;
	s10 =	sld [smem:$0x3FB1];
	_ =	sdelay $0x3  }
0x34: {  	[smem:$0x3FB1] =	sst s10  }
0x35: {  	s10 =	sld [smem:$0x3FB0];
	_ =	sdelay $0x3  }
0x36: {  	p1 =	seq.s32 s10, $0x1;
	s10 =	sld [smem:$0x3FB1];
	_ =	sdelay $0x3  }
0x37: {  	[smem:$0x3FB1] =	sst s10  }
0x38: {  	s10 =	sld [smem:$0x3FB2]  }
0x39: {  	_ = 	snop;
	(pc) =	sbr.ind lr, $3  }
0x3a: {  	_ = 	snop  }
0x3b: {  	_ = 	snop  }
0x3c: {  	p2 =	seq.s32 s10, $0x1;
	s10 =	sld [smem:$0x3FB1]  }
0x3d: {  	_ =	shalt  }
0x3e: {  	_ =	shalt  }
0x3f: {  	_ =	shalt  }
0x40: {  	_ =	shalt  }
0x41: {  	_ =	shalt  }
0x42: {  	_ =	shalt  }
0x43: {  	_ =	shalt  }
0x44: {  	_ =	shalt  }
0x45: {  	_ =	shalt  }
0x46: {  	_ =	shalt  }
0x47: {  	_ =	shalt  }
0x48: {  	_ =	shalt  }
0x49: {  	_ =	shalt  }
0x4a: {  	_ =	shalt  }
0x4b: {  	_ =	shalt  }
0x4c: {  	_ =	shalt  }
0x4d: {  	_ =	shalt  }
0x4e: {  	_ =	shalt  }
0x4f: {  	_ =	shalt  }
0x50: {  	_ =	shalt  }
0x51: {  	_ =	shalt  }
0x52: {  	_ =	shalt  }
0x53: {  	_ =	shalt  }
0x54: {  	_ =	shalt  }
0x55: {  	_ =	shalt  }
0x56: {  	_ =	shalt  }
0x57: {  	_ =	shalt  }
0x58: {  	_ =	shalt  }
0x59: {  	_ =	shalt  }
0x5a: {  	_ =	shalt  }
0x5b: {  	_ =	shalt  }
0x5c: {  	_ =	shalt  }
0x5d: {  	_ =	shalt  }
0x5e: {  	_ =	shalt  }
0x5f: {  	_ =	shalt  }
0x60: {  	_ =	shalt  }
0x61: {  	_ =	shalt  }
0x62: {  	_ =	shalt  }
0x63: {  	_ =	shalt  }
0x64: {  	_ =	shalt  }
0x65: {  	_ =	shalt  }
0x66: {  	_ =	shalt  }
0x67: {  	_ =	shalt  }
0x68: {  	_ =	shalt  }
0x69: {  	_ =	shalt  }
0x6a: {  	_ =	shalt  }
0x6b: {  	_ =	shalt  }
0x6c: {  	_ =	shalt  }
0x6d: {  	_ =	shalt  }
0x6e: {  	_ =	shalt  }
0x6f: {  	_ =	shalt  }
0x70: {  	_ =	shalt  }
0x71: {  	_ =	shalt  }
0x72: {  	_ =	shalt  }
0x73: {  	_ =	shalt  }
0x74: {  	_ =	shalt  }
0x75: {  	_ =	shalt  }
0x76: {  	_ =	shalt  }
0x77: {  	_ =	shalt  }
0x78: {  	_ =	shalt  }
0x79: {  	_ =	shalt  }
0x7a: {  	_ =	shalt  }
0x7b: {  	_ =	shalt  }
0x7c: {  	_ =	shalt  }
0x7d: {  	_ =	shalt  }
0x7e: {  	_ =	shalt  }
0x7f: {  	_ =	shalt  }
0x80: {  	_ =	shalt  }
0x81: {  	_ =	shalt  }
0x82: {  	_ =	shalt  }
0x83: {  	_ =	shalt  }
0x84: {  	_ =	shalt  }
0x85: {  	_ =	shalt  }
0x86: {  	_ =	shalt  }
0x87: {  	_ =	shalt  }
.Lfunc_end0:
.L_simem_size_0:
called_computation.3_lowered:
.L_overlay_start_0:
0x88: {  	s2 =	sld [smem:$0x3FD9]  }
0x89: {  	s3 =	sld [smem:$0x3FFE];
	_ =	sdelay $0x1  }
0x8a: {  	s1 =	srdreg.scid  }
0x8b: {  	s0 =	sand.u32 $0x1, s1  }
0x8c: {  	s17 =	sshll.u32 s0, $0xA;
	s2 =	sadd.s32 s3, s2  }
0x8d: {  	s2 =	sadd.s32 s2, s17  }
0x8e: {  	[smem:$0x3FBD] =	sst s2  }
0x8f: {  	_ = 	snop  }
0x90: {  	s2 =	sld [smem:$0x3FD0];
	(tm) =	ssettm $0x1  }
0x91: {  	s18 =	sld [smem:$0x3FFB];
	_ =	sdelay $0x3  }
0x92: {  	_ =	strace s18  }
0x93: {  	s3 =	sld [smem:$0x3FFC];
	_ =	sdelay $0x3  }
0x94: {  	_ =	strace s3  }
0x95: {  	s3 =	sld [smem:$0x3FFD];
	_ =	sdelay $0x3  }
0x96: {  	_ =	strace s3  }
0x97: {  	_ =	strace $0x8FFFFFFF  }
0x98: {  	s19 =	sld [smem:$0x3FDB];
	_ =	sdelay $0x1  }
0x99: {  	s4 =	simm.s32 $_scs_section_size  }
0x9a: {  	s5 =	simm.s32 $_size__tile_overlayer_lowered;
	s6 =	simm.s32 $_tile_overlayer_lowered  }
0x9b: {  	s22 =	simm.s32 $0x1BFF;
	s21 =	sshll.u32 s6, $0x1;
	s3 =	sadd.s32 s4, s19  }
0x9c: {  	s7 =	simm.s32 $0x0;
	s20 =	sshll.u32 s5, $0x1;
	s5 =	sadd.s32 s21, s3  }
0x9d: {  	[timem:s7], [sflag:s22] =	dma.local [hbm:s5], s20  }
0x9e: {  	_ =	swait.ge [sflag:s22], s20  }
0x9f: {  	s4 =	ssub.s32 $0x0, s20;
	[sflag:s22] =	ssyncset.done $0x0  }
0xa0: {  	[sflag:s22] =	ssyncadd.s32 s4;
	_ =	sdelay $0x1  }
0xa1: {  	s23 =	simm.s32 $0x1B8B  }
0xa2: {  	_ =	swait.ge [sflag:s23], $0x1  }
0xa3: {  	[sflag:s23] =	ssyncset.done $0x0  }
0xa4: {  	s25 =	simm.s32 $0x1B8E;
	s24 =	sld [smem:$0x3FFE];
	[sflag:s23] =	ssyncadd.s32 $0xFFFFFFFF  }
0xa5: {  	s26 =	simm.s32 $execute0_lowered;
	[smem:$0x3FD2] =	sst s25  }
0xa6: {  	s5 =	sshll.u32 s26, $0x1;
	_ =	strace $0x8000004F;
	[dreg:$0x1] =	wrdreg $0xFFFFFFFF  }
0xa7: {  	s28 =	simm.s32 $_size_execute0_lowered;
	s3 =	sadd.s32 s3, s5;
	[dreg:$0x0] =	wrdreg $0x0  }
0xa8: {  	s5 =	sshll.u32 s28, $0x1;
	[dreg:$0x2] =	wrdreg s3  }
0xa9: {  	[dreg:$0x3] =	wrdreg s5  }
0xaa: {  	[dreg:$0x4] =	wrdreg $0xC0  }
0xab: {  	_ =	task [dreg:s7], $0x5FFFF  }
0xac: {  	[dreg:$0x1] =	wrdreg $0xFFFFFFFF  }
0xad: {  	[dreg:$0x0] =	wrdreg $0x60  }
0xae: {  	[dreg:$0x2] =	wrdreg s2  }
0xaf: {  	[dreg:$0x3] =	wrdreg s24  }
0xb0: {  	[dreg:$0x4] =	wrdreg $0x90000  }
0xb1: {  	[dreg:$0x5] =	wrdreg $0x9  }
0xb2: {  	_ =	task.clear_ibuf [dreg:s7], $0x6FFFF;
	_ =	strace $0x9000004F  }
0xb3: {  	s29 =	simm.s32 $0x9;
	_ =	strace $0x80000051  }
0xb4: {  	_ =	swait.ge [sflag:s29], $0x1  }
0xb5: {  	[sflag:s29] =	ssyncadd.s32 $0xFFFFFFFF  }
0xb6: {  	_ =	strace $0x90000051  }
0xb7: {  	_ =	sfence  }
0xb8: {  	s30 =	sld [smem:$0x0];
	_ =	sdelay $0x2  }
0xb9: {  	s31 =	sshll.u32 s1, $0xD;
	s1 =	sshrl.u32 s1, $0x2  }
0xba: {  	s3 =	sand.u32 $0x4000, s31;
	s1 =	sadd.s32 s1, s30  }
0xbb: {  	s0 =	sor.u32 s3, s0;
	s1 =	sshll.u32 s1, $0x11  }
0xbc: {  	s0 =	sor.u32 s1, s0  }
0xbd: {  	s0 =	sadd.s32 $0x8F2B, s0  }
0xbe: {  	[sflag:s0] =	ssyncadd.remote.s32 $0x1  }
0xbf: {  	_ =	sfence.sel $0xFFFF  }
0xc0: {  	[dreg:$0x0] =	wrdreg $0xFFFFFFFF;
	(pc) =	sbr.abs _section_cstart, $3  }
0xc1: {  	[dreg:$0x1] =	wrdreg $0xFFFFFFFF  }
0xc2: {  	_ =	task.clear_ibuf [dreg:s7], $0x2FFFF;
	_ =	strace $0x9FFFFFFF  }
0xc3: {  	(tm) =	ssettm $0x7FFFFFFF  }
tec
execute0_lowered:
.L_overlay_start_1:
0x0: {  	(tag) =	ssettag $0x1  }
0x1: {  	s1 =	rddreg [dreg:$0x0]  }
0x2: {  	s0 =	rddreg [dreg:$0x1]  }
0x3: {  	s3 =	rddreg [dreg:$0x2];
	s4 =	simm.s32 $0x0  }
0x4: {  	s12 =	simm.s32 $0x100;
	[smem:$0x7FF] =	sst s4  }
0x5: {  	s13 =	simm.s32 $0x480;
	_ =	strace $0x80000050;
	[dreg:$0x6] =	wrdreg s12  }
0x6: {  	s15 =	simm.s32 $0x180;
	[dreg:$0x7] =	wrdreg s13  }
0x7: {  	s2 =	srdreg.scid;
	s16 =	simm.s32 $0x500;
	[dreg:$0x8] =	wrdreg s15  }
0x8: {  	s10 =	stileid.u32;
	s17 =	simm.s32 $0x200;
	[dreg:$0x9] =	wrdreg s16  }
0x9: {  	s19 =	simm.s32 $0x580;
	s20 =	simm.s32 $0x280;
	[dreg:$0xa] =	wrdreg s17  }
0xa: {  	s22 =	simm.s32 $0x600;
	s24 =	simm.s32 $0x300;
	[dreg:$0xb] =	wrdreg s19  }
0xb: {  	s28 =	simm.s32 $0x2;
	s29 =	simm.s32 $0x3;
	[dreg:$0xc] =	wrdreg s20  }
0xc: {  	s30 =	simm.s32 $0x4;
	s31 =	simm.s32 $0xB80;
	[dreg:$0xd] =	wrdreg s22  }
0xd: {  	s2 =	sand.u32 $0x1, s2;
	[dreg:$0xe] =	wrdreg s24;
	s12 =	simm.s32 $0x380  }
0xe: {  	s8 =	smul.u32 $0x14000, s10;
	s13 =	simm.s32 $0x700;
	[dreg:$0x10] =	wrdreg s12  }
0xf: {  	s6 =	sadd.s32 $0x3000, s0;
	s15 =	simm.s32 $0x780;
	[dreg:$0x11] =	wrdreg s13  }
0x10: {  	s7 =	smul.u32 $0x140000, s2;
	s16 =	simm.s32 $0x880;
	[dreg:$0x12] =	wrdreg s15  }
0x11: {  	s5 =	sshll.u32 s2, $0x4;
	s17 =	simm.s32 $0x900;
	[dreg:$0x13] =	wrdreg s16  }
0x12: {  	s2 =	ssub.s32 $0x2, s2;
	s19 =	simm.s32 $0x980;
	[dreg:$0x14] =	wrdreg s17  }
0x13: {  	s20 =	simm.s32 $0xD00;
	s22 =	simm.s32 $0xD80;
	[dreg:$0x16] =	wrdreg s19  }
0x14: {  	s24 =	simm.s32 $0xE00;
	s5 =	sor.u32 s10, s5;
	[dreg:$0x17] =	wrdreg s20  }
0x15: {  	s14 =	sshrl.u32 s2, $0x1;
	s10 =	smul.u32 $0x50000, s10;
	[dreg:$0x19] =	wrdreg s22  }
0x16: {  	s19 =	simm.s32 $0x6;
	s20 =	simm.s32 $0x400;
	[dreg:$0x1b] =	wrdreg s24  }
0x17: {  	s22 =	simm.s32 $0xC00;
	s24 =	simm.s32 $0x5000;
	s9 =	smul.u32 $0x2800, s5  }
0x18: {  	s5 =	sadd.s32 $0xD000, s0;
	s7 =	sadd.s32 s8, s7;
	s2 =	ssub.s32 s2, s14  }
0x19: {  	s8 =	simm.s32 $0x0;
	s7 =	sshrl.u32 s7, $0x3;
	s18 =	sshrl.u32 s10, $0x2  }
0x1a: {  	s17 =	smax.u32 s2, $0x1;
	s2 =	simm.s32 $0xF80;
	s26 =	sadd.s32 $0x800, s9  }
0x1b: {  	s11 =	sadd.s32 $0xC00, s9;
	s0 =	sadd.s32 s7, s0;
	[dreg:$0x4] =	wrdreg s26  }
0x1c: {  	s7 =	sadd.s32 s18, s3;
	s18 =	simm.s32 $0xC80;
	[dreg:$0x5] =	wrdreg s11  }
0x1d: {  	s9 =	sshrl.u32 s9, $0x3;
	s21 =	sadd.s32 $0x4000, s7;
	[dreg:$0x15] =	wrdreg s18  }
0x1e: {  	s23 =	sadd.s32 $0x8000, s7;
	s25 =	sadd.s32 $0xC000, s7;
	[dreg:$0x1e] =	wrdreg s21  }
0x1f: {  	s26 =	simm.s32 $0x680;
	s11 =	sadd.s32 $0x10000, s7;
	[dreg:$0x1f] =	wrdreg s23  }
0x20: {  	s14 =	sadd.s32 s5, s9;
	s13 =	sadd.s32 s6, s9;
	[smem:$0x7FB] =	sst s25  }
0x21: {  	s9 =	sor.u32 $0x80, s9;
	s16 =	sadd.s32 $0x17000, s0;
	[smem:$0x7FC] =	sst s11  }
0x22: {  	s18 =	simm.s32 $0x1000;
	s0 =	simm.s32 $0xF00;
	[dreg:$0xf] =	wrdreg s26  }
0x23: {  	[smem:$0x7FD] =	sst s14;
	s14 =	sadd.s32 s5, s9;
	s21 =	simm.s32 $0xA00  }
0x24: {  	s15 =	sadd.s32 s6, s9;
	s23 =	simm.s32 $0xA80;
	[dreg:$0x18] =	wrdreg s21  }
0x25: {  	s25 =	simm.s32 $0xB00;
	s26 =	simm.s32 $0xE80;
	[dreg:$0x1a] =	wrdreg s23  }
0x26: {  	s21 =	simm.s32 $0x800;
	[dreg:$0x1c] =	wrdreg s25;
	s23 =	simm.s32 $0x80  }
0x27: {  	v0 =	vimm.f32 $0.0e+00;
	[dreg:$0x1d] =	wrdreg s26;
	s25 =	simm.s32 $0x1;
	s26 =	simm.s32 $0x5  }
.LBB2_1:
0x28: {  	s9 =	simm.s32 $0x0;
	s10 =	simm.s32 $0x200  }
.LBB2_2:
0x29: {  	p0 =	sne.s32 s10, $0xFE00;
	[tilespmem:s9+$0x1070] =	vst v0  }
0x2a: {  	[tilespmem:s9+$0x1000] =	vst v0  }
0x2b: {  	[tilespmem:s9+$0x1010] =	vst v0  }
.Ltmp0:
0x2c: {  	[tilespmem:s9+$0x1020] =	vst v0;
	(pc) =	sbr.rel @p0 .LBB2_2-.Ltmp0, $4  }
0x2d: {  	[tilespmem:s9+$0x1030] =	vst v0  }
0x2e: {  	[tilespmem:s9+$0x1040] =	vst v0  }
0x2f: {  	[tilespmem:s9+$0x1050] =	vst v0  }
0x30: {  	[tilespmem:s9+$0x1060] =	vst v0;
	s9 =	sshra.s32 s10, $0x2;
	s10 =	sadd.s32 $0x200, s10  }
0x31: {  	[tilespmem:s9+$0x1070] =	vst v0  }
0x32: {  	[tilespmem:s9+$0x1000] =	vst v0  }
0x33: {  	[tilespmem:s9+$0x1010] =	vst v0  }
0x34: {  	[tilespmem:s9+$0x1020] =	vst v0  }
0x35: {  	[tilespmem:s9+$0x1030] =	vst v0  }
0x36: {  	[tilespmem:s9+$0x1040] =	vst v0  }
0x37: {  	[tilespmem:s9+$0x1050] =	vst v0  }
0x38: {  	[tilespmem:s9+$0x1060] =	vst v0  }
0x39: {  	[spmem:s7] =	stream.linear.scatter [tilespmem:s18], [sflag:$0x6], $0x4000, $0x38;
	[tilespmem:$0x1D000] =	vst v63  }
0x3a: {  	_ =	swait.ge [sflag:s19], $0x4000  }
0x3b: {  	[sflag:s19] =	ssyncset.done $0x0  }
0x3c: {  	s10 =	rddreg [dreg:$0x1e];
	[sflag:s19] =	ssyncadd.s32 $0xFFFFC000  }
0x3d: {  	[spmem:s10] =	stream.linear.scatter [tilespmem:s18], [sflag:$0x6], $0x4000, $0x38;
	[tilespmem:$0x1D000] =	vst v63  }
0x3e: {  	_ =	swait.ge [sflag:s19], $0x4000  }
0x3f: {  	[sflag:s19] =	ssyncset.done $0x0  }
0x40: {  	s11 =	rddreg [dreg:$0x1f];
	[sflag:s19] =	ssyncadd.s32 $0xFFFFC000  }
0x41: {  	[spmem:s11] =	stream.linear.scatter [tilespmem:s18], [sflag:$0x6], $0x4000, $0x38;
	[tilespmem:$0x1D000] =	vst v63  }
0x42: {  	_ =	swait.ge [sflag:s19], $0x4000  }
0x43: {  	s12 =	sld [smem:$0x7FB]  }
0x44: {  	[sflag:s19] =	ssyncset.done $0x0  }
0x45: {  	[sflag:s19] =	ssyncadd.s32 $0xFFFFC000  }
0x46: {  	[spmem:s12] =	stream.linear.scatter [tilespmem:s18], [sflag:$0x6], $0x4000, $0x38;
	[tilespmem:$0x1D000] =	vst v63  }
0x47: {  	_ =	swait.ge [sflag:s19], $0x4000  }
0x48: {  	s10 =	sld [smem:$0x7FC]  }
0x49: {  	[sflag:s19] =	ssyncset.done $0x0  }
0x4a: {  	[sflag:s19] =	ssyncadd.s32 $0xFFFFC000  }
0x4b: {  	[spmem:s10] =	stream.linear.scatter [tilespmem:s18], [sflag:$0x6], $0x4000, $0x38;
	[tilespmem:$0x1D000] =	vst v63  }
0x4c: {  	_ =	swait.ge [sflag:s19], $0x4000  }
0x4d: {  	[sflag:s19] =	ssyncset.done $0x0  }
0x4e: {  	[sflag:s19] =	ssyncadd.s32 $0xFFFFC000  }
0x4f: {  	[bflag:$0x0] =	sbarrier.arrive $0xFFFF  }
0x50: {  	s10 =	sld [smem:$0x7FD];
	_ =	sdelay $0x1  }
0x51: {  	s9 =	simm.s32 $0x0  }
0x52: {  	[tilespmem:s9], [sflag:$0x6] =	stream.linear.gather [hbm4b:s10+s9], $0x400, $0x38;
	[tilespmem:$0x1D000] =	vst v63  }
0x53: {  	_ =	swait.ge [sflag:s19], $0x400  }
0x54: {  	[sflag:s19] =	ssyncset.done $0x0  }
0x55: {  	[sflag:s19] =	ssyncadd.s32 $0xFFFFFC00  }
0x56: {  	[tilespmem:s20], [sflag:$0x6] =	stream.linear.gather [hbm4b:s13+s9], $0x400, $0x38;
	[tilespmem:$0x1D000] =	vst v63  }
0x57: {  	_ =	swait.ge [sflag:s19], $0x400  }
0x58: {  	[sflag:s19] =	ssyncset.done $0x0  }
0x59: {  	[sflag:s19] =	ssyncadd.s32 $0xFFFFFC00  }
0x5a: {  	[tilespmem:s21], [sflag:$0x3] =	stream.linear.gather [hbm4b:s14+s9], $0x400, $0x38;
	[tilespmem:$0x1D000] =	vst v63  }
0x5b: {  	_ = 	snop  }
0x5c: {  	[tilespmem:s22], [sflag:$0x4] =	stream.linear.gather [hbm4b:s15+s9], $0x400, $0x38;
	[tilespmem:$0x1D000] =	vst v63  }
0x5d: {  	_ = 	snop  }
0x5e: {  	[tilespmem:s18], [sflag:$0x1] =	stream.indirect.gather [hbm4b:s1+s23], $0x80, s9, s23, $0xb8;
	[tilespmem:$0x1D000] =	vst v63  }
0x5f: {  	_ = 	snop  }
0x60: {  	[tilespmem:s24], [sflag:$0x2] =	stream.indirect.gather [hbm4b:s1+s23], $0x80, s23, s23, $0xb8;
	[tilespmem:$0x1D000] =	vst v63  }
0x61: {  	_ =	swait.ge [sflag:s25], $0x4000  }
0x62: {  	[sflag:s25] =	ssyncset.done $0x0  }
0x63: {  	[sflag:s25] =	ssyncadd.s32 $0xFFFFC000  }
0x64: {  	[spmem:s3] =	stream.indirect.scatter.add.f32 [tilespmem:s18], [sflag:$0x5], $0x80, s20, s23, $0xb8;
	[tilespmem:$0x1D000] =	vst v63  }
0x65: {  	_ =	swait.ge [sflag:s26], $0x4000  }
0x66: {  	[sflag:s26] =	ssyncset.done $0x0  }
0x67: {  	s11 =	rddreg [dreg:$0x6];
	[sflag:s26] =	ssyncadd.s32 $0xFFFFC000  }
0x68: {  	[tilespmem:s18], [sflag:$0x1] =	stream.indirect.gather [hbm4b:s1+s23], $0x80, s11, s23, $0xb8;
	[tilespmem:$0x1D000] =	vst v63  }
0x69: {  	_ =	swait.ge [sflag:s28], $0x4000  }
0x6a: {  	[sflag:s28] =	ssyncset.done $0x0  }
0x6b: {  	s12 =	rddreg [dreg:$0x7];
	[sflag:s28] =	ssyncadd.s32 $0xFFFFC000  }
0x6c: {  	[spmem:s3] =	stream.indirect.scatter.add.f32 [tilespmem:s24], [sflag:$0x5], $0x80, s12, s23, $0xb8;
	[tilespmem:$0x1D000] =	vst v63  }
0x6d: {  	_ =	swait.ge [sflag:s26], $0x4000  }
0x6e: {  	[sflag:s26] =	ssyncset.done $0x0  }
0x6f: {  	s11 =	rddreg [dreg:$0x8];
	[sflag:s26] =	ssyncadd.s32 $0xFFFFC000  }
0x70: {  	[tilespmem:s24], [sflag:$0x2] =	stream.indirect.gather [hbm4b:s1+s23], $0x80, s11, s23, $0xb8;
	[tilespmem:$0x1D000] =	vst v63  }
0x71: {  	_ =	swait.ge [sflag:s25], $0x4000  }
0x72: {  	[sflag:s25] =	ssyncset.done $0x0  }
0x73: {  	s12 =	rddreg [dreg:$0x9];
	[sflag:s25] =	ssyncadd.s32 $0xFFFFC000  }
0x74: {  	[spmem:s3] =	stream.indirect.scatter.add.f32 [tilespmem:s18], [sflag:$0x5], $0x80, s12, s23, $0xb8;
	[tilespmem:$0x1D000] =	vst v63  }
0x75: {  	_ =	swait.ge [sflag:s26], $0x4000  }
0x76: {  	[sflag:s26] =	ssyncset.done $0x0  }
0x77: {  	s11 =	rddreg [dreg:$0xa];
	[sflag:s26] =	ssyncadd.s32 $0xFFFFC000  }
0x78: {  	[tilespmem:s18], [sflag:$0x1] =	stream.indirect.gather [hbm4b:s1+s23], $0x80, s11, s23, $0xb8;
	[tilespmem:$0x1D000] =	vst v63  }
0x79: {  	_ =	swait.ge [sflag:s28], $0x4000  }
0x7a: {  	[sflag:s28] =	ssyncset.done $0x0  }
0x7b: {  	s12 =	rddreg [dreg:$0xb];
	[sflag:s28] =	ssyncadd.s32 $0xFFFFC000  }
0x7c: {  	[spmem:s3] =	stream.indirect.scatter.add.f32 [tilespmem:s24], [sflag:$0x5], $0x80, s12, s23, $0xb8;
	[tilespmem:$0x1D000] =	vst v63  }
0x7d: {  	_ =	swait.ge [sflag:s26], $0x4000  }
0x7e: {  	[sflag:s26] =	ssyncset.done $0x0  }
0x7f: {  	s11 =	rddreg [dreg:$0xc];
	[sflag:s26] =	ssyncadd.s32 $0xFFFFC000  }
0x80: {  	[tilespmem:s24], [sflag:$0x2] =	stream.indirect.gather [hbm4b:s1+s23], $0x80, s11, s23, $0xb8;
	[tilespmem:$0x1D000] =	vst v63  }
0x81: {  	_ =	swait.ge [sflag:s25], $0x4000  }
0x82: {  	[sflag:s25] =	ssyncset.done $0x0  }
0x83: {  	s12 =	rddreg [dreg:$0xd];
	[sflag:s25] =	ssyncadd.s32 $0xFFFFC000  }
0x84: {  	[spmem:s3] =	stream.indirect.scatter.add.f32 [tilespmem:s18], [sflag:$0x5], $0x80, s12, s23, $0xb8;
	[tilespmem:$0x1D000] =	vst v63  }
0x85: {  	_ =	swait.ge [sflag:s26], $0x4000  }
0x86: {  	[sflag:s26] =	ssyncset.done $0x0  }
0x87: {  	s11 =	rddreg [dreg:$0xe];
	[sflag:s26] =	ssyncadd.s32 $0xFFFFC000  }
0x88: {  	[tilespmem:s18], [sflag:$0x1] =	stream.indirect.gather [hbm4b:s1+s23], $0x80, s11, s23, $0xb8;
	[tilespmem:$0x1D000] =	vst v63  }
0x89: {  	_ =	swait.ge [sflag:s28], $0x4000  }
0x8a: {  	[sflag:s28] =	ssyncset.done $0x0  }
0x8b: {  	s12 =	rddreg [dreg:$0xf];
	[sflag:s28] =	ssyncadd.s32 $0xFFFFC000  }
0x8c: {  	[spmem:s3] =	stream.indirect.scatter.add.f32 [tilespmem:s24], [sflag:$0x5], $0x80, s12, s23, $0xb8;
	[tilespmem:$0x1D000] =	vst v63  }
0x8d: {  	_ =	swait.ge [sflag:s26], $0x4000  }
0x8e: {  	[sflag:s26] =	ssyncset.done $0x0  }
0x8f: {  	s11 =	rddreg [dreg:$0x10];
	[sflag:s26] =	ssyncadd.s32 $0xFFFFC000  }
0x90: {  	[tilespmem:s24], [sflag:$0x2] =	stream.indirect.gather [hbm4b:s1+s23], $0x80, s11, s23, $0xb8;
	[tilespmem:$0x1D000] =	vst v63  }
0x91: {  	_ =	swait.ge [sflag:s25], $0x4000  }
0x92: {  	[sflag:s25] =	ssyncset.done $0x0  }
0x93: {  	s12 =	rddreg [dreg:$0x11];
	[sflag:s25] =	ssyncadd.s32 $0xFFFFC000  }
0x94: {  	[spmem:s3] =	stream.indirect.scatter.add.f32 [tilespmem:s18], [sflag:$0x5], $0x80, s12, s23, $0xb8;
	[tilespmem:$0x1D000] =	vst v63  }
0x95: {  	_ =	swait.ge [sflag:s26], $0x4000  }
0x96: {  	[sflag:s26] =	ssyncset.done $0x0  }
0x97: {  	[sflag:s26] =	ssyncadd.s32 $0xFFFFC000  }
0x98: {  	_ =	swait.ge [sflag:s29], $0x400  }
0x99: {  	[sflag:s29] =	ssyncset.done $0x0  }
0x9a: {  	[sflag:s29] =	ssyncadd.s32 $0xFFFFFC00  }
0x9b: {  	_ =	swait.ge [sflag:s30], $0x400  }
0x9c: {  	[sflag:s30] =	ssyncset.done $0x0  }
0x9d: {  	[sflag:s30] =	ssyncadd.s32 $0xFFFFFC00  }
0x9e: {  	[tilespmem:s18], [sflag:$0x1] =	stream.indirect.gather [hbm4b:s1+s23], $0x80, s21, s23, $0xb8;
	[tilespmem:$0x1D000] =	vst v63  }
0x9f: {  	_ =	swait.ge [sflag:s28], $0x4000  }
0xa0: {  	[sflag:s28] =	ssyncset.done $0x0  }
0xa1: {  	s11 =	rddreg [dreg:$0x12];
	[sflag:s28] =	ssyncadd.s32 $0xFFFFC000  }
0xa2: {  	[spmem:s3] =	stream.indirect.scatter.add.f32 [tilespmem:s24], [sflag:$0x5], $0x80, s11, s23, $0xb8;
	[tilespmem:$0x1D000] =	vst v63  }
0xa3: {  	s11 =	smin.u32 s9, $0x7;
	_ =	swait.ge [sflag:s26], $0x4000  }
0xa4: {  	s11 =	sshll.u32 s11, $0xA;
	s12 =	rddreg [dreg:$0x4]  }
0xa5: {  	s10 =	sadd.s32 s11, s12  }
0xa6: {  	[sflag:s26] =	ssyncset.done $0x0;
	s10 =	sshrl.u32 s10, $0x3  }
0xa7: {  	[sflag:s26] =	ssyncadd.s32 $0xFFFFC000;
	s12 =	sadd.s32 s5, s10  }
0xa8: {  	[tilespmem:s4], [sflag:$0x3] =	stream.linear.gather [hbm4b:s12+s4], $0x400, $0x38;
	[tilespmem:$0x1D000] =	vst v63  }
0xa9: {  	s10 =	sadd.s32 s6, s10  }
0xaa: {  	[tilespmem:s20], [sflag:$0x4] =	stream.linear.gather [hbm4b:s10+s4], $0x400, $0x38;
	[tilespmem:$0x1D000] =	vst v63  }
0xab: {  	s12 =	rddreg [dreg:$0x13]  }
0xac: {  	[tilespmem:s24], [sflag:$0x2] =	stream.indirect.gather [hbm4b:s1+s23], $0x80, s12, s23, $0xb8;
	[tilespmem:$0x1D000] =	vst v63  }
0xad: {  	_ =	swait.ge [sflag:s25], $0x4000  }
0xae: {  	[sflag:s25] =	ssyncset.done $0x0  }
0xaf: {  	[sflag:s25] =	ssyncadd.s32 $0xFFFFC000  }
0xb0: {  	[spmem:s3] =	stream.indirect.scatter.add.f32 [tilespmem:s18], [sflag:$0x5], $0x80, s22, s23, $0xb8;
	[tilespmem:$0x1D000] =	vst v63  }
0xb1: {  	_ =	swait.ge [sflag:s26], $0x4000  }
0xb2: {  	[sflag:s26] =	ssyncset.done $0x0  }
0xb3: {  	s12 =	rddreg [dreg:$0x14];
	[sflag:s26] =	ssyncadd.s32 $0xFFFFC000  }
0xb4: {  	[tilespmem:s18], [sflag:$0x1] =	stream.indirect.gather [hbm4b:s1+s23], $0x80, s12, s23, $0xb8;
	[tilespmem:$0x1D000] =	vst v63  }
0xb5: {  	_ =	swait.ge [sflag:s28], $0x4000  }
0xb6: {  	[sflag:s28] =	ssyncset.done $0x0  }
0xb7: {  	s11 =	rddreg [dreg:$0x15];
	[sflag:s28] =	ssyncadd.s32 $0xFFFFC000  }
0xb8: {  	[spmem:s3] =	stream.indirect.scatter.add.f32 [tilespmem:s24], [sflag:$0x5], $0x80, s11, s23, $0xb8;
	[tilespmem:$0x1D000] =	vst v63  }
0xb9: {  	_ =	swait.ge [sflag:s26], $0x4000  }
0xba: {  	[sflag:s26] =	ssyncset.done $0x0  }
0xbb: {  	s12 =	rddreg [dreg:$0x16];
	[sflag:s26] =	ssyncadd.s32 $0xFFFFC000  }
0xbc: {  	[tilespmem:s24], [sflag:$0x2] =	stream.indirect.gather [hbm4b:s1+s23], $0x80, s12, s23, $0xb8;
	[tilespmem:$0x1D000] =	vst v63  }
0xbd: {  	_ =	swait.ge [sflag:s25], $0x4000  }
0xbe: {  	[sflag:s25] =	ssyncset.done $0x0  }
0xbf: {  	s11 =	rddreg [dreg:$0x17];
	[sflag:s25] =	ssyncadd.s32 $0xFFFFC000  }
0xc0: {  	[spmem:s3] =	stream.indirect.scatter.add.f32 [tilespmem:s18], [sflag:$0x5], $0x80, s11, s23, $0xb8;
	[tilespmem:$0x1D000] =	vst v63  }
0xc1: {  	_ =	swait.ge [sflag:s26], $0x4000  }
0xc2: {  	[sflag:s26] =	ssyncset.done $0x0  }
0xc3: {  	s12 =	rddreg [dreg:$0x18];
	[sflag:s26] =	ssyncadd.s32 $0xFFFFC000  }
0xc4: {  	[tilespmem:s18], [sflag:$0x1] =	stream.indirect.gather [hbm4b:s1+s23], $0x80, s12, s23, $0xb8;
	[tilespmem:$0x1D000] =	vst v63  }
0xc5: {  	_ =	swait.ge [sflag:s28], $0x4000  }
0xc6: {  	[sflag:s28] =	ssyncset.done $0x0  }
0xc7: {  	s11 =	rddreg [dreg:$0x19];
	[sflag:s28] =	ssyncadd.s32 $0xFFFFC000  }
0xc8: {  	[spmem:s3] =	stream.indirect.scatter.add.f32 [tilespmem:s24], [sflag:$0x5], $0x80, s11, s23, $0xb8;
	[tilespmem:$0x1D000] =	vst v63  }
0xc9: {  	_ =	swait.ge [sflag:s26], $0x4000  }
0xca: {  	[sflag:s26] =	ssyncset.done $0x0  }
0xcb: {  	s12 =	rddreg [dreg:$0x1a];
	[sflag:s26] =	ssyncadd.s32 $0xFFFFC000  }
0xcc: {  	[tilespmem:s24], [sflag:$0x2] =	stream.indirect.gather [hbm4b:s1+s23], $0x80, s12, s23, $0xb8;
	[tilespmem:$0x1D000] =	vst v63  }
0xcd: {  	_ =	swait.ge [sflag:s25], $0x4000  }
0xce: {  	[sflag:s25] =	ssyncset.done $0x0  }
0xcf: {  	s11 =	rddreg [dreg:$0x1b];
	[sflag:s25] =	ssyncadd.s32 $0xFFFFC000  }
0xd0: {  	[spmem:s3] =	stream.indirect.scatter.add.f32 [tilespmem:s18], [sflag:$0x5], $0x80, s11, s23, $0xb8;
	[tilespmem:$0x1D000] =	vst v63  }
0xd1: {  	_ =	swait.ge [sflag:s26], $0x4000  }
0xd2: {  	[sflag:s26] =	ssyncset.done $0x0  }
0xd3: {  	s12 =	rddreg [dreg:$0x1c];
	[sflag:s26] =	ssyncadd.s32 $0xFFFFC000  }
0xd4: {  	[tilespmem:s18], [sflag:$0x1] =	stream.indirect.gather [hbm4b:s1+s23], $0x80, s12, s23, $0xb8;
	[tilespmem:$0x1D000] =	vst v63  }
0xd5: {  	_ =	swait.ge [sflag:s28], $0x4000  }
0xd6: {  	[sflag:s28] =	ssyncset.done $0x0  }
0xd7: {  	s11 =	rddreg [dreg:$0x1d];
	[sflag:s28] =	ssyncadd.s32 $0xFFFFC000  }
0xd8: {  	[spmem:s3] =	stream.indirect.scatter.add.f32 [tilespmem:s24], [sflag:$0x5], $0x80, s11, s23, $0xb8;
	[tilespmem:$0x1D000] =	vst v63  }
0xd9: {  	_ =	swait.ge [sflag:s26], $0x4000  }
0xda: {  	[sflag:s26] =	ssyncset.done $0x0  }
0xdb: {  	[sflag:s26] =	ssyncadd.s32 $0xFFFFC000  }
0xdc: {  	[tilespmem:s24], [sflag:$0x2] =	stream.indirect.gather [hbm4b:s1+s23], $0x80, s31, s23, $0xb8;
	[tilespmem:$0x1D000] =	vst v63  }
0xdd: {  	_ =	swait.ge [sflag:s25], $0x4000  }
0xde: {  	[sflag:s25] =	ssyncset.done $0x0  }
0xdf: {  	[sflag:s25] =	ssyncadd.s32 $0xFFFFC000  }
0xe0: {  	[spmem:s3] =	stream.indirect.scatter.add.f32 [tilespmem:s18], [sflag:$0x5], $0x80, s0, s23, $0xb8;
	[tilespmem:$0x1D000] =	vst v63  }
0xe1: {  	_ =	swait.ge [sflag:s26], $0x4000  }
0xe2: {  	[sflag:s26] =	ssyncset.done $0x0  }
0xe3: {  	[sflag:s26] =	ssyncadd.s32 $0xFFFFC000  }
0xe4: {  	_ =	swait.ge [sflag:s29], $0x400  }
0xe5: {  	[sflag:s29] =	ssyncset.done $0x0  }
0xe6: {  	[sflag:s29] =	ssyncadd.s32 $0xFFFFFC00  }
0xe7: {  	_ =	swait.ge [sflag:s30], $0x400  }
0xe8: {  	[sflag:s30] =	ssyncset.done $0x0  }
0xe9: {  	[sflag:s30] =	ssyncadd.s32 $0xFFFFFC00  }
0xea: {  	[tilespmem:s18], [sflag:$0x1] =	stream.indirect.gather [hbm4b:s1+s23], $0x80, s4, s23, $0xb8;
	[tilespmem:$0x1D000] =	vst v63  }
0xeb: {  	_ =	swait.ge [sflag:s28], $0x4000  }
0xec: {  	[sflag:s28] =	ssyncset.done $0x0  }
0xed: {  	[sflag:s28] =	ssyncadd.s32 $0xFFFFC000  }
0xee: {  	[spmem:s3] =	stream.indirect.scatter.add.f32 [tilespmem:s24], [sflag:$0x5], $0x80, s2, s23, $0xb8;
	[tilespmem:$0x1D000] =	vst v63  }
0xef: {  	s9 =	smin.u32 s9, $0x6;
	_ =	swait.ge [sflag:s26], $0x4000  }
0xf0: {  	s9 =	sshll.u32 s9, $0xA;
	s12 =	rddreg [dreg:$0x5]  }
0xf1: {  	s9 =	sadd.s32 s9, s12  }
0xf2: {  	[sflag:s26] =	ssyncset.done $0x0;
	s10 =	sshrl.u32 s9, $0x3  }
0xf3: {  	[sflag:s26] =	ssyncadd.s32 $0xFFFFC000;
	s9 =	sadd.s32 s5, s10  }
0xf4: {  	[tilespmem:s21], [sflag:$0x3] =	stream.linear.gather [hbm4b:s9+s4], $0x400, $0x38;
	[tilespmem:$0x1D000] =	vst v63  }
0xf5: {  	s10 =	sadd.s32 s6, s10;
	s9 =	simm.s32 $0x2  }
.LBB2_4:
0xf6: {  	[tilespmem:s22], [sflag:$0x4] =	stream.linear.gather [hbm4b:s10+s4], $0x400, $0x38;
	[tilespmem:$0x1D000] =	vst v63  }
0xf7: {  	_ = 	snop  }
0xf8: {  	[tilespmem:s24], [sflag:$0x2] =	stream.indirect.gather [hbm4b:s1+s23], $0x80, s23, s23, $0xb8;
	[tilespmem:$0x1D000] =	vst v63  }
0xf9: {  	_ =	swait.ge [sflag:s25], $0x4000  }
0xfa: {  	[sflag:s25] =	ssyncset.done $0x0  }
0xfb: {  	[sflag:s25] =	ssyncadd.s32 $0xFFFFC000  }
0xfc: {  	[spmem:s3] =	stream.indirect.scatter.add.f32 [tilespmem:s18], [sflag:$0x5], $0x80, s20, s23, $0xb8;
	[tilespmem:$0x1D000] =	vst v63  }
0xfd: {  	_ =	swait.ge [sflag:s26], $0x4000  }
0xfe: {  	[sflag:s26] =	ssyncset.done $0x0  }
0xff: {  	s11 =	rddreg [dreg:$0x6];
	[sflag:s26] =	ssyncadd.s32 $0xFFFFC000  }
0x100: {  	[tilespmem:s18], [sflag:$0x1] =	stream.indirect.gather [hbm4b:s1+s23], $0x80, s11, s23, $0xb8;
	[tilespmem:$0x1D000] =	vst v63  }
0x101: {  	_ =	swait.ge [sflag:s28], $0x4000  }
0x102: {  	[sflag:s28] =	ssyncset.done $0x0  }
0x103: {  	s12 =	rddreg [dreg:$0x7];
	[sflag:s28] =	ssyncadd.s32 $0xFFFFC000  }
0x104: {  	[spmem:s3] =	stream.indirect.scatter.add.f32 [tilespmem:s24], [sflag:$0x5], $0x80, s12, s23, $0xb8;
	[tilespmem:$0x1D000] =	vst v63  }
0x105: {  	_ =	swait.ge [sflag:s26], $0x4000  }
0x106: {  	[sflag:s26] =	ssyncset.done $0x0  }
0x107: {  	s12 =	rddreg [dreg:$0x8];
	[sflag:s26] =	ssyncadd.s32 $0xFFFFC000  }
0x108: {  	[tilespmem:s24], [sflag:$0x2] =	stream.indirect.gather [hbm4b:s1+s23], $0x80, s12, s23, $0xb8;
	[tilespmem:$0x1D000] =	vst v63  }
0x109: {  	_ =	swait.ge [sflag:s25], $0x4000  }
0x10a: {  	[sflag:s25] =	ssyncset.done $0x0  }
0x10b: {  	s12 =	rddreg [dreg:$0x9];
	[sflag:s25] =	ssyncadd.s32 $0xFFFFC000  }
0x10c: {  	[spmem:s3] =	stream.indirect.scatter.add.f32 [tilespmem:s18], [sflag:$0x5], $0x80, s12, s23, $0xb8;
	[tilespmem:$0x1D000] =	vst v63  }
0x10d: {  	_ =	swait.ge [sflag:s26], $0x4000  }
0x10e: {  	[sflag:s26] =	ssyncset.done $0x0  }
0x10f: {  	s12 =	rddreg [dreg:$0xa];
	[sflag:s26] =	ssyncadd.s32 $0xFFFFC000  }
0x110: {  	[tilespmem:s18], [sflag:$0x1] =	stream.indirect.gather [hbm4b:s1+s23], $0x80, s12, s23, $0xb8;
	[tilespmem:$0x1D000] =	vst v63  }
0x111: {  	_ =	swait.ge [sflag:s28], $0x4000  }
0x112: {  	[sflag:s28] =	ssyncset.done $0x0  }
0x113: {  	s12 =	rddreg [dreg:$0xb];
	[sflag:s28] =	ssyncadd.s32 $0xFFFFC000  }
0x114: {  	[spmem:s3] =	stream.indirect.scatter.add.f32 [tilespmem:s24], [sflag:$0x5], $0x80, s12, s23, $0xb8;
	[tilespmem:$0x1D000] =	vst v63  }
0x115: {  	_ =	swait.ge [sflag:s26], $0x4000  }
0x116: {  	[sflag:s26] =	ssyncset.done $0x0  }
0x117: {  	s12 =	rddreg [dreg:$0xc];
	[sflag:s26] =	ssyncadd.s32 $0xFFFFC000  }
0x118: {  	[tilespmem:s24], [sflag:$0x2] =	stream.indirect.gather [hbm4b:s1+s23], $0x80, s12, s23, $0xb8;
	[tilespmem:$0x1D000] =	vst v63  }
0x119: {  	_ =	swait.ge [sflag:s25], $0x4000  }
0x11a: {  	[sflag:s25] =	ssyncset.done $0x0  }
0x11b: {  	s12 =	rddreg [dreg:$0xd];
	[sflag:s25] =	ssyncadd.s32 $0xFFFFC000  }
0x11c: {  	[spmem:s3] =	stream.indirect.scatter.add.f32 [tilespmem:s18], [sflag:$0x5], $0x80, s12, s23, $0xb8;
	[tilespmem:$0x1D000] =	vst v63  }
0x11d: {  	_ =	swait.ge [sflag:s26], $0x4000  }
0x11e: {  	[sflag:s26] =	ssyncset.done $0x0  }
0x11f: {  	s12 =	rddreg [dreg:$0xe];
	[sflag:s26] =	ssyncadd.s32 $0xFFFFC000  }
0x120: {  	[tilespmem:s18], [sflag:$0x1] =	stream.indirect.gather [hbm4b:s1+s23], $0x80, s12, s23, $0xb8;
	[tilespmem:$0x1D000] =	vst v63  }
0x121: {  	_ =	swait.ge [sflag:s28], $0x4000  }
0x122: {  	[sflag:s28] =	ssyncset.done $0x0  }
0x123: {  	s12 =	rddreg [dreg:$0xf];
	[sflag:s28] =	ssyncadd.s32 $0xFFFFC000  }
0x124: {  	[spmem:s3] =	stream.indirect.scatter.add.f32 [tilespmem:s24], [sflag:$0x5], $0x80, s12, s23, $0xb8;
	[tilespmem:$0x1D000] =	vst v63  }
0x125: {  	_ =	swait.ge [sflag:s26], $0x4000  }
0x126: {  	[sflag:s26] =	ssyncset.done $0x0  }
0x127: {  	s12 =	rddreg [dreg:$0x10];
	[sflag:s26] =	ssyncadd.s32 $0xFFFFC000  }
0x128: {  	[tilespmem:s24], [sflag:$0x2] =	stream.indirect.gather [hbm4b:s1+s23], $0x80, s12, s23, $0xb8;
	[tilespmem:$0x1D000] =	vst v63  }
0x129: {  	_ =	swait.ge [sflag:s25], $0x4000  }
0x12a: {  	[sflag:s25] =	ssyncset.done $0x0  }
0x12b: {  	s12 =	rddreg [dreg:$0x11];
	[sflag:s25] =	ssyncadd.s32 $0xFFFFC000  }
0x12c: {  	[spmem:s3] =	stream.indirect.scatter.add.f32 [tilespmem:s18], [sflag:$0x5], $0x80, s12, s23, $0xb8;
	[tilespmem:$0x1D000] =	vst v63  }
0x12d: {  	_ =	swait.ge [sflag:s26], $0x4000  }
0x12e: {  	[sflag:s26] =	ssyncset.done $0x0  }
0x12f: {  	[sflag:s26] =	ssyncadd.s32 $0xFFFFC000  }
0x130: {  	_ =	swait.ge [sflag:s29], $0x400  }
0x131: {  	[sflag:s29] =	ssyncset.done $0x0  }
0x132: {  	[sflag:s29] =	ssyncadd.s32 $0xFFFFFC00  }
0x133: {  	_ =	swait.ge [sflag:s30], $0x400  }
0x134: {  	[sflag:s30] =	ssyncset.done $0x0  }
0x135: {  	[sflag:s30] =	ssyncadd.s32 $0xFFFFFC00  }
0x136: {  	[tilespmem:s18], [sflag:$0x1] =	stream.indirect.gather [hbm4b:s1+s23], $0x80, s21, s23, $0xb8;
	[tilespmem:$0x1D000] =	vst v63  }
0x137: {  	_ =	swait.ge [sflag:s28], $0x4000  }
0x138: {  	[sflag:s28] =	ssyncset.done $0x0  }
0x139: {  	s10 =	smov.u32 s9;
	s12 =	rddreg [dreg:$0x12];
	[sflag:s28] =	ssyncadd.s32 $0xFFFFC000  }
0x13a: {  	[spmem:s3] =	stream.indirect.scatter.add.f32 [tilespmem:s24], [sflag:$0x5], $0x80, s12, s23, $0xb8;
	[tilespmem:$0x1D000] =	vst v63  }
0x13b: {  	s12 =	smin.u32 s10, $0x7;
	_ =	swait.ge [sflag:s26], $0x4000  }
0x13c: {  	s12 =	sshll.u32 s12, $0xA;
	s11 =	rddreg [dreg:$0x4]  }
0x13d: {  	s11 =	sadd.s32 s12, s11  }
0x13e: {  	[sflag:s26] =	ssyncset.done $0x0;
	s11 =	sshrl.u32 s11, $0x3  }
0x13f: {  	[sflag:s26] =	ssyncadd.s32 $0xFFFFC000;
	s12 =	sadd.s32 s5, s11  }
0x140: {  	[tilespmem:s4], [sflag:$0x3] =	stream.linear.gather [hbm4b:s12+s4], $0x400, $0x38;
	[tilespmem:$0x1D000] =	vst v63  }
0x141: {  	s11 =	sadd.s32 s6, s11  }
0x142: {  	[tilespmem:s20], [sflag:$0x4] =	stream.linear.gather [hbm4b:s11+s4], $0x400, $0x38;
	[tilespmem:$0x1D000] =	vst v63  }
0x143: {  	s12 =	rddreg [dreg:$0x13]  }
0x144: {  	[tilespmem:s24], [sflag:$0x2] =	stream.indirect.gather [hbm4b:s1+s23], $0x80, s12, s23, $0xb8;
	[tilespmem:$0x1D000] =	vst v63  }
0x145: {  	_ =	swait.ge [sflag:s25], $0x4000  }
0x146: {  	[sflag:s25] =	ssyncset.done $0x0  }
0x147: {  	[sflag:s25] =	ssyncadd.s32 $0xFFFFC000  }
0x148: {  	[spmem:s3] =	stream.indirect.scatter.add.f32 [tilespmem:s18], [sflag:$0x5], $0x80, s22, s23, $0xb8;
	[tilespmem:$0x1D000] =	vst v63  }
0x149: {  	_ =	swait.ge [sflag:s26], $0x4000  }
0x14a: {  	[sflag:s26] =	ssyncset.done $0x0  }
0x14b: {  	s12 =	rddreg [dreg:$0x14];
	[sflag:s26] =	ssyncadd.s32 $0xFFFFC000  }
0x14c: {  	[tilespmem:s18], [sflag:$0x1] =	stream.indirect.gather [hbm4b:s1+s23], $0x80, s12, s23, $0xb8;
	[tilespmem:$0x1D000] =	vst v63  }
0x14d: {  	_ =	swait.ge [sflag:s28], $0x4000  }
0x14e: {  	[sflag:s28] =	ssyncset.done $0x0  }
0x14f: {  	s12 =	rddreg [dreg:$0x15];
	[sflag:s28] =	ssyncadd.s32 $0xFFFFC000  }
0x150: {  	[spmem:s3] =	stream.indirect.scatter.add.f32 [tilespmem:s24], [sflag:$0x5], $0x80, s12, s23, $0xb8;
	[tilespmem:$0x1D000] =	vst v63  }
0x151: {  	_ =	swait.ge [sflag:s26], $0x4000  }
0x152: {  	[sflag:s26] =	ssyncset.done $0x0  }
0x153: {  	s12 =	rddreg [dreg:$0x16];
	[sflag:s26] =	ssyncadd.s32 $0xFFFFC000  }
0x154: {  	[tilespmem:s24], [sflag:$0x2] =	stream.indirect.gather [hbm4b:s1+s23], $0x80, s12, s23, $0xb8;
	[tilespmem:$0x1D000] =	vst v63  }
0x155: {  	_ =	swait.ge [sflag:s25], $0x4000  }
0x156: {  	[sflag:s25] =	ssyncset.done $0x0  }
0x157: {  	s12 =	rddreg [dreg:$0x17];
	[sflag:s25] =	ssyncadd.s32 $0xFFFFC000  }
0x158: {  	[spmem:s3] =	stream.indirect.scatter.add.f32 [tilespmem:s18], [sflag:$0x5], $0x80, s12, s23, $0xb8;
	[tilespmem:$0x1D000] =	vst v63  }
0x159: {  	_ =	swait.ge [sflag:s26], $0x4000  }
0x15a: {  	[sflag:s26] =	ssyncset.done $0x0  }
0x15b: {  	s12 =	rddreg [dreg:$0x18];
	[sflag:s26] =	ssyncadd.s32 $0xFFFFC000  }
0x15c: {  	[tilespmem:s18], [sflag:$0x1] =	stream.indirect.gather [hbm4b:s1+s23], $0x80, s12, s23, $0xb8;
	[tilespmem:$0x1D000] =	vst v63  }
0x15d: {  	_ =	swait.ge [sflag:s28], $0x4000  }
0x15e: {  	[sflag:s28] =	ssyncset.done $0x0  }
0x15f: {  	s12 =	rddreg [dreg:$0x19];
	[sflag:s28] =	ssyncadd.s32 $0xFFFFC000  }
0x160: {  	[spmem:s3] =	stream.indirect.scatter.add.f32 [tilespmem:s24], [sflag:$0x5], $0x80, s12, s23, $0xb8;
	[tilespmem:$0x1D000] =	vst v63  }
0x161: {  	_ =	swait.ge [sflag:s26], $0x4000  }
0x162: {  	[sflag:s26] =	ssyncset.done $0x0  }
0x163: {  	s12 =	rddreg [dreg:$0x1a];
	[sflag:s26] =	ssyncadd.s32 $0xFFFFC000  }
0x164: {  	[tilespmem:s24], [sflag:$0x2] =	stream.indirect.gather [hbm4b:s1+s23], $0x80, s12, s23, $0xb8;
	[tilespmem:$0x1D000] =	vst v63  }
0x165: {  	_ =	swait.ge [sflag:s25], $0x4000  }
0x166: {  	[sflag:s25] =	ssyncset.done $0x0  }
0x167: {  	s12 =	rddreg [dreg:$0x1b];
	[sflag:s25] =	ssyncadd.s32 $0xFFFFC000  }
0x168: {  	[spmem:s3] =	stream.indirect.scatter.add.f32 [tilespmem:s18], [sflag:$0x5], $0x80, s12, s23, $0xb8;
	[tilespmem:$0x1D000] =	vst v63  }
0x169: {  	_ =	swait.ge [sflag:s26], $0x4000  }
0x16a: {  	[sflag:s26] =	ssyncset.done $0x0  }
0x16b: {  	s12 =	rddreg [dreg:$0x1c];
	[sflag:s26] =	ssyncadd.s32 $0xFFFFC000  }
0x16c: {  	[tilespmem:s18], [sflag:$0x1] =	stream.indirect.gather [hbm4b:s1+s23], $0x80, s12, s23, $0xb8;
	[tilespmem:$0x1D000] =	vst v63  }
0x16d: {  	_ =	swait.ge [sflag:s28], $0x4000  }
0x16e: {  	[sflag:s28] =	ssyncset.done $0x0  }
0x16f: {  	s12 =	rddreg [dreg:$0x1d];
	[sflag:s28] =	ssyncadd.s32 $0xFFFFC000  }
0x170: {  	[spmem:s3] =	stream.indirect.scatter.add.f32 [tilespmem:s24], [sflag:$0x5], $0x80, s12, s23, $0xb8;
	[tilespmem:$0x1D000] =	vst v63  }
0x171: {  	_ =	swait.ge [sflag:s26], $0x4000  }
0x172: {  	[sflag:s26] =	ssyncset.done $0x0  }
0x173: {  	[sflag:s26] =	ssyncadd.s32 $0xFFFFC000  }
0x174: {  	[tilespmem:s24], [sflag:$0x2] =	stream.indirect.gather [hbm4b:s1+s23], $0x80, s31, s23, $0xb8;
	[tilespmem:$0x1D000] =	vst v63  }
0x175: {  	_ =	swait.ge [sflag:s25], $0x4000  }
0x176: {  	[sflag:s25] =	ssyncset.done $0x0  }
0x177: {  	[sflag:s25] =	ssyncadd.s32 $0xFFFFC000  }
0x178: {  	[spmem:s3] =	stream.indirect.scatter.add.f32 [tilespmem:s18], [sflag:$0x5], $0x80, s0, s23, $0xb8;
	[tilespmem:$0x1D000] =	vst v63  }
0x179: {  	_ =	swait.ge [sflag:s26], $0x4000  }
0x17a: {  	[sflag:s26] =	ssyncset.done $0x0  }
0x17b: {  	[sflag:s26] =	ssyncadd.s32 $0xFFFFC000  }
0x17c: {  	_ =	swait.ge [sflag:s29], $0x400  }
0x17d: {  	[sflag:s29] =	ssyncset.done $0x0  }
0x17e: {  	[sflag:s29] =	ssyncadd.s32 $0xFFFFFC00  }
0x17f: {  	_ =	swait.ge [sflag:s30], $0x400  }
0x180: {  	[sflag:s30] =	ssyncset.done $0x0  }
0x181: {  	[sflag:s30] =	ssyncadd.s32 $0xFFFFFC00  }
0x182: {  	[tilespmem:s18], [sflag:$0x1] =	stream.indirect.gather [hbm4b:s1+s23], $0x80, s4, s23, $0xb8;
	[tilespmem:$0x1D000] =	vst v63  }
0x183: {  	_ =	swait.ge [sflag:s28], $0x4000  }
0x184: {  	[sflag:s28] =	ssyncset.done $0x0  }
0x185: {  	[sflag:s28] =	ssyncadd.s32 $0xFFFFC000  }
0x186: {  	[spmem:s3] =	stream.indirect.scatter.add.f32 [tilespmem:s24], [sflag:$0x5], $0x80, s2, s23, $0xb8;
	[tilespmem:$0x1D000] =	vst v63  }
0x187: {  	p0 =	sne.s32 s9, $0x8;
	s10 =	smin.u32 s10, $0x6;
	_ =	swait.ge [sflag:s26], $0x4000  }
.Ltmp1:
0x188: {  	s10 =	sshll.u32 s10, $0xA;
	s12 =	rddreg [dreg:$0x5];
	(pc) =	sbr.rel @p0 .LBB2_4-.Ltmp1, $4  }
0x189: {  	s10 =	sadd.s32 s10, s12  }
0x18a: {  	s9 =	sadd.s32 $0x2, s9;
	[sflag:s26] =	ssyncset.done $0x0;
	s10 =	sshrl.u32 s10, $0x3  }
0x18b: {  	[sflag:s26] =	ssyncadd.s32 $0xFFFFC000;
	s12 =	sadd.s32 s5, s10;
	s10 =	sadd.s32 s6, s10  }
0x18c: {  	[tilespmem:s21], [sflag:$0x3] =	stream.linear.gather [hbm4b:s12+s4], $0x400, $0x38;
	[tilespmem:$0x1D000] =	vst v63  }
0x18d: {  	[tilespmem:s22], [sflag:$0x4] =	stream.linear.gather [hbm4b:s10+s4], $0x400, $0x38;
	[tilespmem:$0x1D000] =	vst v63  }
0x18e: {  	_ =	swait.ge [sflag:s25], $0x4000  }
0x18f: {  	[sflag:s25] =	ssyncset.done $0x0  }
0x190: {  	[sflag:s25] =	ssyncadd.s32 $0xFFFFC000  }
0x191: {  	_ =	swait.ge [sflag:s29], $0x400  }
0x192: {  	[sflag:s29] =	ssyncset.done $0x0  }
0x193: {  	[sflag:s29] =	ssyncadd.s32 $0xFFFFFC00  }
0x194: {  	s9 =	stileid.u32;
	_ =	swait.ge [sflag:s30], $0x400  }
0x195: {  	s12 =	sshrl.u32 s7, $0x3;
	s8 =	sadd.s32 $0x1, s8;
	[sflag:s30] =	ssyncset.done $0x0  }
0x196: {  	s9 =	sshll.u32 s9, $0x6;
	p0 =	sne.s32 s8, s17;
	[sflag:s30] =	ssyncadd.s32 $0xFFFFFC00  }
.Ltmp2:
0x197: {  	s9 =	sor.u32 $0x1C06, s9;
	[bflag:$0x0] =	sbarrier.arrive $0xFFFF;
	(pc) =	sbr.rel @p0 .LBB2_1-.Ltmp2, $4  }
0x198: {  	[hbm:s16], [sflag:s9] =	dma.local [spmem:s12], $0x2800  }
0x199: {  	_ =	swait.ge [sflag:s19], $0x2800  }
0x19a: {  	[sflag:s19] =	ssyncset.done $0x0  }
0x19b: {  	[sflag:s19] =	ssyncadd.s32 $0xFFFFD800  }
0x19c: {  	_ =	sfence.sel $0x180000  }
0x19d: {  	[bflag:$0x0] =	sbarrier.arrive $0xFFFF  }
0x19e: {  	_ =	strace $0x90000050  }
0x19f: {  	s0 =	stileid.u32;
	[bflag:$0x2] =	sbarrier.arrive $0xFFFF  }
0x1a0: {  	p0 =	sne.s32 s0, $0x0;
	s0 =	rddreg [dreg:$0x3]  }
0x1a1: {  	s0 =	sadd.s32 @!p0 $0x100000, s0  }
0x1a2: {  	[sflag:s0] =	ssyncadd.tile.s32 @!p0 $0x1;
	_ =	shalt  }
.Lfunc_end2:
_tile_overlayer_lowered:
.L_overlay_start_2:
0x1a3: {  	(tag) =	ssettag $0x2  }
0x1a4: {  	s0 =	rddreg [dreg:$0x0];
	s2 =	stileid.u32  }
0x1a5: {  	s1 =	rddreg [dreg:$0x1];
	p0 =	sne.s32 s2, $0x0  }
0x1a6: {  	s3 =	rddreg [dreg:$0x2];
	[bflag:$0x3] =	sbarrier.arrive $0xFFFF;
	s2 =	simm.s32 @!p0 $0x1C06  }
0x1a7: {  	[timem:s3], [sflag:s2] =	dma.local @!p0 [hbm:s0], s1  }
0x1a8: {  	s0 =	simm.s32 @!p0 $0x6  }
0x1a9: {  	_ =	swait.ge @!p0 [sflag:s0], s1  }
0x1aa: {  	s1 =	ssub.s32 @!p0 $0x0, s1;
	[sflag:s0] =	ssyncset.done @!p0 $0x0  }
0x1ab: {  	[sflag:s0] =	ssyncadd.s32 @!p0 s1  }
0x1ac: {  	[bflag:$0x3] =	sbarrier.arrive $0xFFFF  }
0x1ad: {  	_ =	shalt  }

// kernel: kernel.9.cloned.1.call-start
scs
__scs_entry_jumppad:
0x0: {  	(pc) =	sbr.rel $0x88, $3  }
0x1: {  	(tag) =	ssettag $0x0;
	lr =	simm.s32 $0x1  }
0x2: {  	[smem:$0x3F96] =	sst lr;
	_ =	strace $0xD0000000  }
0x3: {  	_ = 	snop  }
0x4: {  	_ = 	snop  }
0x5: {  	_ = 	snop  }
0x6: {  	_ = 	snop  }
0x7: {  	_ = 	snop  }
__scs_overlays_trampoline_lowered:
0x8: {  	[smem:$0x3FA5] =	sst s0  }
0x9: {  	[smem:$0x3FA6] =	sst s1  }
0xa: {  	[smem:$0x3FA7] =	sst s2  }
0xb: {  	[smem:$0x3FA8] =	sst s3  }
0xc: {  	[smem:$0x3FA9] =	sst s4  }
0xd: {  	[smem:$0x3FAA] =	sst s5  }
0xe: {  	[smem:$0x3FAB] =	sst s6  }
0xf: {  	[smem:$0x3FAC] =	sst s7  }
0x10: {  	[smem:$0x3FAD] =	sst s8  }
0x11: {  	[smem:$0x3FAE] =	sst s9;
	s0 =	simm.s32 @!p0 $0x0  }
0x12: {  	s1 =	sld [smem:$0x3F94];
	s0 =	simm.s32 @p0 $0x1  }
0x13: {  	[smem:$0x3FAF] =	sst s0;
	s0 =	simm.s32 @!p1 $0x0  }
0x14: {  	s2 =	sld [smem:$0x3F93];
	s0 =	simm.s32 @p1 $0x1  }
0x15: {  	[smem:$0x3FB0] =	sst s0;
	s0 =	simm.s32 @!p2 $0x0  }
0x16: {  	s3 =	sld [smem:$0x3FDB];
	s0 =	simm.s32 @p2 $0x1  }
0x17: {  	s4 =	simm.s32 $0x1BF5;
	[smem:$0x3FB2] =	sst s0  }
0x18: {  	s0 =	sld [smem:$0x3F95];
	_ =	swait.ge [sflag:s4], $0x0  }
0x19: {  	s7 =	sld [smem:$0x3F96]  }
0x1a: {  	s8 =	sadd.s32 $0xFFFFE003, lr  }
0x1b: {  	s9 =	sadd.s32 $0xFFFFFEF7, lr;
	s5 =	simm.s32 $0xFFFFFFFF;
	p2 =	slt.u32 s8, $0xFFFFF086  }
0x1c: {  	p1 =	slt.u32 s9, $0xF7A;
	s5 =	simm.s32 @!p2 $0x0  }
0x1d: {  	s5 =	simm.s32 @p1 $0x1;
	p0 =	seq.s32 s7, s2  }
0x1e: {  	s7 =	smul.u32 @!p0 $0xF7A, s2;
	p2 =	seq.s32 @!p0 s5, $0x0  }
0x1f: {  	s9 =	smul.u32 $0xF7A, s1;
	s8 =	simm.s32 @!p0 $0x1BF5;
	p2 =	por !p2, p0  }
0x20: {  	[sflag:s8] =	ssyncset.s32 @!p0 $0xFFFFF086;
	s6 =	sadd.s32 @!p0 s3, s7;
	s7 =	simm.s32 @!p0 $0x108  }
0x21: {  	s3 =	sadd.s32 s3, s9;
	s6 =	sadd.s32 @!p0 $0x88, s6;
	s7 =	simm.s32 @p2 $0x1082  }
0x22: {  	[simem:s7], [sflag:s8] =	dma.local @!p0 [hbm:s6], $0xF7A  }
0x23: {  	s9 =	sor.u32 $0xD0000000, s2;
	s6 =	simm.s32 $0x108;
	_ =	swait.ge @!p0 [sflag:s8], $0x0  }
0x24: {  	s3 =	sadd.s32 $0x88, s3;
	s6 =	simm.s32 @!p1 $0x1082;
	[sflag:s4] =	ssyncset.s32 $0xFFFFF086  }
0x25: {  	[simem:s6], [sflag:s4] =	dma.local [hbm:s3], $0xF7A  }
0x26: {  	[smem:$0x3F96] =	sst s1;
	(tag) =	ssettag s2;
	_ =	strace s9  }
0x27: {  	s1 =	sld [smem:$0x3FA6]  }
0x28: {  	s2 =	sld [smem:$0x3FA7]  }
0x29: {  	s4 =	sld [smem:$0x3FA9]  }
0x2a: {  	p0 =	seq.s32 s5, $0x0;
	s5 =	sld [smem:$0x3FAA]  }
0x2b: {  	s6 =	sld [smem:$0x3FAB]  }
0x2c: {  	s7 =	sld [smem:$0x3FAC]  }
0x2d: {  	s3 =	simm.s32 $0x108;
	s8 =	sld [smem:$0x3FAD]  }
0x2e: {  	s3 =	simm.s32 @!p0 $0x1082;
	s9 =	sld [smem:$0x3FAE]  }
0x2f: {  	lr =	sadd.s32 s0, s3;
	s0 =	sld [smem:$0x3FA5]  }
0x30: {  	s3 =	sld [smem:$0x3FA8]  }
0x31: {  	[smem:$0x3FB1] =	sst s10  }
0x32: {  	s10 =	sld [smem:$0x3FAF];
	_ =	sdelay $0x3  }
0x33: {  	p0 =	seq.s32 s10, $0x1;
	s10 =	sld [smem:$0x3FB1];
	_ =	sdelay $0x3  }
0x34: {  	[smem:$0x3FB1] =	sst s10  }
0x35: {  	s10 =	sld [smem:$0x3FB0];
	_ =	sdelay $0x3  }
0x36: {  	p1 =	seq.s32 s10, $0x1;
	s10 =	sld [smem:$0x3FB1];
	_ =	sdelay $0x3  }
0x37: {  	[smem:$0x3FB1] =	sst s10  }
0x38: {  	s10 =	sld [smem:$0x3FB2]  }
0x39: {  	_ = 	snop;
	(pc) =	sbr.ind lr, $3  }
0x3a: {  	_ = 	snop  }
0x3b: {  	_ = 	snop  }
0x3c: {  	p2 =	seq.s32 s10, $0x1;
	s10 =	sld [smem:$0x3FB1]  }
0x3d: {  	_ =	shalt  }
0x3e: {  	_ =	shalt  }
0x3f: {  	_ =	shalt  }
0x40: {  	_ =	shalt  }
0x41: {  	_ =	shalt  }
0x42: {  	_ =	shalt  }
0x43: {  	_ =	shalt  }
0x44: {  	_ =	shalt  }
0x45: {  	_ =	shalt  }
0x46: {  	_ =	shalt  }
0x47: {  	_ =	shalt  }
0x48: {  	_ =	shalt  }
0x49: {  	_ =	shalt  }
0x4a: {  	_ =	shalt  }
0x4b: {  	_ =	shalt  }
0x4c: {  	_ =	shalt  }
0x4d: {  	_ =	shalt  }
0x4e: {  	_ =	shalt  }
0x4f: {  	_ =	shalt  }
0x50: {  	_ =	shalt  }
0x51: {  	_ =	shalt  }
0x52: {  	_ =	shalt  }
0x53: {  	_ =	shalt  }
0x54: {  	_ =	shalt  }
0x55: {  	_ =	shalt  }
0x56: {  	_ =	shalt  }
0x57: {  	_ =	shalt  }
0x58: {  	_ =	shalt  }
0x59: {  	_ =	shalt  }
0x5a: {  	_ =	shalt  }
0x5b: {  	_ =	shalt  }
0x5c: {  	_ =	shalt  }
0x5d: {  	_ =	shalt  }
0x5e: {  	_ =	shalt  }
0x5f: {  	_ =	shalt  }
0x60: {  	_ =	shalt  }
0x61: {  	_ =	shalt  }
0x62: {  	_ =	shalt  }
0x63: {  	_ =	shalt  }
0x64: {  	_ =	shalt  }
0x65: {  	_ =	shalt  }
0x66: {  	_ =	shalt  }
0x67: {  	_ =	shalt  }
0x68: {  	_ =	shalt  }
0x69: {  	_ =	shalt  }
0x6a: {  	_ =	shalt  }
0x6b: {  	_ =	shalt  }
0x6c: {  	_ =	shalt  }
0x6d: {  	_ =	shalt  }
0x6e: {  	_ =	shalt  }
0x6f: {  	_ =	shalt  }
0x70: {  	_ =	shalt  }
0x71: {  	_ =	shalt  }
0x72: {  	_ =	shalt  }
0x73: {  	_ =	shalt  }
0x74: {  	_ =	shalt  }
0x75: {  	_ =	shalt  }
0x76: {  	_ =	shalt  }
0x77: {  	_ =	shalt  }
0x78: {  	_ =	shalt  }
0x79: {  	_ =	shalt  }
0x7a: {  	_ =	shalt  }
0x7b: {  	_ =	shalt  }
0x7c: {  	_ =	shalt  }
0x7d: {  	_ =	shalt  }
0x7e: {  	_ =	shalt  }
0x7f: {  	_ =	shalt  }
0x80: {  	_ =	shalt  }
0x81: {  	_ =	shalt  }
0x82: {  	_ =	shalt  }
0x83: {  	_ =	shalt  }
0x84: {  	_ =	shalt  }
0x85: {  	_ =	shalt  }
0x86: {  	_ =	shalt  }
0x87: {  	_ =	shalt  }
.Lfunc_end0:
.L_simem_size_0:
called_computation_lowered:
.L_overlay_start_0:
0x88: {  	s2 =	sld [smem:$0x3FD9]  }
0x89: {  	s3 =	sld [smem:$0x3FFE];
	_ =	sdelay $0x1  }
0x8a: {  	s1 =	srdreg.scid  }
0x8b: {  	s0 =	sand.u32 $0x1, s1  }
0x8c: {  	s17 =	sshll.u32 s0, $0xA;
	s2 =	sadd.s32 s3, s2  }
0x8d: {  	s2 =	sadd.s32 s2, s17  }
0x8e: {  	[smem:$0x3FBD] =	sst s2  }
0x8f: {  	_ = 	snop  }
0x90: {  	(tm) =	ssettm $0x1  }
0x91: {  	s18 =	sld [smem:$0x3FFB];
	_ =	sdelay $0x3  }
0x92: {  	_ =	strace s18  }
0x93: {  	s2 =	sld [smem:$0x3FFC];
	_ =	sdelay $0x3  }
0x94: {  	_ =	strace s2  }
0x95: {  	s2 =	sld [smem:$0x3FFD];
	_ =	sdelay $0x3  }
0x96: {  	_ =	strace s2  }
0x97: {  	_ =	strace $0x8FFFFFFF  }
0x98: {  	s19 =	sld [smem:$0x3FDB];
	_ =	sdelay $0x1  }
0x99: {  	s20 =	simm.s32 $_scs_section_size  }
0x9a: {  	s4 =	simm.s32 $_size__tile_overlayer_lowered;
	s5 =	simm.s32 $_tile_overlayer_lowered  }
0x9b: {  	s6 =	simm.s32 $0x1BFF;
	s21 =	sshll.u32 s5, $0x1;
	s3 =	sadd.s32 s20, s19  }
0x9c: {  	s22 =	simm.s32 $0x0;
	s4 =	sshll.u32 s4, $0x1;
	s5 =	sadd.s32 s21, s3  }
0x9d: {  	[timem:s22], [sflag:s6] =	dma.local [hbm:s5], s4  }
0x9e: {  	_ =	swait.ge [sflag:s6], s4  }
0x9f: {  	s4 =	ssub.s32 $0x0, s4;
	[sflag:s6] =	ssyncset.done $0x0  }
0xa0: {  	[sflag:s6] =	ssyncadd.s32 s4;
	_ =	sdelay $0x1  }
0xa1: {  	s23 =	simm.s32 $0x1B8B  }
0xa2: {  	_ =	swait.ge [sflag:s23], $0x1  }
0xa3: {  	[sflag:s23] =	ssyncset.done $0x0  }
0xa4: {  	[sflag:s23] =	ssyncadd.s32 $0xFFFFFFFF  }
0xa5: {  	s4 =	sld [smem:$0x0]  }
0xa6: {  	s5 =	sand.u32 $0xFFFFFFFE, s1  }
0xa7: {  	p0 =	sne.s32 s1, s5  }
0xa8: {  	s5 =	sshll.u32 @p0 s5, $0xE  }
0xa9: {  	s5 =	sadd.s32 @p0 $0x11B8D, s5;
	s6 =	sshll.u32 @p0 s4, $0x11  }
0xaa: {  	s5 =	sor.u32 @p0 s6, s5  }
0xab: {  	[sflag:s5] =	ssyncadd.remote.s32 @p0 $0x1;
	_ =	sdelay $0x1  }
0xac: {  	s5 =	simm.s32 @p0 $0x1B8D  }
0xad: {  	_ =	swait.eq @p0 [sflag:s5], $0x1  }
0xae: {  	[sflag:s5] =	ssyncadd.s32 @p0 $0xFFFFFFFF  }
0xaf: {  	s6 =	sshll.u32 @!p0 s1, $0xE  }
0xb0: {  	s6 =	sor.u32 @!p0 $0x4000, s6;
	s5 =	simm.s32 @!p0 $0x1B8D  }
0xb1: {  	s4 =	sshll.u32 @!p0 s4, $0x11;
	s6 =	sadd.s32 @!p0 $0x11B8D, s6;
	_ =	swait.eq @!p0 [sflag:s5], $0x1  }
0xb2: {  	s4 =	sor.u32 @!p0 s4, s6;
	[sflag:s5] =	ssyncadd.s32 @!p0 $0xFFFFFFFF  }
0xb3: {  	s25 =	simm.s32 $0x1B8E;
	s24 =	sld [smem:$0x3FFE];
	[sflag:s4] =	ssyncadd.remote.s32 @!p0 $0x1  }
0xb4: {  	s26 =	simm.s32 $execute0_lowered;
	[smem:$0x3FD2] =	sst s25  }
0xb5: {  	s5 =	sshll.u32 s26, $0x1;
	_ =	strace $0x80000049;
	[dreg:$0x1] =	wrdreg $0xFFFFFFFF  }
0xb6: {  	s28 =	simm.s32 $_size_execute0_lowered;
	s3 =	sadd.s32 s3, s5;
	[dreg:$0x0] =	wrdreg $0x0  }
0xb7: {  	s5 =	sshll.u32 s28, $0x1;
	[dreg:$0x2] =	wrdreg s3  }
0xb8: {  	[dreg:$0x3] =	wrdreg s5  }
0xb9: {  	[dreg:$0x4] =	wrdreg $0xC0  }
0xba: {  	_ =	task [dreg:s22], $0x5FFFF  }
0xbb: {  	[dreg:$0x1] =	wrdreg $0xFFFFFFFF  }
0xbc: {  	[dreg:$0x0] =	wrdreg $0x60  }
0xbd: {  	[dreg:$0x2] =	wrdreg s24  }
0xbe: {  	[dreg:$0x3] =	wrdreg $0x44000  }
0xbf: {  	[dreg:$0x4] =	wrdreg $0x9  }
0xc0: {  	_ =	task.clear_ibuf [dreg:s22], $0x5FFFF;
	_ =	strace $0x90000049  }
0xc1: {  	s29 =	simm.s32 $0x9;
	_ =	strace $0x8000004B  }
0xc2: {  	_ =	swait.ge [sflag:s29], $0x1  }
0xc3: {  	[sflag:s29] =	ssyncadd.s32 $0xFFFFFFFF  }
0xc4: {  	_ =	strace $0x9000004B  }
0xc5: {  	_ =	sfence  }
0xc6: {  	s30 =	sld [smem:$0x0];
	_ =	sdelay $0x2  }
0xc7: {  	s31 =	sshll.u32 s1, $0xD;
	s1 =	sshrl.u32 s1, $0x2  }
0xc8: {  	s4 =	sand.u32 $0x4000, s31;
	s1 =	sadd.s32 s1, s30  }
0xc9: {  	s0 =	sor.u32 s4, s0;
	s1 =	sshll.u32 s1, $0x11  }
0xca: {  	s0 =	sor.u32 s1, s0  }
0xcb: {  	s0 =	sadd.s32 $0x8F2B, s0  }
0xcc: {  	[sflag:s0] =	ssyncadd.remote.s32 $0x1  }
0xcd: {  	_ =	sfence.sel $0xFFFF  }
0xce: {  	[dreg:$0x0] =	wrdreg $0xFFFFFFFF;
	(pc) =	sbr.abs _section_cstart, $3  }
0xcf: {  	[dreg:$0x1] =	wrdreg $0xFFFFFFFF  }
0xd0: {  	_ =	task.clear_ibuf [dreg:s22], $0x2FFFF;
	_ =	strace $0x9FFFFFFF  }
0xd1: {  	(tm) =	ssettm $0x7FFFFFFF  }
tec
execute0_lowered:
.L_overlay_start_1:
0x0: {  	(tag) =	ssettag $0x1  }
0x1: {  	s4 =	rddreg [dreg:$0x0]  }
0x2: {  	s2 =	rddreg [dreg:$0x1]  }
0x3: {  	s0 =	srdreg.scid;
	s1 =	rddreg [dreg:$0x2]  }
0x4: {  	s3 =	simm.s32 $0x0;
	s12 =	simm.s32 $0x400;
	s13 =	simm.s32 $0x2  }
0x5: {  	s14 =	simm.s32 $0x80;
	s15 =	simm.s32 $0x100;
	s5 =	sand.u32 $0x1, s0  }
0x6: {  	s16 =	simm.s32 $0x180;
	s0 =	stileid.u32;
	s6 =	smul.u32 $0x28000, s5  }
0x7: {  	s17 =	simm.s32 $0x200;
	s18 =	simm.s32 $0x280;
	s7 =	smul.u32 $0x2800, s0  }
0x8: {  	s19 =	simm.s32 $0x300;
	s20 =	simm.s32 $0x380;
	s8 =	smul.u32 $0x140000, s5  }
0x9: {  	s21 =	simm.s32 $0x1;
	s22 =	simm.s32 $0x0;
	s26 =	smul.u32 $0x14000, s0  }
0xa: {  	[smem:$0x7FF] =	sst s3;
	s9 =	smul.u32 $0x50000, s0;
	s5 =	ssub.s32 $0x2, s5  }
0xb: {  	_ =	strace $0x8000004A;
	s29 =	sshrl.u32 s5, $0x1;
	s6 =	sadd.s32 s7, s6  }
0xc: {  	s28 =	sadd.s32 s26, s8;
	s30 =	sshrl.u32 s9, $0x2;
	s6 =	sshrl.u32 s6, $0x3  }
0xd: {  	s10 =	ssub.s32 s5, s29;
	s11 =	sadd.s32 s6, s4;
	s6 =	sshrl.u32 s28, $0x3  }
0xe: {  	s10 =	smax.u32 s10, $0x1;
	s31 =	sadd.s32 s6, s4;
	s4 =	sadd.s32 s30, s2  }
0xf: {  	s11 =	sadd.s32 $0x3000, s11;
	s5 =	sadd.s32 $0x4000, s4;
	s6 =	sadd.s32 $0x8000, s4  }
0x10: {  	v0 =	vimm.f32 $0.0e+00;
	v1 =	vimm.f32 $1.000000000e+00;
	s7 =	sadd.s32 $0xC000, s4;
	s8 =	sadd.s32 $0x10000, s4;
	s9 =	sadd.s32 $0x67000, s31  }
.LBB2_1:
0x11: {  	s23 =	simm.s32 $0x0;
	s24 =	simm.s32 $0x200  }
.LBB2_2:
0x12: {  	p0 =	sne.s32 s24, $0xFE00;
	[tilespmem:s23+$0x470] =	vst v0  }
0x13: {  	[tilespmem:s23+$0x400] =	vst v0  }
0x14: {  	[tilespmem:s23+$0x410] =	vst v0  }
.Ltmp0:
0x15: {  	[tilespmem:s23+$0x420] =	vst v0;
	(pc) =	sbr.rel @p0 .LBB2_2-.Ltmp0, $4  }
0x16: {  	[tilespmem:s23+$0x430] =	vst v0  }
0x17: {  	[tilespmem:s23+$0x440] =	vst v0  }
0x18: {  	[tilespmem:s23+$0x450] =	vst v0  }
0x19: {  	[tilespmem:s23+$0x460] =	vst v0;
	s23 =	sshra.s32 s24, $0x2;
	s24 =	sadd.s32 $0x200, s24  }
0x1a: {  	[tilespmem:s23+$0x470] =	vst v0  }
0x1b: {  	[tilespmem:s23+$0x400] =	vst v0  }
0x1c: {  	[tilespmem:s23+$0x410] =	vst v0  }
0x1d: {  	[tilespmem:s23+$0x420] =	vst v0  }
0x1e: {  	[tilespmem:s23+$0x430] =	vst v0  }
0x1f: {  	[tilespmem:s23+$0x440] =	vst v0  }
0x20: {  	[tilespmem:s23+$0x450] =	vst v0  }
0x21: {  	[tilespmem:s23+$0x460] =	vst v0  }
0x22: {  	[spmem:s4] =	stream.linear.scatter [tilespmem:s12], [sflag:$0x2], $0x4000, $0x38;
	[tilespmem:$0x18400] =	vst v63  }
0x23: {  	_ =	swait.ge [sflag:s13], $0x4000  }
0x24: {  	[sflag:s13] =	ssyncset.done $0x0  }
0x25: {  	[sflag:s13] =	ssyncadd.s32 $0xFFFFC000  }
0x26: {  	[spmem:s5] =	stream.linear.scatter [tilespmem:s12], [sflag:$0x2], $0x4000, $0x38;
	[tilespmem:$0x18400] =	vst v63  }
0x27: {  	_ =	swait.ge [sflag:s13], $0x4000  }
0x28: {  	[sflag:s13] =	ssyncset.done $0x0  }
0x29: {  	[sflag:s13] =	ssyncadd.s32 $0xFFFFC000  }
0x2a: {  	[spmem:s6] =	stream.linear.scatter [tilespmem:s12], [sflag:$0x2], $0x4000, $0x38;
	[tilespmem:$0x18400] =	vst v63  }
0x2b: {  	_ =	swait.ge [sflag:s13], $0x4000  }
0x2c: {  	[sflag:s13] =	ssyncset.done $0x0  }
0x2d: {  	[sflag:s13] =	ssyncadd.s32 $0xFFFFC000  }
0x2e: {  	[spmem:s7] =	stream.linear.scatter [tilespmem:s12], [sflag:$0x2], $0x4000, $0x38;
	[tilespmem:$0x18400] =	vst v63  }
0x2f: {  	_ =	swait.ge [sflag:s13], $0x4000  }
0x30: {  	[sflag:s13] =	ssyncset.done $0x0  }
0x31: {  	[sflag:s13] =	ssyncadd.s32 $0xFFFFC000  }
0x32: {  	[spmem:s8] =	stream.linear.scatter [tilespmem:s12], [sflag:$0x2], $0x4000, $0x38;
	[tilespmem:$0x18400] =	vst v63  }
0x33: {  	_ =	swait.ge [sflag:s13], $0x4000  }
0x34: {  	[sflag:s13] =	ssyncset.done $0x0  }
0x35: {  	s23 =	simm.s32 $0x0;
	s24 =	simm.s32 $0x200;
	[sflag:s13] =	ssyncadd.s32 $0xFFFFC000  }
.LBB2_4:
0x36: {  	p0 =	sne.s32 s24, $0xFE00;
	[tilespmem:s23+$0x470] =	vst v1  }
0x37: {  	[tilespmem:s23+$0x400] =	vst v1  }
0x38: {  	[tilespmem:s23+$0x410] =	vst v1  }
.Ltmp1:
0x39: {  	[tilespmem:s23+$0x420] =	vst v1;
	(pc) =	sbr.rel @p0 .LBB2_4-.Ltmp1, $4  }
0x3a: {  	[tilespmem:s23+$0x430] =	vst v1  }
0x3b: {  	[tilespmem:s23+$0x440] =	vst v1  }
0x3c: {  	[tilespmem:s23+$0x450] =	vst v1  }
0x3d: {  	[tilespmem:s23+$0x460] =	vst v1;
	s23 =	sshra.s32 s24, $0x2;
	s24 =	sadd.s32 $0x200, s24  }
0x3e: {  	[tilespmem:s23+$0x470] =	vst v1  }
0x3f: {  	[tilespmem:s23+$0x400] =	vst v1  }
0x40: {  	[tilespmem:s23+$0x410] =	vst v1  }
0x41: {  	[tilespmem:s23+$0x420] =	vst v1  }
0x42: {  	[tilespmem:s23+$0x430] =	vst v1  }
0x43: {  	[tilespmem:s23+$0x440] =	vst v1  }
0x44: {  	[tilespmem:s23+$0x450] =	vst v1  }
0x45: {  	[tilespmem:s23+$0x460] =	vst v1  }
0x46: {  	s31 =	sadd.s32 $0x0, s11;
	[bflag:$0x0] =	sbarrier.arrive $0xFFFF  }
0x47: {  	[tilespmem:s3], [sflag:$0x2] =	stream.linear.gather [hbm4b:s31+s3], $0x400, $0x38;
	[tilespmem:$0x18400] =	vst v63  }
0x48: {  	_ =	swait.ge [sflag:s13], $0x400  }
0x49: {  	[sflag:s13] =	ssyncset.done $0x0  }
0x4a: {  	[sflag:s13] =	ssyncadd.s32 $0xFFFFFC00  }
0x4b: {  	[spmem:s2] =	stream.indirect.scatter.add.f32 [tilespmem:s12], [sflag:$0x1], $0x80, s3, s14, $0xb8;
	[tilespmem:$0x18400] =	vst v63  }
0x4c: {  	_ = 	snop  }
0x4d: {  	[spmem:s2] =	stream.indirect.scatter.add.f32 [tilespmem:s12], [sflag:$0x1], $0x80, s14, s14, $0xb8;
	[tilespmem:$0x18400] =	vst v63  }
0x4e: {  	_ = 	snop  }
0x4f: {  	[spmem:s2] =	stream.indirect.scatter.add.f32 [tilespmem:s12], [sflag:$0x1], $0x80, s15, s14, $0xb8;
	[tilespmem:$0x18400] =	vst v63  }
0x50: {  	_ = 	snop  }
0x51: {  	[spmem:s2] =	stream.indirect.scatter.add.f32 [tilespmem:s12], [sflag:$0x1], $0x80, s16, s14, $0xb8;
	[tilespmem:$0x18400] =	vst v63  }
0x52: {  	_ = 	snop  }
0x53: {  	[spmem:s2] =	stream.indirect.scatter.add.f32 [tilespmem:s12], [sflag:$0x1], $0x80, s17, s14, $0xb8;
	[tilespmem:$0x18400] =	vst v63  }
0x54: {  	_ = 	snop  }
0x55: {  	[spmem:s2] =	stream.indirect.scatter.add.f32 [tilespmem:s12], [sflag:$0x1], $0x80, s18, s14, $0xb8;
	[tilespmem:$0x18400] =	vst v63  }
0x56: {  	_ = 	snop  }
0x57: {  	[spmem:s2] =	stream.indirect.scatter.add.f32 [tilespmem:s12], [sflag:$0x1], $0x80, s19, s14, $0xb8;
	[tilespmem:$0x18400] =	vst v63  }
0x58: {  	_ = 	snop  }
0x59: {  	[spmem:s2] =	stream.indirect.scatter.add.f32 [tilespmem:s12], [sflag:$0x1], $0x80, s20, s14, $0xb8;
	[tilespmem:$0x18400] =	vst v63  }
0x5a: {  	_ =	swait.ge [sflag:s21], $0x4000  }
0x5b: {  	[sflag:s21] =	ssyncset.done $0x0  }
0x5c: {  	[sflag:s21] =	ssyncadd.s32 $0xFFFFC000  }
0x5d: {  	_ =	swait.ge [sflag:s21], $0x4000  }
0x5e: {  	[sflag:s21] =	ssyncset.done $0x0  }
0x5f: {  	[sflag:s21] =	ssyncadd.s32 $0xFFFFC000  }
0x60: {  	_ =	swait.ge [sflag:s21], $0x4000  }
0x61: {  	[sflag:s21] =	ssyncset.done $0x0  }
0x62: {  	[sflag:s21] =	ssyncadd.s32 $0xFFFFC000  }
0x63: {  	_ =	swait.ge [sflag:s21], $0x4000  }
0x64: {  	[sflag:s21] =	ssyncset.done $0x0  }
0x65: {  	[sflag:s21] =	ssyncadd.s32 $0xFFFFC000  }
0x66: {  	_ =	swait.ge [sflag:s21], $0x4000  }
0x67: {  	[sflag:s21] =	ssyncset.done $0x0  }
0x68: {  	[sflag:s21] =	ssyncadd.s32 $0xFFFFC000  }
0x69: {  	_ =	swait.ge [sflag:s21], $0x4000  }
0x6a: {  	[sflag:s21] =	ssyncset.done $0x0  }
0x6b: {  	[sflag:s21] =	ssyncadd.s32 $0xFFFFC000  }
0x6c: {  	_ =	swait.ge [sflag:s21], $0x4000  }
0x6d: {  	[sflag:s21] =	ssyncset.done $0x0  }
0x6e: {  	[sflag:s21] =	ssyncadd.s32 $0xFFFFC000  }
0x6f: {  	_ =	swait.ge [sflag:s21], $0x4000  }
0x70: {  	s23 =	simm.s32 $0x80;
	s25 =	simm.s32 $0x100;
	[sflag:s21] =	ssyncset.done $0x0  }
.LBB2_6:
0x71: {  	s26 =	sadd.s32 s23, s11  }
0x72: {  	[sflag:s21] =	ssyncadd.s32 $0xFFFFC000;
	s23 =	smov.u32 s25;
	s24 =	sadd.s32 $0x80, s25  }
0x73: {  	[tilespmem:s3], [sflag:$0x2] =	stream.linear.gather [hbm4b:s26+s3], $0x400, $0x38;
	[tilespmem:$0x18400] =	vst v63  }
0x74: {  	p0 =	sne.s32 s25, $0x480;
	_ =	swait.ge [sflag:s13], $0x400  }
0x75: {  	[sflag:s13] =	ssyncset.done $0x0  }
0x76: {  	[sflag:s13] =	ssyncadd.s32 $0xFFFFFC00  }
0x77: {  	[spmem:s2] =	stream.indirect.scatter.add.f32 [tilespmem:s12], [sflag:$0x1], $0x80, s3, s14, $0xb8;
	[tilespmem:$0x18400] =	vst v63  }
0x78: {  	_ = 	snop  }
0x79: {  	[spmem:s2] =	stream.indirect.scatter.add.f32 [tilespmem:s12], [sflag:$0x1], $0x80, s14, s14, $0xb8;
	[tilespmem:$0x18400] =	vst v63  }
0x7a: {  	_ = 	snop  }
0x7b: {  	[spmem:s2] =	stream.indirect.scatter.add.f32 [tilespmem:s12], [sflag:$0x1], $0x80, s15, s14, $0xb8;
	[tilespmem:$0x18400] =	vst v63  }
0x7c: {  	_ = 	snop  }
0x7d: {  	[spmem:s2] =	stream.indirect.scatter.add.f32 [tilespmem:s12], [sflag:$0x1], $0x80, s16, s14, $0xb8;
	[tilespmem:$0x18400] =	vst v63  }
0x7e: {  	_ = 	snop  }
0x7f: {  	[spmem:s2] =	stream.indirect.scatter.add.f32 [tilespmem:s12], [sflag:$0x1], $0x80, s17, s14, $0xb8;
	[tilespmem:$0x18400] =	vst v63  }
0x80: {  	_ = 	snop  }
0x81: {  	[spmem:s2] =	stream.indirect.scatter.add.f32 [tilespmem:s12], [sflag:$0x1], $0x80, s18, s14, $0xb8;
	[tilespmem:$0x18400] =	vst v63  }
0x82: {  	_ = 	snop  }
0x83: {  	[spmem:s2] =	stream.indirect.scatter.add.f32 [tilespmem:s12], [sflag:$0x1], $0x80, s19, s14, $0xb8;
	[tilespmem:$0x18400] =	vst v63  }
0x84: {  	_ = 	snop  }
0x85: {  	[spmem:s2] =	stream.indirect.scatter.add.f32 [tilespmem:s12], [sflag:$0x1], $0x80, s20, s14, $0xb8;
	[tilespmem:$0x18400] =	vst v63  }
0x86: {  	_ =	swait.ge [sflag:s21], $0x4000  }
0x87: {  	[sflag:s21] =	ssyncset.done $0x0  }
0x88: {  	[sflag:s21] =	ssyncadd.s32 $0xFFFFC000  }
0x89: {  	_ =	swait.ge [sflag:s21], $0x4000  }
0x8a: {  	[sflag:s21] =	ssyncset.done $0x0  }
0x8b: {  	[sflag:s21] =	ssyncadd.s32 $0xFFFFC000  }
0x8c: {  	_ =	swait.ge [sflag:s21], $0x4000  }
0x8d: {  	[sflag:s21] =	ssyncset.done $0x0  }
0x8e: {  	[sflag:s21] =	ssyncadd.s32 $0xFFFFC000  }
0x8f: {  	_ =	swait.ge [sflag:s21], $0x4000  }
0x90: {  	[sflag:s21] =	ssyncset.done $0x0  }
0x91: {  	[sflag:s21] =	ssyncadd.s32 $0xFFFFC000  }
0x92: {  	_ =	swait.ge [sflag:s21], $0x4000  }
0x93: {  	[sflag:s21] =	ssyncset.done $0x0  }
0x94: {  	[sflag:s21] =	ssyncadd.s32 $0xFFFFC000  }
0x95: {  	_ =	swait.ge [sflag:s21], $0x4000  }
0x96: {  	[sflag:s21] =	ssyncset.done $0x0  }
0x97: {  	[sflag:s21] =	ssyncadd.s32 $0xFFFFC000  }
.Ltmp2:
0x98: {  	_ =	swait.ge [sflag:s21], $0x4000;
	(pc) =	sbr.rel @p0 .LBB2_6-.Ltmp2, $4  }
0x99: {  	[sflag:s21] =	ssyncset.done $0x0  }
0x9a: {  	[sflag:s21] =	ssyncadd.s32 $0xFFFFC000  }
0x9b: {  	_ =	swait.ge [sflag:s21], $0x4000  }
0x9c: {  	s25 =	smov.u32 s24;
	[sflag:s21] =	ssyncset.done $0x0  }
0x9d: {  	s23 =	sadd.s32 s23, s11;
	[sflag:s21] =	ssyncadd.s32 $0xFFFFC000  }
0x9e: {  	[tilespmem:s3], [sflag:$0x2] =	stream.linear.gather [hbm4b:s23+s3], $0x400, $0x38;
	[tilespmem:$0x18400] =	vst v63  }
0x9f: {  	_ =	swait.ge [sflag:s13], $0x400  }
0xa0: {  	[sflag:s13] =	ssyncset.done $0x0  }
0xa1: {  	[sflag:s13] =	ssyncadd.s32 $0xFFFFFC00  }
0xa2: {  	[spmem:s2] =	stream.indirect.scatter.add.f32 [tilespmem:s12], [sflag:$0x1], $0x80, s3, s14, $0xb8;
	[tilespmem:$0x18400] =	vst v63  }
0xa3: {  	_ = 	snop  }
0xa4: {  	[spmem:s2] =	stream.indirect.scatter.add.f32 [tilespmem:s12], [sflag:$0x1], $0x80, s14, s14, $0xb8;
	[tilespmem:$0x18400] =	vst v63  }
0xa5: {  	_ = 	snop  }
0xa6: {  	[spmem:s2] =	stream.indirect.scatter.add.f32 [tilespmem:s12], [sflag:$0x1], $0x80, s15, s14, $0xb8;
	[tilespmem:$0x18400] =	vst v63  }
0xa7: {  	_ = 	snop  }
0xa8: {  	[spmem:s2] =	stream.indirect.scatter.add.f32 [tilespmem:s12], [sflag:$0x1], $0x80, s16, s14, $0xb8;
	[tilespmem:$0x18400] =	vst v63  }
0xa9: {  	_ = 	snop  }
0xaa: {  	[spmem:s2] =	stream.indirect.scatter.add.f32 [tilespmem:s12], [sflag:$0x1], $0x80, s17, s14, $0xb8;
	[tilespmem:$0x18400] =	vst v63  }
0xab: {  	_ = 	snop  }
0xac: {  	[spmem:s2] =	stream.indirect.scatter.add.f32 [tilespmem:s12], [sflag:$0x1], $0x80, s18, s14, $0xb8;
	[tilespmem:$0x18400] =	vst v63  }
0xad: {  	_ = 	snop  }
0xae: {  	[spmem:s2] =	stream.indirect.scatter.add.f32 [tilespmem:s12], [sflag:$0x1], $0x80, s19, s14, $0xb8;
	[tilespmem:$0x18400] =	vst v63  }
0xaf: {  	_ = 	snop  }
0xb0: {  	[spmem:s2] =	stream.indirect.scatter.add.f32 [tilespmem:s12], [sflag:$0x1], $0x80, s20, s14, $0xb8;
	[tilespmem:$0x18400] =	vst v63  }
0xb1: {  	_ =	swait.ge [sflag:s21], $0x4000  }
0xb2: {  	[sflag:s21] =	ssyncset.done $0x0  }
0xb3: {  	[sflag:s21] =	ssyncadd.s32 $0xFFFFC000  }
0xb4: {  	_ =	swait.ge [sflag:s21], $0x4000  }
0xb5: {  	[sflag:s21] =	ssyncset.done $0x0  }
0xb6: {  	[sflag:s21] =	ssyncadd.s32 $0xFFFFC000  }
0xb7: {  	_ =	swait.ge [sflag:s21], $0x4000  }
0xb8: {  	[sflag:s21] =	ssyncset.done $0x0  }
0xb9: {  	[sflag:s21] =	ssyncadd.s32 $0xFFFFC000  }
0xba: {  	_ =	swait.ge [sflag:s21], $0x4000  }
0xbb: {  	[sflag:s21] =	ssyncset.done $0x0  }
0xbc: {  	[sflag:s21] =	ssyncadd.s32 $0xFFFFC000  }
0xbd: {  	_ =	swait.ge [sflag:s21], $0x4000  }
0xbe: {  	[sflag:s21] =	ssyncset.done $0x0  }
0xbf: {  	[sflag:s21] =	ssyncadd.s32 $0xFFFFC000  }
0xc0: {  	_ =	swait.ge [sflag:s21], $0x4000  }
0xc1: {  	[sflag:s21] =	ssyncset.done $0x0  }
0xc2: {  	[sflag:s21] =	ssyncadd.s32 $0xFFFFC000  }
0xc3: {  	_ =	swait.ge [sflag:s21], $0x4000  }
0xc4: {  	[sflag:s21] =	ssyncset.done $0x0  }
0xc5: {  	[sflag:s21] =	ssyncadd.s32 $0xFFFFC000  }
0xc6: {  	_ =	swait.ge [sflag:s21], $0x4000  }
0xc7: {  	s31 =	sshll.u32 s0, $0x6;
	s22 =	sadd.s32 $0x1, s22;
	[sflag:s21] =	ssyncset.done $0x0  }
0xc8: {  	s24 =	sshrl.u32 s4, $0x3;
	p0 =	sne.s32 s22, s10;
	[sflag:s21] =	ssyncadd.s32 $0xFFFFC000  }
.Ltmp3:
0xc9: {  	s23 =	sor.u32 $0x1C02, s31;
	[bflag:$0x0] =	sbarrier.arrive $0xFFFF;
	(pc) =	sbr.rel @p0 .LBB2_1-.Ltmp3, $4  }
0xca: {  	[hbm:s9], [sflag:s23] =	dma.local [spmem:s24], $0x2800  }
0xcb: {  	_ =	swait.ge [sflag:s13], $0x2800  }
0xcc: {  	[sflag:s13] =	ssyncset.done $0x0  }
0xcd: {  	[sflag:s13] =	ssyncadd.s32 $0xFFFFD800  }
0xce: {  	_ =	sfence.sel $0x180000  }
0xcf: {  	[bflag:$0x0] =	sbarrier.arrive $0xFFFF  }
0xd0: {  	p0 =	sne.s32 s0, $0x0;
	_ =	strace $0x9000004A  }
0xd1: {  	s0 =	sadd.s32 @!p0 $0x100000, s1;
	[bflag:$0x2] =	sbarrier.arrive $0xFFFF  }
0xd2: {  	[sflag:s0] =	ssyncadd.tile.s32 @!p0 $0x1;
	_ =	shalt  }
.Lfunc_end2:
_tile_overlayer_lowered:
.L_overlay_start_2:
0xd3: {  	(tag) =	ssettag $0x2  }
0xd4: {  	s0 =	rddreg [dreg:$0x0];
	s2 =	stileid.u32  }
0xd5: {  	s1 =	rddreg [dreg:$0x1];
	p0 =	sne.s32 s2, $0x0  }
0xd6: {  	s3 =	rddreg [dreg:$0x2];
	[bflag:$0x3] =	sbarrier.arrive $0xFFFF;
	s2 =	simm.s32 @!p0 $0x1C02  }
0xd7: {  	[timem:s3], [sflag:s2] =	dma.local @!p0 [hbm:s0], s1  }
0xd8: {  	s0 =	simm.s32 @!p0 $0x2  }
0xd9: {  	_ =	swait.ge @!p0 [sflag:s0], s1  }
0xda: {  	s1 =	ssub.s32 @!p0 $0x0, s1;
	[sflag:s0] =	ssyncset.done @!p0 $0x0  }
0xdb: {  	[sflag:s0] =	ssyncadd.s32 @!p0 s1  }
0xdc: {  	[bflag:$0x3] =	sbarrier.arrive $0xFFFF  }
0xdd: {  	_ =	shalt  }

</sc_bundles>
